<compile_context>
chip_gen: v7x
topology: tpu7x:2x2x1
jax: 0.10.2.dev20260603
libtpu: 0.0.44.dev20260713+nightly
codegen_flags: <defaults>
</compile_context>

<pallas_src>
import jax
import jax.numpy as jnp
from jax import lax
from jax.experimental import pallas as pl
from jax.experimental.pallas import tpu as pltpu
from jax.experimental.pallas import tpu_sc as plsc

HASH_SZ_MASK = 65536 - 1
MULT = 1000003
B, T = 4, 8192
D = 1000
V = 65536
N_TOK = B * T
NW = 32
LANES = 16
PAD = 8
IDS_CHUNK = 2048
ROWS_PER_W = (D + NW - 1) // NW


def _sc_kernel(ids_hbm, table_hbm, out_hbm, ids_v, keys_v, row_v,
               stage_a, stage_b, rsem, rsem2, osem_a, osem_b):
    wid = lax.axis_index("s") * 2 + lax.axis_index("c")

    for cc in range(N_TOK // IDS_CHUNK):
        base = cc * IDS_CHUNK
        if cc % (T // IDS_CHUNK) == 0:
            ids_v[pl.ds(0, LANES)] = jnp.zeros((LANES,), jnp.int32)
        else:
            pltpu.sync_copy(ids_hbm.at[pl.ds(base - PAD, PAD)],
                            ids_v.at[pl.ds(0, PAD)])
        pltpu.sync_copy(ids_hbm.at[pl.ds(base, IDS_CHUNK)],
                        ids_v.at[pl.ds(PAD, IDS_CHUNK)])

        @plsc.parallel_loop(0, IDS_CHUNK // (2 * LANES), unroll=4)
        def _(i):
            curr0 = ids_v[pl.ds(PAD + i * 2 * LANES, LANES)]
            prev0 = ids_v[pl.ds(PAD - 1 + i * 2 * LANES, LANES)]
            curr1 = ids_v[pl.ds(PAD + i * 2 * LANES + LANES, LANES)]
            prev1 = ids_v[pl.ds(PAD - 1 + i * 2 * LANES + LANES, LANES)]
            key0 = (prev0 * MULT + curr0) & HASH_SZ_MASK
            key1 = (prev1 * MULT + curr1) & HASH_SZ_MASK
            keys_v[pl.ds(base + i * 2 * LANES, 2 * LANES)] = plsc.pack(
                key0, key1, format=plsc.PackFormat.INTERLEAVED)

    stages = (stage_a, stage_b)
    osems = (osem_a, osem_b)

    def do_row(k, _):
        c = wid + k * NW

        @pl.when(c < D)
        def _():
            j = c >> 3
            s = c & 7
            pltpu.async_copy(table_hbm.at[j, :, s, :], row_v, rsem).wait()
            for b in range(B):
                nb = b % 2
                stage = stages[nb]
                if b >= 2:
                    pltpu.make_async_copy(
                        stage, out_hbm.at[b, c, :], osems[nb]).wait()
                else:
                    @pl.when(k > 0)
                    def _():
                        pltpu.make_async_copy(
                            stage, out_hbm.at[b, c, :], osems[nb]).wait()

                @plsc.parallel_loop(0, T // (2 * LANES), unroll=8)
                def _(g):
                    pk = keys_v[pl.ds(b * T + g * 2 * LANES, 2 * LANES)]
                    k0, k1 = plsc.unpack(pk, format=plsc.PackFormat.INTERLEAVED)
                    k0 = k0 & HASH_SZ_MASK
                    k1 = k1 & HASH_SZ_MASK
                    stage[pl.ds(g * 2 * LANES, LANES)] = plsc.load_gather(
                        row_v, [k0 >> 7, k0 & 127])
                    stage[pl.ds(g * 2 * LANES + LANES, LANES)] = (
                        plsc.load_gather(row_v, [k1 >> 7, k1 & 127]))

                pltpu.async_copy(stage, out_hbm.at[b, c, :], osems[nb])
        return 0

    lax.fori_loop(0, ROWS_PER_W, do_row, 0)
    for nb in range(2):
        pltpu.make_async_copy(
            stages[nb], out_hbm.at[2 + nb, 0, :], osems[nb]).wait()


def kernel(input_ids, embedding_weight):
    ids_flat = input_ids.reshape(N_TOK).astype(jnp.int32)
    table_t = embedding_weight.reshape(V // 128, 128, D // 8, 8).transpose(
        2, 0, 3, 1)
    mesh = plsc.VectorSubcoreMesh(core_axis_name="c", subcore_axis_name="s")
    out = pl.kernel(
        _sc_kernel,
        mesh=mesh,
        compiler_params=pltpu.CompilerParams(
            use_tc_tiling_on_sc=False, needs_layout_passes=False),
        out_type=jax.ShapeDtypeStruct((B, D, T), jnp.float32),
        scratch_types=[
            pltpu.VMEM((PAD + IDS_CHUNK,), jnp.int32),
            pltpu.VMEM((N_TOK,), jnp.int16),
            pltpu.VMEM((V // 128, 128), jnp.float32),
            pltpu.VMEM((T,), jnp.float32),
            pltpu.VMEM((T,), jnp.float32),
            pltpu.SemaphoreType.DMA,
            pltpu.SemaphoreType.DMA,
            pltpu.SemaphoreType.DMA,
            pltpu.SemaphoreType.DMA,
        ],
    )(ids_flat, table_t)
    return out.transpose(0, 2, 1)

# --- scband reference (transcript-rebuilt; emitter-appended) ---
"""Pipeline reference for scband-bigram-hash-39745627357281 (READ-ONLY COPY).

The authoritative reference and input builder live on the scoring server;
editing this copy changes nothing except your own understanding.
"""

import jax, jax.numpy as jnp
import numpy as np

HASH_SIZE = 65536
VOCAB_SIZE = 1000
B, T = 4, 8192


def setup_inputs(seed: int = 0) -> dict:
    key = jax.random.key(seed)
    k1, k2 = jax.random.split(key)
    input_ids = jax.random.randint(k1, (B, T), 0, VOCAB_SIZE, dtype=jnp.int32)
    # nn.Embedding(hash_size, vocab_size); original init is zeros, but we use
    # small random values so the forward output is numerically non-degenerate.
    embedding_weight = jax.random.normal(k2, (HASH_SIZE, VOCAB_SIZE), dtype=jnp.float32) * 0.02
    return {"input_ids": input_ids, "embedding_weight": embedding_weight}


def reference(input_ids, embedding_weight):
    ids = input_ids.astype(jnp.int32)
    # prev = zeros_like; prev[:, 1:] = ids[:, :-1]
    prev = jnp.concatenate([jnp.zeros((ids.shape[0], 1), dtype=ids.dtype), ids[:, :-1]], axis=1)
    # hash_bigram: (prev * 1000003 + curr) % hash_size
    # max value: 999 * 1000003 + 999 = 1_000_003_996 < 2**31, safe in int32
    keys = (prev * 1000003 + ids) % HASH_SIZE
    # embedding lookup -> [B, T, vocab_size]
    return jnp.take(embedding_weight, keys, axis=0)

if __name__ == "__main__":
    import jax
    _d = setup_inputs()
    print(jax.jit(kernel)(*tuple(_d.values())))

</pallas_src>

<mosaic_0001>
#map = affine_map<(d0, d1) -> (0)>
#map1 = affine_map<(d0, d1) -> (0, 0, 0, 0)>
#map2 = affine_map<(d0, d1) -> (0, 0, 0)>
module attributes {stable_mosaic.version = 14 : i64} {
  func.func @_sc_kernel(%arg0: i32, %arg1: i32, %arg2: memref<32768xi32, #tpu.memory_space<hbm>>, %arg3: memref<125x512x8x128xf32, #tpu.memory_space<hbm>>, %arg4: memref<4x1000x8192xf32, #tpu.memory_space<hbm>>, %arg5: memref<2056xi32, #tpu.memory_space<vmem>>, %arg6: memref<32768xi16, #tpu.memory_space<vmem>>, %arg7: memref<512x128xf32, #tpu.memory_space<vmem>>, %arg8: memref<8192xf32, #tpu.memory_space<vmem>>, %arg9: memref<8192xf32, #tpu.memory_space<vmem>>, %arg10: memref<!tpu.dma_semaphore, #tpu.memory_space<semaphore_mem>>, %arg11: memref<!tpu.dma_semaphore, #tpu.memory_space<semaphore_mem>>, %arg12: memref<!tpu.dma_semaphore, #tpu.memory_space<semaphore_mem>>, %arg13: memref<!tpu.dma_semaphore, #tpu.memory_space<semaphore_mem>>) attributes {dimension_semantics = [#tpu.dimension_semantics<core_parallel>, #tpu.dimension_semantics<subcore_parallel>], iteration_bounds = array<i64: 2, 16>, scalar_prefetch = 0 : i64, scratch_operands = 9 : i64, tpu.core_type = #tpu.core_type<sc_vector_subcore>, window_params = [{transform_indices = #map}, {transform_indices = #map1}, {transform_indices = #map2}]} {
    %mul3A = arith.constant 2 : i32
    %mul3A_0 = arith.muli %arg1, %mul3A : i32
    %add3A = arith.addi %mul3A_0, %arg0 : i32
    %broadcast_in_dim3A = arith.constant 0 : i32
    %broadcast_in_dim3A_1 = vector.broadcast %broadcast_in_dim3A : i32 to vector<16xi32>
    %swap3A = arith.constant 0 : index
    %swap3A_2 = tpu.vector_load %arg5[%swap3A] {strides = array<i32>} : memref<2056xi32, #tpu.memory_space<vmem>>, vector<16xi32>,
    tpu.vector_store %arg5[%swap3A], %broadcast_in_dim3A_1 {strides = array<i32>} : memref<2056xi32, #tpu.memory_space<vmem>>, vector<16xi32>,
    "tpu.region"() ({
      %run_scoped3A = tpu.sem_alloc : memref<!tpu.dma_semaphore, #tpu.memory_space<semaphore_mem>>
      %dma_start3A = arith.constant 8 : i32
      %dma_start3A_83 = tpu.memref_slice %arg5[%dma_start3A] : memref<2056xi32, #tpu.memory_space<vmem>> -> memref<2048xi32, #tpu.memory_space<vmem>>
      %dma_start3A_84 = arith.constant 0 : i32
      %dma_start3A_85 = tpu.memref_slice %arg2[%dma_start3A_84] : memref<32768xi32, #tpu.memory_space<hbm>> -> memref<2048xi32, #tpu.memory_space<hbm>>
      %dma_start3A_86 = arith.constant 8 : i32
      %dma_start3A_87 = tpu.memref_slice %arg5[%dma_start3A_86] : memref<2056xi32, #tpu.memory_space<vmem>> -> memref<2048xi32, #tpu.memory_space<vmem>>
      %dma_start3A_88 = arith.constant 0 : i32
      %dma_start3A_89 = tpu.memref_slice %arg2[%dma_start3A_88] : memref<32768xi32, #tpu.memory_space<hbm>> -> memref<2048xi32, #tpu.memory_space<hbm>>
      tpu.enqueue_dma source(%dma_start3A_89 : memref<2048xi32, #tpu.memory_space<hbm>>) target(%dma_start3A_87 : memref<2048xi32, #tpu.memory_space<vmem>>) target_semaphore(%run_scoped3A : memref<!tpu.dma_semaphore, #tpu.memory_space<semaphore_mem>>)
      %dma_wait3A_90 = arith.constant 8 : i32
      %dma_wait3A_91 = tpu.memref_slice %arg5[%dma_wait3A_90] : memref<2056xi32, #tpu.memory_space<vmem>> -> memref<2048xi32, #tpu.memory_space<vmem>>
      %dma_wait3A_92 = arith.constant 0 : i32
      %dma_wait3A_93 = tpu.memref_slice %arg2[%dma_wait3A_92] : memref<32768xi32, #tpu.memory_space<hbm>> -> memref<2048xi32, #tpu.memory_space<hbm>>
      %dma_wait3A_94 = arith.constant 8 : i32
      %dma_wait3A_95 = tpu.memref_slice %arg5[%dma_wait3A_94] : memref<2056xi32, #tpu.memory_space<vmem>> -> memref<2048xi32, #tpu.memory_space<vmem>>
      %dma_wait3A_96 = arith.constant 0 : i32
      %dma_wait3A_97 = tpu.memref_slice %arg2[%dma_wait3A_96] : memref<32768xi32, #tpu.memory_space<hbm>> -> memref<2048xi32, #tpu.memory_space<hbm>>
      tpu.wait_dma2 semaphore(%run_scoped3A : memref<!tpu.dma_semaphore, #tpu.memory_space<semaphore_mem>>) src(%dma_wait3A_97 : memref<2048xi32, #tpu.memory_space<hbm>>) dst(%dma_wait3A_95 : memref<2048xi32, #tpu.memory_space<vmem>>)
      tpu.yield
    }) : () -> ()
    %parallel_loop3A = arith.constant 0 : i32
    %parallel_loop3A_3 = arith.constant 64 : i32
    %parallel_loop3A_4 = arith.constant 1 : i32
    scf.for %parallel_loop3A_83 = %parallel_loop3A to %parallel_loop3A_3 step %parallel_loop3A_4  : i32 {
      %parallel_loop3A_84 = arith.constant 2 : i32
      %parallel_loop3A_85 = arith.muli %parallel_loop3A_83, %parallel_loop3A_84 : i32
      %parallel_loop3A_86 = arith.constant 16 : i32
      %parallel_loop3A_87 = arith.muli %parallel_loop3A_85, %parallel_loop3A_86 : i32
      %parallel_loop3A_88 = arith.constant 8 : i32
      %parallel_loop3A_89 = arith.addi %parallel_loop3A_88, %parallel_loop3A_87 : i32
      %parallel_loop3A_90 = arith.index_cast %parallel_loop3A_89 : i32 to index
      %parallel_loop3A_91 = tpu.vector_load %arg5[%parallel_loop3A_90] {strides = array<i32>} : memref<2056xi32, #tpu.memory_space<vmem>>, vector<16xi32>,
      %parallel_loop3A_92 = arith.constant 2 : i32
      %parallel_loop3A_93 = arith.muli %parallel_loop3A_83, %parallel_loop3A_92 : i32
      %parallel_loop3A_94 = arith.constant 16 : i32
      %parallel_loop3A_95 = arith.muli %parallel_loop3A_93, %parallel_loop3A_94 : i32
      %parallel_loop3A_96 = arith.constant 7 : i32
      %parallel_loop3A_97 = arith.addi %parallel_loop3A_96, %parallel_loop3A_95 : i32
      %parallel_loop3A_98 = arith.index_cast %parallel_loop3A_97 : i32 to index
      %parallel_loop3A_99 = tpu.vector_load %arg5[%parallel_loop3A_98] {strides = array<i32>} : memref<2056xi32, #tpu.memory_space<vmem>>, vector<16xi32>,
      %parallel_loop3A_100 = arith.constant 2 : i32
      %parallel_loop3A_101 = arith.muli %parallel_loop3A_83, %parallel_loop3A_100 : i32
      %parallel_loop3A_102 = arith.constant 16 : i32
      %parallel_loop3A_103 = arith.muli %parallel_loop3A_101, %parallel_loop3A_102 : i32
      %parallel_loop3A_104 = arith.constant 8 : i32
      %parallel_loop3A_105 = arith.addi %parallel_loop3A_104, %parallel_loop3A_103 : i32
      %parallel_loop3A_106 = arith.constant 16 : i32
      %parallel_loop3A_107 = arith.addi %parallel_loop3A_105, %parallel_loop3A_106 : i32
      %parallel_loop3A_108 = arith.index_cast %parallel_loop3A_107 : i32 to index
      %parallel_loop3A_109 = tpu.vector_load %arg5[%parallel_loop3A_108] {strides = array<i32>} : memref<2056xi32, #tpu.memory_space<vmem>>, vector<16xi32>,
      %parallel_loop3A_110 = arith.constant 2 : i32
      %parallel_loop3A_111 = arith.muli %parallel_loop3A_83, %parallel_loop3A_110 : i32
      %parallel_loop3A_112 = arith.constant 16 : i32
      %parallel_loop3A_113 = arith.muli %parallel_loop3A_111, %parallel_loop3A_112 : i32
      %parallel_loop3A_114 = arith.constant 7 : i32
      %parallel_loop3A_115 = arith.addi %parallel_loop3A_114, %parallel_loop3A_113 : i32
      %parallel_loop3A_116 = arith.constant 16 : i32
      %parallel_loop3A_117 = arith.addi %parallel_loop3A_115, %parallel_loop3A_116 : i32
      %parallel_loop3A_118 = arith.index_cast %parallel_loop3A_117 : i32 to index
      %parallel_loop3A_119 = tpu.vector_load %arg5[%parallel_loop3A_118] {strides = array<i32>} : memref<2056xi32, #tpu.memory_space<vmem>>, vector<16xi32>,
      %parallel_loop3A_120 = arith.constant 1000003 : i32
      %parallel_loop3A_121 = vector.broadcast %parallel_loop3A_120 : i32 to vector<16xi32>
      %parallel_loop3A_122 = arith.muli %parallel_loop3A_99, %parallel_loop3A_121 : vector<16xi32>
      %parallel_loop3A_123 = arith.addi %parallel_loop3A_122, %parallel_loop3A_91 : vector<16xi32>
      %parallel_loop3A_124 = arith.constant 65535 : i32
      %parallel_loop3A_125 = vector.broadcast %parallel_loop3A_124 : i32 to vector<16xi32>
      %parallel_loop3A_126 = arith.andi %parallel_loop3A_123, %parallel_loop3A_125 : vector<16xi32>
      %parallel_loop3A_127 = arith.constant 1000003 : i32
      %parallel_loop3A_128 = vector.broadcast %parallel_loop3A_127 : i32 to vector<16xi32>
      %parallel_loop3A_129 = arith.muli %parallel_loop3A_119, %parallel_loop3A_128 : vector<16xi32>
      %parallel_loop3A_130 = arith.addi %parallel_loop3A_129, %parallel_loop3A_109 : vector<16xi32>
      %parallel_loop3A_131 = arith.constant 65535 : i32
      %parallel_loop3A_132 = vector.broadcast %parallel_loop3A_131 : i32 to vector<16xi32>
      %parallel_loop3A_133 = arith.andi %parallel_loop3A_130, %parallel_loop3A_132 : vector<16xi32>
      %parallel_loop3A_134 = tpu.pack_subelements %parallel_loop3A_126, %parallel_loop3A_133 {pack_format = #tpu.pack_format<interleaved>, positions = array<i32: 0, 1>} : vector<16xi32>, vector<16xi32> -> vector<32xi16>
      %parallel_loop3A_135 = arith.constant 2 : i32
      %parallel_loop3A_136 = arith.muli %parallel_loop3A_83, %parallel_loop3A_135 : i32
      %parallel_loop3A_137 = arith.constant 16 : i32
      %parallel_loop3A_138 = arith.muli %parallel_loop3A_136, %parallel_loop3A_137 : i32
      %parallel_loop3A_139 = arith.constant 0 : i32
      %parallel_loop3A_140 = arith.addi %parallel_loop3A_139, %parallel_loop3A_138 : i32
      %parallel_loop3A_141 = arith.index_cast %parallel_loop3A_140 : i32 to index
      %parallel_loop3A_142 = tpu.vector_load %arg6[%parallel_loop3A_141] {strides = array<i32>} : memref<32768xi16, #tpu.memory_space<vmem>>, vector<32xi16>,
      tpu.vector_store %arg6[%parallel_loop3A_141], %parallel_loop3A_134 {strides = array<i32>} : memref<32768xi16, #tpu.memory_space<vmem>>, vector<32xi16>,
    } {sc.loop_unroll_factor = 4 : i64, sc.parallel_access}
    "tpu.region"() ({
      %run_scoped3A = tpu.sem_alloc : memref<!tpu.dma_semaphore, #tpu.memory_space<semaphore_mem>>
      %dma_start3A = arith.constant 0 : i32
      %dma_start3A_83 = tpu.memref_slice %arg5[%dma_start3A] : memref<2056xi32, #tpu.memory_space<vmem>> -> memref<8xi32, #tpu.memory_space<vmem>>
      %dma_start3A_84 = arith.constant 2040 : i32
      %dma_start3A_85 = tpu.memref_slice %arg2[%dma_start3A_84] : memref<32768xi32, #tpu.memory_space<hbm>> -> memref<8xi32, #tpu.memory_space<hbm>>
      %dma_start3A_86 = arith.constant 0 : i32
      %dma_start3A_87 = tpu.memref_slice %arg5[%dma_start3A_86] : memref<2056xi32, #tpu.memory_space<vmem>> -> memref<8xi32, #tpu.memory_space<vmem>>
      %dma_start3A_88 = arith.constant 2040 : i32
      %dma_start3A_89 = tpu.memref_slice %arg2[%dma_start3A_88] : memref<32768xi32, #tpu.memory_space<hbm>> -> memref<8xi32, #tpu.memory_space<hbm>>
      tpu.enqueue_dma source(%dma_start3A_89 : memref<8xi32, #tpu.memory_space<hbm>>) target(%dma_start3A_87 : memref<8xi32, #tpu.memory_space<vmem>>) target_semaphore(%run_scoped3A : memref<!tpu.dma_semaphore, #tpu.memory_space<semaphore_mem>>)
      %dma_wait3A_90 = arith.constant 0 : i32
      %dma_wait3A_91 = tpu.memref_slice %arg5[%dma_wait3A_90] : memref<2056xi32, #tpu.memory_space<vmem>> -> memref<8xi32, #tpu.memory_space<vmem>>
      %dma_wait3A_92 = arith.constant 2040 : i32
      %dma_wait3A_93 = tpu.memref_slice %arg2[%dma_wait3A_92] : memref<32768xi32, #tpu.memory_space<hbm>> -> memref<8xi32, #tpu.memory_space<hbm>>
      %dma_wait3A_94 = arith.constant 0 : i32
      %dma_wait3A_95 = tpu.memref_slice %arg5[%dma_wait3A_94] : memref<2056xi32, #tpu.memory_space<vmem>> -> memref<8xi32, #tpu.memory_space<vmem>>
      %dma_wait3A_96 = arith.constant 2040 : i32
      %dma_wait3A_97 = tpu.memref_slice %arg2[%dma_wait3A_96] : memref<32768xi32, #tpu.memory_space<hbm>> -> memref<8xi32, #tpu.memory_space<hbm>>
      tpu.wait_dma2 semaphore(%run_scoped3A : memref<!tpu.dma_semaphore, #tpu.memory_space<semaphore_mem>>) src(%dma_wait3A_97 : memref<8xi32, #tpu.memory_space<hbm>>) dst(%dma_wait3A_95 : memref<8xi32, #tpu.memory_space<vmem>>)
      tpu.yield
    }) : () -> ()
    "tpu.region"() ({
      %run_scoped3A = tpu.sem_alloc : memref<!tpu.dma_semaphore, #tpu.memory_space<semaphore_mem>>
      %dma_start3A = arith.constant 8 : i32
      %dma_start3A_83 = tpu.memref_slice %arg5[%dma_start3A] : memref<2056xi32, #tpu.memory_space<vmem>> -> memref<2048xi32, #tpu.memory_space<vmem>>
      %dma_start3A_84 = arith.constant 2048 : i32
      %dma_start3A_85 = tpu.memref_slice %arg2[%dma_start3A_84] : memref<32768xi32, #tpu.memory_space<hbm>> -> memref<2048xi32, #tpu.memory_space<hbm>>
      %dma_start3A_86 = arith.constant 8 : i32
      %dma_start3A_87 = tpu.memref_slice %arg5[%dma_start3A_86] : memref<2056xi32, #tpu.memory_space<vmem>> -> memref<2048xi32, #tpu.memory_space<vmem>>
      %dma_start3A_88 = arith.constant 2048 : i32
      %dma_start3A_89 = tpu.memref_slice %arg2[%dma_start3A_88] : memref<32768xi32, #tpu.memory_space<hbm>> -> memref<2048xi32, #tpu.memory_space<hbm>>
      tpu.enqueue_dma source(%dma_start3A_89 : memref<2048xi32, #tpu.memory_space<hbm>>) target(%dma_start3A_87 : memref<2048xi32, #tpu.memory_space<vmem>>) target_semaphore(%run_scoped3A : memref<!tpu.dma_semaphore, #tpu.memory_space<semaphore_mem>>)
      %dma_wait3A_90 = arith.constant 8 : i32
      %dma_wait3A_91 = tpu.memref_slice %arg5[%dma_wait3A_90] : memref<2056xi32, #tpu.memory_space<vmem>> -> memref<2048xi32, #tpu.memory_space<vmem>>
      %dma_wait3A_92 = arith.constant 2048 : i32
      %dma_wait3A_93 = tpu.memref_slice %arg2[%dma_wait3A_92] : memref<32768xi32, #tpu.memory_space<hbm>> -> memref<2048xi32, #tpu.memory_space<hbm>>
      %dma_wait3A_94 = arith.constant 8 : i32
      %dma_wait3A_95 = tpu.memref_slice %arg5[%dma_wait3A_94] : memref<2056xi32, #tpu.memory_space<vmem>> -> memref<2048xi32, #tpu.memory_space<vmem>>
      %dma_wait3A_96 = arith.constant 2048 : i32
      %dma_wait3A_97 = tpu.memref_slice %arg2[%dma_wait3A_96] : memref<32768xi32, #tpu.memory_space<hbm>> -> memref<2048xi32, #tpu.memory_space<hbm>>
      tpu.wait_dma2 semaphore(%run_scoped3A : memref<!tpu.dma_semaphore, #tpu.memory_space<semaphore_mem>>) src(%dma_wait3A_97 : memref<2048xi32, #tpu.memory_space<hbm>>) dst(%dma_wait3A_95 : memref<2048xi32, #tpu.memory_space<vmem>>)
      tpu.yield
    }) : () -> ()
    %parallel_loop3A_5 = arith.constant 0 : i32
    %parallel_loop3A_6 = arith.constant 64 : i32
    %parallel_loop3A_7 = arith.constant 1 : i32
    scf.for %parallel_loop3A_83 = %parallel_loop3A_5 to %parallel_loop3A_6 step %parallel_loop3A_7  : i32 {
      %parallel_loop3A_84 = arith.constant 2 : i32
      %parallel_loop3A_85 = arith.muli %parallel_loop3A_83, %parallel_loop3A_84 : i32
      %parallel_loop3A_86 = arith.constant 16 : i32
      %parallel_loop3A_87 = arith.muli %parallel_loop3A_85, %parallel_loop3A_86 : i32
      %parallel_loop3A_88 = arith.constant 8 : i32
      %parallel_loop3A_89 = arith.addi %parallel_loop3A_88, %parallel_loop3A_87 : i32
      %parallel_loop3A_90 = arith.index_cast %parallel_loop3A_89 : i32 to index
      %parallel_loop3A_91 = tpu.vector_load %arg5[%parallel_loop3A_90] {strides = array<i32>} : memref<2056xi32, #tpu.memory_space<vmem>>, vector<16xi32>,
      %parallel_loop3A_92 = arith.constant 2 : i32
      %parallel_loop3A_93 = arith.muli %parallel_loop3A_83, %parallel_loop3A_92 : i32
      %parallel_loop3A_94 = arith.constant 16 : i32
      %parallel_loop3A_95 = arith.muli %parallel_loop3A_93, %parallel_loop3A_94 : i32
      %parallel_loop3A_96 = arith.constant 7 : i32
      %parallel_loop3A_97 = arith.addi %parallel_loop3A_96, %parallel_loop3A_95 : i32
      %parallel_loop3A_98 = arith.index_cast %parallel_loop3A_97 : i32 to index
      %parallel_loop3A_99 = tpu.vector_load %arg5[%parallel_loop3A_98] {strides = array<i32>} : memref<2056xi32, #tpu.memory_space<vmem>>, vector<16xi32>,
      %parallel_loop3A_100 = arith.constant 2 : i32
      %parallel_loop3A_101 = arith.muli %parallel_loop3A_83, %parallel_loop3A_100 : i32
      %parallel_loop3A_102 = arith.constant 16 : i32
      %parallel_loop3A_103 = arith.muli %parallel_loop3A_101, %parallel_loop3A_102 : i32
      %parallel_loop3A_104 = arith.constant 8 : i32
      %parallel_loop3A_105 = arith.addi %parallel_loop3A_104, %parallel_loop3A_103 : i32
      %parallel_loop3A_106 = arith.constant 16 : i32
      %parallel_loop3A_107 = arith.addi %parallel_loop3A_105, %parallel_loop3A_106 : i32
      %parallel_loop3A_108 = arith.index_cast %parallel_loop3A_107 : i32 to index
      %parallel_loop3A_109 = tpu.vector_load %arg5[%parallel_loop3A_108] {strides = array<i32>} : memref<2056xi32, #tpu.memory_space<vmem>>, vector<16xi32>,
      %parallel_loop3A_110 = arith.constant 2 : i32
      %parallel_loop3A_111 = arith.muli %parallel_loop3A_83, %parallel_loop3A_110 : i32
      %parallel_loop3A_112 = arith.constant 16 : i32
      %parallel_loop3A_113 = arith.muli %parallel_loop3A_111, %parallel_loop3A_112 : i32
      %parallel_loop3A_114 = arith.constant 7 : i32
      %parallel_loop3A_115 = arith.addi %parallel_loop3A_114, %parallel_loop3A_113 : i32
      %parallel_loop3A_116 = arith.constant 16 : i32
      %parallel_loop3A_117 = arith.addi %parallel_loop3A_115, %parallel_loop3A_116 : i32
      %parallel_loop3A_118 = arith.index_cast %parallel_loop3A_117 : i32 to index
      %parallel_loop3A_119 = tpu.vector_load %arg5[%parallel_loop3A_118] {strides = array<i32>} : memref<2056xi32, #tpu.memory_space<vmem>>, vector<16xi32>,
      %parallel_loop3A_120 = arith.constant 1000003 : i32
      %parallel_loop3A_121 = vector.broadcast %parallel_loop3A_120 : i32 to vector<16xi32>
      %parallel_loop3A_122 = arith.muli %parallel_loop3A_99, %parallel_loop3A_121 : vector<16xi32>
      %parallel_loop3A_123 = arith.addi %parallel_loop3A_122, %parallel_loop3A_91 : vector<16xi32>
      %parallel_loop3A_124 = arith.constant 65535 : i32
      %parallel_loop3A_125 = vector.broadcast %parallel_loop3A_124 : i32 to vector<16xi32>
      %parallel_loop3A_126 = arith.andi %parallel_loop3A_123, %parallel_loop3A_125 : vector<16xi32>
      %parallel_loop3A_127 = arith.constant 1000003 : i32
      %parallel_loop3A_128 = vector.broadcast %parallel_loop3A_127 : i32 to vector<16xi32>
      %parallel_loop3A_129 = arith.muli %parallel_loop3A_119, %parallel_loop3A_128 : vector<16xi32>
      %parallel_loop3A_130 = arith.addi %parallel_loop3A_129, %parallel_loop3A_109 : vector<16xi32>
      %parallel_loop3A_131 = arith.constant 65535 : i32
      %parallel_loop3A_132 = vector.broadcast %parallel_loop3A_131 : i32 to vector<16xi32>
      %parallel_loop3A_133 = arith.andi %parallel_loop3A_130, %parallel_loop3A_132 : vector<16xi32>
      %parallel_loop3A_134 = tpu.pack_subelements %parallel_loop3A_126, %parallel_loop3A_133 {pack_format = #tpu.pack_format<interleaved>, positions = array<i32: 0, 1>} : vector<16xi32>, vector<16xi32> -> vector<32xi16>
      %parallel_loop3A_135 = arith.constant 2 : i32
      %parallel_loop3A_136 = arith.muli %parallel_loop3A_83, %parallel_loop3A_135 : i32
      %parallel_loop3A_137 = arith.constant 16 : i32
      %parallel_loop3A_138 = arith.muli %parallel_loop3A_136, %parallel_loop3A_137 : i32
      %parallel_loop3A_139 = arith.constant 2048 : i32
      %parallel_loop3A_140 = arith.addi %parallel_loop3A_139, %parallel_loop3A_138 : i32
      %parallel_loop3A_141 = arith.index_cast %parallel_loop3A_140 : i32 to index
      %parallel_loop3A_142 = tpu.vector_load %arg6[%parallel_loop3A_141] {strides = array<i32>} : memref<32768xi16, #tpu.memory_space<vmem>>, vector<32xi16>,
      tpu.vector_store %arg6[%parallel_loop3A_141], %parallel_loop3A_134 {strides = array<i32>} : memref<32768xi16, #tpu.memory_space<vmem>>, vector<32xi16>,
    } {sc.loop_unroll_factor = 4 : i64, sc.parallel_access}
    "tpu.region"() ({
      %run_scoped3A = tpu.sem_alloc : memref<!tpu.dma_semaphore, #tpu.memory_space<semaphore_mem>>
      %dma_start3A = arith.constant 0 : i32
      %dma_start3A_83 = tpu.memref_slice %arg5[%dma_start3A] : memref<2056xi32, #tpu.memory_space<vmem>> -> memref<8xi32, #tpu.memory_space<vmem>>
      %dma_start3A_84 = arith.constant 4088 : i32
      %dma_start3A_85 = tpu.memref_slice %arg2[%dma_start3A_84] : memref<32768xi32, #tpu.memory_space<hbm>> -> memref<8xi32, #tpu.memory_space<hbm>>
      %dma_start3A_86 = arith.constant 0 : i32
      %dma_start3A_87 = tpu.memref_slice %arg5[%dma_start3A_86] : memref<2056xi32, #tpu.memory_space<vmem>> -> memref<8xi32, #tpu.memory_space<vmem>>
      %dma_start3A_88 = arith.constant 4088 : i32
      %dma_start3A_89 = tpu.memref_slice %arg2[%dma_start3A_88] : memref<32768xi32, #tpu.memory_space<hbm>> -> memref<8xi32, #tpu.memory_space<hbm>>
      tpu.enqueue_dma source(%dma_start3A_89 : memref<8xi32, #tpu.memory_space<hbm>>) target(%dma_start3A_87 : memref<8xi32, #tpu.memory_space<vmem>>) target_semaphore(%run_scoped3A : memref<!tpu.dma_semaphore, #tpu.memory_space<semaphore_mem>>)
      %dma_wait3A_90 = arith.constant 0 : i32
      %dma_wait3A_91 = tpu.memref_slice %arg5[%dma_wait3A_90] : memref<2056xi32, #tpu.memory_space<vmem>> -> memref<8xi32, #tpu.memory_space<vmem>>
      %dma_wait3A_92 = arith.constant 4088 : i32
      %dma_wait3A_93 = tpu.memref_slice %arg2[%dma_wait3A_92] : memref<32768xi32, #tpu.memory_space<hbm>> -> memref<8xi32, #tpu.memory_space<hbm>>
      %dma_wait3A_94 = arith.constant 0 : i32
      %dma_wait3A_95 = tpu.memref_slice %arg5[%dma_wait3A_94] : memref<2056xi32, #tpu.memory_space<vmem>> -> memref<8xi32, #tpu.memory_space<vmem>>
      %dma_wait3A_96 = arith.constant 4088 : i32
      %dma_wait3A_97 = tpu.memref_slice %arg2[%dma_wait3A_96] : memref<32768xi32, #tpu.memory_space<hbm>> -> memref<8xi32, #tpu.memory_space<hbm>>
      tpu.wait_dma2 semaphore(%run_scoped3A : memref<!tpu.dma_semaphore, #tpu.memory_space<semaphore_mem>>) src(%dma_wait3A_97 : memref<8xi32, #tpu.memory_space<hbm>>) dst(%dma_wait3A_95 : memref<8xi32, #tpu.memory_space<vmem>>)
      tpu.yield
    }) : () -> ()
    "tpu.region"() ({
      %run_scoped3A = tpu.sem_alloc : memref<!tpu.dma_semaphore, #tpu.memory_space<semaphore_mem>>
      %dma_start3A = arith.constant 8 : i32
      %dma_start3A_83 = tpu.memref_slice %arg5[%dma_start3A] : memref<2056xi32, #tpu.memory_space<vmem>> -> memref<2048xi32, #tpu.memory_space<vmem>>
      %dma_start3A_84 = arith.constant 4096 : i32
      %dma_start3A_85 = tpu.memref_slice %arg2[%dma_start3A_84] : memref<32768xi32, #tpu.memory_space<hbm>> -> memref<2048xi32, #tpu.memory_space<hbm>>
      %dma_start3A_86 = arith.constant 8 : i32
      %dma_start3A_87 = tpu.memref_slice %arg5[%dma_start3A_86] : memref<2056xi32, #tpu.memory_space<vmem>> -> memref<2048xi32, #tpu.memory_space<vmem>>
      %dma_start3A_88 = arith.constant 4096 : i32
      %dma_start3A_89 = tpu.memref_slice %arg2[%dma_start3A_88] : memref<32768xi32, #tpu.memory_space<hbm>> -> memref<2048xi32, #tpu.memory_space<hbm>>
      tpu.enqueue_dma source(%dma_start3A_89 : memref<2048xi32, #tpu.memory_space<hbm>>) target(%dma_start3A_87 : memref<2048xi32, #tpu.memory_space<vmem>>) target_semaphore(%run_scoped3A : memref<!tpu.dma_semaphore, #tpu.memory_space<semaphore_mem>>)
      %dma_wait3A_90 = arith.constant 8 : i32
      %dma_wait3A_91 = tpu.memref_slice %arg5[%dma_wait3A_90] : memref<2056xi32, #tpu.memory_space<vmem>> -> memref<2048xi32, #tpu.memory_space<vmem>>
      %dma_wait3A_92 = arith.constant 4096 : i32
      %dma_wait3A_93 = tpu.memref_slice %arg2[%dma_wait3A_92] : memref<32768xi32, #tpu.memory_space<hbm>> -> memref<2048xi32, #tpu.memory_space<hbm>>
      %dma_wait3A_94 = arith.constant 8 : i32
      %dma_wait3A_95 = tpu.memref_slice %arg5[%dma_wait3A_94] : memref<2056xi32, #tpu.memory_space<vmem>> -> memref<2048xi32, #tpu.memory_space<vmem>>
      %dma_wait3A_96 = arith.constant 4096 : i32
      %dma_wait3A_97 = tpu.memref_slice %arg2[%dma_wait3A_96] : memref<32768xi32, #tpu.memory_space<hbm>> -> memref<2048xi32, #tpu.memory_space<hbm>>
      tpu.wait_dma2 semaphore(%run_scoped3A : memref<!tpu.dma_semaphore, #tpu.memory_space<semaphore_mem>>) src(%dma_wait3A_97 : memref<2048xi32, #tpu.memory_space<hbm>>) dst(%dma_wait3A_95 : memref<2048xi32, #tpu.memory_space<vmem>>)
      tpu.yield
    }) : () -> ()
    %parallel_loop3A_8 = arith.constant 0 : i32
    %parallel_loop3A_9 = arith.constant 64 : i32
    %parallel_loop3A_10 = arith.constant 1 : i32
    scf.for %parallel_loop3A_83 = %parallel_loop3A_8 to %parallel_loop3A_9 step %parallel_loop3A_10  : i32 {
      %parallel_loop3A_84 = arith.constant 2 : i32
      %parallel_loop3A_85 = arith.muli %parallel_loop3A_83, %parallel_loop3A_84 : i32
      %parallel_loop3A_86 = arith.constant 16 : i32
      %parallel_loop3A_87 = arith.muli %parallel_loop3A_85, %parallel_loop3A_86 : i32
      %parallel_loop3A_88 = arith.constant 8 : i32
      %parallel_loop3A_89 = arith.addi %parallel_loop3A_88, %parallel_loop3A_87 : i32
      %parallel_loop3A_90 = arith.index_cast %parallel_loop3A_89 : i32 to index
      %parallel_loop3A_91 = tpu.vector_load %arg5[%parallel_loop3A_90] {strides = array<i32>} : memref<2056xi32, #tpu.memory_space<vmem>>, vector<16xi32>,
      %parallel_loop3A_92 = arith.constant 2 : i32
      %parallel_loop3A_93 = arith.muli %parallel_loop3A_83, %parallel_loop3A_92 : i32
      %parallel_loop3A_94 = arith.constant 16 : i32
      %parallel_loop3A_95 = arith.muli %parallel_loop3A_93, %parallel_loop3A_94 : i32
      %parallel_loop3A_96 = arith.constant 7 : i32
      %parallel_loop3A_97 = arith.addi %parallel_loop3A_96, %parallel_loop3A_95 : i32
      %parallel_loop3A_98 = arith.index_cast %parallel_loop3A_97 : i32 to index
      %parallel_loop3A_99 = tpu.vector_load %arg5[%parallel_loop3A_98] {strides = array<i32>} : memref<2056xi32, #tpu.memory_space<vmem>>, vector<16xi32>,
      %parallel_loop3A_100 = arith.constant 2 : i32
      %parallel_loop3A_101 = arith.muli %parallel_loop3A_83, %parallel_loop3A_100 : i32
      %parallel_loop3A_102 = arith.constant 16 : i32
      %parallel_loop3A_103 = arith.muli %parallel_loop3A_101, %parallel_loop3A_102 : i32
      %parallel_loop3A_104 = arith.constant 8 : i32
      %parallel_loop3A_105 = arith.addi %parallel_loop3A_104, %parallel_loop3A_103 : i32
      %parallel_loop3A_106 = arith.constant 16 : i32
      %parallel_loop3A_107 = arith.addi %parallel_loop3A_105, %parallel_loop3A_106 : i32
      %parallel_loop3A_108 = arith.index_cast %parallel_loop3A_107 : i32 to index
      %parallel_loop3A_109 = tpu.vector_load %arg5[%parallel_loop3A_108] {strides = array<i32>} : memref<2056xi32, #tpu.memory_space<vmem>>, vector<16xi32>,
      %parallel_loop3A_110 = arith.constant 2 : i32
      %parallel_loop3A_111 = arith.muli %parallel_loop3A_83, %parallel_loop3A_110 : i32
      %parallel_loop3A_112 = arith.constant 16 : i32
      %parallel_loop3A_113 = arith.muli %parallel_loop3A_111, %parallel_loop3A_112 : i32
      %parallel_loop3A_114 = arith.constant 7 : i32
      %parallel_loop3A_115 = arith.addi %parallel_loop3A_114, %parallel_loop3A_113 : i32
      %parallel_loop3A_116 = arith.constant 16 : i32
      %parallel_loop3A_117 = arith.addi %parallel_loop3A_115, %parallel_loop3A_116 : i32
      %parallel_loop3A_118 = arith.index_cast %parallel_loop3A_117 : i32 to index
      %parallel_loop3A_119 = tpu.vector_load %arg5[%parallel_loop3A_118] {strides = array<i32>} : memref<2056xi32, #tpu.memory_space<vmem>>, vector<16xi32>,
      %parallel_loop3A_120 = arith.constant 1000003 : i32
      %parallel_loop3A_121 = vector.broadcast %parallel_loop3A_120 : i32 to vector<16xi32>
      %parallel_loop3A_122 = arith.muli %parallel_loop3A_99, %parallel_loop3A_121 : vector<16xi32>
      %parallel_loop3A_123 = arith.addi %parallel_loop3A_122, %parallel_loop3A_91 : vector<16xi32>
      %parallel_loop3A_124 = arith.constant 65535 : i32
      %parallel_loop3A_125 = vector.broadcast %parallel_loop3A_124 : i32 to vector<16xi32>
      %parallel_loop3A_126 = arith.andi %parallel_loop3A_123, %parallel_loop3A_125 : vector<16xi32>
      %parallel_loop3A_127 = arith.constant 1000003 : i32
      %parallel_loop3A_128 = vector.broadcast %parallel_loop3A_127 : i32 to vector<16xi32>
      %parallel_loop3A_129 = arith.muli %parallel_loop3A_119, %parallel_loop3A_128 : vector<16xi32>
      %parallel_loop3A_130 = arith.addi %parallel_loop3A_129, %parallel_loop3A_109 : vector<16xi32>
      %parallel_loop3A_131 = arith.constant 65535 : i32
      %parallel_loop3A_132 = vector.broadcast %parallel_loop3A_131 : i32 to vector<16xi32>
      %parallel_loop3A_133 = arith.andi %parallel_loop3A_130, %parallel_loop3A_132 : vector<16xi32>
      %parallel_loop3A_134 = tpu.pack_subelements %parallel_loop3A_126, %parallel_loop3A_133 {pack_format = #tpu.pack_format<interleaved>, positions = array<i32: 0, 1>} : vector<16xi32>, vector<16xi32> -> vector<32xi16>
      %parallel_loop3A_135 = arith.constant 2 : i32
      %parallel_loop3A_136 = arith.muli %parallel_loop3A_83, %parallel_loop3A_135 : i32
      %parallel_loop3A_137 = arith.constant 16 : i32
      %parallel_loop3A_138 = arith.muli %parallel_loop3A_136, %parallel_loop3A_137 : i32
      %parallel_loop3A_139 = arith.constant 4096 : i32
      %parallel_loop3A_140 = arith.addi %parallel_loop3A_139, %parallel_loop3A_138 : i32
      %parallel_loop3A_141 = arith.index_cast %parallel_loop3A_140 : i32 to index
      %parallel_loop3A_142 = tpu.vector_load %arg6[%parallel_loop3A_141] {strides = array<i32>} : memref<32768xi16, #tpu.memory_space<vmem>>, vector<32xi16>,
      tpu.vector_store %arg6[%parallel_loop3A_141], %parallel_loop3A_134 {strides = array<i32>} : memref<32768xi16, #tpu.memory_space<vmem>>, vector<32xi16>,
    } {sc.loop_unroll_factor = 4 : i64, sc.parallel_access}
    "tpu.region"() ({
      %run_scoped3A = tpu.sem_alloc : memref<!tpu.dma_semaphore, #tpu.memory_space<semaphore_mem>>
      %dma_start3A = arith.constant 0 : i32
      %dma_start3A_83 = tpu.memref_slice %arg5[%dma_start3A] : memref<2056xi32, #tpu.memory_space<vmem>> -> memref<8xi32, #tpu.memory_space<vmem>>
      %dma_start3A_84 = arith.constant 6136 : i32
      %dma_start3A_85 = tpu.memref_slice %arg2[%dma_start3A_84] : memref<32768xi32, #tpu.memory_space<hbm>> -> memref<8xi32, #tpu.memory_space<hbm>>
      %dma_start3A_86 = arith.constant 0 : i32
      %dma_start3A_87 = tpu.memref_slice %arg5[%dma_start3A_86] : memref<2056xi32, #tpu.memory_space<vmem>> -> memref<8xi32, #tpu.memory_space<vmem>>
      %dma_start3A_88 = arith.constant 6136 : i32
      %dma_start3A_89 = tpu.memref_slice %arg2[%dma_start3A_88] : memref<32768xi32, #tpu.memory_space<hbm>> -> memref<8xi32, #tpu.memory_space<hbm>>
      tpu.enqueue_dma source(%dma_start3A_89 : memref<8xi32, #tpu.memory_space<hbm>>) target(%dma_start3A_87 : memref<8xi32, #tpu.memory_space<vmem>>) target_semaphore(%run_scoped3A : memref<!tpu.dma_semaphore, #tpu.memory_space<semaphore_mem>>)
      %dma_wait3A_90 = arith.constant 0 : i32
      %dma_wait3A_91 = tpu.memref_slice %arg5[%dma_wait3A_90] : memref<2056xi32, #tpu.memory_space<vmem>> -> memref<8xi32, #tpu.memory_space<vmem>>
      %dma_wait3A_92 = arith.constant 6136 : i32
      %dma_wait3A_93 = tpu.memref_slice %arg2[%dma_wait3A_92] : memref<32768xi32, #tpu.memory_space<hbm>> -> memref<8xi32, #tpu.memory_space<hbm>>
      %dma_wait3A_94 = arith.constant 0 : i32
      %dma_wait3A_95 = tpu.memref_slice %arg5[%dma_wait3A_94] : memref<2056xi32, #tpu.memory_space<vmem>> -> memref<8xi32, #tpu.memory_space<vmem>>
      %dma_wait3A_96 = arith.constant 6136 : i32
      %dma_wait3A_97 = tpu.memref_slice %arg2[%dma_wait3A_96] : memref<32768xi32, #tpu.memory_space<hbm>> -> memref<8xi32, #tpu.memory_space<hbm>>
      tpu.wait_dma2 semaphore(%run_scoped3A : memref<!tpu.dma_semaphore, #tpu.memory_space<semaphore_mem>>) src(%dma_wait3A_97 : memref<8xi32, #tpu.memory_space<hbm>>) dst(%dma_wait3A_95 : memref<8xi32, #tpu.memory_space<vmem>>)
      tpu.yield
    }) : () -> ()
    "tpu.region"() ({
      %run_scoped3A = tpu.sem_alloc : memref<!tpu.dma_semaphore, #tpu.memory_space<semaphore_mem>>
      %dma_start3A = arith.constant 8 : i32
      %dma_start3A_83 = tpu.memref_slice %arg5[%dma_start3A] : memref<2056xi32, #tpu.memory_space<vmem>> -> memref<2048xi32, #tpu.memory_space<vmem>>
      %dma_start3A_84 = arith.constant 6144 : i32
      %dma_start3A_85 = tpu.memref_slice %arg2[%dma_start3A_84] : memref<32768xi32, #tpu.memory_space<hbm>> -> memref<2048xi32, #tpu.memory_space<hbm>>
      %dma_start3A_86 = arith.constant 8 : i32
      %dma_start3A_87 = tpu.memref_slice %arg5[%dma_start3A_86] : memref<2056xi32, #tpu.memory_space<vmem>> -> memref<2048xi32, #tpu.memory_space<vmem>>
      %dma_start3A_88 = arith.constant 6144 : i32
      %dma_start3A_89 = tpu.memref_slice %arg2[%dma_start3A_88] : memref<32768xi32, #tpu.memory_space<hbm>> -> memref<2048xi32, #tpu.memory_space<hbm>>
      tpu.enqueue_dma source(%dma_start3A_89 : memref<2048xi32, #tpu.memory_space<hbm>>) target(%dma_start3A_87 : memref<2048xi32, #tpu.memory_space<vmem>>) target_semaphore(%run_scoped3A : memref<!tpu.dma_semaphore, #tpu.memory_space<semaphore_mem>>)
      %dma_wait3A_90 = arith.constant 8 : i32
      %dma_wait3A_91 = tpu.memref_slice %arg5[%dma_wait3A_90] : memref<2056xi32, #tpu.memory_space<vmem>> -> memref<2048xi32, #tpu.memory_space<vmem>>
      %dma_wait3A_92 = arith.constant 6144 : i32
      %dma_wait3A_93 = tpu.memref_slice %arg2[%dma_wait3A_92] : memref<32768xi32, #tpu.memory_space<hbm>> -> memref<2048xi32, #tpu.memory_space<hbm>>
      %dma_wait3A_94 = arith.constant 8 : i32
      %dma_wait3A_95 = tpu.memref_slice %arg5[%dma_wait3A_94] : memref<2056xi32, #tpu.memory_space<vmem>> -> memref<2048xi32, #tpu.memory_space<vmem>>
      %dma_wait3A_96 = arith.constant 6144 : i32
      %dma_wait3A_97 = tpu.memref_slice %arg2[%dma_wait3A_96] : memref<32768xi32, #tpu.memory_space<hbm>> -> memref<2048xi32, #tpu.memory_space<hbm>>
      tpu.wait_dma2 semaphore(%run_scoped3A : memref<!tpu.dma_semaphore, #tpu.memory_space<semaphore_mem>>) src(%dma_wait3A_97 : memref<2048xi32, #tpu.memory_space<hbm>>) dst(%dma_wait3A_95 : memref<2048xi32, #tpu.memory_space<vmem>>)
      tpu.yield
    }) : () -> ()
    %parallel_loop3A_11 = arith.constant 0 : i32
    %parallel_loop3A_12 = arith.constant 64 : i32
    %parallel_loop3A_13 = arith.constant 1 : i32
    scf.for %parallel_loop3A_83 = %parallel_loop3A_11 to %parallel_loop3A_12 step %parallel_loop3A_13  : i32 {
      %parallel_loop3A_84 = arith.constant 2 : i32
      %parallel_loop3A_85 = arith.muli %parallel_loop3A_83, %parallel_loop3A_84 : i32
      %parallel_loop3A_86 = arith.constant 16 : i32
      %parallel_loop3A_87 = arith.muli %parallel_loop3A_85, %parallel_loop3A_86 : i32
      %parallel_loop3A_88 = arith.constant 8 : i32
      %parallel_loop3A_89 = arith.addi %parallel_loop3A_88, %parallel_loop3A_87 : i32
      %parallel_loop3A_90 = arith.index_cast %parallel_loop3A_89 : i32 to index
      %parallel_loop3A_91 = tpu.vector_load %arg5[%parallel_loop3A_90] {strides = array<i32>} : memref<2056xi32, #tpu.memory_space<vmem>>, vector<16xi32>,
      %parallel_loop3A_92 = arith.constant 2 : i32
      %parallel_loop3A_93 = arith.muli %parallel_loop3A_83, %parallel_loop3A_92 : i32
      %parallel_loop3A_94 = arith.constant 16 : i32
      %parallel_loop3A_95 = arith.muli %parallel_loop3A_93, %parallel_loop3A_94 : i32
      %parallel_loop3A_96 = arith.constant 7 : i32
      %parallel_loop3A_97 = arith.addi %parallel_loop3A_96, %parallel_loop3A_95 : i32
      %parallel_loop3A_98 = arith.index_cast %parallel_loop3A_97 : i32 to index
      %parallel_loop3A_99 = tpu.vector_load %arg5[%parallel_loop3A_98] {strides = array<i32>} : memref<2056xi32, #tpu.memory_space<vmem>>, vector<16xi32>,
      %parallel_loop3A_100 = arith.constant 2 : i32
      %parallel_loop3A_101 = arith.muli %parallel_loop3A_83, %parallel_loop3A_100 : i32
      %parallel_loop3A_102 = arith.constant 16 : i32
      %parallel_loop3A_103 = arith.muli %parallel_loop3A_101, %parallel_loop3A_102 : i32
      %parallel_loop3A_104 = arith.constant 8 : i32
      %parallel_loop3A_105 = arith.addi %parallel_loop3A_104, %parallel_loop3A_103 : i32
      %parallel_loop3A_106 = arith.constant 16 : i32
      %parallel_loop3A_107 = arith.addi %parallel_loop3A_105, %parallel_loop3A_106 : i32
      %parallel_loop3A_108 = arith.index_cast %parallel_loop3A_107 : i32 to index
      %parallel_loop3A_109 = tpu.vector_load %arg5[%parallel_loop3A_108] {strides = array<i32>} : memref<2056xi32, #tpu.memory_space<vmem>>, vector<16xi32>,
      %parallel_loop3A_110 = arith.constant 2 : i32
      %parallel_loop3A_111 = arith.muli %parallel_loop3A_83, %parallel_loop3A_110 : i32
      %parallel_loop3A_112 = arith.constant 16 : i32
      %parallel_loop3A_113 = arith.muli %parallel_loop3A_111, %parallel_loop3A_112 : i32
      %parallel_loop3A_114 = arith.constant 7 : i32
      %parallel_loop3A_115 = arith.addi %parallel_loop3A_114, %parallel_loop3A_113 : i32
      %parallel_loop3A_116 = arith.constant 16 : i32
      %parallel_loop3A_117 = arith.addi %parallel_loop3A_115, %parallel_loop3A_116 : i32
      %parallel_loop3A_118 = arith.index_cast %parallel_loop3A_117 : i32 to index
      %parallel_loop3A_119 = tpu.vector_load %arg5[%parallel_loop3A_118] {strides = array<i32>} : memref<2056xi32, #tpu.memory_space<vmem>>, vector<16xi32>,
      %parallel_loop3A_120 = arith.constant 1000003 : i32
      %parallel_loop3A_121 = vector.broadcast %parallel_loop3A_120 : i32 to vector<16xi32>
      %parallel_loop3A_122 = arith.muli %parallel_loop3A_99, %parallel_loop3A_121 : vector<16xi32>
      %parallel_loop3A_123 = arith.addi %parallel_loop3A_122, %parallel_loop3A_91 : vector<16xi32>
      %parallel_loop3A_124 = arith.constant 65535 : i32
      %parallel_loop3A_125 = vector.broadcast %parallel_loop3A_124 : i32 to vector<16xi32>
      %parallel_loop3A_126 = arith.andi %parallel_loop3A_123, %parallel_loop3A_125 : vector<16xi32>
      %parallel_loop3A_127 = arith.constant 1000003 : i32
      %parallel_loop3A_128 = vector.broadcast %parallel_loop3A_127 : i32 to vector<16xi32>
      %parallel_loop3A_129 = arith.muli %parallel_loop3A_119, %parallel_loop3A_128 : vector<16xi32>
      %parallel_loop3A_130 = arith.addi %parallel_loop3A_129, %parallel_loop3A_109 : vector<16xi32>
      %parallel_loop3A_131 = arith.constant 65535 : i32
      %parallel_loop3A_132 = vector.broadcast %parallel_loop3A_131 : i32 to vector<16xi32>
      %parallel_loop3A_133 = arith.andi %parallel_loop3A_130, %parallel_loop3A_132 : vector<16xi32>
      %parallel_loop3A_134 = tpu.pack_subelements %parallel_loop3A_126, %parallel_loop3A_133 {pack_format = #tpu.pack_format<interleaved>, positions = array<i32: 0, 1>} : vector<16xi32>, vector<16xi32> -> vector<32xi16>
      %parallel_loop3A_135 = arith.constant 2 : i32
      %parallel_loop3A_136 = arith.muli %parallel_loop3A_83, %parallel_loop3A_135 : i32
      %parallel_loop3A_137 = arith.constant 16 : i32
      %parallel_loop3A_138 = arith.muli %parallel_loop3A_136, %parallel_loop3A_137 : i32
      %parallel_loop3A_139 = arith.constant 6144 : i32
      %parallel_loop3A_140 = arith.addi %parallel_loop3A_139, %parallel_loop3A_138 : i32
      %parallel_loop3A_141 = arith.index_cast %parallel_loop3A_140 : i32 to index
      %parallel_loop3A_142 = tpu.vector_load %arg6[%parallel_loop3A_141] {strides = array<i32>} : memref<32768xi16, #tpu.memory_space<vmem>>, vector<32xi16>,
      tpu.vector_store %arg6[%parallel_loop3A_141], %parallel_loop3A_134 {strides = array<i32>} : memref<32768xi16, #tpu.memory_space<vmem>>, vector<32xi16>,
    } {sc.loop_unroll_factor = 4 : i64, sc.parallel_access}
    %broadcast_in_dim3A_14 = arith.constant 0 : i32
    %broadcast_in_dim3A_15 = vector.broadcast %broadcast_in_dim3A_14 : i32 to vector<16xi32>
    %swap3A_16 = arith.constant 0 : index
    %swap3A_17 = tpu.vector_load %arg5[%swap3A_16] {strides = array<i32>} : memref<2056xi32, #tpu.memory_space<vmem>>, vector<16xi32>,
    tpu.vector_store %arg5[%swap3A_16], %broadcast_in_dim3A_15 {strides = array<i32>} : memref<2056xi32, #tpu.memory_space<vmem>>, vector<16xi32>,
    "tpu.region"() ({
      %run_scoped3A = tpu.sem_alloc : memref<!tpu.dma_semaphore, #tpu.memory_space<semaphore_mem>>
      %dma_start3A = arith.constant 8 : i32
      %dma_start3A_83 = tpu.memref_slice %arg5[%dma_start3A] : memref<2056xi32, #tpu.memory_space<vmem>> -> memref<2048xi32, #tpu.memory_space<vmem>>
      %dma_start3A_84 = arith.constant 8192 : i32
      %dma_start3A_85 = tpu.memref_slice %arg2[%dma_start3A_84] : memref<32768xi32, #tpu.memory_space<hbm>> -> memref<2048xi32, #tpu.memory_space<hbm>>
      %dma_start3A_86 = arith.constant 8 : i32
      %dma_start3A_87 = tpu.memref_slice %arg5[%dma_start3A_86] : memref<2056xi32, #tpu.memory_space<vmem>> -> memref<2048xi32, #tpu.memory_space<vmem>>
      %dma_start3A_88 = arith.constant 8192 : i32
      %dma_start3A_89 = tpu.memref_slice %arg2[%dma_start3A_88] : memref<32768xi32, #tpu.memory_space<hbm>> -> memref<2048xi32, #tpu.memory_space<hbm>>
      tpu.enqueue_dma source(%dma_start3A_89 : memref<2048xi32, #tpu.memory_space<hbm>>) target(%dma_start3A_87 : memref<2048xi32, #tpu.memory_space<vmem>>) target_semaphore(%run_scoped3A : memref<!tpu.dma_semaphore, #tpu.memory_space<semaphore_mem>>)
      %dma_wait3A_90 = arith.constant 8 : i32
      %dma_wait3A_91 = tpu.memref_slice %arg5[%dma_wait3A_90] : memref<2056xi32, #tpu.memory_space<vmem>> -> memref<2048xi32, #tpu.memory_space<vmem>>
      %dma_wait3A_92 = arith.constant 8192 : i32
      %dma_wait3A_93 = tpu.memref_slice %arg2[%dma_wait3A_92] : memref<32768xi32, #tpu.memory_space<hbm>> -> memref<2048xi32, #tpu.memory_space<hbm>>
      %dma_wait3A_94 = arith.constant 8 : i32
      %dma_wait3A_95 = tpu.memref_slice %arg5[%dma_wait3A_94] : memref<2056xi32, #tpu.memory_space<vmem>> -> memref<2048xi32, #tpu.memory_space<vmem>>
      %dma_wait3A_96 = arith.constant 8192 : i32
      %dma_wait3A_97 = tpu.memref_slice %arg2[%dma_wait3A_96] : memref<32768xi32, #tpu.memory_space<hbm>> -> memref<2048xi32, #tpu.memory_space<hbm>>
      tpu.wait_dma2 semaphore(%run_scoped3A : memref<!tpu.dma_semaphore, #tpu.memory_space<semaphore_mem>>) src(%dma_wait3A_97 : memref<2048xi32, #tpu.memory_space<hbm>>) dst(%dma_wait3A_95 : memref<2048xi32, #tpu.memory_space<vmem>>)
      tpu.yield
    }) : () -> ()
    %parallel_loop3A_18 = arith.constant 0 : i32
    %parallel_loop3A_19 = arith.constant 64 : i32
    %parallel_loop3A_20 = arith.constant 1 : i32
    scf.for %parallel_loop3A_83 = %parallel_loop3A_18 to %parallel_loop3A_19 step %parallel_loop3A_20  : i32 {
      %parallel_loop3A_84 = arith.constant 2 : i32
      %parallel_loop3A_85 = arith.muli %parallel_loop3A_83, %parallel_loop3A_84 : i32
      %parallel_loop3A_86 = arith.constant 16 : i32
      %parallel_loop3A_87 = arith.muli %parallel_loop3A_85, %parallel_loop3A_86 : i32
      %parallel_loop3A_88 = arith.constant 8 : i32
      %parallel_loop3A_89 = arith.addi %parallel_loop3A_88, %parallel_loop3A_87 : i32
      %parallel_loop3A_90 = arith.index_cast %parallel_loop3A_89 : i32 to index
      %parallel_loop3A_91 = tpu.vector_load %arg5[%parallel_loop3A_90] {strides = array<i32>} : memref<2056xi32, #tpu.memory_space<vmem>>, vector<16xi32>,
      %parallel_loop3A_92 = arith.constant 2 : i32
      %parallel_loop3A_93 = arith.muli %parallel_loop3A_83, %parallel_loop3A_92 : i32
      %parallel_loop3A_94 = arith.constant 16 : i32
      %parallel_loop3A_95 = arith.muli %parallel_loop3A_93, %parallel_loop3A_94 : i32
      %parallel_loop3A_96 = arith.constant 7 : i32
      %parallel_loop3A_97 = arith.addi %parallel_loop3A_96, %parallel_loop3A_95 : i32
      %parallel_loop3A_98 = arith.index_cast %parallel_loop3A_97 : i32 to index
      %parallel_loop3A_99 = tpu.vector_load %arg5[%parallel_loop3A_98] {strides = array<i32>} : memref<2056xi32, #tpu.memory_space<vmem>>, vector<16xi32>,
      %parallel_loop3A_100 = arith.constant 2 : i32
      %parallel_loop3A_101 = arith.muli %parallel_loop3A_83, %parallel_loop3A_100 : i32
      %parallel_loop3A_102 = arith.constant 16 : i32
      %parallel_loop3A_103 = arith.muli %parallel_loop3A_101, %parallel_loop3A_102 : i32
      %parallel_loop3A_104 = arith.constant 8 : i32
      %parallel_loop3A_105 = arith.addi %parallel_loop3A_104, %parallel_loop3A_103 : i32
      %parallel_loop3A_106 = arith.constant 16 : i32
      %parallel_loop3A_107 = arith.addi %parallel_loop3A_105, %parallel_loop3A_106 : i32
      %parallel_loop3A_108 = arith.index_cast %parallel_loop3A_107 : i32 to index
      %parallel_loop3A_109 = tpu.vector_load %arg5[%parallel_loop3A_108] {strides = array<i32>} : memref<2056xi32, #tpu.memory_space<vmem>>, vector<16xi32>,
      %parallel_loop3A_110 = arith.constant 2 : i32
      %parallel_loop3A_111 = arith.muli %parallel_loop3A_83, %parallel_loop3A_110 : i32
      %parallel_loop3A_112 = arith.constant 16 : i32
      %parallel_loop3A_113 = arith.muli %parallel_loop3A_111, %parallel_loop3A_112 : i32
      %parallel_loop3A_114 = arith.constant 7 : i32
      %parallel_loop3A_115 = arith.addi %parallel_loop3A_114, %parallel_loop3A_113 : i32
      %parallel_loop3A_116 = arith.constant 16 : i32
      %parallel_loop3A_117 = arith.addi %parallel_loop3A_115, %parallel_loop3A_116 : i32
      %parallel_loop3A_118 = arith.index_cast %parallel_loop3A_117 : i32 to index
      %parallel_loop3A_119 = tpu.vector_load %arg5[%parallel_loop3A_118] {strides = array<i32>} : memref<2056xi32, #tpu.memory_space<vmem>>, vector<16xi32>,
      %parallel_loop3A_120 = arith.constant 1000003 : i32
      %parallel_loop3A_121 = vector.broadcast %parallel_loop3A_120 : i32 to vector<16xi32>
      %parallel_loop3A_122 = arith.muli %parallel_loop3A_99, %parallel_loop3A_121 : vector<16xi32>
      %parallel_loop3A_123 = arith.addi %parallel_loop3A_122, %parallel_loop3A_91 : vector<16xi32>
      %parallel_loop3A_124 = arith.constant 65535 : i32
      %parallel_loop3A_125 = vector.broadcast %parallel_loop3A_124 : i32 to vector<16xi32>
      %parallel_loop3A_126 = arith.andi %parallel_loop3A_123, %parallel_loop3A_125 : vector<16xi32>
      %parallel_loop3A_127 = arith.constant 1000003 : i32
      %parallel_loop3A_128 = vector.broadcast %parallel_loop3A_127 : i32 to vector<16xi32>
      %parallel_loop3A_129 = arith.muli %parallel_loop3A_119, %parallel_loop3A_128 : vector<16xi32>
      %parallel_loop3A_130 = arith.addi %parallel_loop3A_129, %parallel_loop3A_109 : vector<16xi32>
      %parallel_loop3A_131 = arith.constant 65535 : i32
      %parallel_loop3A_132 = vector.broadcast %parallel_loop3A_131 : i32 to vector<16xi32>
      %parallel_loop3A_133 = arith.andi %parallel_loop3A_130, %parallel_loop3A_132 : vector<16xi32>
      %parallel_loop3A_134 = tpu.pack_subelements %parallel_loop3A_126, %parallel_loop3A_133 {pack_format = #tpu.pack_format<interleaved>, positions = array<i32: 0, 1>} : vector<16xi32>, vector<16xi32> -> vector<32xi16>
      %parallel_loop3A_135 = arith.constant 2 : i32
      %parallel_loop3A_136 = arith.muli %parallel_loop3A_83, %parallel_loop3A_135 : i32
      %parallel_loop3A_137 = arith.constant 16 : i32
      %parallel_loop3A_138 = arith.muli %parallel_loop3A_136, %parallel_loop3A_137 : i32
      %parallel_loop3A_139 = arith.constant 8192 : i32
      %parallel_loop3A_140 = arith.addi %parallel_loop3A_139, %parallel_loop3A_138 : i32
      %parallel_loop3A_141 = arith.index_cast %parallel_loop3A_140 : i32 to index
      %parallel_loop3A_142 = tpu.vector_load %arg6[%parallel_loop3A_141] {strides = array<i32>} : memref<32768xi16, #tpu.memory_space<vmem>>, vector<32xi16>,
      tpu.vector_store %arg6[%parallel_loop3A_141], %parallel_loop3A_134 {strides = array<i32>} : memref<32768xi16, #tpu.memory_space<vmem>>, vector<32xi16>,
    } {sc.loop_unroll_factor = 4 : i64, sc.parallel_access}
    "tpu.region"() ({
      %run_scoped3A = tpu.sem_alloc : memref<!tpu.dma_semaphore, #tpu.memory_space<semaphore_mem>>
      %dma_start3A = arith.constant 0 : i32
      %dma_start3A_83 = tpu.memref_slice %arg5[%dma_start3A] : memref<2056xi32, #tpu.memory_space<vmem>> -> memref<8xi32, #tpu.memory_space<vmem>>
      %dma_start3A_84 = arith.constant 10232 : i32
      %dma_start3A_85 = tpu.memref_slice %arg2[%dma_start3A_84] : memref<32768xi32, #tpu.memory_space<hbm>> -> memref<8xi32, #tpu.memory_space<hbm>>
      %dma_start3A_86 = arith.constant 0 : i32
      %dma_start3A_87 = tpu.memref_slice %arg5[%dma_start3A_86] : memref<2056xi32, #tpu.memory_space<vmem>> -> memref<8xi32, #tpu.memory_space<vmem>>
      %dma_start3A_88 = arith.constant 10232 : i32
      %dma_start3A_89 = tpu.memref_slice %arg2[%dma_start3A_88] : memref<32768xi32, #tpu.memory_space<hbm>> -> memref<8xi32, #tpu.memory_space<hbm>>
      tpu.enqueue_dma source(%dma_start3A_89 : memref<8xi32, #tpu.memory_space<hbm>>) target(%dma_start3A_87 : memref<8xi32, #tpu.memory_space<vmem>>) target_semaphore(%run_scoped3A : memref<!tpu.dma_semaphore, #tpu.memory_space<semaphore_mem>>)
      %dma_wait3A_90 = arith.constant 0 : i32
      %dma_wait3A_91 = tpu.memref_slice %arg5[%dma_wait3A_90] : memref<2056xi32, #tpu.memory_space<vmem>> -> memref<8xi32, #tpu.memory_space<vmem>>
      %dma_wait3A_92 = arith.constant 10232 : i32
      %dma_wait3A_93 = tpu.memref_slice %arg2[%dma_wait3A_92] : memref<32768xi32, #tpu.memory_space<hbm>> -> memref<8xi32, #tpu.memory_space<hbm>>
      %dma_wait3A_94 = arith.constant 0 : i32
      %dma_wait3A_95 = tpu.memref_slice %arg5[%dma_wait3A_94] : memref<2056xi32, #tpu.memory_space<vmem>> -> memref<8xi32, #tpu.memory_space<vmem>>
      %dma_wait3A_96 = arith.constant 10232 : i32
      %dma_wait3A_97 = tpu.memref_slice %arg2[%dma_wait3A_96] : memref<32768xi32, #tpu.memory_space<hbm>> -> memref<8xi32, #tpu.memory_space<hbm>>
      tpu.wait_dma2 semaphore(%run_scoped3A : memref<!tpu.dma_semaphore, #tpu.memory_space<semaphore_mem>>) src(%dma_wait3A_97 : memref<8xi32, #tpu.memory_space<hbm>>) dst(%dma_wait3A_95 : memref<8xi32, #tpu.memory_space<vmem>>)
      tpu.yield
    }) : () -> ()
    "tpu.region"() ({
      %run_scoped3A = tpu.sem_alloc : memref<!tpu.dma_semaphore, #tpu.memory_space<semaphore_mem>>
      %dma_start3A = arith.constant 8 : i32
      %dma_start3A_83 = tpu.memref_slice %arg5[%dma_start3A] : memref<2056xi32, #tpu.memory_space<vmem>> -> memref<2048xi32, #tpu.memory_space<vmem>>
      %dma_start3A_84 = arith.constant 10240 : i32
      %dma_start3A_85 = tpu.memref_slice %arg2[%dma_start3A_84] : memref<32768xi32, #tpu.memory_space<hbm>> -> memref<2048xi32, #tpu.memory_space<hbm>>
      %dma_start3A_86 = arith.constant 8 : i32
      %dma_start3A_87 = tpu.memref_slice %arg5[%dma_start3A_86] : memref<2056xi32, #tpu.memory_space<vmem>> -> memref<2048xi32, #tpu.memory_space<vmem>>
      %dma_start3A_88 = arith.constant 10240 : i32
      %dma_start3A_89 = tpu.memref_slice %arg2[%dma_start3A_88] : memref<32768xi32, #tpu.memory_space<hbm>> -> memref<2048xi32, #tpu.memory_space<hbm>>
      tpu.enqueue_dma source(%dma_start3A_89 : memref<2048xi32, #tpu.memory_space<hbm>>) target(%dma_start3A_87 : memref<2048xi32, #tpu.memory_space<vmem>>) target_semaphore(%run_scoped3A : memref<!tpu.dma_semaphore, #tpu.memory_space<semaphore_mem>>)
      %dma_wait3A_90 = arith.constant 8 : i32
      %dma_wait3A_91 = tpu.memref_slice %arg5[%dma_wait3A_90] : memref<2056xi32, #tpu.memory_space<vmem>> -> memref<2048xi32, #tpu.memory_space<vmem>>
      %dma_wait3A_92 = arith.constant 10240 : i32
      %dma_wait3A_93 = tpu.memref_slice %arg2[%dma_wait3A_92] : memref<32768xi32, #tpu.memory_space<hbm>> -> memref<2048xi32, #tpu.memory_space<hbm>>
      %dma_wait3A_94 = arith.constant 8 : i32
      %dma_wait3A_95 = tpu.memref_slice %arg5[%dma_wait3A_94] : memref<2056xi32, #tpu.memory_space<vmem>> -> memref<2048xi32, #tpu.memory_space<vmem>>
      %dma_wait3A_96 = arith.constant 10240 : i32
      %dma_wait3A_97 = tpu.memref_slice %arg2[%dma_wait3A_96] : memref<32768xi32, #tpu.memory_space<hbm>> -> memref<2048xi32, #tpu.memory_space<hbm>>
      tpu.wait_dma2 semaphore(%run_scoped3A : memref<!tpu.dma_semaphore, #tpu.memory_space<semaphore_mem>>) src(%dma_wait3A_97 : memref<2048xi32, #tpu.memory_space<hbm>>) dst(%dma_wait3A_95 : memref<2048xi32, #tpu.memory_space<vmem>>)
      tpu.yield
    }) : () -> ()
    %parallel_loop3A_21 = arith.constant 0 : i32
    %parallel_loop3A_22 = arith.constant 64 : i32
    %parallel_loop3A_23 = arith.constant 1 : i32
    scf.for %parallel_loop3A_83 = %parallel_loop3A_21 to %parallel_loop3A_22 step %parallel_loop3A_23  : i32 {
      %parallel_loop3A_84 = arith.constant 2 : i32
      %parallel_loop3A_85 = arith.muli %parallel_loop3A_83, %parallel_loop3A_84 : i32
      %parallel_loop3A_86 = arith.constant 16 : i32
      %parallel_loop3A_87 = arith.muli %parallel_loop3A_85, %parallel_loop3A_86 : i32
      %parallel_loop3A_88 = arith.constant 8 : i32
      %parallel_loop3A_89 = arith.addi %parallel_loop3A_88, %parallel_loop3A_87 : i32
      %parallel_loop3A_90 = arith.index_cast %parallel_loop3A_89 : i32 to index
      %parallel_loop3A_91 = tpu.vector_load %arg5[%parallel_loop3A_90] {strides = array<i32>} : memref<2056xi32, #tpu.memory_space<vmem>>, vector<16xi32>,
      %parallel_loop3A_92 = arith.constant 2 : i32
      %parallel_loop3A_93 = arith.muli %parallel_loop3A_83, %parallel_loop3A_92 : i32
      %parallel_loop3A_94 = arith.constant 16 : i32
      %parallel_loop3A_95 = arith.muli %parallel_loop3A_93, %parallel_loop3A_94 : i32
      %parallel_loop3A_96 = arith.constant 7 : i32
      %parallel_loop3A_97 = arith.addi %parallel_loop3A_96, %parallel_loop3A_95 : i32
      %parallel_loop3A_98 = arith.index_cast %parallel_loop3A_97 : i32 to index
      %parallel_loop3A_99 = tpu.vector_load %arg5[%parallel_loop3A_98] {strides = array<i32>} : memref<2056xi32, #tpu.memory_space<vmem>>, vector<16xi32>,
      %parallel_loop3A_100 = arith.constant 2 : i32
      %parallel_loop3A_101 = arith.muli %parallel_loop3A_83, %parallel_loop3A_100 : i32
      %parallel_loop3A_102 = arith.constant 16 : i32
      %parallel_loop3A_103 = arith.muli %parallel_loop3A_101, %parallel_loop3A_102 : i32
      %parallel_loop3A_104 = arith.constant 8 : i32
      %parallel_loop3A_105 = arith.addi %parallel_loop3A_104, %parallel_loop3A_103 : i32
      %parallel_loop3A_106 = arith.constant 16 : i32
      %parallel_loop3A_107 = arith.addi %parallel_loop3A_105, %parallel_loop3A_106 : i32
      %parallel_loop3A_108 = arith.index_cast %parallel_loop3A_107 : i32 to index
      %parallel_loop3A_109 = tpu.vector_load %arg5[%parallel_loop3A_108] {strides = array<i32>} : memref<2056xi32, #tpu.memory_space<vmem>>, vector<16xi32>,
      %parallel_loop3A_110 = arith.constant 2 : i32
      %parallel_loop3A_111 = arith.muli %parallel_loop3A_83, %parallel_loop3A_110 : i32
      %parallel_loop3A_112 = arith.constant 16 : i32
      %parallel_loop3A_113 = arith.muli %parallel_loop3A_111, %parallel_loop3A_112 : i32
      %parallel_loop3A_114 = arith.constant 7 : i32
      %parallel_loop3A_115 = arith.addi %parallel_loop3A_114, %parallel_loop3A_113 : i32
      %parallel_loop3A_116 = arith.constant 16 : i32
      %parallel_loop3A_117 = arith.addi %parallel_loop3A_115, %parallel_loop3A_116 : i32
      %parallel_loop3A_118 = arith.index_cast %parallel_loop3A_117 : i32 to index
      %parallel_loop3A_119 = tpu.vector_load %arg5[%parallel_loop3A_118] {strides = array<i32>} : memref<2056xi32, #tpu.memory_space<vmem>>, vector<16xi32>,
      %parallel_loop3A_120 = arith.constant 1000003 : i32
      %parallel_loop3A_121 = vector.broadcast %parallel_loop3A_120 : i32 to vector<16xi32>
      %parallel_loop3A_122 = arith.muli %parallel_loop3A_99, %parallel_loop3A_121 : vector<16xi32>
      %parallel_loop3A_123 = arith.addi %parallel_loop3A_122, %parallel_loop3A_91 : vector<16xi32>
      %parallel_loop3A_124 = arith.constant 65535 : i32
      %parallel_loop3A_125 = vector.broadcast %parallel_loop3A_124 : i32 to vector<16xi32>
      %parallel_loop3A_126 = arith.andi %parallel_loop3A_123, %parallel_loop3A_125 : vector<16xi32>
      %parallel_loop3A_127 = arith.constant 1000003 : i32
      %parallel_loop3A_128 = vector.broadcast %parallel_loop3A_127 : i32 to vector<16xi32>
      %parallel_loop3A_129 = arith.muli %parallel_loop3A_119, %parallel_loop3A_128 : vector<16xi32>
      %parallel_loop3A_130 = arith.addi %parallel_loop3A_129, %parallel_loop3A_109 : vector<16xi32>
      %parallel_loop3A_131 = arith.constant 65535 : i32
      %parallel_loop3A_132 = vector.broadcast %parallel_loop3A_131 : i32 to vector<16xi32>
      %parallel_loop3A_133 = arith.andi %parallel_loop3A_130, %parallel_loop3A_132 : vector<16xi32>
      %parallel_loop3A_134 = tpu.pack_subelements %parallel_loop3A_126, %parallel_loop3A_133 {pack_format = #tpu.pack_format<interleaved>, positions = array<i32: 0, 1>} : vector<16xi32>, vector<16xi32> -> vector<32xi16>
      %parallel_loop3A_135 = arith.constant 2 : i32
      %parallel_loop3A_136 = arith.muli %parallel_loop3A_83, %parallel_loop3A_135 : i32
      %parallel_loop3A_137 = arith.constant 16 : i32
      %parallel_loop3A_138 = arith.muli %parallel_loop3A_136, %parallel_loop3A_137 : i32
      %parallel_loop3A_139 = arith.constant 10240 : i32
      %parallel_loop3A_140 = arith.addi %parallel_loop3A_139, %parallel_loop3A_138 : i32
      %parallel_loop3A_141 = arith.index_cast %parallel_loop3A_140 : i32 to index
      %parallel_loop3A_142 = tpu.vector_load %arg6[%parallel_loop3A_141] {strides = array<i32>} : memref<32768xi16, #tpu.memory_space<vmem>>, vector<32xi16>,
      tpu.vector_store %arg6[%parallel_loop3A_141], %parallel_loop3A_134 {strides = array<i32>} : memref<32768xi16, #tpu.memory_space<vmem>>, vector<32xi16>,
    } {sc.loop_unroll_factor = 4 : i64, sc.parallel_access}
    "tpu.region"() ({
      %run_scoped3A = tpu.sem_alloc : memref<!tpu.dma_semaphore, #tpu.memory_space<semaphore_mem>>
      %dma_start3A = arith.constant 0 : i32
      %dma_start3A_83 = tpu.memref_slice %arg5[%dma_start3A] : memref<2056xi32, #tpu.memory_space<vmem>> -> memref<8xi32, #tpu.memory_space<vmem>>
      %dma_start3A_84 = arith.constant 12280 : i32
      %dma_start3A_85 = tpu.memref_slice %arg2[%dma_start3A_84] : memref<32768xi32, #tpu.memory_space<hbm>> -> memref<8xi32, #tpu.memory_space<hbm>>
      %dma_start3A_86 = arith.constant 0 : i32
      %dma_start3A_87 = tpu.memref_slice %arg5[%dma_start3A_86] : memref<2056xi32, #tpu.memory_space<vmem>> -> memref<8xi32, #tpu.memory_space<vmem>>
      %dma_start3A_88 = arith.constant 12280 : i32
      %dma_start3A_89 = tpu.memref_slice %arg2[%dma_start3A_88] : memref<32768xi32, #tpu.memory_space<hbm>> -> memref<8xi32, #tpu.memory_space<hbm>>
      tpu.enqueue_dma source(%dma_start3A_89 : memref<8xi32, #tpu.memory_space<hbm>>) target(%dma_start3A_87 : memref<8xi32, #tpu.memory_space<vmem>>) target_semaphore(%run_scoped3A : memref<!tpu.dma_semaphore, #tpu.memory_space<semaphore_mem>>)
      %dma_wait3A_90 = arith.constant 0 : i32
      %dma_wait3A_91 = tpu.memref_slice %arg5[%dma_wait3A_90] : memref<2056xi32, #tpu.memory_space<vmem>> -> memref<8xi32, #tpu.memory_space<vmem>>
      %dma_wait3A_92 = arith.constant 12280 : i32
      %dma_wait3A_93 = tpu.memref_slice %arg2[%dma_wait3A_92] : memref<32768xi32, #tpu.memory_space<hbm>> -> memref<8xi32, #tpu.memory_space<hbm>>
      %dma_wait3A_94 = arith.constant 0 : i32
      %dma_wait3A_95 = tpu.memref_slice %arg5[%dma_wait3A_94] : memref<2056xi32, #tpu.memory_space<vmem>> -> memref<8xi32, #tpu.memory_space<vmem>>
      %dma_wait3A_96 = arith.constant 12280 : i32
      %dma_wait3A_97 = tpu.memref_slice %arg2[%dma_wait3A_96] : memref<32768xi32, #tpu.memory_space<hbm>> -> memref<8xi32, #tpu.memory_space<hbm>>
      tpu.wait_dma2 semaphore(%run_scoped3A : memref<!tpu.dma_semaphore, #tpu.memory_space<semaphore_mem>>) src(%dma_wait3A_97 : memref<8xi32, #tpu.memory_space<hbm>>) dst(%dma_wait3A_95 : memref<8xi32, #tpu.memory_space<vmem>>)
      tpu.yield
    }) : () -> ()
    "tpu.region"() ({
      %run_scoped3A = tpu.sem_alloc : memref<!tpu.dma_semaphore, #tpu.memory_space<semaphore_mem>>
      %dma_start3A = arith.constant 8 : i32
      %dma_start3A_83 = tpu.memref_slice %arg5[%dma_start3A] : memref<2056xi32, #tpu.memory_space<vmem>> -> memref<2048xi32, #tpu.memory_space<vmem>>
      %dma_start3A_84 = arith.constant 12288 : i32
      %dma_start3A_85 = tpu.memref_slice %arg2[%dma_start3A_84] : memref<32768xi32, #tpu.memory_space<hbm>> -> memref<2048xi32, #tpu.memory_space<hbm>>
      %dma_start3A_86 = arith.constant 8 : i32
      %dma_start3A_87 = tpu.memref_slice %arg5[%dma_start3A_86] : memref<2056xi32, #tpu.memory_space<vmem>> -> memref<2048xi32, #tpu.memory_space<vmem>>
      %dma_start3A_88 = arith.constant 12288 : i32
      %dma_start3A_89 = tpu.memref_slice %arg2[%dma_start3A_88] : memref<32768xi32, #tpu.memory_space<hbm>> -> memref<2048xi32, #tpu.memory_space<hbm>>
      tpu.enqueue_dma source(%dma_start3A_89 : memref<2048xi32, #tpu.memory_space<hbm>>) target(%dma_start3A_87 : memref<2048xi32, #tpu.memory_space<vmem>>) target_semaphore(%run_scoped3A : memref<!tpu.dma_semaphore, #tpu.memory_space<semaphore_mem>>)
      %dma_wait3A_90 = arith.constant 8 : i32
      %dma_wait3A_91 = tpu.memref_slice %arg5[%dma_wait3A_90] : memref<2056xi32, #tpu.memory_space<vmem>> -> memref<2048xi32, #tpu.memory_space<vmem>>
      %dma_wait3A_92 = arith.constant 12288 : i32
      %dma_wait3A_93 = tpu.memref_slice %arg2[%dma_wait3A_92] : memref<32768xi32, #tpu.memory_space<hbm>> -> memref<2048xi32, #tpu.memory_space<hbm>>
      %dma_wait3A_94 = arith.constant 8 : i32
      %dma_wait3A_95 = tpu.memref_slice %arg5[%dma_wait3A_94] : memref<2056xi32, #tpu.memory_space<vmem>> -> memref<2048xi32, #tpu.memory_space<vmem>>
      %dma_wait3A_96 = arith.constant 12288 : i32
      %dma_wait3A_97 = tpu.memref_slice %arg2[%dma_wait3A_96] : memref<32768xi32, #tpu.memory_space<hbm>> -> memref<2048xi32, #tpu.memory_space<hbm>>
      tpu.wait_dma2 semaphore(%run_scoped3A : memref<!tpu.dma_semaphore, #tpu.memory_space<semaphore_mem>>) src(%dma_wait3A_97 : memref<2048xi32, #tpu.memory_space<hbm>>) dst(%dma_wait3A_95 : memref<2048xi32, #tpu.memory_space<vmem>>)
      tpu.yield
    }) : () -> ()
    %parallel_loop3A_24 = arith.constant 0 : i32
    %parallel_loop3A_25 = arith.constant 64 : i32
    %parallel_loop3A_26 = arith.constant 1 : i32
    scf.for %parallel_loop3A_83 = %parallel_loop3A_24 to %parallel_loop3A_25 step %parallel_loop3A_26  : i32 {
      %parallel_loop3A_84 = arith.constant 2 : i32
      %parallel_loop3A_85 = arith.muli %parallel_loop3A_83, %parallel_loop3A_84 : i32
      %parallel_loop3A_86 = arith.constant 16 : i32
      %parallel_loop3A_87 = arith.muli %parallel_loop3A_85, %parallel_loop3A_86 : i32
      %parallel_loop3A_88 = arith.constant 8 : i32
      %parallel_loop3A_89 = arith.addi %parallel_loop3A_88, %parallel_loop3A_87 : i32
      %parallel_loop3A_90 = arith.index_cast %parallel_loop3A_89 : i32 to index
      %parallel_loop3A_91 = tpu.vector_load %arg5[%parallel_loop3A_90] {strides = array<i32>} : memref<2056xi32, #tpu.memory_space<vmem>>, vector<16xi32>,
      %parallel_loop3A_92 = arith.constant 2 : i32
      %parallel_loop3A_93 = arith.muli %parallel_loop3A_83, %parallel_loop3A_92 : i32
      %parallel_loop3A_94 = arith.constant 16 : i32
      %parallel_loop3A_95 = arith.muli %parallel_loop3A_93, %parallel_loop3A_94 : i32
      %parallel_loop3A_96 = arith.constant 7 : i32
      %parallel_loop3A_97 = arith.addi %parallel_loop3A_96, %parallel_loop3A_95 : i32
      %parallel_loop3A_98 = arith.index_cast %parallel_loop3A_97 : i32 to index
      %parallel_loop3A_99 = tpu.vector_load %arg5[%parallel_loop3A_98] {strides = array<i32>} : memref<2056xi32, #tpu.memory_space<vmem>>, vector<16xi32>,
      %parallel_loop3A_100 = arith.constant 2 : i32
      %parallel_loop3A_101 = arith.muli %parallel_loop3A_83, %parallel_loop3A_100 : i32
      %parallel_loop3A_102 = arith.constant 16 : i32
      %parallel_loop3A_103 = arith.muli %parallel_loop3A_101, %parallel_loop3A_102 : i32
      %parallel_loop3A_104 = arith.constant 8 : i32
      %parallel_loop3A_105 = arith.addi %parallel_loop3A_104, %parallel_loop3A_103 : i32
      %parallel_loop3A_106 = arith.constant 16 : i32
      %parallel_loop3A_107 = arith.addi %parallel_loop3A_105, %parallel_loop3A_106 : i32
      %parallel_loop3A_108 = arith.index_cast %parallel_loop3A_107 : i32 to index
      %parallel_loop3A_109 = tpu.vector_load %arg5[%parallel_loop3A_108] {strides = array<i32>} : memref<2056xi32, #tpu.memory_space<vmem>>, vector<16xi32>,
      %parallel_loop3A_110 = arith.constant 2 : i32
      %parallel_loop3A_111 = arith.muli %parallel_loop3A_83, %parallel_loop3A_110 : i32
      %parallel_loop3A_112 = arith.constant 16 : i32
      %parallel_loop3A_113 = arith.muli %parallel_loop3A_111, %parallel_loop3A_112 : i32
      %parallel_loop3A_114 = arith.constant 7 : i32
      %parallel_loop3A_115 = arith.addi %parallel_loop3A_114, %parallel_loop3A_113 : i32
      %parallel_loop3A_116 = arith.constant 16 : i32
      %parallel_loop3A_117 = arith.addi %parallel_loop3A_115, %parallel_loop3A_116 : i32
      %parallel_loop3A_118 = arith.index_cast %parallel_loop3A_117 : i32 to index
      %parallel_loop3A_119 = tpu.vector_load %arg5[%parallel_loop3A_118] {strides = array<i32>} : memref<2056xi32, #tpu.memory_space<vmem>>, vector<16xi32>,
      %parallel_loop3A_120 = arith.constant 1000003 : i32
      %parallel_loop3A_121 = vector.broadcast %parallel_loop3A_120 : i32 to vector<16xi32>
      %parallel_loop3A_122 = arith.muli %parallel_loop3A_99, %parallel_loop3A_121 : vector<16xi32>
      %parallel_loop3A_123 = arith.addi %parallel_loop3A_122, %parallel_loop3A_91 : vector<16xi32>
      %parallel_loop3A_124 = arith.constant 65535 : i32
      %parallel_loop3A_125 = vector.broadcast %parallel_loop3A_124 : i32 to vector<16xi32>
      %parallel_loop3A_126 = arith.andi %parallel_loop3A_123, %parallel_loop3A_125 : vector<16xi32>
      %parallel_loop3A_127 = arith.constant 1000003 : i32
      %parallel_loop3A_128 = vector.broadcast %parallel_loop3A_127 : i32 to vector<16xi32>
      %parallel_loop3A_129 = arith.muli %parallel_loop3A_119, %parallel_loop3A_128 : vector<16xi32>
      %parallel_loop3A_130 = arith.addi %parallel_loop3A_129, %parallel_loop3A_109 : vector<16xi32>
      %parallel_loop3A_131 = arith.constant 65535 : i32
      %parallel_loop3A_132 = vector.broadcast %parallel_loop3A_131 : i32 to vector<16xi32>
      %parallel_loop3A_133 = arith.andi %parallel_loop3A_130, %parallel_loop3A_132 : vector<16xi32>
      %parallel_loop3A_134 = tpu.pack_subelements %parallel_loop3A_126, %parallel_loop3A_133 {pack_format = #tpu.pack_format<interleaved>, positions = array<i32: 0, 1>} : vector<16xi32>, vector<16xi32> -> vector<32xi16>
      %parallel_loop3A_135 = arith.constant 2 : i32
      %parallel_loop3A_136 = arith.muli %parallel_loop3A_83, %parallel_loop3A_135 : i32
      %parallel_loop3A_137 = arith.constant 16 : i32
      %parallel_loop3A_138 = arith.muli %parallel_loop3A_136, %parallel_loop3A_137 : i32
      %parallel_loop3A_139 = arith.constant 12288 : i32
      %parallel_loop3A_140 = arith.addi %parallel_loop3A_139, %parallel_loop3A_138 : i32
      %parallel_loop3A_141 = arith.index_cast %parallel_loop3A_140 : i32 to index
      %parallel_loop3A_142 = tpu.vector_load %arg6[%parallel_loop3A_141] {strides = array<i32>} : memref<32768xi16, #tpu.memory_space<vmem>>, vector<32xi16>,
      tpu.vector_store %arg6[%parallel_loop3A_141], %parallel_loop3A_134 {strides = array<i32>} : memref<32768xi16, #tpu.memory_space<vmem>>, vector<32xi16>,
    } {sc.loop_unroll_factor = 4 : i64, sc.parallel_access}
    "tpu.region"() ({
      %run_scoped3A = tpu.sem_alloc : memref<!tpu.dma_semaphore, #tpu.memory_space<semaphore_mem>>
      %dma_start3A = arith.constant 0 : i32
      %dma_start3A_83 = tpu.memref_slice %arg5[%dma_start3A] : memref<2056xi32, #tpu.memory_space<vmem>> -> memref<8xi32, #tpu.memory_space<vmem>>
      %dma_start3A_84 = arith.constant 14328 : i32
      %dma_start3A_85 = tpu.memref_slice %arg2[%dma_start3A_84] : memref<32768xi32, #tpu.memory_space<hbm>> -> memref<8xi32, #tpu.memory_space<hbm>>
      %dma_start3A_86 = arith.constant 0 : i32
      %dma_start3A_87 = tpu.memref_slice %arg5[%dma_start3A_86] : memref<2056xi32, #tpu.memory_space<vmem>> -> memref<8xi32, #tpu.memory_space<vmem>>
      %dma_start3A_88 = arith.constant 14328 : i32
      %dma_start3A_89 = tpu.memref_slice %arg2[%dma_start3A_88] : memref<32768xi32, #tpu.memory_space<hbm>> -> memref<8xi32, #tpu.memory_space<hbm>>
      tpu.enqueue_dma source(%dma_start3A_89 : memref<8xi32, #tpu.memory_space<hbm>>) target(%dma_start3A_87 : memref<8xi32, #tpu.memory_space<vmem>>) target_semaphore(%run_scoped3A : memref<!tpu.dma_semaphore, #tpu.memory_space<semaphore_mem>>)
      %dma_wait3A_90 = arith.constant 0 : i32
      %dma_wait3A_91 = tpu.memref_slice %arg5[%dma_wait3A_90] : memref<2056xi32, #tpu.memory_space<vmem>> -> memref<8xi32, #tpu.memory_space<vmem>>
      %dma_wait3A_92 = arith.constant 14328 : i32
      %dma_wait3A_93 = tpu.memref_slice %arg2[%dma_wait3A_92] : memref<32768xi32, #tpu.memory_space<hbm>> -> memref<8xi32, #tpu.memory_space<hbm>>
      %dma_wait3A_94 = arith.constant 0 : i32
      %dma_wait3A_95 = tpu.memref_slice %arg5[%dma_wait3A_94] : memref<2056xi32, #tpu.memory_space<vmem>> -> memref<8xi32, #tpu.memory_space<vmem>>
      %dma_wait3A_96 = arith.constant 14328 : i32
      %dma_wait3A_97 = tpu.memref_slice %arg2[%dma_wait3A_96] : memref<32768xi32, #tpu.memory_space<hbm>> -> memref<8xi32, #tpu.memory_space<hbm>>
      tpu.wait_dma2 semaphore(%run_scoped3A : memref<!tpu.dma_semaphore, #tpu.memory_space<semaphore_mem>>) src(%dma_wait3A_97 : memref<8xi32, #tpu.memory_space<hbm>>) dst(%dma_wait3A_95 : memref<8xi32, #tpu.memory_space<vmem>>)
      tpu.yield
    }) : () -> ()
    "tpu.region"() ({
      %run_scoped3A = tpu.sem_alloc : memref<!tpu.dma_semaphore, #tpu.memory_space<semaphore_mem>>
      %dma_start3A = arith.constant 8 : i32
      %dma_start3A_83 = tpu.memref_slice %arg5[%dma_start3A] : memref<2056xi32, #tpu.memory_space<vmem>> -> memref<2048xi32, #tpu.memory_space<vmem>>
      %dma_start3A_84 = arith.constant 14336 : i32
      %dma_start3A_85 = tpu.memref_slice %arg2[%dma_start3A_84] : memref<32768xi32, #tpu.memory_space<hbm>> -> memref<2048xi32, #tpu.memory_space<hbm>>
      %dma_start3A_86 = arith.constant 8 : i32
      %dma_start3A_87 = tpu.memref_slice %arg5[%dma_start3A_86] : memref<2056xi32, #tpu.memory_space<vmem>> -> memref<2048xi32, #tpu.memory_space<vmem>>
      %dma_start3A_88 = arith.constant 14336 : i32
      %dma_start3A_89 = tpu.memref_slice %arg2[%dma_start3A_88] : memref<32768xi32, #tpu.memory_space<hbm>> -> memref<2048xi32, #tpu.memory_space<hbm>>
      tpu.enqueue_dma source(%dma_start3A_89 : memref<2048xi32, #tpu.memory_space<hbm>>) target(%dma_start3A_87 : memref<2048xi32, #tpu.memory_space<vmem>>) target_semaphore(%run_scoped3A : memref<!tpu.dma_semaphore, #tpu.memory_space<semaphore_mem>>)
      %dma_wait3A_90 = arith.constant 8 : i32
      %dma_wait3A_91 = tpu.memref_slice %arg5[%dma_wait3A_90] : memref<2056xi32, #tpu.memory_space<vmem>> -> memref<2048xi32, #tpu.memory_space<vmem>>
      %dma_wait3A_92 = arith.constant 14336 : i32
      %dma_wait3A_93 = tpu.memref_slice %arg2[%dma_wait3A_92] : memref<32768xi32, #tpu.memory_space<hbm>> -> memref<2048xi32, #tpu.memory_space<hbm>>
      %dma_wait3A_94 = arith.constant 8 : i32
      %dma_wait3A_95 = tpu.memref_slice %arg5[%dma_wait3A_94] : memref<2056xi32, #tpu.memory_space<vmem>> -> memref<2048xi32, #tpu.memory_space<vmem>>
      %dma_wait3A_96 = arith.constant 14336 : i32
      %dma_wait3A_97 = tpu.memref_slice %arg2[%dma_wait3A_96] : memref<32768xi32, #tpu.memory_space<hbm>> -> memref<2048xi32, #tpu.memory_space<hbm>>
      tpu.wait_dma2 semaphore(%run_scoped3A : memref<!tpu.dma_semaphore, #tpu.memory_space<semaphore_mem>>) src(%dma_wait3A_97 : memref<2048xi32, #tpu.memory_space<hbm>>) dst(%dma_wait3A_95 : memref<2048xi32, #tpu.memory_space<vmem>>)
      tpu.yield
    }) : () -> ()
    %parallel_loop3A_27 = arith.constant 0 : i32
    %parallel_loop3A_28 = arith.constant 64 : i32
    %parallel_loop3A_29 = arith.constant 1 : i32
    scf.for %parallel_loop3A_83 = %parallel_loop3A_27 to %parallel_loop3A_28 step %parallel_loop3A_29  : i32 {
      %parallel_loop3A_84 = arith.constant 2 : i32
      %parallel_loop3A_85 = arith.muli %parallel_loop3A_83, %parallel_loop3A_84 : i32
      %parallel_loop3A_86 = arith.constant 16 : i32
      %parallel_loop3A_87 = arith.muli %parallel_loop3A_85, %parallel_loop3A_86 : i32
      %parallel_loop3A_88 = arith.constant 8 : i32
      %parallel_loop3A_89 = arith.addi %parallel_loop3A_88, %parallel_loop3A_87 : i32
      %parallel_loop3A_90 = arith.index_cast %parallel_loop3A_89 : i32 to index
      %parallel_loop3A_91 = tpu.vector_load %arg5[%parallel_loop3A_90] {strides = array<i32>} : memref<2056xi32, #tpu.memory_space<vmem>>, vector<16xi32>,
      %parallel_loop3A_92 = arith.constant 2 : i32
      %parallel_loop3A_93 = arith.muli %parallel_loop3A_83, %parallel_loop3A_92 : i32
      %parallel_loop3A_94 = arith.constant 16 : i32
      %parallel_loop3A_95 = arith.muli %parallel_loop3A_93, %parallel_loop3A_94 : i32
      %parallel_loop3A_96 = arith.constant 7 : i32
      %parallel_loop3A_97 = arith.addi %parallel_loop3A_96, %parallel_loop3A_95 : i32
      %parallel_loop3A_98 = arith.index_cast %parallel_loop3A_97 : i32 to index
      %parallel_loop3A_99 = tpu.vector_load %arg5[%parallel_loop3A_98] {strides = array<i32>} : memref<2056xi32, #tpu.memory_space<vmem>>, vector<16xi32>,
      %parallel_loop3A_100 = arith.constant 2 : i32
      %parallel_loop3A_101 = arith.muli %parallel_loop3A_83, %parallel_loop3A_100 : i32
      %parallel_loop3A_102 = arith.constant 16 : i32
      %parallel_loop3A_103 = arith.muli %parallel_loop3A_101, %parallel_loop3A_102 : i32
      %parallel_loop3A_104 = arith.constant 8 : i32
      %parallel_loop3A_105 = arith.addi %parallel_loop3A_104, %parallel_loop3A_103 : i32
      %parallel_loop3A_106 = arith.constant 16 : i32
      %parallel_loop3A_107 = arith.addi %parallel_loop3A_105, %parallel_loop3A_106 : i32
      %parallel_loop3A_108 = arith.index_cast %parallel_loop3A_107 : i32 to index
      %parallel_loop3A_109 = tpu.vector_load %arg5[%parallel_loop3A_108] {strides = array<i32>} : memref<2056xi32, #tpu.memory_space<vmem>>, vector<16xi32>,
      %parallel_loop3A_110 = arith.constant 2 : i32
      %parallel_loop3A_111 = arith.muli %parallel_loop3A_83, %parallel_loop3A_110 : i32
      %parallel_loop3A_112 = arith.constant 16 : i32
      %parallel_loop3A_113 = arith.muli %parallel_loop3A_111, %parallel_loop3A_112 : i32
      %parallel_loop3A_114 = arith.constant 7 : i32
      %parallel_loop3A_115 = arith.addi %parallel_loop3A_114, %parallel_loop3A_113 : i32
      %parallel_loop3A_116 = arith.constant 16 : i32
      %parallel_loop3A_117 = arith.addi %parallel_loop3A_115, %parallel_loop3A_116 : i32
      %parallel_loop3A_118 = arith.index_cast %parallel_loop3A_117 : i32 to index
      %parallel_loop3A_119 = tpu.vector_load %arg5[%parallel_loop3A_118] {strides = array<i32>} : memref<2056xi32, #tpu.memory_space<vmem>>, vector<16xi32>,
      %parallel_loop3A_120 = arith.constant 1000003 : i32
      %parallel_loop3A_121 = vector.broadcast %parallel_loop3A_120 : i32 to vector<16xi32>
      %parallel_loop3A_122 = arith.muli %parallel_loop3A_99, %parallel_loop3A_121 : vector<16xi32>
      %parallel_loop3A_123 = arith.addi %parallel_loop3A_122, %parallel_loop3A_91 : vector<16xi32>
      %parallel_loop3A_124 = arith.constant 65535 : i32
      %parallel_loop3A_125 = vector.broadcast %parallel_loop3A_124 : i32 to vector<16xi32>
      %parallel_loop3A_126 = arith.andi %parallel_loop3A_123, %parallel_loop3A_125 : vector<16xi32>
      %parallel_loop3A_127 = arith.constant 1000003 : i32
      %parallel_loop3A_128 = vector.broadcast %parallel_loop3A_127 : i32 to vector<16xi32>
      %parallel_loop3A_129 = arith.muli %parallel_loop3A_119, %parallel_loop3A_128 : vector<16xi32>
      %parallel_loop3A_130 = arith.addi %parallel_loop3A_129, %parallel_loop3A_109 : vector<16xi32>
      %parallel_loop3A_131 = arith.constant 65535 : i32
      %parallel_loop3A_132 = vector.broadcast %parallel_loop3A_131 : i32 to vector<16xi32>
      %parallel_loop3A_133 = arith.andi %parallel_loop3A_130, %parallel_loop3A_132 : vector<16xi32>
      %parallel_loop3A_134 = tpu.pack_subelements %parallel_loop3A_126, %parallel_loop3A_133 {pack_format = #tpu.pack_format<interleaved>, positions = array<i32: 0, 1>} : vector<16xi32>, vector<16xi32> -> vector<32xi16>
      %parallel_loop3A_135 = arith.constant 2 : i32
      %parallel_loop3A_136 = arith.muli %parallel_loop3A_83, %parallel_loop3A_135 : i32
      %parallel_loop3A_137 = arith.constant 16 : i32
      %parallel_loop3A_138 = arith.muli %parallel_loop3A_136, %parallel_loop3A_137 : i32
      %parallel_loop3A_139 = arith.constant 14336 : i32
      %parallel_loop3A_140 = arith.addi %parallel_loop3A_139, %parallel_loop3A_138 : i32
      %parallel_loop3A_141 = arith.index_cast %parallel_loop3A_140 : i32 to index
      %parallel_loop3A_142 = tpu.vector_load %arg6[%parallel_loop3A_141] {strides = array<i32>} : memref<32768xi16, #tpu.memory_space<vmem>>, vector<32xi16>,
      tpu.vector_store %arg6[%parallel_loop3A_141], %parallel_loop3A_134 {strides = array<i32>} : memref<32768xi16, #tpu.memory_space<vmem>>, vector<32xi16>,
    } {sc.loop_unroll_factor = 4 : i64, sc.parallel_access}
    %broadcast_in_dim3A_30 = arith.constant 0 : i32
    %broadcast_in_dim3A_31 = vector.broadcast %broadcast_in_dim3A_30 : i32 to vector<16xi32>
    %swap3A_32 = arith.constant 0 : index
    %swap3A_33 = tpu.vector_load %arg5[%swap3A_32] {strides = array<i32>} : memref<2056xi32, #tpu.memory_space<vmem>>, vector<16xi32>,
    tpu.vector_store %arg5[%swap3A_32], %broadcast_in_dim3A_31 {strides = array<i32>} : memref<2056xi32, #tpu.memory_space<vmem>>, vector<16xi32>,
    "tpu.region"() ({
      %run_scoped3A = tpu.sem_alloc : memref<!tpu.dma_semaphore, #tpu.memory_space<semaphore_mem>>
      %dma_start3A = arith.constant 8 : i32
      %dma_start3A_83 = tpu.memref_slice %arg5[%dma_start3A] : memref<2056xi32, #tpu.memory_space<vmem>> -> memref<2048xi32, #tpu.memory_space<vmem>>
      %dma_start3A_84 = arith.constant 16384 : i32
      %dma_start3A_85 = tpu.memref_slice %arg2[%dma_start3A_84] : memref<32768xi32, #tpu.memory_space<hbm>> -> memref<2048xi32, #tpu.memory_space<hbm>>
      %dma_start3A_86 = arith.constant 8 : i32
      %dma_start3A_87 = tpu.memref_slice %arg5[%dma_start3A_86] : memref<2056xi32, #tpu.memory_space<vmem>> -> memref<2048xi32, #tpu.memory_space<vmem>>
      %dma_start3A_88 = arith.constant 16384 : i32
      %dma_start3A_89 = tpu.memref_slice %arg2[%dma_start3A_88] : memref<32768xi32, #tpu.memory_space<hbm>> -> memref<2048xi32, #tpu.memory_space<hbm>>
      tpu.enqueue_dma source(%dma_start3A_89 : memref<2048xi32, #tpu.memory_space<hbm>>) target(%dma_start3A_87 : memref<2048xi32, #tpu.memory_space<vmem>>) target_semaphore(%run_scoped3A : memref<!tpu.dma_semaphore, #tpu.memory_space<semaphore_mem>>)
      %dma_wait3A_90 = arith.constant 8 : i32
      %dma_wait3A_91 = tpu.memref_slice %arg5[%dma_wait3A_90] : memref<2056xi32, #tpu.memory_space<vmem>> -> memref<2048xi32, #tpu.memory_space<vmem>>
      %dma_wait3A_92 = arith.constant 16384 : i32
      %dma_wait3A_93 = tpu.memref_slice %arg2[%dma_wait3A_92] : memref<32768xi32, #tpu.memory_space<hbm>> -> memref<2048xi32, #tpu.memory_space<hbm>>
      %dma_wait3A_94 = arith.constant 8 : i32
      %dma_wait3A_95 = tpu.memref_slice %arg5[%dma_wait3A_94] : memref<2056xi32, #tpu.memory_space<vmem>> -> memref<2048xi32, #tpu.memory_space<vmem>>
      %dma_wait3A_96 = arith.constant 16384 : i32
      %dma_wait3A_97 = tpu.memref_slice %arg2[%dma_wait3A_96] : memref<32768xi32, #tpu.memory_space<hbm>> -> memref<2048xi32, #tpu.memory_space<hbm>>
      tpu.wait_dma2 semaphore(%run_scoped3A : memref<!tpu.dma_semaphore, #tpu.memory_space<semaphore_mem>>) src(%dma_wait3A_97 : memref<2048xi32, #tpu.memory_space<hbm>>) dst(%dma_wait3A_95 : memref<2048xi32, #tpu.memory_space<vmem>>)
      tpu.yield
    }) : () -> ()
    %parallel_loop3A_34 = arith.constant 0 : i32
    %parallel_loop3A_35 = arith.constant 64 : i32
    %parallel_loop3A_36 = arith.constant 1 : i32
    scf.for %parallel_loop3A_83 = %parallel_loop3A_34 to %parallel_loop3A_35 step %parallel_loop3A_36  : i32 {
      %parallel_loop3A_84 = arith.constant 2 : i32
      %parallel_loop3A_85 = arith.muli %parallel_loop3A_83, %parallel_loop3A_84 : i32
      %parallel_loop3A_86 = arith.constant 16 : i32
      %parallel_loop3A_87 = arith.muli %parallel_loop3A_85, %parallel_loop3A_86 : i32
      %parallel_loop3A_88 = arith.constant 8 : i32
      %parallel_loop3A_89 = arith.addi %parallel_loop3A_88, %parallel_loop3A_87 : i32
      %parallel_loop3A_90 = arith.index_cast %parallel_loop3A_89 : i32 to index
      %parallel_loop3A_91 = tpu.vector_load %arg5[%parallel_loop3A_90] {strides = array<i32>} : memref<2056xi32, #tpu.memory_space<vmem>>, vector<16xi32>,
      %parallel_loop3A_92 = arith.constant 2 : i32
      %parallel_loop3A_93 = arith.muli %parallel_loop3A_83, %parallel_loop3A_92 : i32
      %parallel_loop3A_94 = arith.constant 16 : i32
      %parallel_loop3A_95 = arith.muli %parallel_loop3A_93, %parallel_loop3A_94 : i32
      %parallel_loop3A_96 = arith.constant 7 : i32
      %parallel_loop3A_97 = arith.addi %parallel_loop3A_96, %parallel_loop3A_95 : i32
      %parallel_loop3A_98 = arith.index_cast %parallel_loop3A_97 : i32 to index
      %parallel_loop3A_99 = tpu.vector_load %arg5[%parallel_loop3A_98] {strides = array<i32>} : memref<2056xi32, #tpu.memory_space<vmem>>, vector<16xi32>,
      %parallel_loop3A_100 = arith.constant 2 : i32
      %parallel_loop3A_101 = arith.muli %parallel_loop3A_83, %parallel_loop3A_100 : i32
      %parallel_loop3A_102 = arith.constant 16 : i32
      %parallel_loop3A_103 = arith.muli %parallel_loop3A_101, %parallel_loop3A_102 : i32
      %parallel_loop3A_104 = arith.constant 8 : i32
      %parallel_loop3A_105 = arith.addi %parallel_loop3A_104, %parallel_loop3A_103 : i32
      %parallel_loop3A_106 = arith.constant 16 : i32
      %parallel_loop3A_107 = arith.addi %parallel_loop3A_105, %parallel_loop3A_106 : i32
      %parallel_loop3A_108 = arith.index_cast %parallel_loop3A_107 : i32 to index
      %parallel_loop3A_109 = tpu.vector_load %arg5[%parallel_loop3A_108] {strides = array<i32>} : memref<2056xi32, #tpu.memory_space<vmem>>, vector<16xi32>,
      %parallel_loop3A_110 = arith.constant 2 : i32
      %parallel_loop3A_111 = arith.muli %parallel_loop3A_83, %parallel_loop3A_110 : i32
      %parallel_loop3A_112 = arith.constant 16 : i32
      %parallel_loop3A_113 = arith.muli %parallel_loop3A_111, %parallel_loop3A_112 : i32
      %parallel_loop3A_114 = arith.constant 7 : i32
      %parallel_loop3A_115 = arith.addi %parallel_loop3A_114, %parallel_loop3A_113 : i32
      %parallel_loop3A_116 = arith.constant 16 : i32
      %parallel_loop3A_117 = arith.addi %parallel_loop3A_115, %parallel_loop3A_116 : i32
      %parallel_loop3A_118 = arith.index_cast %parallel_loop3A_117 : i32 to index
      %parallel_loop3A_119 = tpu.vector_load %arg5[%parallel_loop3A_118] {strides = array<i32>} : memref<2056xi32, #tpu.memory_space<vmem>>, vector<16xi32>,
      %parallel_loop3A_120 = arith.constant 1000003 : i32
      %parallel_loop3A_121 = vector.broadcast %parallel_loop3A_120 : i32 to vector<16xi32>
      %parallel_loop3A_122 = arith.muli %parallel_loop3A_99, %parallel_loop3A_121 : vector<16xi32>
      %parallel_loop3A_123 = arith.addi %parallel_loop3A_122, %parallel_loop3A_91 : vector<16xi32>
      %parallel_loop3A_124 = arith.constant 65535 : i32
      %parallel_loop3A_125 = vector.broadcast %parallel_loop3A_124 : i32 to vector<16xi32>
      %parallel_loop3A_126 = arith.andi %parallel_loop3A_123, %parallel_loop3A_125 : vector<16xi32>
      %parallel_loop3A_127 = arith.constant 1000003 : i32
      %parallel_loop3A_128 = vector.broadcast %parallel_loop3A_127 : i32 to vector<16xi32>
      %parallel_loop3A_129 = arith.muli %parallel_loop3A_119, %parallel_loop3A_128 : vector<16xi32>
      %parallel_loop3A_130 = arith.addi %parallel_loop3A_129, %parallel_loop3A_109 : vector<16xi32>
      %parallel_loop3A_131 = arith.constant 65535 : i32
      %parallel_loop3A_132 = vector.broadcast %parallel_loop3A_131 : i32 to vector<16xi32>
      %parallel_loop3A_133 = arith.andi %parallel_loop3A_130, %parallel_loop3A_132 : vector<16xi32>
      %parallel_loop3A_134 = tpu.pack_subelements %parallel_loop3A_126, %parallel_loop3A_133 {pack_format = #tpu.pack_format<interleaved>, positions = array<i32: 0, 1>} : vector<16xi32>, vector<16xi32> -> vector<32xi16>
      %parallel_loop3A_135 = arith.constant 2 : i32
      %parallel_loop3A_136 = arith.muli %parallel_loop3A_83, %parallel_loop3A_135 : i32
      %parallel_loop3A_137 = arith.constant 16 : i32
      %parallel_loop3A_138 = arith.muli %parallel_loop3A_136, %parallel_loop3A_137 : i32
      %parallel_loop3A_139 = arith.constant 16384 : i32
      %parallel_loop3A_140 = arith.addi %parallel_loop3A_139, %parallel_loop3A_138 : i32
      %parallel_loop3A_141 = arith.index_cast %parallel_loop3A_140 : i32 to index
      %parallel_loop3A_142 = tpu.vector_load %arg6[%parallel_loop3A_141] {strides = array<i32>} : memref<32768xi16, #tpu.memory_space<vmem>>, vector<32xi16>,
      tpu.vector_store %arg6[%parallel_loop3A_141], %parallel_loop3A_134 {strides = array<i32>} : memref<32768xi16, #tpu.memory_space<vmem>>, vector<32xi16>,
    } {sc.loop_unroll_factor = 4 : i64, sc.parallel_access}
    "tpu.region"() ({
      %run_scoped3A = tpu.sem_alloc : memref<!tpu.dma_semaphore, #tpu.memory_space<semaphore_mem>>
      %dma_start3A = arith.constant 0 : i32
      %dma_start3A_83 = tpu.memref_slice %arg5[%dma_start3A] : memref<2056xi32, #tpu.memory_space<vmem>> -> memref<8xi32, #tpu.memory_space<vmem>>
      %dma_start3A_84 = arith.constant 18424 : i32
      %dma_start3A_85 = tpu.memref_slice %arg2[%dma_start3A_84] : memref<32768xi32, #tpu.memory_space<hbm>> -> memref<8xi32, #tpu.memory_space<hbm>>
      %dma_start3A_86 = arith.constant 0 : i32
      %dma_start3A_87 = tpu.memref_slice %arg5[%dma_start3A_86] : memref<2056xi32, #tpu.memory_space<vmem>> -> memref<8xi32, #tpu.memory_space<vmem>>
      %dma_start3A_88 = arith.constant 18424 : i32
      %dma_start3A_89 = tpu.memref_slice %arg2[%dma_start3A_88] : memref<32768xi32, #tpu.memory_space<hbm>> -> memref<8xi32, #tpu.memory_space<hbm>>
      tpu.enqueue_dma source(%dma_start3A_89 : memref<8xi32, #tpu.memory_space<hbm>>) target(%dma_start3A_87 : memref<8xi32, #tpu.memory_space<vmem>>) target_semaphore(%run_scoped3A : memref<!tpu.dma_semaphore, #tpu.memory_space<semaphore_mem>>)
      %dma_wait3A_90 = arith.constant 0 : i32
      %dma_wait3A_91 = tpu.memref_slice %arg5[%dma_wait3A_90] : memref<2056xi32, #tpu.memory_space<vmem>> -> memref<8xi32, #tpu.memory_space<vmem>>
      %dma_wait3A_92 = arith.constant 18424 : i32
      %dma_wait3A_93 = tpu.memref_slice %arg2[%dma_wait3A_92] : memref<32768xi32, #tpu.memory_space<hbm>> -> memref<8xi32, #tpu.memory_space<hbm>>
      %dma_wait3A_94 = arith.constant 0 : i32
      %dma_wait3A_95 = tpu.memref_slice %arg5[%dma_wait3A_94] : memref<2056xi32, #tpu.memory_space<vmem>> -> memref<8xi32, #tpu.memory_space<vmem>>
      %dma_wait3A_96 = arith.constant 18424 : i32
      %dma_wait3A_97 = tpu.memref_slice %arg2[%dma_wait3A_96] : memref<32768xi32, #tpu.memory_space<hbm>> -> memref<8xi32, #tpu.memory_space<hbm>>
      tpu.wait_dma2 semaphore(%run_scoped3A : memref<!tpu.dma_semaphore, #tpu.memory_space<semaphore_mem>>) src(%dma_wait3A_97 : memref<8xi32, #tpu.memory_space<hbm>>) dst(%dma_wait3A_95 : memref<8xi32, #tpu.memory_space<vmem>>)
      tpu.yield
    }) : () -> ()
    "tpu.region"() ({
      %run_scoped3A = tpu.sem_alloc : memref<!tpu.dma_semaphore, #tpu.memory_space<semaphore_mem>>
      %dma_start3A = arith.constant 8 : i32
      %dma_start3A_83 = tpu.memref_slice %arg5[%dma_start3A] : memref<2056xi32, #tpu.memory_space<vmem>> -> memref<2048xi32, #tpu.memory_space<vmem>>
      %dma_start3A_84 = arith.constant 18432 : i32
      %dma_start3A_85 = tpu.memref_slice %arg2[%dma_start3A_84] : memref<32768xi32, #tpu.memory_space<hbm>> -> memref<2048xi32, #tpu.memory_space<hbm>>
      %dma_start3A_86 = arith.constant 8 : i32
      %dma_start3A_87 = tpu.memref_slice %arg5[%dma_start3A_86] : memref<2056xi32, #tpu.memory_space<vmem>> -> memref<2048xi32, #tpu.memory_space<vmem>>
      %dma_start3A_88 = arith.constant 18432 : i32
      %dma_start3A_89 = tpu.memref_slice %arg2[%dma_start3A_88] : memref<32768xi32, #tpu.memory_space<hbm>> -> memref<2048xi32, #tpu.memory_space<hbm>>
      tpu.enqueue_dma source(%dma_start3A_89 : memref<2048xi32, #tpu.memory_space<hbm>>) target(%dma_start3A_87 : memref<2048xi32, #tpu.memory_space<vmem>>) target_semaphore(%run_scoped3A : memref<!tpu.dma_semaphore, #tpu.memory_space<semaphore_mem>>)
      %dma_wait3A_90 = arith.constant 8 : i32
      %dma_wait3A_91 = tpu.memref_slice %arg5[%dma_wait3A_90] : memref<2056xi32, #tpu.memory_space<vmem>> -> memref<2048xi32, #tpu.memory_space<vmem>>
      %dma_wait3A_92 = arith.constant 18432 : i32
      %dma_wait3A_93 = tpu.memref_slice %arg2[%dma_wait3A_92] : memref<32768xi32, #tpu.memory_space<hbm>> -> memref<2048xi32, #tpu.memory_space<hbm>>
      %dma_wait3A_94 = arith.constant 8 : i32
      %dma_wait3A_95 = tpu.memref_slice %arg5[%dma_wait3A_94] : memref<2056xi32, #tpu.memory_space<vmem>> -> memref<2048xi32, #tpu.memory_space<vmem>>
      %dma_wait3A_96 = arith.constant 18432 : i32
      %dma_wait3A_97 = tpu.memref_slice %arg2[%dma_wait3A_96] : memref<32768xi32, #tpu.memory_space<hbm>> -> memref<2048xi32, #tpu.memory_space<hbm>>
      tpu.wait_dma2 semaphore(%run_scoped3A : memref<!tpu.dma_semaphore, #tpu.memory_space<semaphore_mem>>) src(%dma_wait3A_97 : memref<2048xi32, #tpu.memory_space<hbm>>) dst(%dma_wait3A_95 : memref<2048xi32, #tpu.memory_space<vmem>>)
      tpu.yield
    }) : () -> ()
    %parallel_loop3A_37 = arith.constant 0 : i32
    %parallel_loop3A_38 = arith.constant 64 : i32
    %parallel_loop3A_39 = arith.constant 1 : i32
    scf.for %parallel_loop3A_83 = %parallel_loop3A_37 to %parallel_loop3A_38 step %parallel_loop3A_39  : i32 {
      %parallel_loop3A_84 = arith.constant 2 : i32
      %parallel_loop3A_85 = arith.muli %parallel_loop3A_83, %parallel_loop3A_84 : i32
      %parallel_loop3A_86 = arith.constant 16 : i32
      %parallel_loop3A_87 = arith.muli %parallel_loop3A_85, %parallel_loop3A_86 : i32
      %parallel_loop3A_88 = arith.constant 8 : i32
      %parallel_loop3A_89 = arith.addi %parallel_loop3A_88, %parallel_loop3A_87 : i32
      %parallel_loop3A_90 = arith.index_cast %parallel_loop3A_89 : i32 to index
      %parallel_loop3A_91 = tpu.vector_load %arg5[%parallel_loop3A_90] {strides = array<i32>} : memref<2056xi32, #tpu.memory_space<vmem>>, vector<16xi32>,
      %parallel_loop3A_92 = arith.constant 2 : i32
      %parallel_loop3A_93 = arith.muli %parallel_loop3A_83, %parallel_loop3A_92 : i32
      %parallel_loop3A_94 = arith.constant 16 : i32
      %parallel_loop3A_95 = arith.muli %parallel_loop3A_93, %parallel_loop3A_94 : i32
      %parallel_loop3A_96 = arith.constant 7 : i32
      %parallel_loop3A_97 = arith.addi %parallel_loop3A_96, %parallel_loop3A_95 : i32
      %parallel_loop3A_98 = arith.index_cast %parallel_loop3A_97 : i32 to index
      %parallel_loop3A_99 = tpu.vector_load %arg5[%parallel_loop3A_98] {strides = array<i32>} : memref<2056xi32, #tpu.memory_space<vmem>>, vector<16xi32>,
      %parallel_loop3A_100 = arith.constant 2 : i32
      %parallel_loop3A_101 = arith.muli %parallel_loop3A_83, %parallel_loop3A_100 : i32
      %parallel_loop3A_102 = arith.constant 16 : i32
      %parallel_loop3A_103 = arith.muli %parallel_loop3A_101, %parallel_loop3A_102 : i32
      %parallel_loop3A_104 = arith.constant 8 : i32
      %parallel_loop3A_105 = arith.addi %parallel_loop3A_104, %parallel_loop3A_103 : i32
      %parallel_loop3A_106 = arith.constant 16 : i32
      %parallel_loop3A_107 = arith.addi %parallel_loop3A_105, %parallel_loop3A_106 : i32
      %parallel_loop3A_108 = arith.index_cast %parallel_loop3A_107 : i32 to index
      %parallel_loop3A_109 = tpu.vector_load %arg5[%parallel_loop3A_108] {strides = array<i32>} : memref<2056xi32, #tpu.memory_space<vmem>>, vector<16xi32>,
      %parallel_loop3A_110 = arith.constant 2 : i32
      %parallel_loop3A_111 = arith.muli %parallel_loop3A_83, %parallel_loop3A_110 : i32
      %parallel_loop3A_112 = arith.constant 16 : i32
      %parallel_loop3A_113 = arith.muli %parallel_loop3A_111, %parallel_loop3A_112 : i32
      %parallel_loop3A_114 = arith.constant 7 : i32
      %parallel_loop3A_115 = arith.addi %parallel_loop3A_114, %parallel_loop3A_113 : i32
      %parallel_loop3A_116 = arith.constant 16 : i32
      %parallel_loop3A_117 = arith.addi %parallel_loop3A_115, %parallel_loop3A_116 : i32
      %parallel_loop3A_118 = arith.index_cast %parallel_loop3A_117 : i32 to index
      %parallel_loop3A_119 = tpu.vector_load %arg5[%parallel_loop3A_118] {strides = array<i32>} : memref<2056xi32, #tpu.memory_space<vmem>>, vector<16xi32>,
      %parallel_loop3A_120 = arith.constant 1000003 : i32
      %parallel_loop3A_121 = vector.broadcast %parallel_loop3A_120 : i32 to vector<16xi32>
      %parallel_loop3A_122 = arith.muli %parallel_loop3A_99, %parallel_loop3A_121 : vector<16xi32>
      %parallel_loop3A_123 = arith.addi %parallel_loop3A_122, %parallel_loop3A_91 : vector<16xi32>
      %parallel_loop3A_124 = arith.constant 65535 : i32
      %parallel_loop3A_125 = vector.broadcast %parallel_loop3A_124 : i32 to vector<16xi32>
      %parallel_loop3A_126 = arith.andi %parallel_loop3A_123, %parallel_loop3A_125 : vector<16xi32>
      %parallel_loop3A_127 = arith.constant 1000003 : i32
      %parallel_loop3A_128 = vector.broadcast %parallel_loop3A_127 : i32 to vector<16xi32>
      %parallel_loop3A_129 = arith.muli %parallel_loop3A_119, %parallel_loop3A_128 : vector<16xi32>
      %parallel_loop3A_130 = arith.addi %parallel_loop3A_129, %parallel_loop3A_109 : vector<16xi32>
      %parallel_loop3A_131 = arith.constant 65535 : i32
      %parallel_loop3A_132 = vector.broadcast %parallel_loop3A_131 : i32 to vector<16xi32>
      %parallel_loop3A_133 = arith.andi %parallel_loop3A_130, %parallel_loop3A_132 : vector<16xi32>
      %parallel_loop3A_134 = tpu.pack_subelements %parallel_loop3A_126, %parallel_loop3A_133 {pack_format = #tpu.pack_format<interleaved>, positions = array<i32: 0, 1>} : vector<16xi32>, vector<16xi32> -> vector<32xi16>
      %parallel_loop3A_135 = arith.constant 2 : i32
      %parallel_loop3A_136 = arith.muli %parallel_loop3A_83, %parallel_loop3A_135 : i32
      %parallel_loop3A_137 = arith.constant 16 : i32
      %parallel_loop3A_138 = arith.muli %parallel_loop3A_136, %parallel_loop3A_137 : i32
      %parallel_loop3A_139 = arith.constant 18432 : i32
      %parallel_loop3A_140 = arith.addi %parallel_loop3A_139, %parallel_loop3A_138 : i32
      %parallel_loop3A_141 = arith.index_cast %parallel_loop3A_140 : i32 to index
      %parallel_loop3A_142 = tpu.vector_load %arg6[%parallel_loop3A_141] {strides = array<i32>} : memref<32768xi16, #tpu.memory_space<vmem>>, vector<32xi16>,
      tpu.vector_store %arg6[%parallel_loop3A_141], %parallel_loop3A_134 {strides = array<i32>} : memref<32768xi16, #tpu.memory_space<vmem>>, vector<32xi16>,
    } {sc.loop_unroll_factor = 4 : i64, sc.parallel_access}
    "tpu.region"() ({
      %run_scoped3A = tpu.sem_alloc : memref<!tpu.dma_semaphore, #tpu.memory_space<semaphore_mem>>
      %dma_start3A = arith.constant 0 : i32
      %dma_start3A_83 = tpu.memref_slice %arg5[%dma_start3A] : memref<2056xi32, #tpu.memory_space<vmem>> -> memref<8xi32, #tpu.memory_space<vmem>>
      %dma_start3A_84 = arith.constant 20472 : i32
      %dma_start3A_85 = tpu.memref_slice %arg2[%dma_start3A_84] : memref<32768xi32, #tpu.memory_space<hbm>> -> memref<8xi32, #tpu.memory_space<hbm>>
      %dma_start3A_86 = arith.constant 0 : i32
      %dma_start3A_87 = tpu.memref_slice %arg5[%dma_start3A_86] : memref<2056xi32, #tpu.memory_space<vmem>> -> memref<8xi32, #tpu.memory_space<vmem>>
      %dma_start3A_88 = arith.constant 20472 : i32
      %dma_start3A_89 = tpu.memref_slice %arg2[%dma_start3A_88] : memref<32768xi32, #tpu.memory_space<hbm>> -> memref<8xi32, #tpu.memory_space<hbm>>
      tpu.enqueue_dma source(%dma_start3A_89 : memref<8xi32, #tpu.memory_space<hbm>>) target(%dma_start3A_87 : memref<8xi32, #tpu.memory_space<vmem>>) target_semaphore(%run_scoped3A : memref<!tpu.dma_semaphore, #tpu.memory_space<semaphore_mem>>)
      %dma_wait3A_90 = arith.constant 0 : i32
      %dma_wait3A_91 = tpu.memref_slice %arg5[%dma_wait3A_90] : memref<2056xi32, #tpu.memory_space<vmem>> -> memref<8xi32, #tpu.memory_space<vmem>>
      %dma_wait3A_92 = arith.constant 20472 : i32
      %dma_wait3A_93 = tpu.memref_slice %arg2[%dma_wait3A_92] : memref<32768xi32, #tpu.memory_space<hbm>> -> memref<8xi32, #tpu.memory_space<hbm>>
      %dma_wait3A_94 = arith.constant 0 : i32
      %dma_wait3A_95 = tpu.memref_slice %arg5[%dma_wait3A_94] : memref<2056xi32, #tpu.memory_space<vmem>> -> memref<8xi32, #tpu.memory_space<vmem>>
      %dma_wait3A_96 = arith.constant 20472 : i32
      %dma_wait3A_97 = tpu.memref_slice %arg2[%dma_wait3A_96] : memref<32768xi32, #tpu.memory_space<hbm>> -> memref<8xi32, #tpu.memory_space<hbm>>
      tpu.wait_dma2 semaphore(%run_scoped3A : memref<!tpu.dma_semaphore, #tpu.memory_space<semaphore_mem>>) src(%dma_wait3A_97 : memref<8xi32, #tpu.memory_space<hbm>>) dst(%dma_wait3A_95 : memref<8xi32, #tpu.memory_space<vmem>>)
      tpu.yield
    }) : () -> ()
    "tpu.region"() ({
      %run_scoped3A = tpu.sem_alloc : memref<!tpu.dma_semaphore, #tpu.memory_space<semaphore_mem>>
      %dma_start3A = arith.constant 8 : i32
      %dma_start3A_83 = tpu.memref_slice %arg5[%dma_start3A] : memref<2056xi32, #tpu.memory_space<vmem>> -> memref<2048xi32, #tpu.memory_space<vmem>>
      %dma_start3A_84 = arith.constant 20480 : i32
      %dma_start3A_85 = tpu.memref_slice %arg2[%dma_start3A_84] : memref<32768xi32, #tpu.memory_space<hbm>> -> memref<2048xi32, #tpu.memory_space<hbm>>
      %dma_start3A_86 = arith.constant 8 : i32
      %dma_start3A_87 = tpu.memref_slice %arg5[%dma_start3A_86] : memref<2056xi32, #tpu.memory_space<vmem>> -> memref<2048xi32, #tpu.memory_space<vmem>>
      %dma_start3A_88 = arith.constant 20480 : i32
      %dma_start3A_89 = tpu.memref_slice %arg2[%dma_start3A_88] : memref<32768xi32, #tpu.memory_space<hbm>> -> memref<2048xi32, #tpu.memory_space<hbm>>
      tpu.enqueue_dma source(%dma_start3A_89 : memref<2048xi32, #tpu.memory_space<hbm>>) target(%dma_start3A_87 : memref<2048xi32, #tpu.memory_space<vmem>>) target_semaphore(%run_scoped3A : memref<!tpu.dma_semaphore, #tpu.memory_space<semaphore_mem>>)
      %dma_wait3A_90 = arith.constant 8 : i32
      %dma_wait3A_91 = tpu.memref_slice %arg5[%dma_wait3A_90] : memref<2056xi32, #tpu.memory_space<vmem>> -> memref<2048xi32, #tpu.memory_space<vmem>>
      %dma_wait3A_92 = arith.constant 20480 : i32
      %dma_wait3A_93 = tpu.memref_slice %arg2[%dma_wait3A_92] : memref<32768xi32, #tpu.memory_space<hbm>> -> memref<2048xi32, #tpu.memory_space<hbm>>
      %dma_wait3A_94 = arith.constant 8 : i32
      %dma_wait3A_95 = tpu.memref_slice %arg5[%dma_wait3A_94] : memref<2056xi32, #tpu.memory_space<vmem>> -> memref<2048xi32, #tpu.memory_space<vmem>>
      %dma_wait3A_96 = arith.constant 20480 : i32
      %dma_wait3A_97 = tpu.memref_slice %arg2[%dma_wait3A_96] : memref<32768xi32, #tpu.memory_space<hbm>> -> memref<2048xi32, #tpu.memory_space<hbm>>
      tpu.wait_dma2 semaphore(%run_scoped3A : memref<!tpu.dma_semaphore, #tpu.memory_space<semaphore_mem>>) src(%dma_wait3A_97 : memref<2048xi32, #tpu.memory_space<hbm>>) dst(%dma_wait3A_95 : memref<2048xi32, #tpu.memory_space<vmem>>)
      tpu.yield
    }) : () -> ()
    %parallel_loop3A_40 = arith.constant 0 : i32
    %parallel_loop3A_41 = arith.constant 64 : i32
    %parallel_loop3A_42 = arith.constant 1 : i32
    scf.for %parallel_loop3A_83 = %parallel_loop3A_40 to %parallel_loop3A_41 step %parallel_loop3A_42  : i32 {
      %parallel_loop3A_84 = arith.constant 2 : i32
      %parallel_loop3A_85 = arith.muli %parallel_loop3A_83, %parallel_loop3A_84 : i32
      %parallel_loop3A_86 = arith.constant 16 : i32
      %parallel_loop3A_87 = arith.muli %parallel_loop3A_85, %parallel_loop3A_86 : i32
      %parallel_loop3A_88 = arith.constant 8 : i32
      %parallel_loop3A_89 = arith.addi %parallel_loop3A_88, %parallel_loop3A_87 : i32
      %parallel_loop3A_90 = arith.index_cast %parallel_loop3A_89 : i32 to index
      %parallel_loop3A_91 = tpu.vector_load %arg5[%parallel_loop3A_90] {strides = array<i32>} : memref<2056xi32, #tpu.memory_space<vmem>>, vector<16xi32>,
      %parallel_loop3A_92 = arith.constant 2 : i32
      %parallel_loop3A_93 = arith.muli %parallel_loop3A_83, %parallel_loop3A_92 : i32
      %parallel_loop3A_94 = arith.constant 16 : i32
      %parallel_loop3A_95 = arith.muli %parallel_loop3A_93, %parallel_loop3A_94 : i32
      %parallel_loop3A_96 = arith.constant 7 : i32
      %parallel_loop3A_97 = arith.addi %parallel_loop3A_96, %parallel_loop3A_95 : i32
      %parallel_loop3A_98 = arith.index_cast %parallel_loop3A_97 : i32 to index
      %parallel_loop3A_99 = tpu.vector_load %arg5[%parallel_loop3A_98] {strides = array<i32>} : memref<2056xi32, #tpu.memory_space<vmem>>, vector<16xi32>,
      %parallel_loop3A_100 = arith.constant 2 : i32
      %parallel_loop3A_101 = arith.muli %parallel_loop3A_83, %parallel_loop3A_100 : i32
      %parallel_loop3A_102 = arith.constant 16 : i32
      %parallel_loop3A_103 = arith.muli %parallel_loop3A_101, %parallel_loop3A_102 : i32
      %parallel_loop3A_104 = arith.constant 8 : i32
      %parallel_loop3A_105 = arith.addi %parallel_loop3A_104, %parallel_loop3A_103 : i32
      %parallel_loop3A_106 = arith.constant 16 : i32
      %parallel_loop3A_107 = arith.addi %parallel_loop3A_105, %parallel_loop3A_106 : i32
      %parallel_loop3A_108 = arith.index_cast %parallel_loop3A_107 : i32 to index
      %parallel_loop3A_109 = tpu.vector_load %arg5[%parallel_loop3A_108] {strides = array<i32>} : memref<2056xi32, #tpu.memory_space<vmem>>, vector<16xi32>,
      %parallel_loop3A_110 = arith.constant 2 : i32
      %parallel_loop3A_111 = arith.muli %parallel_loop3A_83, %parallel_loop3A_110 : i32
      %parallel_loop3A_112 = arith.constant 16 : i32
      %parallel_loop3A_113 = arith.muli %parallel_loop3A_111, %parallel_loop3A_112 : i32
      %parallel_loop3A_114 = arith.constant 7 : i32
      %parallel_loop3A_115 = arith.addi %parallel_loop3A_114, %parallel_loop3A_113 : i32
      %parallel_loop3A_116 = arith.constant 16 : i32
      %parallel_loop3A_117 = arith.addi %parallel_loop3A_115, %parallel_loop3A_116 : i32
      %parallel_loop3A_118 = arith.index_cast %parallel_loop3A_117 : i32 to index
      %parallel_loop3A_119 = tpu.vector_load %arg5[%parallel_loop3A_118] {strides = array<i32>} : memref<2056xi32, #tpu.memory_space<vmem>>, vector<16xi32>,
      %parallel_loop3A_120 = arith.constant 1000003 : i32
      %parallel_loop3A_121 = vector.broadcast %parallel_loop3A_120 : i32 to vector<16xi32>
      %parallel_loop3A_122 = arith.muli %parallel_loop3A_99, %parallel_loop3A_121 : vector<16xi32>
      %parallel_loop3A_123 = arith.addi %parallel_loop3A_122, %parallel_loop3A_91 : vector<16xi32>
      %parallel_loop3A_124 = arith.constant 65535 : i32
      %parallel_loop3A_125 = vector.broadcast %parallel_loop3A_124 : i32 to vector<16xi32>
      %parallel_loop3A_126 = arith.andi %parallel_loop3A_123, %parallel_loop3A_125 : vector<16xi32>
      %parallel_loop3A_127 = arith.constant 1000003 : i32
      %parallel_loop3A_128 = vector.broadcast %parallel_loop3A_127 : i32 to vector<16xi32>
      %parallel_loop3A_129 = arith.muli %parallel_loop3A_119, %parallel_loop3A_128 : vector<16xi32>
      %parallel_loop3A_130 = arith.addi %parallel_loop3A_129, %parallel_loop3A_109 : vector<16xi32>
      %parallel_loop3A_131 = arith.constant 65535 : i32
      %parallel_loop3A_132 = vector.broadcast %parallel_loop3A_131 : i32 to vector<16xi32>
      %parallel_loop3A_133 = arith.andi %parallel_loop3A_130, %parallel_loop3A_132 : vector<16xi32>
      %parallel_loop3A_134 = tpu.pack_subelements %parallel_loop3A_126, %parallel_loop3A_133 {pack_format = #tpu.pack_format<interleaved>, positions = array<i32: 0, 1>} : vector<16xi32>, vector<16xi32> -> vector<32xi16>
      %parallel_loop3A_135 = arith.constant 2 : i32
      %parallel_loop3A_136 = arith.muli %parallel_loop3A_83, %parallel_loop3A_135 : i32
      %parallel_loop3A_137 = arith.constant 16 : i32
      %parallel_loop3A_138 = arith.muli %parallel_loop3A_136, %parallel_loop3A_137 : i32
      %parallel_loop3A_139 = arith.constant 20480 : i32
      %parallel_loop3A_140 = arith.addi %parallel_loop3A_139, %parallel_loop3A_138 : i32
      %parallel_loop3A_141 = arith.index_cast %parallel_loop3A_140 : i32 to index
      %parallel_loop3A_142 = tpu.vector_load %arg6[%parallel_loop3A_141] {strides = array<i32>} : memref<32768xi16, #tpu.memory_space<vmem>>, vector<32xi16>,
      tpu.vector_store %arg6[%parallel_loop3A_141], %parallel_loop3A_134 {strides = array<i32>} : memref<32768xi16, #tpu.memory_space<vmem>>, vector<32xi16>,
    } {sc.loop_unroll_factor = 4 : i64, sc.parallel_access}
    "tpu.region"() ({
      %run_scoped3A = tpu.sem_alloc : memref<!tpu.dma_semaphore, #tpu.memory_space<semaphore_mem>>
      %dma_start3A = arith.constant 0 : i32
      %dma_start3A_83 = tpu.memref_slice %arg5[%dma_start3A] : memref<2056xi32, #tpu.memory_space<vmem>> -> memref<8xi32, #tpu.memory_space<vmem>>
      %dma_start3A_84 = arith.constant 22520 : i32
      %dma_start3A_85 = tpu.memref_slice %arg2[%dma_start3A_84] : memref<32768xi32, #tpu.memory_space<hbm>> -> memref<8xi32, #tpu.memory_space<hbm>>
      %dma_start3A_86 = arith.constant 0 : i32
      %dma_start3A_87 = tpu.memref_slice %arg5[%dma_start3A_86] : memref<2056xi32, #tpu.memory_space<vmem>> -> memref<8xi32, #tpu.memory_space<vmem>>
      %dma_start3A_88 = arith.constant 22520 : i32
      %dma_start3A_89 = tpu.memref_slice %arg2[%dma_start3A_88] : memref<32768xi32, #tpu.memory_space<hbm>> -> memref<8xi32, #tpu.memory_space<hbm>>
      tpu.enqueue_dma source(%dma_start3A_89 : memref<8xi32, #tpu.memory_space<hbm>>) target(%dma_start3A_87 : memref<8xi32, #tpu.memory_space<vmem>>) target_semaphore(%run_scoped3A : memref<!tpu.dma_semaphore, #tpu.memory_space<semaphore_mem>>)
      %dma_wait3A_90 = arith.constant 0 : i32
      %dma_wait3A_91 = tpu.memref_slice %arg5[%dma_wait3A_90] : memref<2056xi32, #tpu.memory_space<vmem>> -> memref<8xi32, #tpu.memory_space<vmem>>
      %dma_wait3A_92 = arith.constant 22520 : i32
      %dma_wait3A_93 = tpu.memref_slice %arg2[%dma_wait3A_92] : memref<32768xi32, #tpu.memory_space<hbm>> -> memref<8xi32, #tpu.memory_space<hbm>>
      %dma_wait3A_94 = arith.constant 0 : i32
      %dma_wait3A_95 = tpu.memref_slice %arg5[%dma_wait3A_94] : memref<2056xi32, #tpu.memory_space<vmem>> -> memref<8xi32, #tpu.memory_space<vmem>>
      %dma_wait3A_96 = arith.constant 22520 : i32
      %dma_wait3A_97 = tpu.memref_slice %arg2[%dma_wait3A_96] : memref<32768xi32, #tpu.memory_space<hbm>> -> memref<8xi32, #tpu.memory_space<hbm>>
      tpu.wait_dma2 semaphore(%run_scoped3A : memref<!tpu.dma_semaphore, #tpu.memory_space<semaphore_mem>>) src(%dma_wait3A_97 : memref<8xi32, #tpu.memory_space<hbm>>) dst(%dma_wait3A_95 : memref<8xi32, #tpu.memory_space<vmem>>)
      tpu.yield
    }) : () -> ()
    "tpu.region"() ({
      %run_scoped3A = tpu.sem_alloc : memref<!tpu.dma_semaphore, #tpu.memory_space<semaphore_mem>>
      %dma_start3A = arith.constant 8 : i32
      %dma_start3A_83 = tpu.memref_slice %arg5[%dma_start3A] : memref<2056xi32, #tpu.memory_space<vmem>> -> memref<2048xi32, #tpu.memory_space<vmem>>
      %dma_start3A_84 = arith.constant 22528 : i32
      %dma_start3A_85 = tpu.memref_slice %arg2[%dma_start3A_84] : memref<32768xi32, #tpu.memory_space<hbm>> -> memref<2048xi32, #tpu.memory_space<hbm>>
      %dma_start3A_86 = arith.constant 8 : i32
      %dma_start3A_87 = tpu.memref_slice %arg5[%dma_start3A_86] : memref<2056xi32, #tpu.memory_space<vmem>> -> memref<2048xi32, #tpu.memory_space<vmem>>
      %dma_start3A_88 = arith.constant 22528 : i32
      %dma_start3A_89 = tpu.memref_slice %arg2[%dma_start3A_88] : memref<32768xi32, #tpu.memory_space<hbm>> -> memref<2048xi32, #tpu.memory_space<hbm>>
      tpu.enqueue_dma source(%dma_start3A_89 : memref<2048xi32, #tpu.memory_space<hbm>>) target(%dma_start3A_87 : memref<2048xi32, #tpu.memory_space<vmem>>) target_semaphore(%run_scoped3A : memref<!tpu.dma_semaphore, #tpu.memory_space<semaphore_mem>>)
      %dma_wait3A_90 = arith.constant 8 : i32
      %dma_wait3A_91 = tpu.memref_slice %arg5[%dma_wait3A_90] : memref<2056xi32, #tpu.memory_space<vmem>> -> memref<2048xi32, #tpu.memory_space<vmem>>
      %dma_wait3A_92 = arith.constant 22528 : i32
      %dma_wait3A_93 = tpu.memref_slice %arg2[%dma_wait3A_92] : memref<32768xi32, #tpu.memory_space<hbm>> -> memref<2048xi32, #tpu.memory_space<hbm>>
      %dma_wait3A_94 = arith.constant 8 : i32
      %dma_wait3A_95 = tpu.memref_slice %arg5[%dma_wait3A_94] : memref<2056xi32, #tpu.memory_space<vmem>> -> memref<2048xi32, #tpu.memory_space<vmem>>
      %dma_wait3A_96 = arith.constant 22528 : i32
      %dma_wait3A_97 = tpu.memref_slice %arg2[%dma_wait3A_96] : memref<32768xi32, #tpu.memory_space<hbm>> -> memref<2048xi32, #tpu.memory_space<hbm>>
      tpu.wait_dma2 semaphore(%run_scoped3A : memref<!tpu.dma_semaphore, #tpu.memory_space<semaphore_mem>>) src(%dma_wait3A_97 : memref<2048xi32, #tpu.memory_space<hbm>>) dst(%dma_wait3A_95 : memref<2048xi32, #tpu.memory_space<vmem>>)
      tpu.yield
    }) : () -> ()
    %parallel_loop3A_43 = arith.constant 0 : i32
    %parallel_loop3A_44 = arith.constant 64 : i32
    %parallel_loop3A_45 = arith.constant 1 : i32
    scf.for %parallel_loop3A_83 = %parallel_loop3A_43 to %parallel_loop3A_44 step %parallel_loop3A_45  : i32 {
      %parallel_loop3A_84 = arith.constant 2 : i32
      %parallel_loop3A_85 = arith.muli %parallel_loop3A_83, %parallel_loop3A_84 : i32
      %parallel_loop3A_86 = arith.constant 16 : i32
      %parallel_loop3A_87 = arith.muli %parallel_loop3A_85, %parallel_loop3A_86 : i32
      %parallel_loop3A_88 = arith.constant 8 : i32
      %parallel_loop3A_89 = arith.addi %parallel_loop3A_88, %parallel_loop3A_87 : i32
      %parallel_loop3A_90 = arith.index_cast %parallel_loop3A_89 : i32 to index
      %parallel_loop3A_91 = tpu.vector_load %arg5[%parallel_loop3A_90] {strides = array<i32>} : memref<2056xi32, #tpu.memory_space<vmem>>, vector<16xi32>,
      %parallel_loop3A_92 = arith.constant 2 : i32
      %parallel_loop3A_93 = arith.muli %parallel_loop3A_83, %parallel_loop3A_92 : i32
      %parallel_loop3A_94 = arith.constant 16 : i32
      %parallel_loop3A_95 = arith.muli %parallel_loop3A_93, %parallel_loop3A_94 : i32
      %parallel_loop3A_96 = arith.constant 7 : i32
      %parallel_loop3A_97 = arith.addi %parallel_loop3A_96, %parallel_loop3A_95 : i32
      %parallel_loop3A_98 = arith.index_cast %parallel_loop3A_97 : i32 to index
      %parallel_loop3A_99 = tpu.vector_load %arg5[%parallel_loop3A_98] {strides = array<i32>} : memref<2056xi32, #tpu.memory_space<vmem>>, vector<16xi32>,
      %parallel_loop3A_100 = arith.constant 2 : i32
      %parallel_loop3A_101 = arith.muli %parallel_loop3A_83, %parallel_loop3A_100 : i32
      %parallel_loop3A_102 = arith.constant 16 : i32
      %parallel_loop3A_103 = arith.muli %parallel_loop3A_101, %parallel_loop3A_102 : i32
      %parallel_loop3A_104 = arith.constant 8 : i32
      %parallel_loop3A_105 = arith.addi %parallel_loop3A_104, %parallel_loop3A_103 : i32
      %parallel_loop3A_106 = arith.constant 16 : i32
      %parallel_loop3A_107 = arith.addi %parallel_loop3A_105, %parallel_loop3A_106 : i32
      %parallel_loop3A_108 = arith.index_cast %parallel_loop3A_107 : i32 to index
      %parallel_loop3A_109 = tpu.vector_load %arg5[%parallel_loop3A_108] {strides = array<i32>} : memref<2056xi32, #tpu.memory_space<vmem>>, vector<16xi32>,
      %parallel_loop3A_110 = arith.constant 2 : i32
      %parallel_loop3A_111 = arith.muli %parallel_loop3A_83, %parallel_loop3A_110 : i32
      %parallel_loop3A_112 = arith.constant 16 : i32
      %parallel_loop3A_113 = arith.muli %parallel_loop3A_111, %parallel_loop3A_112 : i32
      %parallel_loop3A_114 = arith.constant 7 : i32
      %parallel_loop3A_115 = arith.addi %parallel_loop3A_114, %parallel_loop3A_113 : i32
      %parallel_loop3A_116 = arith.constant 16 : i32
      %parallel_loop3A_117 = arith.addi %parallel_loop3A_115, %parallel_loop3A_116 : i32
      %parallel_loop3A_118 = arith.index_cast %parallel_loop3A_117 : i32 to index
      %parallel_loop3A_119 = tpu.vector_load %arg5[%parallel_loop3A_118] {strides = array<i32>} : memref<2056xi32, #tpu.memory_space<vmem>>, vector<16xi32>,
      %parallel_loop3A_120 = arith.constant 1000003 : i32
      %parallel_loop3A_121 = vector.broadcast %parallel_loop3A_120 : i32 to vector<16xi32>
      %parallel_loop3A_122 = arith.muli %parallel_loop3A_99, %parallel_loop3A_121 : vector<16xi32>
      %parallel_loop3A_123 = arith.addi %parallel_loop3A_122, %parallel_loop3A_91 : vector<16xi32>
      %parallel_loop3A_124 = arith.constant 65535 : i32
      %parallel_loop3A_125 = vector.broadcast %parallel_loop3A_124 : i32 to vector<16xi32>
      %parallel_loop3A_126 = arith.andi %parallel_loop3A_123, %parallel_loop3A_125 : vector<16xi32>
      %parallel_loop3A_127 = arith.constant 1000003 : i32
      %parallel_loop3A_128 = vector.broadcast %parallel_loop3A_127 : i32 to vector<16xi32>
      %parallel_loop3A_129 = arith.muli %parallel_loop3A_119, %parallel_loop3A_128 : vector<16xi32>
      %parallel_loop3A_130 = arith.addi %parallel_loop3A_129, %parallel_loop3A_109 : vector<16xi32>
      %parallel_loop3A_131 = arith.constant 65535 : i32
      %parallel_loop3A_132 = vector.broadcast %parallel_loop3A_131 : i32 to vector<16xi32>
      %parallel_loop3A_133 = arith.andi %parallel_loop3A_130, %parallel_loop3A_132 : vector<16xi32>
      %parallel_loop3A_134 = tpu.pack_subelements %parallel_loop3A_126, %parallel_loop3A_133 {pack_format = #tpu.pack_format<interleaved>, positions = array<i32: 0, 1>} : vector<16xi32>, vector<16xi32> -> vector<32xi16>
      %parallel_loop3A_135 = arith.constant 2 : i32
      %parallel_loop3A_136 = arith.muli %parallel_loop3A_83, %parallel_loop3A_135 : i32
      %parallel_loop3A_137 = arith.constant 16 : i32
      %parallel_loop3A_138 = arith.muli %parallel_loop3A_136, %parallel_loop3A_137 : i32
      %parallel_loop3A_139 = arith.constant 22528 : i32
      %parallel_loop3A_140 = arith.addi %parallel_loop3A_139, %parallel_loop3A_138 : i32
      %parallel_loop3A_141 = arith.index_cast %parallel_loop3A_140 : i32 to index
      %parallel_loop3A_142 = tpu.vector_load %arg6[%parallel_loop3A_141] {strides = array<i32>} : memref<32768xi16, #tpu.memory_space<vmem>>, vector<32xi16>,
      tpu.vector_store %arg6[%parallel_loop3A_141], %parallel_loop3A_134 {strides = array<i32>} : memref<32768xi16, #tpu.memory_space<vmem>>, vector<32xi16>,
    } {sc.loop_unroll_factor = 4 : i64, sc.parallel_access}
    %broadcast_in_dim3A_46 = arith.constant 0 : i32
    %broadcast_in_dim3A_47 = vector.broadcast %broadcast_in_dim3A_46 : i32 to vector<16xi32>
    %swap3A_48 = arith.constant 0 : index
    %swap3A_49 = tpu.vector_load %arg5[%swap3A_48] {strides = array<i32>} : memref<2056xi32, #tpu.memory_space<vmem>>, vector<16xi32>,
    tpu.vector_store %arg5[%swap3A_48], %broadcast_in_dim3A_47 {strides = array<i32>} : memref<2056xi32, #tpu.memory_space<vmem>>, vector<16xi32>,
    "tpu.region"() ({
      %run_scoped3A = tpu.sem_alloc : memref<!tpu.dma_semaphore, #tpu.memory_space<semaphore_mem>>
      %dma_start3A = arith.constant 8 : i32
      %dma_start3A_83 = tpu.memref_slice %arg5[%dma_start3A] : memref<2056xi32, #tpu.memory_space<vmem>> -> memref<2048xi32, #tpu.memory_space<vmem>>
      %dma_start3A_84 = arith.constant 24576 : i32
      %dma_start3A_85 = tpu.memref_slice %arg2[%dma_start3A_84] : memref<32768xi32, #tpu.memory_space<hbm>> -> memref<2048xi32, #tpu.memory_space<hbm>>
      %dma_start3A_86 = arith.constant 8 : i32
      %dma_start3A_87 = tpu.memref_slice %arg5[%dma_start3A_86] : memref<2056xi32, #tpu.memory_space<vmem>> -> memref<2048xi32, #tpu.memory_space<vmem>>
      %dma_start3A_88 = arith.constant 24576 : i32
      %dma_start3A_89 = tpu.memref_slice %arg2[%dma_start3A_88] : memref<32768xi32, #tpu.memory_space<hbm>> -> memref<2048xi32, #tpu.memory_space<hbm>>
      tpu.enqueue_dma source(%dma_start3A_89 : memref<2048xi32, #tpu.memory_space<hbm>>) target(%dma_start3A_87 : memref<2048xi32, #tpu.memory_space<vmem>>) target_semaphore(%run_scoped3A : memref<!tpu.dma_semaphore, #tpu.memory_space<semaphore_mem>>)
      %dma_wait3A_90 = arith.constant 8 : i32
      %dma_wait3A_91 = tpu.memref_slice %arg5[%dma_wait3A_90] : memref<2056xi32, #tpu.memory_space<vmem>> -> memref<2048xi32, #tpu.memory_space<vmem>>
      %dma_wait3A_92 = arith.constant 24576 : i32
      %dma_wait3A_93 = tpu.memref_slice %arg2[%dma_wait3A_92] : memref<32768xi32, #tpu.memory_space<hbm>> -> memref<2048xi32, #tpu.memory_space<hbm>>
      %dma_wait3A_94 = arith.constant 8 : i32
      %dma_wait3A_95 = tpu.memref_slice %arg5[%dma_wait3A_94] : memref<2056xi32, #tpu.memory_space<vmem>> -> memref<2048xi32, #tpu.memory_space<vmem>>
      %dma_wait3A_96 = arith.constant 24576 : i32
      %dma_wait3A_97 = tpu.memref_slice %arg2[%dma_wait3A_96] : memref<32768xi32, #tpu.memory_space<hbm>> -> memref<2048xi32, #tpu.memory_space<hbm>>
      tpu.wait_dma2 semaphore(%run_scoped3A : memref<!tpu.dma_semaphore, #tpu.memory_space<semaphore_mem>>) src(%dma_wait3A_97 : memref<2048xi32, #tpu.memory_space<hbm>>) dst(%dma_wait3A_95 : memref<2048xi32, #tpu.memory_space<vmem>>)
      tpu.yield
    }) : () -> ()
    %parallel_loop3A_50 = arith.constant 0 : i32
    %parallel_loop3A_51 = arith.constant 64 : i32
    %parallel_loop3A_52 = arith.constant 1 : i32
    scf.for %parallel_loop3A_83 = %parallel_loop3A_50 to %parallel_loop3A_51 step %parallel_loop3A_52  : i32 {
      %parallel_loop3A_84 = arith.constant 2 : i32
      %parallel_loop3A_85 = arith.muli %parallel_loop3A_83, %parallel_loop3A_84 : i32
      %parallel_loop3A_86 = arith.constant 16 : i32
      %parallel_loop3A_87 = arith.muli %parallel_loop3A_85, %parallel_loop3A_86 : i32
      %parallel_loop3A_88 = arith.constant 8 : i32
      %parallel_loop3A_89 = arith.addi %parallel_loop3A_88, %parallel_loop3A_87 : i32
      %parallel_loop3A_90 = arith.index_cast %parallel_loop3A_89 : i32 to index
      %parallel_loop3A_91 = tpu.vector_load %arg5[%parallel_loop3A_90] {strides = array<i32>} : memref<2056xi32, #tpu.memory_space<vmem>>, vector<16xi32>,
      %parallel_loop3A_92 = arith.constant 2 : i32
      %parallel_loop3A_93 = arith.muli %parallel_loop3A_83, %parallel_loop3A_92 : i32
      %parallel_loop3A_94 = arith.constant 16 : i32
      %parallel_loop3A_95 = arith.muli %parallel_loop3A_93, %parallel_loop3A_94 : i32
      %parallel_loop3A_96 = arith.constant 7 : i32
      %parallel_loop3A_97 = arith.addi %parallel_loop3A_96, %parallel_loop3A_95 : i32
      %parallel_loop3A_98 = arith.index_cast %parallel_loop3A_97 : i32 to index
      %parallel_loop3A_99 = tpu.vector_load %arg5[%parallel_loop3A_98] {strides = array<i32>} : memref<2056xi32, #tpu.memory_space<vmem>>, vector<16xi32>,
      %parallel_loop3A_100 = arith.constant 2 : i32
      %parallel_loop3A_101 = arith.muli %parallel_loop3A_83, %parallel_loop3A_100 : i32
      %parallel_loop3A_102 = arith.constant 16 : i32
      %parallel_loop3A_103 = arith.muli %parallel_loop3A_101, %parallel_loop3A_102 : i32
      %parallel_loop3A_104 = arith.constant 8 : i32
      %parallel_loop3A_105 = arith.addi %parallel_loop3A_104, %parallel_loop3A_103 : i32
      %parallel_loop3A_106 = arith.constant 16 : i32
      %parallel_loop3A_107 = arith.addi %parallel_loop3A_105, %parallel_loop3A_106 : i32
      %parallel_loop3A_108 = arith.index_cast %parallel_loop3A_107 : i32 to index
      %parallel_loop3A_109 = tpu.vector_load %arg5[%parallel_loop3A_108] {strides = array<i32>} : memref<2056xi32, #tpu.memory_space<vmem>>, vector<16xi32>,
      %parallel_loop3A_110 = arith.constant 2 : i32
      %parallel_loop3A_111 = arith.muli %parallel_loop3A_83, %parallel_loop3A_110 : i32
      %parallel_loop3A_112 = arith.constant 16 : i32
      %parallel_loop3A_113 = arith.muli %parallel_loop3A_111, %parallel_loop3A_112 : i32
      %parallel_loop3A_114 = arith.constant 7 : i32
      %parallel_loop3A_115 = arith.addi %parallel_loop3A_114, %parallel_loop3A_113 : i32
      %parallel_loop3A_116 = arith.constant 16 : i32
      %parallel_loop3A_117 = arith.addi %parallel_loop3A_115, %parallel_loop3A_116 : i32
      %parallel_loop3A_118 = arith.index_cast %parallel_loop3A_117 : i32 to index
      %parallel_loop3A_119 = tpu.vector_load %arg5[%parallel_loop3A_118] {strides = array<i32>} : memref<2056xi32, #tpu.memory_space<vmem>>, vector<16xi32>,
      %parallel_loop3A_120 = arith.constant 1000003 : i32
      %parallel_loop3A_121 = vector.broadcast %parallel_loop3A_120 : i32 to vector<16xi32>
      %parallel_loop3A_122 = arith.muli %parallel_loop3A_99, %parallel_loop3A_121 : vector<16xi32>
      %parallel_loop3A_123 = arith.addi %parallel_loop3A_122, %parallel_loop3A_91 : vector<16xi32>
      %parallel_loop3A_124 = arith.constant 65535 : i32
      %parallel_loop3A_125 = vector.broadcast %parallel_loop3A_124 : i32 to vector<16xi32>
      %parallel_loop3A_126 = arith.andi %parallel_loop3A_123, %parallel_loop3A_125 : vector<16xi32>
      %parallel_loop3A_127 = arith.constant 1000003 : i32
      %parallel_loop3A_128 = vector.broadcast %parallel_loop3A_127 : i32 to vector<16xi32>
      %parallel_loop3A_129 = arith.muli %parallel_loop3A_119, %parallel_loop3A_128 : vector<16xi32>
      %parallel_loop3A_130 = arith.addi %parallel_loop3A_129, %parallel_loop3A_109 : vector<16xi32>
      %parallel_loop3A_131 = arith.constant 65535 : i32
      %parallel_loop3A_132 = vector.broadcast %parallel_loop3A_131 : i32 to vector<16xi32>
      %parallel_loop3A_133 = arith.andi %parallel_loop3A_130, %parallel_loop3A_132 : vector<16xi32>
      %parallel_loop3A_134 = tpu.pack_subelements %parallel_loop3A_126, %parallel_loop3A_133 {pack_format = #tpu.pack_format<interleaved>, positions = array<i32: 0, 1>} : vector<16xi32>, vector<16xi32> -> vector<32xi16>
      %parallel_loop3A_135 = arith.constant 2 : i32
      %parallel_loop3A_136 = arith.muli %parallel_loop3A_83, %parallel_loop3A_135 : i32
      %parallel_loop3A_137 = arith.constant 16 : i32
      %parallel_loop3A_138 = arith.muli %parallel_loop3A_136, %parallel_loop3A_137 : i32
      %parallel_loop3A_139 = arith.constant 24576 : i32
      %parallel_loop3A_140 = arith.addi %parallel_loop3A_139, %parallel_loop3A_138 : i32
      %parallel_loop3A_141 = arith.index_cast %parallel_loop3A_140 : i32 to index
      %parallel_loop3A_142 = tpu.vector_load %arg6[%parallel_loop3A_141] {strides = array<i32>} : memref<32768xi16, #tpu.memory_space<vmem>>, vector<32xi16>,
      tpu.vector_store %arg6[%parallel_loop3A_141], %parallel_loop3A_134 {strides = array<i32>} : memref<32768xi16, #tpu.memory_space<vmem>>, vector<32xi16>,
    } {sc.loop_unroll_factor = 4 : i64, sc.parallel_access}
    "tpu.region"() ({
      %run_scoped3A = tpu.sem_alloc : memref<!tpu.dma_semaphore, #tpu.memory_space<semaphore_mem>>
      %dma_start3A = arith.constant 0 : i32
      %dma_start3A_83 = tpu.memref_slice %arg5[%dma_start3A] : memref<2056xi32, #tpu.memory_space<vmem>> -> memref<8xi32, #tpu.memory_space<vmem>>
      %dma_start3A_84 = arith.constant 26616 : i32
      %dma_start3A_85 = tpu.memref_slice %arg2[%dma_start3A_84] : memref<32768xi32, #tpu.memory_space<hbm>> -> memref<8xi32, #tpu.memory_space<hbm>>
      %dma_start3A_86 = arith.constant 0 : i32
      %dma_start3A_87 = tpu.memref_slice %arg5[%dma_start3A_86] : memref<2056xi32, #tpu.memory_space<vmem>> -> memref<8xi32, #tpu.memory_space<vmem>>
      %dma_start3A_88 = arith.constant 26616 : i32
      %dma_start3A_89 = tpu.memref_slice %arg2[%dma_start3A_88] : memref<32768xi32, #tpu.memory_space<hbm>> -> memref<8xi32, #tpu.memory_space<hbm>>
      tpu.enqueue_dma source(%dma_start3A_89 : memref<8xi32, #tpu.memory_space<hbm>>) target(%dma_start3A_87 : memref<8xi32, #tpu.memory_space<vmem>>) target_semaphore(%run_scoped3A : memref<!tpu.dma_semaphore, #tpu.memory_space<semaphore_mem>>)
      %dma_wait3A_90 = arith.constant 0 : i32
      %dma_wait3A_91 = tpu.memref_slice %arg5[%dma_wait3A_90] : memref<2056xi32, #tpu.memory_space<vmem>> -> memref<8xi32, #tpu.memory_space<vmem>>
      %dma_wait3A_92 = arith.constant 26616 : i32
      %dma_wait3A_93 = tpu.memref_slice %arg2[%dma_wait3A_92] : memref<32768xi32, #tpu.memory_space<hbm>> -> memref<8xi32, #tpu.memory_space<hbm>>
      %dma_wait3A_94 = arith.constant 0 : i32
      %dma_wait3A_95 = tpu.memref_slice %arg5[%dma_wait3A_94] : memref<2056xi32, #tpu.memory_space<vmem>> -> memref<8xi32, #tpu.memory_space<vmem>>
      %dma_wait3A_96 = arith.constant 26616 : i32
      %dma_wait3A_97 = tpu.memref_slice %arg2[%dma_wait3A_96] : memref<32768xi32, #tpu.memory_space<hbm>> -> memref<8xi32, #tpu.memory_space<hbm>>
      tpu.wait_dma2 semaphore(%run_scoped3A : memref<!tpu.dma_semaphore, #tpu.memory_space<semaphore_mem>>) src(%dma_wait3A_97 : memref<8xi32, #tpu.memory_space<hbm>>) dst(%dma_wait3A_95 : memref<8xi32, #tpu.memory_space<vmem>>)
      tpu.yield
    }) : () -> ()
    "tpu.region"() ({
      %run_scoped3A = tpu.sem_alloc : memref<!tpu.dma_semaphore, #tpu.memory_space<semaphore_mem>>
      %dma_start3A = arith.constant 8 : i32
      %dma_start3A_83 = tpu.memref_slice %arg5[%dma_start3A] : memref<2056xi32, #tpu.memory_space<vmem>> -> memref<2048xi32, #tpu.memory_space<vmem>>
      %dma_start3A_84 = arith.constant 26624 : i32
      %dma_start3A_85 = tpu.memref_slice %arg2[%dma_start3A_84] : memref<32768xi32, #tpu.memory_space<hbm>> -> memref<2048xi32, #tpu.memory_space<hbm>>
      %dma_start3A_86 = arith.constant 8 : i32
      %dma_start3A_87 = tpu.memref_slice %arg5[%dma_start3A_86] : memref<2056xi32, #tpu.memory_space<vmem>> -> memref<2048xi32, #tpu.memory_space<vmem>>
      %dma_start3A_88 = arith.constant 26624 : i32
      %dma_start3A_89 = tpu.memref_slice %arg2[%dma_start3A_88] : memref<32768xi32, #tpu.memory_space<hbm>> -> memref<2048xi32, #tpu.memory_space<hbm>>
      tpu.enqueue_dma source(%dma_start3A_89 : memref<2048xi32, #tpu.memory_space<hbm>>) target(%dma_start3A_87 : memref<2048xi32, #tpu.memory_space<vmem>>) target_semaphore(%run_scoped3A : memref<!tpu.dma_semaphore, #tpu.memory_space<semaphore_mem>>)
      %dma_wait3A_90 = arith.constant 8 : i32
      %dma_wait3A_91 = tpu.memref_slice %arg5[%dma_wait3A_90] : memref<2056xi32, #tpu.memory_space<vmem>> -> memref<2048xi32, #tpu.memory_space<vmem>>
      %dma_wait3A_92 = arith.constant 26624 : i32
      %dma_wait3A_93 = tpu.memref_slice %arg2[%dma_wait3A_92] : memref<32768xi32, #tpu.memory_space<hbm>> -> memref<2048xi32, #tpu.memory_space<hbm>>
      %dma_wait3A_94 = arith.constant 8 : i32
      %dma_wait3A_95 = tpu.memref_slice %arg5[%dma_wait3A_94] : memref<2056xi32, #tpu.memory_space<vmem>> -> memref<2048xi32, #tpu.memory_space<vmem>>
      %dma_wait3A_96 = arith.constant 26624 : i32
      %dma_wait3A_97 = tpu.memref_slice %arg2[%dma_wait3A_96] : memref<32768xi32, #tpu.memory_space<hbm>> -> memref<2048xi32, #tpu.memory_space<hbm>>
      tpu.wait_dma2 semaphore(%run_scoped3A : memref<!tpu.dma_semaphore, #tpu.memory_space<semaphore_mem>>) src(%dma_wait3A_97 : memref<2048xi32, #tpu.memory_space<hbm>>) dst(%dma_wait3A_95 : memref<2048xi32, #tpu.memory_space<vmem>>)
      tpu.yield
    }) : () -> ()
    %parallel_loop3A_53 = arith.constant 0 : i32
    %parallel_loop3A_54 = arith.constant 64 : i32
    %parallel_loop3A_55 = arith.constant 1 : i32
    scf.for %parallel_loop3A_83 = %parallel_loop3A_53 to %parallel_loop3A_54 step %parallel_loop3A_55  : i32 {
      %parallel_loop3A_84 = arith.constant 2 : i32
      %parallel_loop3A_85 = arith.muli %parallel_loop3A_83, %parallel_loop3A_84 : i32
      %parallel_loop3A_86 = arith.constant 16 : i32
      %parallel_loop3A_87 = arith.muli %parallel_loop3A_85, %parallel_loop3A_86 : i32
      %parallel_loop3A_88 = arith.constant 8 : i32
      %parallel_loop3A_89 = arith.addi %parallel_loop3A_88, %parallel_loop3A_87 : i32
      %parallel_loop3A_90 = arith.index_cast %parallel_loop3A_89 : i32 to index
      %parallel_loop3A_91 = tpu.vector_load %arg5[%parallel_loop3A_90] {strides = array<i32>} : memref<2056xi32, #tpu.memory_space<vmem>>, vector<16xi32>,
      %parallel_loop3A_92 = arith.constant 2 : i32
      %parallel_loop3A_93 = arith.muli %parallel_loop3A_83, %parallel_loop3A_92 : i32
      %parallel_loop3A_94 = arith.constant 16 : i32
      %parallel_loop3A_95 = arith.muli %parallel_loop3A_93, %parallel_loop3A_94 : i32
      %parallel_loop3A_96 = arith.constant 7 : i32
      %parallel_loop3A_97 = arith.addi %parallel_loop3A_96, %parallel_loop3A_95 : i32
      %parallel_loop3A_98 = arith.index_cast %parallel_loop3A_97 : i32 to index
      %parallel_loop3A_99 = tpu.vector_load %arg5[%parallel_loop3A_98] {strides = array<i32>} : memref<2056xi32, #tpu.memory_space<vmem>>, vector<16xi32>,
      %parallel_loop3A_100 = arith.constant 2 : i32
      %parallel_loop3A_101 = arith.muli %parallel_loop3A_83, %parallel_loop3A_100 : i32
      %parallel_loop3A_102 = arith.constant 16 : i32
      %parallel_loop3A_103 = arith.muli %parallel_loop3A_101, %parallel_loop3A_102 : i32
      %parallel_loop3A_104 = arith.constant 8 : i32
      %parallel_loop3A_105 = arith.addi %parallel_loop3A_104, %parallel_loop3A_103 : i32
      %parallel_loop3A_106 = arith.constant 16 : i32
      %parallel_loop3A_107 = arith.addi %parallel_loop3A_105, %parallel_loop3A_106 : i32
      %parallel_loop3A_108 = arith.index_cast %parallel_loop3A_107 : i32 to index
      %parallel_loop3A_109 = tpu.vector_load %arg5[%parallel_loop3A_108] {strides = array<i32>} : memref<2056xi32, #tpu.memory_space<vmem>>, vector<16xi32>,
      %parallel_loop3A_110 = arith.constant 2 : i32
      %parallel_loop3A_111 = arith.muli %parallel_loop3A_83, %parallel_loop3A_110 : i32
      %parallel_loop3A_112 = arith.constant 16 : i32
      %parallel_loop3A_113 = arith.muli %parallel_loop3A_111, %parallel_loop3A_112 : i32
      %parallel_loop3A_114 = arith.constant 7 : i32
      %parallel_loop3A_115 = arith.addi %parallel_loop3A_114, %parallel_loop3A_113 : i32
      %parallel_loop3A_116 = arith.constant 16 : i32
      %parallel_loop3A_117 = arith.addi %parallel_loop3A_115, %parallel_loop3A_116 : i32
      %parallel_loop3A_118 = arith.index_cast %parallel_loop3A_117 : i32 to index
      %parallel_loop3A_119 = tpu.vector_load %arg5[%parallel_loop3A_118] {strides = array<i32>} : memref<2056xi32, #tpu.memory_space<vmem>>, vector<16xi32>,
      %parallel_loop3A_120 = arith.constant 1000003 : i32
      %parallel_loop3A_121 = vector.broadcast %parallel_loop3A_120 : i32 to vector<16xi32>
      %parallel_loop3A_122 = arith.muli %parallel_loop3A_99, %parallel_loop3A_121 : vector<16xi32>
      %parallel_loop3A_123 = arith.addi %parallel_loop3A_122, %parallel_loop3A_91 : vector<16xi32>
      %parallel_loop3A_124 = arith.constant 65535 : i32
      %parallel_loop3A_125 = vector.broadcast %parallel_loop3A_124 : i32 to vector<16xi32>
      %parallel_loop3A_126 = arith.andi %parallel_loop3A_123, %parallel_loop3A_125 : vector<16xi32>
      %parallel_loop3A_127 = arith.constant 1000003 : i32
      %parallel_loop3A_128 = vector.broadcast %parallel_loop3A_127 : i32 to vector<16xi32>
      %parallel_loop3A_129 = arith.muli %parallel_loop3A_119, %parallel_loop3A_128 : vector<16xi32>
      %parallel_loop3A_130 = arith.addi %parallel_loop3A_129, %parallel_loop3A_109 : vector<16xi32>
      %parallel_loop3A_131 = arith.constant 65535 : i32
      %parallel_loop3A_132 = vector.broadcast %parallel_loop3A_131 : i32 to vector<16xi32>
      %parallel_loop3A_133 = arith.andi %parallel_loop3A_130, %parallel_loop3A_132 : vector<16xi32>
      %parallel_loop3A_134 = tpu.pack_subelements %parallel_loop3A_126, %parallel_loop3A_133 {pack_format = #tpu.pack_format<interleaved>, positions = array<i32: 0, 1>} : vector<16xi32>, vector<16xi32> -> vector<32xi16>
      %parallel_loop3A_135 = arith.constant 2 : i32
      %parallel_loop3A_136 = arith.muli %parallel_loop3A_83, %parallel_loop3A_135 : i32
      %parallel_loop3A_137 = arith.constant 16 : i32
      %parallel_loop3A_138 = arith.muli %parallel_loop3A_136, %parallel_loop3A_137 : i32
      %parallel_loop3A_139 = arith.constant 26624 : i32
      %parallel_loop3A_140 = arith.addi %parallel_loop3A_139, %parallel_loop3A_138 : i32
      %parallel_loop3A_141 = arith.index_cast %parallel_loop3A_140 : i32 to index
      %parallel_loop3A_142 = tpu.vector_load %arg6[%parallel_loop3A_141] {strides = array<i32>} : memref<32768xi16, #tpu.memory_space<vmem>>, vector<32xi16>,
      tpu.vector_store %arg6[%parallel_loop3A_141], %parallel_loop3A_134 {strides = array<i32>} : memref<32768xi16, #tpu.memory_space<vmem>>, vector<32xi16>,
    } {sc.loop_unroll_factor = 4 : i64, sc.parallel_access}
    "tpu.region"() ({
      %run_scoped3A = tpu.sem_alloc : memref<!tpu.dma_semaphore, #tpu.memory_space<semaphore_mem>>
      %dma_start3A = arith.constant 0 : i32
      %dma_start3A_83 = tpu.memref_slice %arg5[%dma_start3A] : memref<2056xi32, #tpu.memory_space<vmem>> -> memref<8xi32, #tpu.memory_space<vmem>>
      %dma_start3A_84 = arith.constant 28664 : i32
      %dma_start3A_85 = tpu.memref_slice %arg2[%dma_start3A_84] : memref<32768xi32, #tpu.memory_space<hbm>> -> memref<8xi32, #tpu.memory_space<hbm>>
      %dma_start3A_86 = arith.constant 0 : i32
      %dma_start3A_87 = tpu.memref_slice %arg5[%dma_start3A_86] : memref<2056xi32, #tpu.memory_space<vmem>> -> memref<8xi32, #tpu.memory_space<vmem>>
      %dma_start3A_88 = arith.constant 28664 : i32
      %dma_start3A_89 = tpu.memref_slice %arg2[%dma_start3A_88] : memref<32768xi32, #tpu.memory_space<hbm>> -> memref<8xi32, #tpu.memory_space<hbm>>
      tpu.enqueue_dma source(%dma_start3A_89 : memref<8xi32, #tpu.memory_space<hbm>>) target(%dma_start3A_87 : memref<8xi32, #tpu.memory_space<vmem>>) target_semaphore(%run_scoped3A : memref<!tpu.dma_semaphore, #tpu.memory_space<semaphore_mem>>)
      %dma_wait3A_90 = arith.constant 0 : i32
      %dma_wait3A_91 = tpu.memref_slice %arg5[%dma_wait3A_90] : memref<2056xi32, #tpu.memory_space<vmem>> -> memref<8xi32, #tpu.memory_space<vmem>>
      %dma_wait3A_92 = arith.constant 28664 : i32
      %dma_wait3A_93 = tpu.memref_slice %arg2[%dma_wait3A_92] : memref<32768xi32, #tpu.memory_space<hbm>> -> memref<8xi32, #tpu.memory_space<hbm>>
      %dma_wait3A_94 = arith.constant 0 : i32
      %dma_wait3A_95 = tpu.memref_slice %arg5[%dma_wait3A_94] : memref<2056xi32, #tpu.memory_space<vmem>> -> memref<8xi32, #tpu.memory_space<vmem>>
      %dma_wait3A_96 = arith.constant 28664 : i32
      %dma_wait3A_97 = tpu.memref_slice %arg2[%dma_wait3A_96] : memref<32768xi32, #tpu.memory_space<hbm>> -> memref<8xi32, #tpu.memory_space<hbm>>
      tpu.wait_dma2 semaphore(%run_scoped3A : memref<!tpu.dma_semaphore, #tpu.memory_space<semaphore_mem>>) src(%dma_wait3A_97 : memref<8xi32, #tpu.memory_space<hbm>>) dst(%dma_wait3A_95 : memref<8xi32, #tpu.memory_space<vmem>>)
      tpu.yield
    }) : () -> ()
    "tpu.region"() ({
      %run_scoped3A = tpu.sem_alloc : memref<!tpu.dma_semaphore, #tpu.memory_space<semaphore_mem>>
      %dma_start3A = arith.constant 8 : i32
      %dma_start3A_83 = tpu.memref_slice %arg5[%dma_start3A] : memref<2056xi32, #tpu.memory_space<vmem>> -> memref<2048xi32, #tpu.memory_space<vmem>>
      %dma_start3A_84 = arith.constant 28672 : i32
      %dma_start3A_85 = tpu.memref_slice %arg2[%dma_start3A_84] : memref<32768xi32, #tpu.memory_space<hbm>> -> memref<2048xi32, #tpu.memory_space<hbm>>
      %dma_start3A_86 = arith.constant 8 : i32
      %dma_start3A_87 = tpu.memref_slice %arg5[%dma_start3A_86] : memref<2056xi32, #tpu.memory_space<vmem>> -> memref<2048xi32, #tpu.memory_space<vmem>>
      %dma_start3A_88 = arith.constant 28672 : i32
      %dma_start3A_89 = tpu.memref_slice %arg2[%dma_start3A_88] : memref<32768xi32, #tpu.memory_space<hbm>> -> memref<2048xi32, #tpu.memory_space<hbm>>
      tpu.enqueue_dma source(%dma_start3A_89 : memref<2048xi32, #tpu.memory_space<hbm>>) target(%dma_start3A_87 : memref<2048xi32, #tpu.memory_space<vmem>>) target_semaphore(%run_scoped3A : memref<!tpu.dma_semaphore, #tpu.memory_space<semaphore_mem>>)
      %dma_wait3A_90 = arith.constant 8 : i32
      %dma_wait3A_91 = tpu.memref_slice %arg5[%dma_wait3A_90] : memref<2056xi32, #tpu.memory_space<vmem>> -> memref<2048xi32, #tpu.memory_space<vmem>>
      %dma_wait3A_92 = arith.constant 28672 : i32
      %dma_wait3A_93 = tpu.memref_slice %arg2[%dma_wait3A_92] : memref<32768xi32, #tpu.memory_space<hbm>> -> memref<2048xi32, #tpu.memory_space<hbm>>
      %dma_wait3A_94 = arith.constant 8 : i32
      %dma_wait3A_95 = tpu.memref_slice %arg5[%dma_wait3A_94] : memref<2056xi32, #tpu.memory_space<vmem>> -> memref<2048xi32, #tpu.memory_space<vmem>>
      %dma_wait3A_96 = arith.constant 28672 : i32
      %dma_wait3A_97 = tpu.memref_slice %arg2[%dma_wait3A_96] : memref<32768xi32, #tpu.memory_space<hbm>> -> memref<2048xi32, #tpu.memory_space<hbm>>
      tpu.wait_dma2 semaphore(%run_scoped3A : memref<!tpu.dma_semaphore, #tpu.memory_space<semaphore_mem>>) src(%dma_wait3A_97 : memref<2048xi32, #tpu.memory_space<hbm>>) dst(%dma_wait3A_95 : memref<2048xi32, #tpu.memory_space<vmem>>)
      tpu.yield
    }) : () -> ()
    %parallel_loop3A_56 = arith.constant 0 : i32
    %parallel_loop3A_57 = arith.constant 64 : i32
    %parallel_loop3A_58 = arith.constant 1 : i32
    scf.for %parallel_loop3A_83 = %parallel_loop3A_56 to %parallel_loop3A_57 step %parallel_loop3A_58  : i32 {
      %parallel_loop3A_84 = arith.constant 2 : i32
      %parallel_loop3A_85 = arith.muli %parallel_loop3A_83, %parallel_loop3A_84 : i32
      %parallel_loop3A_86 = arith.constant 16 : i32
      %parallel_loop3A_87 = arith.muli %parallel_loop3A_85, %parallel_loop3A_86 : i32
      %parallel_loop3A_88 = arith.constant 8 : i32
      %parallel_loop3A_89 = arith.addi %parallel_loop3A_88, %parallel_loop3A_87 : i32
      %parallel_loop3A_90 = arith.index_cast %parallel_loop3A_89 : i32 to index
      %parallel_loop3A_91 = tpu.vector_load %arg5[%parallel_loop3A_90] {strides = array<i32>} : memref<2056xi32, #tpu.memory_space<vmem>>, vector<16xi32>,
      %parallel_loop3A_92 = arith.constant 2 : i32
      %parallel_loop3A_93 = arith.muli %parallel_loop3A_83, %parallel_loop3A_92 : i32
      %parallel_loop3A_94 = arith.constant 16 : i32
      %parallel_loop3A_95 = arith.muli %parallel_loop3A_93, %parallel_loop3A_94 : i32
      %parallel_loop3A_96 = arith.constant 7 : i32
      %parallel_loop3A_97 = arith.addi %parallel_loop3A_96, %parallel_loop3A_95 : i32
      %parallel_loop3A_98 = arith.index_cast %parallel_loop3A_97 : i32 to index
      %parallel_loop3A_99 = tpu.vector_load %arg5[%parallel_loop3A_98] {strides = array<i32>} : memref<2056xi32, #tpu.memory_space<vmem>>, vector<16xi32>,
      %parallel_loop3A_100 = arith.constant 2 : i32
      %parallel_loop3A_101 = arith.muli %parallel_loop3A_83, %parallel_loop3A_100 : i32
      %parallel_loop3A_102 = arith.constant 16 : i32
      %parallel_loop3A_103 = arith.muli %parallel_loop3A_101, %parallel_loop3A_102 : i32
      %parallel_loop3A_104 = arith.constant 8 : i32
      %parallel_loop3A_105 = arith.addi %parallel_loop3A_104, %parallel_loop3A_103 : i32
      %parallel_loop3A_106 = arith.constant 16 : i32
      %parallel_loop3A_107 = arith.addi %parallel_loop3A_105, %parallel_loop3A_106 : i32
      %parallel_loop3A_108 = arith.index_cast %parallel_loop3A_107 : i32 to index
      %parallel_loop3A_109 = tpu.vector_load %arg5[%parallel_loop3A_108] {strides = array<i32>} : memref<2056xi32, #tpu.memory_space<vmem>>, vector<16xi32>,
      %parallel_loop3A_110 = arith.constant 2 : i32
      %parallel_loop3A_111 = arith.muli %parallel_loop3A_83, %parallel_loop3A_110 : i32
      %parallel_loop3A_112 = arith.constant 16 : i32
      %parallel_loop3A_113 = arith.muli %parallel_loop3A_111, %parallel_loop3A_112 : i32
      %parallel_loop3A_114 = arith.constant 7 : i32
      %parallel_loop3A_115 = arith.addi %parallel_loop3A_114, %parallel_loop3A_113 : i32
      %parallel_loop3A_116 = arith.constant 16 : i32
      %parallel_loop3A_117 = arith.addi %parallel_loop3A_115, %parallel_loop3A_116 : i32
      %parallel_loop3A_118 = arith.index_cast %parallel_loop3A_117 : i32 to index
      %parallel_loop3A_119 = tpu.vector_load %arg5[%parallel_loop3A_118] {strides = array<i32>} : memref<2056xi32, #tpu.memory_space<vmem>>, vector<16xi32>,
      %parallel_loop3A_120 = arith.constant 1000003 : i32
      %parallel_loop3A_121 = vector.broadcast %parallel_loop3A_120 : i32 to vector<16xi32>
      %parallel_loop3A_122 = arith.muli %parallel_loop3A_99, %parallel_loop3A_121 : vector<16xi32>
      %parallel_loop3A_123 = arith.addi %parallel_loop3A_122, %parallel_loop3A_91 : vector<16xi32>
      %parallel_loop3A_124 = arith.constant 65535 : i32
      %parallel_loop3A_125 = vector.broadcast %parallel_loop3A_124 : i32 to vector<16xi32>
      %parallel_loop3A_126 = arith.andi %parallel_loop3A_123, %parallel_loop3A_125 : vector<16xi32>
      %parallel_loop3A_127 = arith.constant 1000003 : i32
      %parallel_loop3A_128 = vector.broadcast %parallel_loop3A_127 : i32 to vector<16xi32>
      %parallel_loop3A_129 = arith.muli %parallel_loop3A_119, %parallel_loop3A_128 : vector<16xi32>
      %parallel_loop3A_130 = arith.addi %parallel_loop3A_129, %parallel_loop3A_109 : vector<16xi32>
      %parallel_loop3A_131 = arith.constant 65535 : i32
      %parallel_loop3A_132 = vector.broadcast %parallel_loop3A_131 : i32 to vector<16xi32>
      %parallel_loop3A_133 = arith.andi %parallel_loop3A_130, %parallel_loop3A_132 : vector<16xi32>
      %parallel_loop3A_134 = tpu.pack_subelements %parallel_loop3A_126, %parallel_loop3A_133 {pack_format = #tpu.pack_format<interleaved>, positions = array<i32: 0, 1>} : vector<16xi32>, vector<16xi32> -> vector<32xi16>
      %parallel_loop3A_135 = arith.constant 2 : i32
      %parallel_loop3A_136 = arith.muli %parallel_loop3A_83, %parallel_loop3A_135 : i32
      %parallel_loop3A_137 = arith.constant 16 : i32
      %parallel_loop3A_138 = arith.muli %parallel_loop3A_136, %parallel_loop3A_137 : i32
      %parallel_loop3A_139 = arith.constant 28672 : i32
      %parallel_loop3A_140 = arith.addi %parallel_loop3A_139, %parallel_loop3A_138 : i32
      %parallel_loop3A_141 = arith.index_cast %parallel_loop3A_140 : i32 to index
      %parallel_loop3A_142 = tpu.vector_load %arg6[%parallel_loop3A_141] {strides = array<i32>} : memref<32768xi16, #tpu.memory_space<vmem>>, vector<32xi16>,
      tpu.vector_store %arg6[%parallel_loop3A_141], %parallel_loop3A_134 {strides = array<i32>} : memref<32768xi16, #tpu.memory_space<vmem>>, vector<32xi16>,
    } {sc.loop_unroll_factor = 4 : i64, sc.parallel_access}
    "tpu.region"() ({
      %run_scoped3A = tpu.sem_alloc : memref<!tpu.dma_semaphore, #tpu.memory_space<semaphore_mem>>
      %dma_start3A = arith.constant 0 : i32
      %dma_start3A_83 = tpu.memref_slice %arg5[%dma_start3A] : memref<2056xi32, #tpu.memory_space<vmem>> -> memref<8xi32, #tpu.memory_space<vmem>>
      %dma_start3A_84 = arith.constant 30712 : i32
      %dma_start3A_85 = tpu.memref_slice %arg2[%dma_start3A_84] : memref<32768xi32, #tpu.memory_space<hbm>> -> memref<8xi32, #tpu.memory_space<hbm>>
      %dma_start3A_86 = arith.constant 0 : i32
      %dma_start3A_87 = tpu.memref_slice %arg5[%dma_start3A_86] : memref<2056xi32, #tpu.memory_space<vmem>> -> memref<8xi32, #tpu.memory_space<vmem>>
      %dma_start3A_88 = arith.constant 30712 : i32
      %dma_start3A_89 = tpu.memref_slice %arg2[%dma_start3A_88] : memref<32768xi32, #tpu.memory_space<hbm>> -> memref<8xi32, #tpu.memory_space<hbm>>
      tpu.enqueue_dma source(%dma_start3A_89 : memref<8xi32, #tpu.memory_space<hbm>>) target(%dma_start3A_87 : memref<8xi32, #tpu.memory_space<vmem>>) target_semaphore(%run_scoped3A : memref<!tpu.dma_semaphore, #tpu.memory_space<semaphore_mem>>)
      %dma_wait3A_90 = arith.constant 0 : i32
      %dma_wait3A_91 = tpu.memref_slice %arg5[%dma_wait3A_90] : memref<2056xi32, #tpu.memory_space<vmem>> -> memref<8xi32, #tpu.memory_space<vmem>>
      %dma_wait3A_92 = arith.constant 30712 : i32
      %dma_wait3A_93 = tpu.memref_slice %arg2[%dma_wait3A_92] : memref<32768xi32, #tpu.memory_space<hbm>> -> memref<8xi32, #tpu.memory_space<hbm>>
      %dma_wait3A_94 = arith.constant 0 : i32
      %dma_wait3A_95 = tpu.memref_slice %arg5[%dma_wait3A_94] : memref<2056xi32, #tpu.memory_space<vmem>> -> memref<8xi32, #tpu.memory_space<vmem>>
      %dma_wait3A_96 = arith.constant 30712 : i32
      %dma_wait3A_97 = tpu.memref_slice %arg2[%dma_wait3A_96] : memref<32768xi32, #tpu.memory_space<hbm>> -> memref<8xi32, #tpu.memory_space<hbm>>
      tpu.wait_dma2 semaphore(%run_scoped3A : memref<!tpu.dma_semaphore, #tpu.memory_space<semaphore_mem>>) src(%dma_wait3A_97 : memref<8xi32, #tpu.memory_space<hbm>>) dst(%dma_wait3A_95 : memref<8xi32, #tpu.memory_space<vmem>>)
      tpu.yield
    }) : () -> ()
    "tpu.region"() ({
      %run_scoped3A = tpu.sem_alloc : memref<!tpu.dma_semaphore, #tpu.memory_space<semaphore_mem>>
      %dma_start3A = arith.constant 8 : i32
      %dma_start3A_83 = tpu.memref_slice %arg5[%dma_start3A] : memref<2056xi32, #tpu.memory_space<vmem>> -> memref<2048xi32, #tpu.memory_space<vmem>>
      %dma_start3A_84 = arith.constant 30720 : i32
      %dma_start3A_85 = tpu.memref_slice %arg2[%dma_start3A_84] : memref<32768xi32, #tpu.memory_space<hbm>> -> memref<2048xi32, #tpu.memory_space<hbm>>
      %dma_start3A_86 = arith.constant 8 : i32
      %dma_start3A_87 = tpu.memref_slice %arg5[%dma_start3A_86] : memref<2056xi32, #tpu.memory_space<vmem>> -> memref<2048xi32, #tpu.memory_space<vmem>>
      %dma_start3A_88 = arith.constant 30720 : i32
      %dma_start3A_89 = tpu.memref_slice %arg2[%dma_start3A_88] : memref<32768xi32, #tpu.memory_space<hbm>> -> memref<2048xi32, #tpu.memory_space<hbm>>
      tpu.enqueue_dma source(%dma_start3A_89 : memref<2048xi32, #tpu.memory_space<hbm>>) target(%dma_start3A_87 : memref<2048xi32, #tpu.memory_space<vmem>>) target_semaphore(%run_scoped3A : memref<!tpu.dma_semaphore, #tpu.memory_space<semaphore_mem>>)
      %dma_wait3A_90 = arith.constant 8 : i32
      %dma_wait3A_91 = tpu.memref_slice %arg5[%dma_wait3A_90] : memref<2056xi32, #tpu.memory_space<vmem>> -> memref<2048xi32, #tpu.memory_space<vmem>>
      %dma_wait3A_92 = arith.constant 30720 : i32
      %dma_wait3A_93 = tpu.memref_slice %arg2[%dma_wait3A_92] : memref<32768xi32, #tpu.memory_space<hbm>> -> memref<2048xi32, #tpu.memory_space<hbm>>
      %dma_wait3A_94 = arith.constant 8 : i32
      %dma_wait3A_95 = tpu.memref_slice %arg5[%dma_wait3A_94] : memref<2056xi32, #tpu.memory_space<vmem>> -> memref<2048xi32, #tpu.memory_space<vmem>>
      %dma_wait3A_96 = arith.constant 30720 : i32
      %dma_wait3A_97 = tpu.memref_slice %arg2[%dma_wait3A_96] : memref<32768xi32, #tpu.memory_space<hbm>> -> memref<2048xi32, #tpu.memory_space<hbm>>
      tpu.wait_dma2 semaphore(%run_scoped3A : memref<!tpu.dma_semaphore, #tpu.memory_space<semaphore_mem>>) src(%dma_wait3A_97 : memref<2048xi32, #tpu.memory_space<hbm>>) dst(%dma_wait3A_95 : memref<2048xi32, #tpu.memory_space<vmem>>)
      tpu.yield
    }) : () -> ()
    %parallel_loop3A_59 = arith.constant 0 : i32
    %parallel_loop3A_60 = arith.constant 64 : i32
    %parallel_loop3A_61 = arith.constant 1 : i32
    scf.for %parallel_loop3A_83 = %parallel_loop3A_59 to %parallel_loop3A_60 step %parallel_loop3A_61  : i32 {
      %parallel_loop3A_84 = arith.constant 2 : i32
      %parallel_loop3A_85 = arith.muli %parallel_loop3A_83, %parallel_loop3A_84 : i32
      %parallel_loop3A_86 = arith.constant 16 : i32
      %parallel_loop3A_87 = arith.muli %parallel_loop3A_85, %parallel_loop3A_86 : i32
      %parallel_loop3A_88 = arith.constant 8 : i32
      %parallel_loop3A_89 = arith.addi %parallel_loop3A_88, %parallel_loop3A_87 : i32
      %parallel_loop3A_90 = arith.index_cast %parallel_loop3A_89 : i32 to index
      %parallel_loop3A_91 = tpu.vector_load %arg5[%parallel_loop3A_90] {strides = array<i32>} : memref<2056xi32, #tpu.memory_space<vmem>>, vector<16xi32>,
      %parallel_loop3A_92 = arith.constant 2 : i32
      %parallel_loop3A_93 = arith.muli %parallel_loop3A_83, %parallel_loop3A_92 : i32
      %parallel_loop3A_94 = arith.constant 16 : i32
      %parallel_loop3A_95 = arith.muli %parallel_loop3A_93, %parallel_loop3A_94 : i32
      %parallel_loop3A_96 = arith.constant 7 : i32
      %parallel_loop3A_97 = arith.addi %parallel_loop3A_96, %parallel_loop3A_95 : i32
      %parallel_loop3A_98 = arith.index_cast %parallel_loop3A_97 : i32 to index
      %parallel_loop3A_99 = tpu.vector_load %arg5[%parallel_loop3A_98] {strides = array<i32>} : memref<2056xi32, #tpu.memory_space<vmem>>, vector<16xi32>,
      %parallel_loop3A_100 = arith.constant 2 : i32
      %parallel_loop3A_101 = arith.muli %parallel_loop3A_83, %parallel_loop3A_100 : i32
      %parallel_loop3A_102 = arith.constant 16 : i32
      %parallel_loop3A_103 = arith.muli %parallel_loop3A_101, %parallel_loop3A_102 : i32
      %parallel_loop3A_104 = arith.constant 8 : i32
      %parallel_loop3A_105 = arith.addi %parallel_loop3A_104, %parallel_loop3A_103 : i32
      %parallel_loop3A_106 = arith.constant 16 : i32
      %parallel_loop3A_107 = arith.addi %parallel_loop3A_105, %parallel_loop3A_106 : i32
      %parallel_loop3A_108 = arith.index_cast %parallel_loop3A_107 : i32 to index
      %parallel_loop3A_109 = tpu.vector_load %arg5[%parallel_loop3A_108] {strides = array<i32>} : memref<2056xi32, #tpu.memory_space<vmem>>, vector<16xi32>,
      %parallel_loop3A_110 = arith.constant 2 : i32
      %parallel_loop3A_111 = arith.muli %parallel_loop3A_83, %parallel_loop3A_110 : i32
      %parallel_loop3A_112 = arith.constant 16 : i32
      %parallel_loop3A_113 = arith.muli %parallel_loop3A_111, %parallel_loop3A_112 : i32
      %parallel_loop3A_114 = arith.constant 7 : i32
      %parallel_loop3A_115 = arith.addi %parallel_loop3A_114, %parallel_loop3A_113 : i32
      %parallel_loop3A_116 = arith.constant 16 : i32
      %parallel_loop3A_117 = arith.addi %parallel_loop3A_115, %parallel_loop3A_116 : i32
      %parallel_loop3A_118 = arith.index_cast %parallel_loop3A_117 : i32 to index
      %parallel_loop3A_119 = tpu.vector_load %arg5[%parallel_loop3A_118] {strides = array<i32>} : memref<2056xi32, #tpu.memory_space<vmem>>, vector<16xi32>,
      %parallel_loop3A_120 = arith.constant 1000003 : i32
      %parallel_loop3A_121 = vector.broadcast %parallel_loop3A_120 : i32 to vector<16xi32>
      %parallel_loop3A_122 = arith.muli %parallel_loop3A_99, %parallel_loop3A_121 : vector<16xi32>
      %parallel_loop3A_123 = arith.addi %parallel_loop3A_122, %parallel_loop3A_91 : vector<16xi32>
      %parallel_loop3A_124 = arith.constant 65535 : i32
      %parallel_loop3A_125 = vector.broadcast %parallel_loop3A_124 : i32 to vector<16xi32>
      %parallel_loop3A_126 = arith.andi %parallel_loop3A_123, %parallel_loop3A_125 : vector<16xi32>
      %parallel_loop3A_127 = arith.constant 1000003 : i32
      %parallel_loop3A_128 = vector.broadcast %parallel_loop3A_127 : i32 to vector<16xi32>
      %parallel_loop3A_129 = arith.muli %parallel_loop3A_119, %parallel_loop3A_128 : vector<16xi32>
      %parallel_loop3A_130 = arith.addi %parallel_loop3A_129, %parallel_loop3A_109 : vector<16xi32>
      %parallel_loop3A_131 = arith.constant 65535 : i32
      %parallel_loop3A_132 = vector.broadcast %parallel_loop3A_131 : i32 to vector<16xi32>
      %parallel_loop3A_133 = arith.andi %parallel_loop3A_130, %parallel_loop3A_132 : vector<16xi32>
      %parallel_loop3A_134 = tpu.pack_subelements %parallel_loop3A_126, %parallel_loop3A_133 {pack_format = #tpu.pack_format<interleaved>, positions = array<i32: 0, 1>} : vector<16xi32>, vector<16xi32> -> vector<32xi16>
      %parallel_loop3A_135 = arith.constant 2 : i32
      %parallel_loop3A_136 = arith.muli %parallel_loop3A_83, %parallel_loop3A_135 : i32
      %parallel_loop3A_137 = arith.constant 16 : i32
      %parallel_loop3A_138 = arith.muli %parallel_loop3A_136, %parallel_loop3A_137 : i32
      %parallel_loop3A_139 = arith.constant 30720 : i32
      %parallel_loop3A_140 = arith.addi %parallel_loop3A_139, %parallel_loop3A_138 : i32
      %parallel_loop3A_141 = arith.index_cast %parallel_loop3A_140 : i32 to index
      %parallel_loop3A_142 = tpu.vector_load %arg6[%parallel_loop3A_141] {strides = array<i32>} : memref<32768xi16, #tpu.memory_space<vmem>>, vector<32xi16>,
      tpu.vector_store %arg6[%parallel_loop3A_141], %parallel_loop3A_134 {strides = array<i32>} : memref<32768xi16, #tpu.memory_space<vmem>>, vector<32xi16>,
    } {sc.loop_unroll_factor = 4 : i64, sc.parallel_access}
    %scan3A = arith.constant 0 : i32
    %scan3A_62 = arith.constant 0 : i32
    %scan3A_63 = arith.constant 32 : i32
    %scan3A_64 = arith.addi %scan3A_62, %scan3A_63 : i32
    %scan3A_65 = arith.constant 1 : i32
    %scan3A_66 = scf.for %scan3A_83 = %scan3A_62 to %scan3A_64 step %scan3A_65 iter_args(%scan3A_84 = %scan3A) -> (i32)  : i32 {
      %mul3A_85 = arith.constant 32 : i32
      %mul3A_86 = arith.muli %scan3A_83, %mul3A_85 : i32
      %add3A_87 = arith.addi %add3A, %mul3A_86 : i32
      %lt3A = arith.constant 1000 : i32
      %lt3A_88 = arith.cmpi slt, %add3A_87, %lt3A : i32
      %convert_element_type3A = arith.extui %lt3A_88 : i1 to i32
      %cond3A = arith.constant 0 : i32
      %cond3A_89 = arith.cmpi ne, %convert_element_type3A, %cond3A : i32
      scf.if %cond3A_89 {
        %shift_right_arithmetic3A = arith.constant 3 : i32
        %shift_right_arithmetic3A_91 = arith.shrsi %add3A_87, %shift_right_arithmetic3A : i32
        %and3A = arith.constant 7 : i32
        %and3A_92 = arith.andi %add3A_87, %and3A : i32
        %dma_start3A = arith.constant 0 : i32
        %dma_start3A_93 = arith.constant 0 : i32
        %dma_start3A_94 = tpu.memref_slice %arg3[%shift_right_arithmetic3A_91, %dma_start3A, %and3A_92, %dma_start3A_93] : memref<125x512x8x128xf32, #tpu.memory_space<hbm>> -> memref<1x512x1x128xf32, #tpu.memory_space<hbm>>
        %dma_start3A_95 = tpu.memref_squeeze %dma_start3A_94 : memref<1x512x1x128xf32, #tpu.memory_space<hbm>> -> memref<512x128xf32, #tpu.memory_space<hbm>>
        %dma_start3A_96 = arith.constant 0 : i32
        %dma_start3A_97 = arith.constant 0 : i32
        %dma_start3A_98 = tpu.memref_slice %arg3[%shift_right_arithmetic3A_91, %dma_start3A_96, %and3A_92, %dma_start3A_97] : memref<125x512x8x128xf32, #tpu.memory_space<hbm>> -> memref<1x512x1x128xf32, #tpu.memory_space<hbm>>
        %dma_start3A_99 = tpu.memref_squeeze %dma_start3A_98 : memref<1x512x1x128xf32, #tpu.memory_space<hbm>> -> memref<512x128xf32, #tpu.memory_space<hbm>>
        tpu.enqueue_dma source(%dma_start3A_99 : memref<512x128xf32, #tpu.memory_space<hbm>>) target(%arg7 : memref<512x128xf32, #tpu.memory_space<vmem>>) target_semaphore(%arg10 : memref<!tpu.dma_semaphore, #tpu.memory_space<semaphore_mem>>)
        %dma_wait3A_100 = arith.constant 0 : i32
        %dma_wait3A_101 = arith.constant 0 : i32
        %dma_wait3A_102 = tpu.memref_slice %arg3[%shift_right_arithmetic3A_91, %dma_wait3A_100, %and3A_92, %dma_wait3A_101] : memref<125x512x8x128xf32, #tpu.memory_space<hbm>> -> memref<1x512x1x128xf32, #tpu.memory_space<hbm>>
        %dma_wait3A_103 = tpu.memref_squeeze %dma_wait3A_102 : memref<1x512x1x128xf32, #tpu.memory_space<hbm>> -> memref<512x128xf32, #tpu.memory_space<hbm>>
        %dma_wait3A_104 = arith.constant 0 : i32
        %dma_wait3A_105 = arith.constant 0 : i32
        %dma_wait3A_106 = tpu.memref_slice %arg3[%shift_right_arithmetic3A_91, %dma_wait3A_104, %and3A_92, %dma_wait3A_105] : memref<125x512x8x128xf32, #tpu.memory_space<hbm>> -> memref<1x512x1x128xf32, #tpu.memory_space<hbm>>
        %dma_wait3A_107 = tpu.memref_squeeze %dma_wait3A_106 : memref<1x512x1x128xf32, #tpu.memory_space<hbm>> -> memref<512x128xf32, #tpu.memory_space<hbm>>
        tpu.wait_dma2 semaphore(%arg10 : memref<!tpu.dma_semaphore, #tpu.memory_space<semaphore_mem>>) src(%dma_wait3A_107 : memref<512x128xf32, #tpu.memory_space<hbm>>) dst(%arg7 : memref<512x128xf32, #tpu.memory_space<vmem>>)
        %gt3A = arith.constant 0 : i32
        %gt3A_108 = arith.cmpi sgt, %scan3A_83, %gt3A : i32
        %convert_element_type3A_109 = arith.extui %gt3A_108 : i1 to i32
        %cond3A_110 = arith.constant 0 : i32
        %cond3A_111 = arith.cmpi ne, %convert_element_type3A_109, %cond3A_110 : i32
        scf.if %cond3A_111 {
          %dma_wait3A_171 = arith.constant 0 : i32
          %dma_wait3A_172 = arith.constant 0 : i32
          %dma_wait3A_173 = tpu.memref_slice %arg4[%dma_wait3A_171, %add3A_87, %dma_wait3A_172] : memref<4x1000x8192xf32, #tpu.memory_space<hbm>> -> memref<1x1x8192xf32, #tpu.memory_space<hbm>>
          %dma_wait3A_174 = tpu.memref_squeeze %dma_wait3A_173 : memref<1x1x8192xf32, #tpu.memory_space<hbm>> -> memref<8192xf32, #tpu.memory_space<hbm>>
          %dma_wait3A_175 = arith.constant 0 : i32
          %dma_wait3A_176 = tpu.memref_slice %arg4[%dma_wait3A_171, %add3A_87, %dma_wait3A_175] : memref<4x1000x8192xf32, #tpu.memory_space<hbm>> -> memref<1x1x8192xf32, #tpu.memory_space<hbm>>
          %dma_wait3A_177 = tpu.memref_squeeze %dma_wait3A_176 : memref<1x1x8192xf32, #tpu.memory_space<hbm>> -> memref<8192xf32, #tpu.memory_space<hbm>>
          tpu.wait_dma2 semaphore(%arg12 : memref<!tpu.dma_semaphore, #tpu.memory_space<semaphore_mem>>) src(%arg8 : memref<8192xf32, #tpu.memory_space<vmem>>) dst(%dma_wait3A_177 : memref<8192xf32, #tpu.memory_space<hbm>>)
        } else {
        }
        %parallel_loop3A_112 = arith.constant 0 : i32
        %parallel_loop3A_113 = arith.constant 256 : i32
        %parallel_loop3A_114 = arith.constant 1 : i32
        scf.for %parallel_loop3A_171 = %parallel_loop3A_112 to %parallel_loop3A_113 step %parallel_loop3A_114  : i32 {
          %parallel_loop3A_172 = arith.constant 2 : i32
          %parallel_loop3A_173 = arith.muli %parallel_loop3A_171, %parallel_loop3A_172 : i32
          %parallel_loop3A_174 = arith.constant 16 : i32
          %parallel_loop3A_175 = arith.muli %parallel_loop3A_173, %parallel_loop3A_174 : i32
          %parallel_loop3A_176 = arith.constant 0 : i32
          %parallel_loop3A_177 = arith.addi %parallel_loop3A_176, %parallel_loop3A_175 : i32
          %parallel_loop3A_178 = arith.index_cast %parallel_loop3A_177 : i32 to index
          %parallel_loop3A_179 = tpu.vector_load %arg6[%parallel_loop3A_178] {strides = array<i32>} : memref<32768xi16, #tpu.memory_space<vmem>>, vector<32xi16>,
          %parallel_loop3A_180 = tpu.unpack_subelements %parallel_loop3A_179, 0 {pack_format = #tpu.pack_format<interleaved>} : vector<32xi16> -> vector<16xi32>
          %parallel_loop3A_181 = tpu.unpack_subelements %parallel_loop3A_179, 1 {pack_format = #tpu.pack_format<interleaved>} : vector<32xi16> -> vector<16xi32>
          %parallel_loop3A_182 = arith.constant 65535 : i32
          %parallel_loop3A_183 = vector.broadcast %parallel_loop3A_182 : i32 to vector<16xi32>
          %parallel_loop3A_184 = arith.andi %parallel_loop3A_180, %parallel_loop3A_183 : vector<16xi32>
          %parallel_loop3A_185 = arith.constant 65535 : i32
          %parallel_loop3A_186 = vector.broadcast %parallel_loop3A_185 : i32 to vector<16xi32>
          %parallel_loop3A_187 = arith.andi %parallel_loop3A_181, %parallel_loop3A_186 : vector<16xi32>
          %parallel_loop3A_188 = arith.constant 7 : i32
          %parallel_loop3A_189 = vector.broadcast %parallel_loop3A_188 : i32 to vector<16xi32>
          %parallel_loop3A_190 = arith.shrsi %parallel_loop3A_184, %parallel_loop3A_189 : vector<16xi32>
          %parallel_loop3A_191 = arith.constant 127 : i32
          %parallel_loop3A_192 = vector.broadcast %parallel_loop3A_191 : i32 to vector<16xi32>
          %parallel_loop3A_193 = arith.andi %parallel_loop3A_184, %parallel_loop3A_192 : vector<16xi32>
          %parallel_loop3A_194 = tpu.vector_load_idx %arg7[%parallel_loop3A_190, %parallel_loop3A_193] : memref<512x128xf32, #tpu.memory_space<vmem>>[vector<16xi32>, vector<16xi32>], vector<16xf32>,
          %parallel_loop3A_195 = arith.constant 2 : i32
          %parallel_loop3A_196 = arith.muli %parallel_loop3A_171, %parallel_loop3A_195 : i32
          %parallel_loop3A_197 = arith.constant 16 : i32
          %parallel_loop3A_198 = arith.muli %parallel_loop3A_196, %parallel_loop3A_197 : i32
          %parallel_loop3A_199 = arith.index_cast %parallel_loop3A_198 : i32 to index
          %parallel_loop3A_200 = tpu.vector_load %arg8[%parallel_loop3A_199] {strides = array<i32>} : memref<8192xf32, #tpu.memory_space<vmem>>, vector<16xf32>,
          tpu.vector_store %arg8[%parallel_loop3A_199], %parallel_loop3A_194 {strides = array<i32>} : memref<8192xf32, #tpu.memory_space<vmem>>, vector<16xf32>,
          %parallel_loop3A_201 = arith.constant 7 : i32
          %parallel_loop3A_202 = vector.broadcast %parallel_loop3A_201 : i32 to vector<16xi32>
          %parallel_loop3A_203 = arith.shrsi %parallel_loop3A_187, %parallel_loop3A_202 : vector<16xi32>
          %parallel_loop3A_204 = arith.constant 127 : i32
          %parallel_loop3A_205 = vector.broadcast %parallel_loop3A_204 : i32 to vector<16xi32>
          %parallel_loop3A_206 = arith.andi %parallel_loop3A_187, %parallel_loop3A_205 : vector<16xi32>
          %parallel_loop3A_207 = tpu.vector_load_idx %arg7[%parallel_loop3A_203, %parallel_loop3A_206] : memref<512x128xf32, #tpu.memory_space<vmem>>[vector<16xi32>, vector<16xi32>], vector<16xf32>,
          %parallel_loop3A_208 = arith.constant 2 : i32
          %parallel_loop3A_209 = arith.muli %parallel_loop3A_171, %parallel_loop3A_208 : i32
          %parallel_loop3A_210 = arith.constant 16 : i32
          %parallel_loop3A_211 = arith.muli %parallel_loop3A_209, %parallel_loop3A_210 : i32
          %parallel_loop3A_212 = arith.constant 16 : i32
          %parallel_loop3A_213 = arith.addi %parallel_loop3A_211, %parallel_loop3A_212 : i32
          %parallel_loop3A_214 = arith.index_cast %parallel_loop3A_213 : i32 to index
          %parallel_loop3A_215 = tpu.vector_load %arg8[%parallel_loop3A_214] {strides = array<i32>} : memref<8192xf32, #tpu.memory_space<vmem>>, vector<16xf32>,
          tpu.vector_store %arg8[%parallel_loop3A_214], %parallel_loop3A_207 {strides = array<i32>} : memref<8192xf32, #tpu.memory_space<vmem>>, vector<16xf32>,
        } {sc.loop_unroll_factor = 8 : i64, sc.parallel_access}
        %dma_start3A_115 = arith.constant 0 : i32
        %dma_start3A_116 = arith.constant 0 : i32
        %dma_start3A_117 = tpu.memref_slice %arg4[%dma_start3A_115, %add3A_87, %dma_start3A_116] : memref<4x1000x8192xf32, #tpu.memory_space<hbm>> -> memref<1x1x8192xf32, #tpu.memory_space<hbm>>
        %dma_start3A_118 = tpu.memref_squeeze %dma_start3A_117 : memref<1x1x8192xf32, #tpu.memory_space<hbm>> -> memref<8192xf32, #tpu.memory_space<hbm>>
        %dma_start3A_119 = arith.constant 0 : i32
        %dma_start3A_120 = tpu.memref_slice %arg4[%dma_start3A_115, %add3A_87, %dma_start3A_119] : memref<4x1000x8192xf32, #tpu.memory_space<hbm>> -> memref<1x1x8192xf32, #tpu.memory_space<hbm>>
        %dma_start3A_121 = tpu.memref_squeeze %dma_start3A_120 : memref<1x1x8192xf32, #tpu.memory_space<hbm>> -> memref<8192xf32, #tpu.memory_space<hbm>>
        tpu.enqueue_dma source(%arg8 : memref<8192xf32, #tpu.memory_space<vmem>>) target(%dma_start3A_121 : memref<8192xf32, #tpu.memory_space<hbm>>) target_semaphore(%arg12 : memref<!tpu.dma_semaphore, #tpu.memory_space<semaphore_mem>>)
        %gt3A_122 = arith.constant 0 : i32
        %gt3A_123 = arith.cmpi sgt, %scan3A_83, %gt3A_122 : i32
        %convert_element_type3A_124 = arith.extui %gt3A_123 : i1 to i32
        %cond3A_125 = arith.constant 0 : i32
        %cond3A_126 = arith.cmpi ne, %convert_element_type3A_124, %cond3A_125 : i32
        scf.if %cond3A_126 {
          %dma_wait3A_171 = arith.constant 1 : i32
          %dma_wait3A_172 = arith.constant 0 : i32
          %dma_wait3A_173 = tpu.memref_slice %arg4[%dma_wait3A_171, %add3A_87, %dma_wait3A_172] : memref<4x1000x8192xf32, #tpu.memory_space<hbm>> -> memref<1x1x8192xf32, #tpu.memory_space<hbm>>
          %dma_wait3A_174 = tpu.memref_squeeze %dma_wait3A_173 : memref<1x1x8192xf32, #tpu.memory_space<hbm>> -> memref<8192xf32, #tpu.memory_space<hbm>>
          %dma_wait3A_175 = arith.constant 0 : i32
          %dma_wait3A_176 = tpu.memref_slice %arg4[%dma_wait3A_171, %add3A_87, %dma_wait3A_175] : memref<4x1000x8192xf32, #tpu.memory_space<hbm>> -> memref<1x1x8192xf32, #tpu.memory_space<hbm>>
          %dma_wait3A_177 = tpu.memref_squeeze %dma_wait3A_176 : memref<1x1x8192xf32, #tpu.memory_space<hbm>> -> memref<8192xf32, #tpu.memory_space<hbm>>
          tpu.wait_dma2 semaphore(%arg13 : memref<!tpu.dma_semaphore, #tpu.memory_space<semaphore_mem>>) src(%arg9 : memref<8192xf32, #tpu.memory_space<vmem>>) dst(%dma_wait3A_177 : memref<8192xf32, #tpu.memory_space<hbm>>)
        } else {
        }
        %parallel_loop3A_127 = arith.constant 0 : i32
        %parallel_loop3A_128 = arith.constant 256 : i32
        %parallel_loop3A_129 = arith.constant 1 : i32
        scf.for %parallel_loop3A_171 = %parallel_loop3A_127 to %parallel_loop3A_128 step %parallel_loop3A_129  : i32 {
          %parallel_loop3A_172 = arith.constant 2 : i32
          %parallel_loop3A_173 = arith.muli %parallel_loop3A_171, %parallel_loop3A_172 : i32
          %parallel_loop3A_174 = arith.constant 16 : i32
          %parallel_loop3A_175 = arith.muli %parallel_loop3A_173, %parallel_loop3A_174 : i32
          %parallel_loop3A_176 = arith.constant 8192 : i32
          %parallel_loop3A_177 = arith.addi %parallel_loop3A_176, %parallel_loop3A_175 : i32
          %parallel_loop3A_178 = arith.index_cast %parallel_loop3A_177 : i32 to index
          %parallel_loop3A_179 = tpu.vector_load %arg6[%parallel_loop3A_178] {strides = array<i32>} : memref<32768xi16, #tpu.memory_space<vmem>>, vector<32xi16>,
          %parallel_loop3A_180 = tpu.unpack_subelements %parallel_loop3A_179, 0 {pack_format = #tpu.pack_format<interleaved>} : vector<32xi16> -> vector<16xi32>
          %parallel_loop3A_181 = tpu.unpack_subelements %parallel_loop3A_179, 1 {pack_format = #tpu.pack_format<interleaved>} : vector<32xi16> -> vector<16xi32>
          %parallel_loop3A_182 = arith.constant 65535 : i32
          %parallel_loop3A_183 = vector.broadcast %parallel_loop3A_182 : i32 to vector<16xi32>
          %parallel_loop3A_184 = arith.andi %parallel_loop3A_180, %parallel_loop3A_183 : vector<16xi32>
          %parallel_loop3A_185 = arith.constant 65535 : i32
          %parallel_loop3A_186 = vector.broadcast %parallel_loop3A_185 : i32 to vector<16xi32>
          %parallel_loop3A_187 = arith.andi %parallel_loop3A_181, %parallel_loop3A_186 : vector<16xi32>
          %parallel_loop3A_188 = arith.constant 7 : i32
          %parallel_loop3A_189 = vector.broadcast %parallel_loop3A_188 : i32 to vector<16xi32>
          %parallel_loop3A_190 = arith.shrsi %parallel_loop3A_184, %parallel_loop3A_189 : vector<16xi32>
          %parallel_loop3A_191 = arith.constant 127 : i32
          %parallel_loop3A_192 = vector.broadcast %parallel_loop3A_191 : i32 to vector<16xi32>
          %parallel_loop3A_193 = arith.andi %parallel_loop3A_184, %parallel_loop3A_192 : vector<16xi32>
          %parallel_loop3A_194 = tpu.vector_load_idx %arg7[%parallel_loop3A_190, %parallel_loop3A_193] : memref<512x128xf32, #tpu.memory_space<vmem>>[vector<16xi32>, vector<16xi32>], vector<16xf32>,
          %parallel_loop3A_195 = arith.constant 2 : i32
          %parallel_loop3A_196 = arith.muli %parallel_loop3A_171, %parallel_loop3A_195 : i32
          %parallel_loop3A_197 = arith.constant 16 : i32
          %parallel_loop3A_198 = arith.muli %parallel_loop3A_196, %parallel_loop3A_197 : i32
          %parallel_loop3A_199 = arith.index_cast %parallel_loop3A_198 : i32 to index
          %parallel_loop3A_200 = tpu.vector_load %arg9[%parallel_loop3A_199] {strides = array<i32>} : memref<8192xf32, #tpu.memory_space<vmem>>, vector<16xf32>,
          tpu.vector_store %arg9[%parallel_loop3A_199], %parallel_loop3A_194 {strides = array<i32>} : memref<8192xf32, #tpu.memory_space<vmem>>, vector<16xf32>,
          %parallel_loop3A_201 = arith.constant 7 : i32
          %parallel_loop3A_202 = vector.broadcast %parallel_loop3A_201 : i32 to vector<16xi32>
          %parallel_loop3A_203 = arith.shrsi %parallel_loop3A_187, %parallel_loop3A_202 : vector<16xi32>
          %parallel_loop3A_204 = arith.constant 127 : i32
          %parallel_loop3A_205 = vector.broadcast %parallel_loop3A_204 : i32 to vector<16xi32>
          %parallel_loop3A_206 = arith.andi %parallel_loop3A_187, %parallel_loop3A_205 : vector<16xi32>
          %parallel_loop3A_207 = tpu.vector_load_idx %arg7[%parallel_loop3A_203, %parallel_loop3A_206] : memref<512x128xf32, #tpu.memory_space<vmem>>[vector<16xi32>, vector<16xi32>], vector<16xf32>,
          %parallel_loop3A_208 = arith.constant 2 : i32
          %parallel_loop3A_209 = arith.muli %parallel_loop3A_171, %parallel_loop3A_208 : i32
          %parallel_loop3A_210 = arith.constant 16 : i32
          %parallel_loop3A_211 = arith.muli %parallel_loop3A_209, %parallel_loop3A_210 : i32
          %parallel_loop3A_212 = arith.constant 16 : i32
          %parallel_loop3A_213 = arith.addi %parallel_loop3A_211, %parallel_loop3A_212 : i32
          %parallel_loop3A_214 = arith.index_cast %parallel_loop3A_213 : i32 to index
          %parallel_loop3A_215 = tpu.vector_load %arg9[%parallel_loop3A_214] {strides = array<i32>} : memref<8192xf32, #tpu.memory_space<vmem>>, vector<16xf32>,
          tpu.vector_store %arg9[%parallel_loop3A_214], %parallel_loop3A_207 {strides = array<i32>} : memref<8192xf32, #tpu.memory_space<vmem>>, vector<16xf32>,
        } {sc.loop_unroll_factor = 8 : i64, sc.parallel_access}
        %dma_start3A_130 = arith.constant 1 : i32
        %dma_start3A_131 = arith.constant 0 : i32
        %dma_start3A_132 = tpu.memref_slice %arg4[%dma_start3A_130, %add3A_87, %dma_start3A_131] : memref<4x1000x8192xf32, #tpu.memory_space<hbm>> -> memref<1x1x8192xf32, #tpu.memory_space<hbm>>
        %dma_start3A_133 = tpu.memref_squeeze %dma_start3A_132 : memref<1x1x8192xf32, #tpu.memory_space<hbm>> -> memref<8192xf32, #tpu.memory_space<hbm>>
        %dma_start3A_134 = arith.constant 0 : i32
        %dma_start3A_135 = tpu.memref_slice %arg4[%dma_start3A_130, %add3A_87, %dma_start3A_134] : memref<4x1000x8192xf32, #tpu.memory_space<hbm>> -> memref<1x1x8192xf32, #tpu.memory_space<hbm>>
        %dma_start3A_136 = tpu.memref_squeeze %dma_start3A_135 : memref<1x1x8192xf32, #tpu.memory_space<hbm>> -> memref<8192xf32, #tpu.memory_space<hbm>>
        tpu.enqueue_dma source(%arg9 : memref<8192xf32, #tpu.memory_space<vmem>>) target(%dma_start3A_136 : memref<8192xf32, #tpu.memory_space<hbm>>) target_semaphore(%arg13 : memref<!tpu.dma_semaphore, #tpu.memory_space<semaphore_mem>>)
        %dma_wait3A_137 = arith.constant 2 : i32
        %dma_wait3A_138 = arith.constant 0 : i32
        %dma_wait3A_139 = tpu.memref_slice %arg4[%dma_wait3A_137, %add3A_87, %dma_wait3A_138] : memref<4x1000x8192xf32, #tpu.memory_space<hbm>> -> memref<1x1x8192xf32, #tpu.memory_space<hbm>>
        %dma_wait3A_140 = tpu.memref_squeeze %dma_wait3A_139 : memref<1x1x8192xf32, #tpu.memory_space<hbm>> -> memref<8192xf32, #tpu.memory_space<hbm>>
        %dma_wait3A_141 = arith.constant 0 : i32
        %dma_wait3A_142 = tpu.memref_slice %arg4[%dma_wait3A_137, %add3A_87, %dma_wait3A_141] : memref<4x1000x8192xf32, #tpu.memory_space<hbm>> -> memref<1x1x8192xf32, #tpu.memory_space<hbm>>
        %dma_wait3A_143 = tpu.memref_squeeze %dma_wait3A_142 : memref<1x1x8192xf32, #tpu.memory_space<hbm>> -> memref<8192xf32, #tpu.memory_space<hbm>>
        tpu.wait_dma2 semaphore(%arg12 : memref<!tpu.dma_semaphore, #tpu.memory_space<semaphore_mem>>) src(%arg8 : memref<8192xf32, #tpu.memory_space<vmem>>) dst(%dma_wait3A_143 : memref<8192xf32, #tpu.memory_space<hbm>>)
        %parallel_loop3A_144 = arith.constant 0 : i32
        %parallel_loop3A_145 = arith.constant 256 : i32
        %parallel_loop3A_146 = arith.constant 1 : i32
        scf.for %parallel_loop3A_171 = %parallel_loop3A_144 to %parallel_loop3A_145 step %parallel_loop3A_146  : i32 {
          %parallel_loop3A_172 = arith.constant 2 : i32
          %parallel_loop3A_173 = arith.muli %parallel_loop3A_171, %parallel_loop3A_172 : i32
          %parallel_loop3A_174 = arith.constant 16 : i32
          %parallel_loop3A_175 = arith.muli %parallel_loop3A_173, %parallel_loop3A_174 : i32
          %parallel_loop3A_176 = arith.constant 16384 : i32
          %parallel_loop3A_177 = arith.addi %parallel_loop3A_176, %parallel_loop3A_175 : i32
          %parallel_loop3A_178 = arith.index_cast %parallel_loop3A_177 : i32 to index
          %parallel_loop3A_179 = tpu.vector_load %arg6[%parallel_loop3A_178] {strides = array<i32>} : memref<32768xi16, #tpu.memory_space<vmem>>, vector<32xi16>,
          %parallel_loop3A_180 = tpu.unpack_subelements %parallel_loop3A_179, 0 {pack_format = #tpu.pack_format<interleaved>} : vector<32xi16> -> vector<16xi32>
          %parallel_loop3A_181 = tpu.unpack_subelements %parallel_loop3A_179, 1 {pack_format = #tpu.pack_format<interleaved>} : vector<32xi16> -> vector<16xi32>
          %parallel_loop3A_182 = arith.constant 65535 : i32
          %parallel_loop3A_183 = vector.broadcast %parallel_loop3A_182 : i32 to vector<16xi32>
          %parallel_loop3A_184 = arith.andi %parallel_loop3A_180, %parallel_loop3A_183 : vector<16xi32>
          %parallel_loop3A_185 = arith.constant 65535 : i32
          %parallel_loop3A_186 = vector.broadcast %parallel_loop3A_185 : i32 to vector<16xi32>
          %parallel_loop3A_187 = arith.andi %parallel_loop3A_181, %parallel_loop3A_186 : vector<16xi32>
          %parallel_loop3A_188 = arith.constant 7 : i32
          %parallel_loop3A_189 = vector.broadcast %parallel_loop3A_188 : i32 to vector<16xi32>
          %parallel_loop3A_190 = arith.shrsi %parallel_loop3A_184, %parallel_loop3A_189 : vector<16xi32>
          %parallel_loop3A_191 = arith.constant 127 : i32
          %parallel_loop3A_192 = vector.broadcast %parallel_loop3A_191 : i32 to vector<16xi32>
          %parallel_loop3A_193 = arith.andi %parallel_loop3A_184, %parallel_loop3A_192 : vector<16xi32>
          %parallel_loop3A_194 = tpu.vector_load_idx %arg7[%parallel_loop3A_190, %parallel_loop3A_193] : memref<512x128xf32, #tpu.memory_space<vmem>>[vector<16xi32>, vector<16xi32>], vector<16xf32>,
          %parallel_loop3A_195 = arith.constant 2 : i32
          %parallel_loop3A_196 = arith.muli %parallel_loop3A_171, %parallel_loop3A_195 : i32
          %parallel_loop3A_197 = arith.constant 16 : i32
          %parallel_loop3A_198 = arith.muli %parallel_loop3A_196, %parallel_loop3A_197 : i32
          %parallel_loop3A_199 = arith.index_cast %parallel_loop3A_198 : i32 to index
          %parallel_loop3A_200 = tpu.vector_load %arg8[%parallel_loop3A_199] {strides = array<i32>} : memref<8192xf32, #tpu.memory_space<vmem>>, vector<16xf32>,
          tpu.vector_store %arg8[%parallel_loop3A_199], %parallel_loop3A_194 {strides = array<i32>} : memref<8192xf32, #tpu.memory_space<vmem>>, vector<16xf32>,
          %parallel_loop3A_201 = arith.constant 7 : i32
          %parallel_loop3A_202 = vector.broadcast %parallel_loop3A_201 : i32 to vector<16xi32>
          %parallel_loop3A_203 = arith.shrsi %parallel_loop3A_187, %parallel_loop3A_202 : vector<16xi32>
          %parallel_loop3A_204 = arith.constant 127 : i32
          %parallel_loop3A_205 = vector.broadcast %parallel_loop3A_204 : i32 to vector<16xi32>
          %parallel_loop3A_206 = arith.andi %parallel_loop3A_187, %parallel_loop3A_205 : vector<16xi32>
          %parallel_loop3A_207 = tpu.vector_load_idx %arg7[%parallel_loop3A_203, %parallel_loop3A_206] : memref<512x128xf32, #tpu.memory_space<vmem>>[vector<16xi32>, vector<16xi32>], vector<16xf32>,
          %parallel_loop3A_208 = arith.constant 2 : i32
          %parallel_loop3A_209 = arith.muli %parallel_loop3A_171, %parallel_loop3A_208 : i32
          %parallel_loop3A_210 = arith.constant 16 : i32
          %parallel_loop3A_211 = arith.muli %parallel_loop3A_209, %parallel_loop3A_210 : i32
          %parallel_loop3A_212 = arith.constant 16 : i32
          %parallel_loop3A_213 = arith.addi %parallel_loop3A_211, %parallel_loop3A_212 : i32
          %parallel_loop3A_214 = arith.index_cast %parallel_loop3A_213 : i32 to index
          %parallel_loop3A_215 = tpu.vector_load %arg8[%parallel_loop3A_214] {strides = array<i32>} : memref<8192xf32, #tpu.memory_space<vmem>>, vector<16xf32>,
          tpu.vector_store %arg8[%parallel_loop3A_214], %parallel_loop3A_207 {strides = array<i32>} : memref<8192xf32, #tpu.memory_space<vmem>>, vector<16xf32>,
        } {sc.loop_unroll_factor = 8 : i64, sc.parallel_access}
        %dma_start3A_147 = arith.constant 2 : i32
        %dma_start3A_148 = arith.constant 0 : i32
        %dma_start3A_149 = tpu.memref_slice %arg4[%dma_start3A_147, %add3A_87, %dma_start3A_148] : memref<4x1000x8192xf32, #tpu.memory_space<hbm>> -> memref<1x1x8192xf32, #tpu.memory_space<hbm>>
        %dma_start3A_150 = tpu.memref_squeeze %dma_start3A_149 : memref<1x1x8192xf32, #tpu.memory_space<hbm>> -> memref<8192xf32, #tpu.memory_space<hbm>>
        %dma_start3A_151 = arith.constant 0 : i32
        %dma_start3A_152 = tpu.memref_slice %arg4[%dma_start3A_147, %add3A_87, %dma_start3A_151] : memref<4x1000x8192xf32, #tpu.memory_space<hbm>> -> memref<1x1x8192xf32, #tpu.memory_space<hbm>>
        %dma_start3A_153 = tpu.memref_squeeze %dma_start3A_152 : memref<1x1x8192xf32, #tpu.memory_space<hbm>> -> memref<8192xf32, #tpu.memory_space<hbm>>
        tpu.enqueue_dma source(%arg8 : memref<8192xf32, #tpu.memory_space<vmem>>) target(%dma_start3A_153 : memref<8192xf32, #tpu.memory_space<hbm>>) target_semaphore(%arg12 : memref<!tpu.dma_semaphore, #tpu.memory_space<semaphore_mem>>)
        %dma_wait3A_154 = arith.constant 3 : i32
        %dma_wait3A_155 = arith.constant 0 : i32
        %dma_wait3A_156 = tpu.memref_slice %arg4[%dma_wait3A_154, %add3A_87, %dma_wait3A_155] : memref<4x1000x8192xf32, #tpu.memory_space<hbm>> -> memref<1x1x8192xf32, #tpu.memory_space<hbm>>
        %dma_wait3A_157 = tpu.memref_squeeze %dma_wait3A_156 : memref<1x1x8192xf32, #tpu.memory_space<hbm>> -> memref<8192xf32, #tpu.memory_space<hbm>>
        %dma_wait3A_158 = arith.constant 0 : i32
        %dma_wait3A_159 = tpu.memref_slice %arg4[%dma_wait3A_154, %add3A_87, %dma_wait3A_158] : memref<4x1000x8192xf32, #tpu.memory_space<hbm>> -> memref<1x1x8192xf32, #tpu.memory_space<hbm>>
        %dma_wait3A_160 = tpu.memref_squeeze %dma_wait3A_159 : memref<1x1x8192xf32, #tpu.memory_space<hbm>> -> memref<8192xf32, #tpu.memory_space<hbm>>
        tpu.wait_dma2 semaphore(%arg13 : memref<!tpu.dma_semaphore, #tpu.memory_space<semaphore_mem>>) src(%arg9 : memref<8192xf32, #tpu.memory_space<vmem>>) dst(%dma_wait3A_160 : memref<8192xf32, #tpu.memory_space<hbm>>)
        %parallel_loop3A_161 = arith.constant 0 : i32
        %parallel_loop3A_162 = arith.constant 256 : i32
        %parallel_loop3A_163 = arith.constant 1 : i32
        scf.for %parallel_loop3A_171 = %parallel_loop3A_161 to %parallel_loop3A_162 step %parallel_loop3A_163  : i32 {
          %parallel_loop3A_172 = arith.constant 2 : i32
          %parallel_loop3A_173 = arith.muli %parallel_loop3A_171, %parallel_loop3A_172 : i32
          %parallel_loop3A_174 = arith.constant 16 : i32
          %parallel_loop3A_175 = arith.muli %parallel_loop3A_173, %parallel_loop3A_174 : i32
          %parallel_loop3A_176 = arith.constant 24576 : i32
          %parallel_loop3A_177 = arith.addi %parallel_loop3A_176, %parallel_loop3A_175 : i32
          %parallel_loop3A_178 = arith.index_cast %parallel_loop3A_177 : i32 to index
          %parallel_loop3A_179 = tpu.vector_load %arg6[%parallel_loop3A_178] {strides = array<i32>} : memref<32768xi16, #tpu.memory_space<vmem>>, vector<32xi16>,
          %parallel_loop3A_180 = tpu.unpack_subelements %parallel_loop3A_179, 0 {pack_format = #tpu.pack_format<interleaved>} : vector<32xi16> -> vector<16xi32>
          %parallel_loop3A_181 = tpu.unpack_subelements %parallel_loop3A_179, 1 {pack_format = #tpu.pack_format<interleaved>} : vector<32xi16> -> vector<16xi32>
          %parallel_loop3A_182 = arith.constant 65535 : i32
          %parallel_loop3A_183 = vector.broadcast %parallel_loop3A_182 : i32 to vector<16xi32>
          %parallel_loop3A_184 = arith.andi %parallel_loop3A_180, %parallel_loop3A_183 : vector<16xi32>
          %parallel_loop3A_185 = arith.constant 65535 : i32
          %parallel_loop3A_186 = vector.broadcast %parallel_loop3A_185 : i32 to vector<16xi32>
          %parallel_loop3A_187 = arith.andi %parallel_loop3A_181, %parallel_loop3A_186 : vector<16xi32>
          %parallel_loop3A_188 = arith.constant 7 : i32
          %parallel_loop3A_189 = vector.broadcast %parallel_loop3A_188 : i32 to vector<16xi32>
          %parallel_loop3A_190 = arith.shrsi %parallel_loop3A_184, %parallel_loop3A_189 : vector<16xi32>
          %parallel_loop3A_191 = arith.constant 127 : i32
          %parallel_loop3A_192 = vector.broadcast %parallel_loop3A_191 : i32 to vector<16xi32>
          %parallel_loop3A_193 = arith.andi %parallel_loop3A_184, %parallel_loop3A_192 : vector<16xi32>
          %parallel_loop3A_194 = tpu.vector_load_idx %arg7[%parallel_loop3A_190, %parallel_loop3A_193] : memref<512x128xf32, #tpu.memory_space<vmem>>[vector<16xi32>, vector<16xi32>], vector<16xf32>,
          %parallel_loop3A_195 = arith.constant 2 : i32
          %parallel_loop3A_196 = arith.muli %parallel_loop3A_171, %parallel_loop3A_195 : i32
          %parallel_loop3A_197 = arith.constant 16 : i32
          %parallel_loop3A_198 = arith.muli %parallel_loop3A_196, %parallel_loop3A_197 : i32
          %parallel_loop3A_199 = arith.index_cast %parallel_loop3A_198 : i32 to index
          %parallel_loop3A_200 = tpu.vector_load %arg9[%parallel_loop3A_199] {strides = array<i32>} : memref<8192xf32, #tpu.memory_space<vmem>>, vector<16xf32>,
          tpu.vector_store %arg9[%parallel_loop3A_199], %parallel_loop3A_194 {strides = array<i32>} : memref<8192xf32, #tpu.memory_space<vmem>>, vector<16xf32>,
          %parallel_loop3A_201 = arith.constant 7 : i32
          %parallel_loop3A_202 = vector.broadcast %parallel_loop3A_201 : i32 to vector<16xi32>
          %parallel_loop3A_203 = arith.shrsi %parallel_loop3A_187, %parallel_loop3A_202 : vector<16xi32>
          %parallel_loop3A_204 = arith.constant 127 : i32
          %parallel_loop3A_205 = vector.broadcast %parallel_loop3A_204 : i32 to vector<16xi32>
          %parallel_loop3A_206 = arith.andi %parallel_loop3A_187, %parallel_loop3A_205 : vector<16xi32>
          %parallel_loop3A_207 = tpu.vector_load_idx %arg7[%parallel_loop3A_203, %parallel_loop3A_206] : memref<512x128xf32, #tpu.memory_space<vmem>>[vector<16xi32>, vector<16xi32>], vector<16xf32>,
          %parallel_loop3A_208 = arith.constant 2 : i32
          %parallel_loop3A_209 = arith.muli %parallel_loop3A_171, %parallel_loop3A_208 : i32
          %parallel_loop3A_210 = arith.constant 16 : i32
          %parallel_loop3A_211 = arith.muli %parallel_loop3A_209, %parallel_loop3A_210 : i32
          %parallel_loop3A_212 = arith.constant 16 : i32
          %parallel_loop3A_213 = arith.addi %parallel_loop3A_211, %parallel_loop3A_212 : i32
          %parallel_loop3A_214 = arith.index_cast %parallel_loop3A_213 : i32 to index
          %parallel_loop3A_215 = tpu.vector_load %arg9[%parallel_loop3A_214] {strides = array<i32>} : memref<8192xf32, #tpu.memory_space<vmem>>, vector<16xf32>,
          tpu.vector_store %arg9[%parallel_loop3A_214], %parallel_loop3A_207 {strides = array<i32>} : memref<8192xf32, #tpu.memory_space<vmem>>, vector<16xf32>,
        } {sc.loop_unroll_factor = 8 : i64, sc.parallel_access}
        %dma_start3A_164 = arith.constant 3 : i32
        %dma_start3A_165 = arith.constant 0 : i32
        %dma_start3A_166 = tpu.memref_slice %arg4[%dma_start3A_164, %add3A_87, %dma_start3A_165] : memref<4x1000x8192xf32, #tpu.memory_space<hbm>> -> memref<1x1x8192xf32, #tpu.memory_space<hbm>>
        %dma_start3A_167 = tpu.memref_squeeze %dma_start3A_166 : memref<1x1x8192xf32, #tpu.memory_space<hbm>> -> memref<8192xf32, #tpu.memory_space<hbm>>
        %dma_start3A_168 = arith.constant 0 : i32
        %dma_start3A_169 = tpu.memref_slice %arg4[%dma_start3A_164, %add3A_87, %dma_start3A_168] : memref<4x1000x8192xf32, #tpu.memory_space<hbm>> -> memref<1x1x8192xf32, #tpu.memory_space<hbm>>
        %dma_start3A_170 = tpu.memref_squeeze %dma_start3A_169 : memref<1x1x8192xf32, #tpu.memory_space<hbm>> -> memref<8192xf32, #tpu.memory_space<hbm>>
        tpu.enqueue_dma source(%arg9 : memref<8192xf32, #tpu.memory_space<vmem>>) target(%dma_start3A_170 : memref<8192xf32, #tpu.memory_space<hbm>>) target_semaphore(%arg13 : memref<!tpu.dma_semaphore, #tpu.memory_space<semaphore_mem>>)
      } else {
      }
      %scan3A_90 = arith.constant 0 : i32
      scf.yield %scan3A_90 : i32
    }
    %scan3A_67 = arith.constant 32 : i32
    %dma_wait3A = arith.constant 2 : i32
    %dma_wait3A_68 = arith.constant 0 : i32
    %dma_wait3A_69 = arith.constant 0 : i32
    %dma_wait3A_70 = tpu.memref_slice %arg4[%dma_wait3A, %dma_wait3A_68, %dma_wait3A_69] : memref<4x1000x8192xf32, #tpu.memory_space<hbm>> -> memref<1x1x8192xf32, #tpu.memory_space<hbm>>
    %dma_wait3A_71 = tpu.memref_squeeze %dma_wait3A_70 : memref<1x1x8192xf32, #tpu.memory_space<hbm>> -> memref<8192xf32, #tpu.memory_space<hbm>>
    %dma_wait3A_72 = arith.constant 0 : i32
    %dma_wait3A_73 = tpu.memref_slice %arg4[%dma_wait3A, %dma_wait3A_68, %dma_wait3A_72] : memref<4x1000x8192xf32, #tpu.memory_space<hbm>> -> memref<1x1x8192xf32, #tpu.memory_space<hbm>>
    %dma_wait3A_74 = tpu.memref_squeeze %dma_wait3A_73 : memref<1x1x8192xf32, #tpu.memory_space<hbm>> -> memref<8192xf32, #tpu.memory_space<hbm>>
    tpu.wait_dma2 semaphore(%arg12 : memref<!tpu.dma_semaphore, #tpu.memory_space<semaphore_mem>>) src(%arg8 : memref<8192xf32, #tpu.memory_space<vmem>>) dst(%dma_wait3A_74 : memref<8192xf32, #tpu.memory_space<hbm>>)
    %dma_wait3A_75 = arith.constant 3 : i32
    %dma_wait3A_76 = arith.constant 0 : i32
    %dma_wait3A_77 = arith.constant 0 : i32
    %dma_wait3A_78 = tpu.memref_slice %arg4[%dma_wait3A_75, %dma_wait3A_76, %dma_wait3A_77] : memref<4x1000x8192xf32, #tpu.memory_space<hbm>> -> memref<1x1x8192xf32, #tpu.memory_space<hbm>>
    %dma_wait3A_79 = tpu.memref_squeeze %dma_wait3A_78 : memref<1x1x8192xf32, #tpu.memory_space<hbm>> -> memref<8192xf32, #tpu.memory_space<hbm>>
    %dma_wait3A_80 = arith.constant 0 : i32
    %dma_wait3A_81 = tpu.memref_slice %arg4[%dma_wait3A_75, %dma_wait3A_76, %dma_wait3A_80] : memref<4x1000x8192xf32, #tpu.memory_space<hbm>> -> memref<1x1x8192xf32, #tpu.memory_space<hbm>>
    %dma_wait3A_82 = tpu.memref_squeeze %dma_wait3A_81 : memref<1x1x8192xf32, #tpu.memory_space<hbm>> -> memref<8192xf32, #tpu.memory_space<hbm>>
    tpu.wait_dma2 semaphore(%arg13 : memref<!tpu.dma_semaphore, #tpu.memory_space<semaphore_mem>>) src(%arg9 : memref<8192xf32, #tpu.memory_space<vmem>>) dst(%dma_wait3A_82 : memref<8192xf32, #tpu.memory_space<hbm>>)
    return
  }
}

</mosaic_0001>

<sc_bundles>
// kernel: kernel.3.cloned.1.call-start
scs
__scs_entry_jumppad:
0x0: {  	(pc) =	sbr.rel $0x88, $3  }
0x1: {  	(tag) =	ssettag $0x0;
	lr =	simm.s32 $0x1  }
0x2: {  	[smem:$0x3F9F] =	sst lr;
	_ =	strace $0xD0000000  }
0x3: {  	_ = 	snop  }
0x4: {  	_ = 	snop  }
0x5: {  	_ = 	snop  }
0x6: {  	_ = 	snop  }
0x7: {  	_ = 	snop  }
__scs_overlays_trampoline_lowered:
0x8: {  	[smem:$0x3FAE] =	sst s0  }
0x9: {  	[smem:$0x3FAF] =	sst s1  }
0xa: {  	[smem:$0x3FB0] =	sst s2  }
0xb: {  	[smem:$0x3FB1] =	sst s3  }
0xc: {  	[smem:$0x3FB2] =	sst s4  }
0xd: {  	[smem:$0x3FB3] =	sst s5  }
0xe: {  	[smem:$0x3FB4] =	sst s6  }
0xf: {  	[smem:$0x3FB5] =	sst s7  }
0x10: {  	[smem:$0x3FB6] =	sst s8  }
0x11: {  	[smem:$0x3FB7] =	sst s9;
	s0 =	simm.s32 @!p0 $0x0  }
0x12: {  	s1 =	sld [smem:$0x3F9D];
	s0 =	simm.s32 @p0 $0x1  }
0x13: {  	[smem:$0x3FB8] =	sst s0;
	s0 =	simm.s32 @!p1 $0x0  }
0x14: {  	s2 =	sld [smem:$0x3F9C];
	s0 =	simm.s32 @p1 $0x1  }
0x15: {  	[smem:$0x3FB9] =	sst s0;
	s0 =	simm.s32 @!p2 $0x0  }
0x16: {  	s3 =	sld [smem:$0x3FDB];
	s0 =	simm.s32 @p2 $0x1  }
0x17: {  	s4 =	simm.s32 $0x1BF5;
	[smem:$0x3FBB] =	sst s0  }
0x18: {  	s0 =	sld [smem:$0x3F9E];
	_ =	swait.ge [sflag:s4], $0x0  }
0x19: {  	s7 =	sld [smem:$0x3F9F]  }
0x1a: {  	s8 =	sadd.s32 $0xFFFFE003, lr  }
0x1b: {  	s9 =	sadd.s32 $0xFFFFFEF7, lr;
	s5 =	simm.s32 $0xFFFFFFFF;
	p2 =	slt.u32 s8, $0xFFFFF086  }
0x1c: {  	p1 =	slt.u32 s9, $0xF7A;
	s5 =	simm.s32 @!p2 $0x0  }
0x1d: {  	s5 =	simm.s32 @p1 $0x1;
	p0 =	seq.s32 s7, s2  }
0x1e: {  	s7 =	smul.u32 @!p0 $0xF7A, s2;
	p2 =	seq.s32 @!p0 s5, $0x0  }
0x1f: {  	s9 =	smul.u32 $0xF7A, s1;
	s8 =	simm.s32 @!p0 $0x1BF5;
	p2 =	por !p2, p0  }
0x20: {  	[sflag:s8] =	ssyncset.s32 @!p0 $0xFFFFF086;
	s6 =	sadd.s32 @!p0 s3, s7;
	s7 =	simm.s32 @!p0 $0x108  }
0x21: {  	s3 =	sadd.s32 s3, s9;
	s6 =	sadd.s32 @!p0 $0x88, s6;
	s7 =	simm.s32 @p2 $0x1082  }
0x22: {  	[simem:s7], [sflag:s8] =	dma.local @!p0 [hbm:s6], $0xF7A  }
0x23: {  	s9 =	sor.u32 $0xD0000000, s2;
	s6 =	simm.s32 $0x108;
	_ =	swait.ge @!p0 [sflag:s8], $0x0  }
0x24: {  	s3 =	sadd.s32 $0x88, s3;
	s6 =	simm.s32 @!p1 $0x1082;
	[sflag:s4] =	ssyncset.s32 $0xFFFFF086  }
0x25: {  	[simem:s6], [sflag:s4] =	dma.local [hbm:s3], $0xF7A  }
0x26: {  	[smem:$0x3F9F] =	sst s1;
	(tag) =	ssettag s2;
	_ =	strace s9  }
0x27: {  	s1 =	sld [smem:$0x3FAF]  }
0x28: {  	s2 =	sld [smem:$0x3FB0]  }
0x29: {  	s4 =	sld [smem:$0x3FB2]  }
0x2a: {  	p0 =	seq.s32 s5, $0x0;
	s5 =	sld [smem:$0x3FB3]  }
0x2b: {  	s6 =	sld [smem:$0x3FB4]  }
0x2c: {  	s7 =	sld [smem:$0x3FB5]  }
0x2d: {  	s3 =	simm.s32 $0x108;
	s8 =	sld [smem:$0x3FB6]  }
0x2e: {  	s3 =	simm.s32 @!p0 $0x1082;
	s9 =	sld [smem:$0x3FB7]  }
0x2f: {  	lr =	sadd.s32 s0, s3;
	s0 =	sld [smem:$0x3FAE]  }
0x30: {  	s3 =	sld [smem:$0x3FB1]  }
0x31: {  	[smem:$0x3FBA] =	sst s10  }
0x32: {  	s10 =	sld [smem:$0x3FB8];
	_ =	sdelay $0x3  }
0x33: {  	p0 =	seq.s32 s10, $0x1;
	s10 =	sld [smem:$0x3FBA];
	_ =	sdelay $0x3  }
0x34: {  	[smem:$0x3FBA] =	sst s10  }
0x35: {  	s10 =	sld [smem:$0x3FB9];
	_ =	sdelay $0x3  }
0x36: {  	p1 =	seq.s32 s10, $0x1;
	s10 =	sld [smem:$0x3FBA];
	_ =	sdelay $0x3  }
0x37: {  	[smem:$0x3FBA] =	sst s10  }
0x38: {  	s10 =	sld [smem:$0x3FBB]  }
0x39: {  	_ = 	snop;
	(pc) =	sbr.ind lr, $3  }
0x3a: {  	_ = 	snop  }
0x3b: {  	_ = 	snop  }
0x3c: {  	p2 =	seq.s32 s10, $0x1;
	s10 =	sld [smem:$0x3FBA]  }
0x3d: {  	_ =	shalt  }
0x3e: {  	_ =	shalt  }
0x3f: {  	_ =	shalt  }
0x40: {  	_ =	shalt  }
0x41: {  	_ =	shalt  }
0x42: {  	_ =	shalt  }
0x43: {  	_ =	shalt  }
0x44: {  	_ =	shalt  }
0x45: {  	_ =	shalt  }
0x46: {  	_ =	shalt  }
0x47: {  	_ =	shalt  }
0x48: {  	_ =	shalt  }
0x49: {  	_ =	shalt  }
0x4a: {  	_ =	shalt  }
0x4b: {  	_ =	shalt  }
0x4c: {  	_ =	shalt  }
0x4d: {  	_ =	shalt  }
0x4e: {  	_ =	shalt  }
0x4f: {  	_ =	shalt  }
0x50: {  	_ =	shalt  }
0x51: {  	_ =	shalt  }
0x52: {  	_ =	shalt  }
0x53: {  	_ =	shalt  }
0x54: {  	_ =	shalt  }
0x55: {  	_ =	shalt  }
0x56: {  	_ =	shalt  }
0x57: {  	_ =	shalt  }
0x58: {  	_ =	shalt  }
0x59: {  	_ =	shalt  }
0x5a: {  	_ =	shalt  }
0x5b: {  	_ =	shalt  }
0x5c: {  	_ =	shalt  }
0x5d: {  	_ =	shalt  }
0x5e: {  	_ =	shalt  }
0x5f: {  	_ =	shalt  }
0x60: {  	_ =	shalt  }
0x61: {  	_ =	shalt  }
0x62: {  	_ =	shalt  }
0x63: {  	_ =	shalt  }
0x64: {  	_ =	shalt  }
0x65: {  	_ =	shalt  }
0x66: {  	_ =	shalt  }
0x67: {  	_ =	shalt  }
0x68: {  	_ =	shalt  }
0x69: {  	_ =	shalt  }
0x6a: {  	_ =	shalt  }
0x6b: {  	_ =	shalt  }
0x6c: {  	_ =	shalt  }
0x6d: {  	_ =	shalt  }
0x6e: {  	_ =	shalt  }
0x6f: {  	_ =	shalt  }
0x70: {  	_ =	shalt  }
0x71: {  	_ =	shalt  }
0x72: {  	_ =	shalt  }
0x73: {  	_ =	shalt  }
0x74: {  	_ =	shalt  }
0x75: {  	_ =	shalt  }
0x76: {  	_ =	shalt  }
0x77: {  	_ =	shalt  }
0x78: {  	_ =	shalt  }
0x79: {  	_ =	shalt  }
0x7a: {  	_ =	shalt  }
0x7b: {  	_ =	shalt  }
0x7c: {  	_ =	shalt  }
0x7d: {  	_ =	shalt  }
0x7e: {  	_ =	shalt  }
0x7f: {  	_ =	shalt  }
0x80: {  	_ =	shalt  }
0x81: {  	_ =	shalt  }
0x82: {  	_ =	shalt  }
0x83: {  	_ =	shalt  }
0x84: {  	_ =	shalt  }
0x85: {  	_ =	shalt  }
0x86: {  	_ =	shalt  }
0x87: {  	_ =	shalt  }
.Lfunc_end0:
.L_simem_size_0:
called_computation_lowered:
.L_overlay_start_0:
0x88: {  	s2 =	sld [smem:$0x3FD9]  }
0x89: {  	s3 =	sld [smem:$0x3FFE];
	_ =	sdelay $0x1  }
0x8a: {  	s1 =	srdreg.scid  }
0x8b: {  	s0 =	sand.u32 $0x1, s1  }
0x8c: {  	s17 =	sshll.u32 s0, $0xA;
	s2 =	sadd.s32 s3, s2  }
0x8d: {  	s2 =	sadd.s32 s2, s17  }
0x8e: {  	[smem:$0x3FC6] =	sst s2  }
0x8f: {  	_ = 	snop  }
0x90: {  	s2 =	sld [smem:$0x3FC8]  }
0x91: {  	s18 =	sld [smem:$0x3FD0];
	(tm) =	ssettm $0x1  }
0x92: {  	s4 =	sld [smem:$0x3FFB];
	_ =	sdelay $0x3  }
0x93: {  	_ =	strace s4  }
0x94: {  	s4 =	sld [smem:$0x3FFC];
	_ =	sdelay $0x3  }
0x95: {  	_ =	strace s4  }
0x96: {  	s4 =	sld [smem:$0x3FFD];
	_ =	sdelay $0x3  }
0x97: {  	_ =	strace s4  }
0x98: {  	_ =	strace $0x8FFFFFFF  }
0x99: {  	s19 =	sld [smem:$0x3FDB];
	_ =	sdelay $0x1  }
0x9a: {  	s5 =	simm.s32 $_scs_section_size  }
0x9b: {  	s6 =	simm.s32 $_size__tile_overlayer_lowered;
	s7 =	simm.s32 $_tile_overlayer_lowered  }
0x9c: {  	s22 =	simm.s32 $0x1BFF;
	s21 =	sshll.u32 s7, $0x1;
	s4 =	sadd.s32 s5, s19  }
0x9d: {  	s8 =	simm.s32 $0x0;
	s20 =	sshll.u32 s6, $0x1;
	s6 =	sadd.s32 s21, s4  }
0x9e: {  	[timem:s8], [sflag:s22] =	dma.local [hbm:s6], s20  }
0x9f: {  	_ =	swait.ge [sflag:s22], s20  }
0xa0: {  	s5 =	ssub.s32 $0x0, s20;
	[sflag:s22] =	ssyncset.done $0x0  }
0xa1: {  	[sflag:s22] =	ssyncadd.s32 s5;
	_ =	sdelay $0x1  }
0xa2: {  	s23 =	simm.s32 $0x1B8B  }
0xa3: {  	_ =	swait.ge [sflag:s23], $0x1  }
0xa4: {  	[sflag:s23] =	ssyncset.done $0x0  }
0xa5: {  	s25 =	simm.s32 $0x1B8E;
	s24 =	sld [smem:$0x3FFE];
	[sflag:s23] =	ssyncadd.s32 $0xFFFFFFFF  }
0xa6: {  	s26 =	simm.s32 $execute0_lowered;
	[smem:$0x3FD2] =	sst s25  }
0xa7: {  	s6 =	sshll.u32 s26, $0x1;
	_ =	strace $0x80000046;
	[dreg:$0x1] =	wrdreg $0xFFFFFFFF  }
0xa8: {  	s28 =	simm.s32 $_size_execute0_lowered;
	s4 =	sadd.s32 s4, s6;
	[dreg:$0x0] =	wrdreg $0x0  }
0xa9: {  	s6 =	sshll.u32 s28, $0x1;
	[dreg:$0x2] =	wrdreg s4  }
0xaa: {  	[dreg:$0x3] =	wrdreg s6  }
0xab: {  	[dreg:$0x4] =	wrdreg $0xC0  }
0xac: {  	_ =	task [dreg:s8], $0x5FFFF  }
0xad: {  	[dreg:$0x1] =	wrdreg $0xFFFFFFFF  }
0xae: {  	[dreg:$0x0] =	wrdreg $0x60  }
0xaf: {  	[dreg:$0x2] =	wrdreg s18  }
0xb0: {  	[dreg:$0x3] =	wrdreg s2  }
0xb1: {  	[dreg:$0x4] =	wrdreg s24  }
0xb2: {  	[dreg:$0x5] =	wrdreg $0x9  }
0xb3: {  	_ =	task.clear_ibuf [dreg:s8], $0x6FFFF;
	_ =	strace $0x90000046  }
0xb4: {  	s29 =	simm.s32 $0x9;
	_ =	strace $0x80000048  }
0xb5: {  	_ =	swait.ge [sflag:s29], $0x1  }
0xb6: {  	[sflag:s29] =	ssyncadd.s32 $0xFFFFFFFF  }
0xb7: {  	_ =	strace $0x90000048  }
0xb8: {  	_ =	sfence  }
0xb9: {  	s30 =	sld [smem:$0x0];
	_ =	sdelay $0x2  }
0xba: {  	s31 =	sshll.u32 s1, $0xD;
	s1 =	sshrl.u32 s1, $0x2  }
0xbb: {  	s3 =	sand.u32 $0x4000, s31;
	s1 =	sadd.s32 s1, s30  }
0xbc: {  	s0 =	sor.u32 s3, s0;
	s1 =	sshll.u32 s1, $0x11  }
0xbd: {  	s0 =	sor.u32 s1, s0  }
0xbe: {  	s0 =	sadd.s32 $0x8F2B, s0  }
0xbf: {  	[sflag:s0] =	ssyncadd.remote.s32 $0x1  }
0xc0: {  	_ =	sfence.sel $0xFFFF  }
0xc1: {  	[dreg:$0x0] =	wrdreg $0xFFFFFFFF;
	(pc) =	sbr.abs _section_cstart, $3  }
0xc2: {  	[dreg:$0x1] =	wrdreg $0xFFFFFFFF  }
0xc3: {  	_ =	task.clear_ibuf [dreg:s8], $0x2FFFF;
	_ =	strace $0x9FFFFFFF  }
0xc4: {  	(tm) =	ssettm $0x7FFFFFFF  }
0xc5: {  	_ =	shalt  }
tec
execute0_lowered:
.L_overlay_start_1:
0x0: {  	(tag) =	ssettag $0x1  }
0x1: {  	s8 =	rddreg [dreg:$0x0]  }
0x2: {  	s0 =	rddreg [dreg:$0x1]  }
0x3: {  	s1 =	rddreg [dreg:$0x2];
	s3 =	simm.s32 $0x0  }
0x4: {  	[smem:$0x7FF] =	sst s3;
	s9 =	sadd.s32 $0x100, s8  }
0x5: {  	s10 =	sadd.s32 $0x1FF, s8;
	_ =	strace $0x80000047;
	[dreg:$0x5] =	wrdreg s9  }
0x6: {  	s11 =	sadd.s32 $0x200, s8;
	[dreg:$0x6] =	wrdreg s10  }
0x7: {  	s12 =	sadd.s32 $0x2FF, s8;
	[dreg:$0x7] =	wrdreg s11  }
0x8: {  	s13 =	sadd.s32 $0x300, s8;
	[dreg:$0x8] =	wrdreg s12  }
0x9: {  	s14 =	sadd.s32 $0x400, s8;
	[dreg:$0x9] =	wrdreg s13  }
0xa: {  	s15 =	sadd.s32 $0x4FF, s8;
	[dreg:$0xa] =	wrdreg s14  }
0xb: {  	s2 =	srdreg.scid;
	s16 =	sadd.s32 $0x500, s8;
	[dreg:$0xb] =	wrdreg s15  }
0xc: {  	s4 =	stileid.u32;
	s17 =	sadd.s32 $0x5FF, s8;
	[dreg:$0xc] =	wrdreg s16  }
0xd: {  	s2 =	sand.u32 $0x1, s2;
	s18 =	sadd.s32 $0x600, s8;
	[dreg:$0xd] =	wrdreg s17  }
0xe: {  	s7 =	sshll.u32 s4, $0x1;
	s19 =	sadd.s32 $0x6FF, s8;
	[dreg:$0xe] =	wrdreg s18  }
0xf: {  	s4 =	sadd.s32 $0x400, s1;
	s20 =	sadd.s32 $0x700, s8;
	[dreg:$0xf] =	wrdreg s19  }
0x10: {  	s21 =	sadd.s32 $0x800, s8;
	s23 =	sadd.s32 $0x8FF, s8;
	[dreg:$0x10] =	wrdreg s20  }
0x11: {  	s24 =	sadd.s32 $0x900, s8;
	s25 =	sadd.s32 $0x9FF, s8;
	[dreg:$0x11] =	wrdreg s21  }
0x12: {  	s26 =	sadd.s32 $0xA00, s8;
	s28 =	sadd.s32 $0xB00, s8;
	[dreg:$0x12] =	wrdreg s23  }
0x13: {  	s29 =	sadd.s32 $0xC00, s8;
	s30 =	sadd.s32 $0xCFF, s8;
	[dreg:$0x13] =	wrdreg s24  }
0x14: {  	s31 =	sadd.s32 $0xD00, s8;
	s5 =	ssub.s32 $0x2, s2;
	[dreg:$0x14] =	wrdreg s25  }
0x15: {  	[dreg:$0x15] =	wrdreg s26;
	s26 =	sadd.s32 $0xAFF, s8;
	s9 =	simm.s32 $0x80  }
0x16: {  	s10 =	simm.s32 $0x400;
	s11 =	simm.s32 $0x4808;
	s12 =	simm.s32 $0x1  }
0x17: {  	s13 =	simm.s32 $0x14808;
	s14 =	simm.s32 $0x16808;
	s15 =	simm.s32 $0x2  }
0x18: {  	s16 =	simm.s32 $0x3;
	s17 =	simm.s32 $0x0;
	s6 =	sshrl.u32 s5, $0x1  }
.Ltmp0:
0x19: {  	s1 =	ssub.s32 s5, s6;
	s5 =	sor.u32 s2, s7;
	(pc) =	sbr.rel .LBB2_1-.Ltmp0, $4  }
0x1a: {  	s7 =	sadd.s32 $0xFF, s8;
	s6 =	sadd.s32 $0xF00, s8;
	s22 =	sshll.u32 s5, $0x4  }
0x1b: {  	[dreg:$0x4] =	wrdreg s7;
	s25 =	smax.u32 s1, $0x1;
	s2 =	sand.u32 $0x70, s22  }
0x1c: {  	s1 =	sadd.s32 $0xEFF, s8;
	s7 =	simm.s32 $0x8;
	s23 =	sadd.s32 s0, s2  }
0x1d: {  	v0 =	vimm.s32 $0x0;
	s0 =	sadd.s32 $0xDFF, s8;
	s2 =	sadd.s32 $0xE00, s8;
	s8 =	simm.s32 $0x4  }
.LBB2_45:
0x1e: {  	s17 =	sadd.s32 $0x1, s17  }
0x1f: {  	_ =	swait.ge [sflag:s15], $0x2000;
	p0 =	sne.s32 s17, s25  }
.Ltmp1:
0x20: {  	[sflag:s15] =	ssyncset.done $0x0;
	(pc) =	sbr.rel @!p0 .LBB2_46-.Ltmp1, $4  }
0x21: {  	[sflag:s15] =	ssyncadd.s32 $0xFFFFE000  }
0x22: {  	_ =	swait.ge [sflag:s16], $0x2000  }
0x23: {  	[sflag:s16] =	ssyncset.done $0x0  }
0x24: {  	[sflag:s16] =	ssyncadd.s32 $0xFFFFE000  }
.LBB2_1:
0x25: {  	[tilespmem:$0x0] =	vst v0;
	s18 =	rddreg [dreg:$0x0]  }
0x26: {  	[tilespmem:s7], [sflag:$0x4] =	stream.linear.gather [hbm4b:s18+s3], $0x800, $0x38;
	[tilespmem:$0x18808] =	vst v63  }
0x27: {  	_ =	swait.ge [sflag:s8], $0x800  }
0x28: {  	[sflag:s8] =	ssyncset.done $0x0  }
0x29: {  	s20 =	simm.s32 $0x47;
	[sflag:s8] =	ssyncadd.s32 $0xFFFFF800  }
0x2a: {  	v1 =	vld [tilespmem:s20+$0x20]  }
0x2b: {  	v2 =	vld [tilespmem:s20+$0x30]  }
0x2c: {  	v3 =	vld [tilespmem:s20+$0x21]  }
0x2d: {  	v4 =	vld [tilespmem:s20+$0x31]  }
0x2e: {  	v5 =	vld [tilespmem:s20+$0xFFFFFFC0]  }
0x2f: {  	v6 =	vld [tilespmem:s20+$0xFFFFFFD0]  }
0x30: {  	v7 =	vld [tilespmem:s20+$0xFFFFFFE0]  }
0x31: {  	v8 =	vld [tilespmem:s20+$0xFFFFFFF0]  }
0x32: {  	v11 =	vld [tilespmem:s20+$0x0]  }
0x33: {  	v12 =	vld [tilespmem:s20+$0x10]  }
0x34: {  	v13 =	vld [tilespmem:s20+$0xFFFFFFD1];
	v1 =	vmul.u32 $0x4243, v1;
	v9 =	vmul.u32 $0x4243, v2  }
0x35: {  	v2 =	vld [tilespmem:s20+$0xFFFFFFE1]  }
0x36: {  	v14 =	vmul.u32 $0x4243, v6;
	v3 =	vadd.s32 v3, v1;
	v9 =	vadd.s32 v4, v9;
	v4 =	vld [tilespmem:s20+$0xFFFFFFF1]  }
0x37: {  	v1 =	vmul.u32 $0x4243, v5;
	v5 =	vand.u32 $0xFFFF, v3;
	v9 =	vand.u32 $0xFFFF, v9;
	v3 =	vld [tilespmem:s20+$0x1]  }
0x38: {  	s18 =	simm.s32 $0x828;
	v10 =	vmul.u32 $0x4243, v7;
	v7 =	vmul.u32 $0x4243, v12;
	v6 =	vpack.i.b32.b16 v9, v5;
	v5 =	vld [tilespmem:s20+$0x11]  }
0x39: {  	s19 =	simm.s32 $0x0;
	v9 =	vmul.u32 $0x4243, v8;
	v8 =	vmul.u32 $0x4243, v11;
	v11 =	vadd.s32 v13, v14;
	[tilespmem:s18+$0x10] =	vst v6;
	v6 =	vld [tilespmem:s20+$0xFFFFFFC1];
	s20 =	simm.s32 $0xC7  }
.LBB2_2:
0x3a: {  	v12 =	vld [tilespmem:s20+$0x20];
	v11 =	vand.u32 $0xFFFF, v11;
	v2 =	vadd.s32 v2, v10  }
0x3b: {  	s19 =	sadd.s32 $0x4, s19;
	v10 =	vld [tilespmem:s20+$0x30];
	v2 =	vand.u32 $0xFFFF, v2;
	v4 =	vadd.s32 v4, v9  }
0x3c: {  	p0 =	slt.u32 s19, $0x3C;
	v9 =	vld [tilespmem:s20+$0x21];
	v4 =	vand.u32 $0xFFFF, v4;
	v3 =	vadd.s32 v3, v8  }
0x3d: {  	v8 =	vld [tilespmem:s20+$0x31];
	v2 =	vpack.i.b32.b16 v4, v2;
	v3 =	vand.u32 $0xFFFF, v3;
	v4 =	vadd.s32 v5, v7  }
0x3e: {  	v5 =	vld [tilespmem:s20+$0xFFFFFFC0];
	v1 =	vadd.s32 v6, v1;
	[tilespmem:s18+$0xFFFFFFF0] =	vst v2;
	v2 =	vand.u32 $0xFFFF, v4  }
0x3f: {  	v4 =	vld [tilespmem:s20+$0xFFFFFFD0];
	v1 =	vand.u32 $0xFFFF, v1;
	v2 =	vpack.i.b32.b16 v2, v3  }
0x40: {  	v6 =	vmul.u32 $0x4243, v12;
	v3 =	vld [tilespmem:s20+$0xFFFFFFE0];
	v7 =	vmul.u32 $0x4243, v10;
	v1 =	vpack.i.b32.b16 v11, v1;
	[tilespmem:s18+$0x0] =	vst v2  }
0x41: {  	v11 =	vld [tilespmem:s20+$0xFFFFFFF0];
	[tilespmem:s18+$0xFFFFFFE0] =	vst v1  }
0x42: {  	v2 =	vadd.s32 v9, v6;
	v12 =	vld [tilespmem:s20+$0x0];
	v6 =	vadd.s32 v8, v7  }
0x43: {  	v2 =	vand.u32 $0xFFFF, v2;
	v1 =	vmul.u32 $0x4243, v5;
	v7 =	vld [tilespmem:s20+$0x10];
	v5 =	vand.u32 $0xFFFF, v6  }
0x44: {  	s18 =	sadd.s32 $0x40, s18;
	v13 =	vld [tilespmem:s20+$0xFFFFFFD1];
	v14 =	vmul.u32 $0x4243, v4;
	v4 =	vpack.i.b32.b16 v5, v2  }
.Ltmp2:
0x45: {  	v2 =	vld [tilespmem:s20+$0xFFFFFFE1];
	v10 =	vmul.u32 $0x4243, v3;
	[tilespmem:s18+$0x10] =	vst v4;
	(pc) =	sbr.rel @p0 .LBB2_2-.Ltmp2, $4  }
0x46: {  	v4 =	vld [tilespmem:s20+$0xFFFFFFF1];
	v9 =	vmul.u32 $0x4243, v11  }
0x47: {  	v3 =	vld [tilespmem:s20+$0x1];
	v8 =	vmul.u32 $0x4243, v12  }
0x48: {  	v5 =	vld [tilespmem:s20+$0x11];
	v7 =	vmul.u32 $0x4243, v7  }
0x49: {  	v6 =	vld [tilespmem:s20+$0xFFFFFFC1];
	v11 =	vadd.s32 v13, v14;
	s20 =	sadd.s32 $0x80, s20  }
0x4a: {  	_ = 	snop  }
0x4b: {  	v2 =	vadd.s32 v2, v10;
	v4 =	vadd.s32 v4, v9  }
0x4c: {  	v2 =	vand.u32 $0xFFFF, v2;
	v4 =	vand.u32 $0xFFFF, v4  }
0x4d: {  	v3 =	vadd.s32 v3, v8;
	v2 =	vpack.i.b32.b16 v4, v2;
	v4 =	vadd.s32 v5, v7  }
0x4e: {  	v3 =	vand.u32 $0xFFFF, v3;
	v1 =	vadd.s32 v6, v1;
	v4 =	vand.u32 $0xFFFF, v4  }
0x4f: {  	v5 =	vand.u32 $0xFFFF, v11;
	[tilespmem:s18+$0xFFFFFFF0] =	vst v2;
	v1 =	vand.u32 $0xFFFF, v1;
	v2 =	vpack.i.b32.b16 v4, v3  }
0x50: {  	v1 =	vpack.i.b32.b16 v5, v1;
	[tilespmem:s18+$0x0] =	vst v2  }
0x51: {  	[tilespmem:s18+$0xFFFFFFE0] =	vst v1  }
0x52: {  	s18 =	rddreg [dreg:$0x4]  }
0x53: {  	[tilespmem:s3], [sflag:$0x4] =	stream.linear.gather [hbm4b:s18+s3], $0x8, $0x38;
	[tilespmem:$0x18808] =	vst v63  }
0x54: {  	_ =	swait.ge [sflag:s8], $0x8  }
0x55: {  	[sflag:s8] =	ssyncset.done $0x0  }
0x56: {  	s24 =	rddreg [dreg:$0x5];
	[sflag:s8] =	ssyncadd.s32 $0xFFFFFFF8  }
0x57: {  	[tilespmem:s7], [sflag:$0x4] =	stream.linear.gather [hbm4b:s24+s3], $0x800, $0x38;
	[tilespmem:$0x18808] =	vst v63  }
0x58: {  	_ =	swait.ge [sflag:s8], $0x800  }
0x59: {  	[sflag:s8] =	ssyncset.done $0x0  }
0x5a: {  	s20 =	simm.s32 $0x47;
	[sflag:s8] =	ssyncadd.s32 $0xFFFFF800  }
0x5b: {  	v1 =	vld [tilespmem:s20+$0x20]  }
0x5c: {  	v2 =	vld [tilespmem:s20+$0x30]  }
0x5d: {  	v3 =	vld [tilespmem:s20+$0x21]  }
0x5e: {  	v4 =	vld [tilespmem:s20+$0x31]  }
0x5f: {  	v5 =	vld [tilespmem:s20+$0xFFFFFFC0]  }
0x60: {  	v6 =	vld [tilespmem:s20+$0xFFFFFFD0]  }
0x61: {  	v7 =	vld [tilespmem:s20+$0xFFFFFFE0]  }
0x62: {  	v8 =	vld [tilespmem:s20+$0xFFFFFFF0]  }
0x63: {  	v11 =	vld [tilespmem:s20+$0x0]  }
0x64: {  	v12 =	vld [tilespmem:s20+$0x10]  }
0x65: {  	v13 =	vld [tilespmem:s20+$0xFFFFFFD1];
	v1 =	vmul.u32 $0x4243, v1;
	v9 =	vmul.u32 $0x4243, v2  }
0x66: {  	v2 =	vld [tilespmem:s20+$0xFFFFFFE1]  }
0x67: {  	v14 =	vmul.u32 $0x4243, v6;
	v3 =	vadd.s32 v3, v1;
	v9 =	vadd.s32 v4, v9;
	v4 =	vld [tilespmem:s20+$0xFFFFFFF1]  }
0x68: {  	v1 =	vmul.u32 $0x4243, v5;
	v5 =	vand.u32 $0xFFFF, v3;
	v9 =	vand.u32 $0xFFFF, v9;
	v3 =	vld [tilespmem:s20+$0x1]  }
0x69: {  	s18 =	simm.s32 $0xC38;
	v10 =	vmul.u32 $0x4243, v7;
	v7 =	vmul.u32 $0x4243, v12;
	v6 =	vpack.i.b32.b16 v9, v5;
	v5 =	vld [tilespmem:s20+$0x11]  }
0x6a: {  	s19 =	simm.s32 $0x0;
	v9 =	vmul.u32 $0x4243, v8;
	v8 =	vmul.u32 $0x4243, v11;
	v11 =	vadd.s32 v13, v14;
	[tilespmem:s18+$0x0] =	vst v6;
	v6 =	vld [tilespmem:s20+$0xFFFFFFC1];
	s20 =	simm.s32 $0xC7  }
.LBB2_4:
0x6b: {  	v12 =	vld [tilespmem:s20+$0x20];
	v11 =	vand.u32 $0xFFFF, v11;
	v2 =	vadd.s32 v2, v10  }
0x6c: {  	s19 =	sadd.s32 $0x4, s19;
	v10 =	vld [tilespmem:s20+$0x30];
	v2 =	vand.u32 $0xFFFF, v2;
	v4 =	vadd.s32 v4, v9  }
0x6d: {  	p0 =	slt.u32 s19, $0x3C;
	v9 =	vld [tilespmem:s20+$0x21];
	v4 =	vand.u32 $0xFFFF, v4;
	v3 =	vadd.s32 v3, v8  }
0x6e: {  	v8 =	vld [tilespmem:s20+$0x31];
	v2 =	vpack.i.b32.b16 v4, v2;
	v3 =	vand.u32 $0xFFFF, v3;
	v4 =	vadd.s32 v5, v7  }
0x6f: {  	v5 =	vld [tilespmem:s20+$0xFFFFFFC0];
	v1 =	vadd.s32 v6, v1;
	[tilespmem:s18+$0xFFFFFFE0] =	vst v2;
	v2 =	vand.u32 $0xFFFF, v4  }
0x70: {  	v4 =	vld [tilespmem:s20+$0xFFFFFFD0];
	v1 =	vand.u32 $0xFFFF, v1;
	v2 =	vpack.i.b32.b16 v2, v3  }
0x71: {  	v6 =	vmul.u32 $0x4243, v12;
	v3 =	vld [tilespmem:s20+$0xFFFFFFE0];
	v7 =	vmul.u32 $0x4243, v10;
	v1 =	vpack.i.b32.b16 v11, v1;
	[tilespmem:s18+$0xFFFFFFF0] =	vst v2  }
0x72: {  	v11 =	vld [tilespmem:s20+$0xFFFFFFF0];
	[tilespmem:s18+$0xFFFFFFD0] =	vst v1  }
0x73: {  	v2 =	vadd.s32 v9, v6;
	v12 =	vld [tilespmem:s20+$0x0];
	v6 =	vadd.s32 v8, v7  }
0x74: {  	v2 =	vand.u32 $0xFFFF, v2;
	v1 =	vmul.u32 $0x4243, v5;
	v7 =	vld [tilespmem:s20+$0x10];
	v5 =	vand.u32 $0xFFFF, v6  }
0x75: {  	s18 =	sadd.s32 $0x40, s18;
	v13 =	vld [tilespmem:s20+$0xFFFFFFD1];
	v14 =	vmul.u32 $0x4243, v4;
	v4 =	vpack.i.b32.b16 v5, v2  }
.Ltmp3:
0x76: {  	v2 =	vld [tilespmem:s20+$0xFFFFFFE1];
	v10 =	vmul.u32 $0x4243, v3;
	[tilespmem:s18+$0x0] =	vst v4;
	(pc) =	sbr.rel @p0 .LBB2_4-.Ltmp3, $4  }
0x77: {  	v4 =	vld [tilespmem:s20+$0xFFFFFFF1];
	v9 =	vmul.u32 $0x4243, v11  }
0x78: {  	v3 =	vld [tilespmem:s20+$0x1];
	v8 =	vmul.u32 $0x4243, v12  }
0x79: {  	v5 =	vld [tilespmem:s20+$0x11];
	v7 =	vmul.u32 $0x4243, v7  }
0x7a: {  	v6 =	vld [tilespmem:s20+$0xFFFFFFC1];
	v11 =	vadd.s32 v13, v14;
	s20 =	sadd.s32 $0x80, s20  }
0x7b: {  	_ = 	snop  }
0x7c: {  	v2 =	vadd.s32 v2, v10;
	v4 =	vadd.s32 v4, v9  }
0x7d: {  	v2 =	vand.u32 $0xFFFF, v2;
	v4 =	vand.u32 $0xFFFF, v4  }
0x7e: {  	v3 =	vadd.s32 v3, v8;
	v2 =	vpack.i.b32.b16 v4, v2;
	v4 =	vadd.s32 v5, v7  }
0x7f: {  	v3 =	vand.u32 $0xFFFF, v3;
	v1 =	vadd.s32 v6, v1;
	v4 =	vand.u32 $0xFFFF, v4  }
0x80: {  	v5 =	vand.u32 $0xFFFF, v11;
	[tilespmem:s18+$0xFFFFFFE0] =	vst v2;
	v1 =	vand.u32 $0xFFFF, v1;
	v2 =	vpack.i.b32.b16 v4, v3  }
0x81: {  	v1 =	vpack.i.b32.b16 v5, v1;
	[tilespmem:s18+$0xFFFFFFF0] =	vst v2  }
0x82: {  	[tilespmem:s18+$0xFFFFFFD0] =	vst v1  }
0x83: {  	s18 =	rddreg [dreg:$0x6]  }
0x84: {  	[tilespmem:s3], [sflag:$0x4] =	stream.linear.gather [hbm4b:s18+s3], $0x8, $0x38;
	[tilespmem:$0x18808] =	vst v63  }
0x85: {  	_ =	swait.ge [sflag:s8], $0x8  }
0x86: {  	[sflag:s8] =	ssyncset.done $0x0  }
0x87: {  	s24 =	rddreg [dreg:$0x7];
	[sflag:s8] =	ssyncadd.s32 $0xFFFFFFF8  }
0x88: {  	[tilespmem:s7], [sflag:$0x4] =	stream.linear.gather [hbm4b:s24+s3], $0x800, $0x38;
	[tilespmem:$0x18808] =	vst v63  }
0x89: {  	_ =	swait.ge [sflag:s8], $0x800  }
0x8a: {  	[sflag:s8] =	ssyncset.done $0x0  }
0x8b: {  	s20 =	simm.s32 $0x47;
	[sflag:s8] =	ssyncadd.s32 $0xFFFFF800  }
0x8c: {  	v1 =	vld [tilespmem:s20+$0x20]  }
0x8d: {  	v2 =	vld [tilespmem:s20+$0x30]  }
0x8e: {  	v3 =	vld [tilespmem:s20+$0x21]  }
0x8f: {  	v4 =	vld [tilespmem:s20+$0x31]  }
0x90: {  	v5 =	vld [tilespmem:s20+$0xFFFFFFC0]  }
0x91: {  	v6 =	vld [tilespmem:s20+$0xFFFFFFD0]  }
0x92: {  	v7 =	vld [tilespmem:s20+$0xFFFFFFE0]  }
0x93: {  	v8 =	vld [tilespmem:s20+$0xFFFFFFF0]  }
0x94: {  	v11 =	vld [tilespmem:s20+$0x0]  }
0x95: {  	v12 =	vld [tilespmem:s20+$0x10]  }
0x96: {  	v13 =	vld [tilespmem:s20+$0xFFFFFFD1];
	v1 =	vmul.u32 $0x4243, v1;
	v9 =	vmul.u32 $0x4243, v2  }
0x97: {  	v2 =	vld [tilespmem:s20+$0xFFFFFFE1]  }
0x98: {  	v14 =	vmul.u32 $0x4243, v6;
	v3 =	vadd.s32 v3, v1;
	v9 =	vadd.s32 v4, v9;
	v4 =	vld [tilespmem:s20+$0xFFFFFFF1]  }
0x99: {  	v1 =	vmul.u32 $0x4243, v5;
	v5 =	vand.u32 $0xFFFF, v3;
	v9 =	vand.u32 $0xFFFF, v9;
	v3 =	vld [tilespmem:s20+$0x1]  }
0x9a: {  	s18 =	simm.s32 $0x1038;
	v10 =	vmul.u32 $0x4243, v7;
	v7 =	vmul.u32 $0x4243, v12;
	v6 =	vpack.i.b32.b16 v9, v5;
	v5 =	vld [tilespmem:s20+$0x11]  }
0x9b: {  	s19 =	simm.s32 $0x0;
	v9 =	vmul.u32 $0x4243, v8;
	v8 =	vmul.u32 $0x4243, v11;
	v11 =	vadd.s32 v13, v14;
	[tilespmem:s18+$0x0] =	vst v6;
	v6 =	vld [tilespmem:s20+$0xFFFFFFC1];
	s20 =	simm.s32 $0xC7  }
.LBB2_6:
0x9c: {  	v12 =	vld [tilespmem:s20+$0x20];
	v11 =	vand.u32 $0xFFFF, v11;
	v2 =	vadd.s32 v2, v10  }
0x9d: {  	s19 =	sadd.s32 $0x4, s19;
	v10 =	vld [tilespmem:s20+$0x30];
	v2 =	vand.u32 $0xFFFF, v2;
	v4 =	vadd.s32 v4, v9  }
0x9e: {  	p0 =	slt.u32 s19, $0x3C;
	v9 =	vld [tilespmem:s20+$0x21];
	v4 =	vand.u32 $0xFFFF, v4;
	v3 =	vadd.s32 v3, v8  }
0x9f: {  	v8 =	vld [tilespmem:s20+$0x31];
	v2 =	vpack.i.b32.b16 v4, v2;
	v3 =	vand.u32 $0xFFFF, v3;
	v4 =	vadd.s32 v5, v7  }
0xa0: {  	v5 =	vld [tilespmem:s20+$0xFFFFFFC0];
	v1 =	vadd.s32 v6, v1;
	[tilespmem:s18+$0xFFFFFFE0] =	vst v2;
	v2 =	vand.u32 $0xFFFF, v4  }
0xa1: {  	v4 =	vld [tilespmem:s20+$0xFFFFFFD0];
	v1 =	vand.u32 $0xFFFF, v1;
	v2 =	vpack.i.b32.b16 v2, v3  }
0xa2: {  	v6 =	vmul.u32 $0x4243, v12;
	v3 =	vld [tilespmem:s20+$0xFFFFFFE0];
	v7 =	vmul.u32 $0x4243, v10;
	v1 =	vpack.i.b32.b16 v11, v1;
	[tilespmem:s18+$0xFFFFFFF0] =	vst v2  }
0xa3: {  	v11 =	vld [tilespmem:s20+$0xFFFFFFF0];
	[tilespmem:s18+$0xFFFFFFD0] =	vst v1  }
0xa4: {  	v2 =	vadd.s32 v9, v6;
	v12 =	vld [tilespmem:s20+$0x0];
	v6 =	vadd.s32 v8, v7  }
0xa5: {  	v2 =	vand.u32 $0xFFFF, v2;
	v1 =	vmul.u32 $0x4243, v5;
	v7 =	vld [tilespmem:s20+$0x10];
	v5 =	vand.u32 $0xFFFF, v6  }
0xa6: {  	s18 =	sadd.s32 $0x40, s18;
	v13 =	vld [tilespmem:s20+$0xFFFFFFD1];
	v14 =	vmul.u32 $0x4243, v4;
	v4 =	vpack.i.b32.b16 v5, v2  }
.Ltmp4:
0xa7: {  	v2 =	vld [tilespmem:s20+$0xFFFFFFE1];
	v10 =	vmul.u32 $0x4243, v3;
	[tilespmem:s18+$0x0] =	vst v4;
	(pc) =	sbr.rel @p0 .LBB2_6-.Ltmp4, $4  }
0xa8: {  	v4 =	vld [tilespmem:s20+$0xFFFFFFF1];
	v9 =	vmul.u32 $0x4243, v11  }
0xa9: {  	v3 =	vld [tilespmem:s20+$0x1];
	v8 =	vmul.u32 $0x4243, v12  }
0xaa: {  	v5 =	vld [tilespmem:s20+$0x11];
	v7 =	vmul.u32 $0x4243, v7  }
0xab: {  	v6 =	vld [tilespmem:s20+$0xFFFFFFC1];
	v11 =	vadd.s32 v13, v14;
	s20 =	sadd.s32 $0x80, s20  }
0xac: {  	_ = 	snop  }
0xad: {  	v2 =	vadd.s32 v2, v10;
	v4 =	vadd.s32 v4, v9  }
0xae: {  	v2 =	vand.u32 $0xFFFF, v2;
	v4 =	vand.u32 $0xFFFF, v4  }
0xaf: {  	v3 =	vadd.s32 v3, v8;
	v2 =	vpack.i.b32.b16 v4, v2;
	v4 =	vadd.s32 v5, v7  }
0xb0: {  	v3 =	vand.u32 $0xFFFF, v3;
	v1 =	vadd.s32 v6, v1;
	v4 =	vand.u32 $0xFFFF, v4  }
0xb1: {  	v5 =	vand.u32 $0xFFFF, v11;
	[tilespmem:s18+$0xFFFFFFE0] =	vst v2;
	v1 =	vand.u32 $0xFFFF, v1;
	v2 =	vpack.i.b32.b16 v4, v3  }
0xb2: {  	v1 =	vpack.i.b32.b16 v5, v1;
	[tilespmem:s18+$0xFFFFFFF0] =	vst v2  }
0xb3: {  	[tilespmem:s18+$0xFFFFFFD0] =	vst v1  }
0xb4: {  	s18 =	rddreg [dreg:$0x8]  }
0xb5: {  	[tilespmem:s3], [sflag:$0x4] =	stream.linear.gather [hbm4b:s18+s3], $0x8, $0x38;
	[tilespmem:$0x18808] =	vst v63  }
0xb6: {  	_ =	swait.ge [sflag:s8], $0x8  }
0xb7: {  	[sflag:s8] =	ssyncset.done $0x0  }
0xb8: {  	s24 =	rddreg [dreg:$0x9];
	[sflag:s8] =	ssyncadd.s32 $0xFFFFFFF8  }
0xb9: {  	[tilespmem:s7], [sflag:$0x4] =	stream.linear.gather [hbm4b:s24+s3], $0x800, $0x38;
	[tilespmem:$0x18808] =	vst v63  }
0xba: {  	_ =	swait.ge [sflag:s8], $0x800  }
0xbb: {  	[sflag:s8] =	ssyncset.done $0x0  }
0xbc: {  	s20 =	simm.s32 $0x47;
	[sflag:s8] =	ssyncadd.s32 $0xFFFFF800  }
0xbd: {  	v1 =	vld [tilespmem:s20+$0x20]  }
0xbe: {  	v2 =	vld [tilespmem:s20+$0x30]  }
0xbf: {  	v3 =	vld [tilespmem:s20+$0x21]  }
0xc0: {  	v4 =	vld [tilespmem:s20+$0x31]  }
0xc1: {  	v5 =	vld [tilespmem:s20+$0xFFFFFFC0]  }
0xc2: {  	v6 =	vld [tilespmem:s20+$0xFFFFFFD0]  }
0xc3: {  	v7 =	vld [tilespmem:s20+$0xFFFFFFE0]  }
0xc4: {  	v8 =	vld [tilespmem:s20+$0xFFFFFFF0]  }
0xc5: {  	v11 =	vld [tilespmem:s20+$0x0]  }
0xc6: {  	v12 =	vld [tilespmem:s20+$0x10]  }
0xc7: {  	v13 =	vld [tilespmem:s20+$0xFFFFFFD1];
	v1 =	vmul.u32 $0x4243, v1;
	v9 =	vmul.u32 $0x4243, v2  }
0xc8: {  	v2 =	vld [tilespmem:s20+$0xFFFFFFE1]  }
0xc9: {  	v14 =	vmul.u32 $0x4243, v6;
	v3 =	vadd.s32 v3, v1;
	v9 =	vadd.s32 v4, v9;
	v4 =	vld [tilespmem:s20+$0xFFFFFFF1]  }
0xca: {  	v1 =	vmul.u32 $0x4243, v5;
	v5 =	vand.u32 $0xFFFF, v3;
	v9 =	vand.u32 $0xFFFF, v9;
	v3 =	vld [tilespmem:s20+$0x1]  }
0xcb: {  	s18 =	simm.s32 $0x1438;
	v10 =	vmul.u32 $0x4243, v7;
	v7 =	vmul.u32 $0x4243, v12;
	v6 =	vpack.i.b32.b16 v9, v5;
	v5 =	vld [tilespmem:s20+$0x11]  }
0xcc: {  	s19 =	simm.s32 $0x0;
	v9 =	vmul.u32 $0x4243, v8;
	v8 =	vmul.u32 $0x4243, v11;
	v11 =	vadd.s32 v13, v14;
	[tilespmem:s18+$0x0] =	vst v6;
	v6 =	vld [tilespmem:s20+$0xFFFFFFC1];
	s20 =	simm.s32 $0xC7  }
.LBB2_8:
0xcd: {  	v12 =	vld [tilespmem:s20+$0x20];
	v11 =	vand.u32 $0xFFFF, v11;
	v2 =	vadd.s32 v2, v10  }
0xce: {  	s19 =	sadd.s32 $0x4, s19;
	v10 =	vld [tilespmem:s20+$0x30];
	v2 =	vand.u32 $0xFFFF, v2;
	v4 =	vadd.s32 v4, v9  }
0xcf: {  	p0 =	slt.u32 s19, $0x3C;
	v9 =	vld [tilespmem:s20+$0x21];
	v4 =	vand.u32 $0xFFFF, v4;
	v3 =	vadd.s32 v3, v8  }
0xd0: {  	v8 =	vld [tilespmem:s20+$0x31];
	v2 =	vpack.i.b32.b16 v4, v2;
	v3 =	vand.u32 $0xFFFF, v3;
	v4 =	vadd.s32 v5, v7  }
0xd1: {  	v5 =	vld [tilespmem:s20+$0xFFFFFFC0];
	v1 =	vadd.s32 v6, v1;
	[tilespmem:s18+$0xFFFFFFE0] =	vst v2;
	v2 =	vand.u32 $0xFFFF, v4  }
0xd2: {  	v4 =	vld [tilespmem:s20+$0xFFFFFFD0];
	v1 =	vand.u32 $0xFFFF, v1;
	v2 =	vpack.i.b32.b16 v2, v3  }
0xd3: {  	v6 =	vmul.u32 $0x4243, v12;
	v3 =	vld [tilespmem:s20+$0xFFFFFFE0];
	v7 =	vmul.u32 $0x4243, v10;
	v1 =	vpack.i.b32.b16 v11, v1;
	[tilespmem:s18+$0xFFFFFFF0] =	vst v2  }
0xd4: {  	v11 =	vld [tilespmem:s20+$0xFFFFFFF0];
	[tilespmem:s18+$0xFFFFFFD0] =	vst v1  }
0xd5: {  	v2 =	vadd.s32 v9, v6;
	v12 =	vld [tilespmem:s20+$0x0];
	v6 =	vadd.s32 v8, v7  }
0xd6: {  	v2 =	vand.u32 $0xFFFF, v2;
	v1 =	vmul.u32 $0x4243, v5;
	v7 =	vld [tilespmem:s20+$0x10];
	v5 =	vand.u32 $0xFFFF, v6  }
0xd7: {  	s18 =	sadd.s32 $0x40, s18;
	v13 =	vld [tilespmem:s20+$0xFFFFFFD1];
	v14 =	vmul.u32 $0x4243, v4;
	v4 =	vpack.i.b32.b16 v5, v2  }
.Ltmp5:
0xd8: {  	v2 =	vld [tilespmem:s20+$0xFFFFFFE1];
	v10 =	vmul.u32 $0x4243, v3;
	[tilespmem:s18+$0x0] =	vst v4;
	(pc) =	sbr.rel @p0 .LBB2_8-.Ltmp5, $4  }
0xd9: {  	v4 =	vld [tilespmem:s20+$0xFFFFFFF1];
	v9 =	vmul.u32 $0x4243, v11  }
0xda: {  	v3 =	vld [tilespmem:s20+$0x1];
	v8 =	vmul.u32 $0x4243, v12  }
0xdb: {  	v5 =	vld [tilespmem:s20+$0x11];
	v7 =	vmul.u32 $0x4243, v7  }
0xdc: {  	v6 =	vld [tilespmem:s20+$0xFFFFFFC1];
	v11 =	vadd.s32 v13, v14;
	s20 =	sadd.s32 $0x80, s20  }
0xdd: {  	_ = 	snop  }
0xde: {  	v2 =	vadd.s32 v2, v10;
	v4 =	vadd.s32 v4, v9  }
0xdf: {  	v2 =	vand.u32 $0xFFFF, v2;
	v4 =	vand.u32 $0xFFFF, v4  }
0xe0: {  	v3 =	vadd.s32 v3, v8;
	v2 =	vpack.i.b32.b16 v4, v2;
	v4 =	vadd.s32 v5, v7  }
0xe1: {  	v3 =	vand.u32 $0xFFFF, v3;
	v1 =	vadd.s32 v6, v1;
	v4 =	vand.u32 $0xFFFF, v4  }
0xe2: {  	v5 =	vand.u32 $0xFFFF, v11;
	[tilespmem:s18+$0xFFFFFFE0] =	vst v2;
	v1 =	vand.u32 $0xFFFF, v1;
	v2 =	vpack.i.b32.b16 v4, v3  }
0xe3: {  	v1 =	vpack.i.b32.b16 v5, v1;
	[tilespmem:s18+$0xFFFFFFF0] =	vst v2  }
0xe4: {  	[tilespmem:s18+$0xFFFFFFD0] =	vst v1  }
0xe5: {  	[tilespmem:$0x0] =	vst v0;
	s18 =	rddreg [dreg:$0xa]  }
0xe6: {  	[tilespmem:s7], [sflag:$0x4] =	stream.linear.gather [hbm4b:s18+s3], $0x800, $0x38;
	[tilespmem:$0x18808] =	vst v63  }
0xe7: {  	_ =	swait.ge [sflag:s8], $0x800  }
0xe8: {  	[sflag:s8] =	ssyncset.done $0x0  }
0xe9: {  	s20 =	simm.s32 $0x47;
	[sflag:s8] =	ssyncadd.s32 $0xFFFFF800  }
0xea: {  	v1 =	vld [tilespmem:s20+$0x20]  }
0xeb: {  	v2 =	vld [tilespmem:s20+$0x30]  }
0xec: {  	v3 =	vld [tilespmem:s20+$0x21]  }
0xed: {  	v4 =	vld [tilespmem:s20+$0x31]  }
0xee: {  	v5 =	vld [tilespmem:s20+$0xFFFFFFC0]  }
0xef: {  	v6 =	vld [tilespmem:s20+$0xFFFFFFD0]  }
0xf0: {  	v7 =	vld [tilespmem:s20+$0xFFFFFFE0]  }
0xf1: {  	v8 =	vld [tilespmem:s20+$0xFFFFFFF0]  }
0xf2: {  	v11 =	vld [tilespmem:s20+$0x0]  }
0xf3: {  	v12 =	vld [tilespmem:s20+$0x10]  }
0xf4: {  	v13 =	vld [tilespmem:s20+$0xFFFFFFD1];
	v1 =	vmul.u32 $0x4243, v1;
	v9 =	vmul.u32 $0x4243, v2  }
0xf5: {  	v2 =	vld [tilespmem:s20+$0xFFFFFFE1]  }
0xf6: {  	v14 =	vmul.u32 $0x4243, v6;
	v3 =	vadd.s32 v3, v1;
	v9 =	vadd.s32 v4, v9;
	v4 =	vld [tilespmem:s20+$0xFFFFFFF1]  }
0xf7: {  	v1 =	vmul.u32 $0x4243, v5;
	v5 =	vand.u32 $0xFFFF, v3;
	v9 =	vand.u32 $0xFFFF, v9;
	v3 =	vld [tilespmem:s20+$0x1]  }
0xf8: {  	s18 =	simm.s32 $0x1838;
	v10 =	vmul.u32 $0x4243, v7;
	v7 =	vmul.u32 $0x4243, v12;
	v6 =	vpack.i.b32.b16 v9, v5;
	v5 =	vld [tilespmem:s20+$0x11]  }
0xf9: {  	s19 =	simm.s32 $0x0;
	v9 =	vmul.u32 $0x4243, v8;
	v8 =	vmul.u32 $0x4243, v11;
	v11 =	vadd.s32 v13, v14;
	[tilespmem:s18+$0x0] =	vst v6;
	v6 =	vld [tilespmem:s20+$0xFFFFFFC1];
	s20 =	simm.s32 $0xC7  }
.LBB2_10:
0xfa: {  	v12 =	vld [tilespmem:s20+$0x20];
	v11 =	vand.u32 $0xFFFF, v11;
	v2 =	vadd.s32 v2, v10  }
0xfb: {  	s19 =	sadd.s32 $0x4, s19;
	v10 =	vld [tilespmem:s20+$0x30];
	v2 =	vand.u32 $0xFFFF, v2;
	v4 =	vadd.s32 v4, v9  }
0xfc: {  	p0 =	slt.u32 s19, $0x3C;
	v9 =	vld [tilespmem:s20+$0x21];
	v4 =	vand.u32 $0xFFFF, v4;
	v3 =	vadd.s32 v3, v8  }
0xfd: {  	v8 =	vld [tilespmem:s20+$0x31];
	v2 =	vpack.i.b32.b16 v4, v2;
	v3 =	vand.u32 $0xFFFF, v3;
	v4 =	vadd.s32 v5, v7  }
0xfe: {  	v5 =	vld [tilespmem:s20+$0xFFFFFFC0];
	v1 =	vadd.s32 v6, v1;
	[tilespmem:s18+$0xFFFFFFE0] =	vst v2;
	v2 =	vand.u32 $0xFFFF, v4  }
0xff: {  	v4 =	vld [tilespmem:s20+$0xFFFFFFD0];
	v1 =	vand.u32 $0xFFFF, v1;
	v2 =	vpack.i.b32.b16 v2, v3  }
0x100: {  	v6 =	vmul.u32 $0x4243, v12;
	v3 =	vld [tilespmem:s20+$0xFFFFFFE0];
	v7 =	vmul.u32 $0x4243, v10;
	v1 =	vpack.i.b32.b16 v11, v1;
	[tilespmem:s18+$0xFFFFFFF0] =	vst v2  }
0x101: {  	v11 =	vld [tilespmem:s20+$0xFFFFFFF0];
	[tilespmem:s18+$0xFFFFFFD0] =	vst v1  }
0x102: {  	v2 =	vadd.s32 v9, v6;
	v12 =	vld [tilespmem:s20+$0x0];
	v6 =	vadd.s32 v8, v7  }
0x103: {  	v2 =	vand.u32 $0xFFFF, v2;
	v1 =	vmul.u32 $0x4243, v5;
	v7 =	vld [tilespmem:s20+$0x10];
	v5 =	vand.u32 $0xFFFF, v6  }
0x104: {  	s18 =	sadd.s32 $0x40, s18;
	v13 =	vld [tilespmem:s20+$0xFFFFFFD1];
	v14 =	vmul.u32 $0x4243, v4;
	v4 =	vpack.i.b32.b16 v5, v2  }
.Ltmp6:
0x105: {  	v2 =	vld [tilespmem:s20+$0xFFFFFFE1];
	v10 =	vmul.u32 $0x4243, v3;
	[tilespmem:s18+$0x0] =	vst v4;
	(pc) =	sbr.rel @p0 .LBB2_10-.Ltmp6, $4  }
0x106: {  	v4 =	vld [tilespmem:s20+$0xFFFFFFF1];
	v9 =	vmul.u32 $0x4243, v11  }
0x107: {  	v3 =	vld [tilespmem:s20+$0x1];
	v8 =	vmul.u32 $0x4243, v12  }
0x108: {  	v5 =	vld [tilespmem:s20+$0x11];
	v7 =	vmul.u32 $0x4243, v7  }
0x109: {  	v6 =	vld [tilespmem:s20+$0xFFFFFFC1];
	v11 =	vadd.s32 v13, v14;
	s20 =	sadd.s32 $0x80, s20  }
0x10a: {  	_ = 	snop  }
0x10b: {  	v2 =	vadd.s32 v2, v10;
	v4 =	vadd.s32 v4, v9  }
0x10c: {  	v2 =	vand.u32 $0xFFFF, v2;
	v4 =	vand.u32 $0xFFFF, v4  }
0x10d: {  	v3 =	vadd.s32 v3, v8;
	v2 =	vpack.i.b32.b16 v4, v2;
	v4 =	vadd.s32 v5, v7  }
0x10e: {  	v3 =	vand.u32 $0xFFFF, v3;
	v1 =	vadd.s32 v6, v1;
	v4 =	vand.u32 $0xFFFF, v4  }
0x10f: {  	v5 =	vand.u32 $0xFFFF, v11;
	[tilespmem:s18+$0xFFFFFFE0] =	vst v2;
	v1 =	vand.u32 $0xFFFF, v1;
	v2 =	vpack.i.b32.b16 v4, v3  }
0x110: {  	v1 =	vpack.i.b32.b16 v5, v1;
	[tilespmem:s18+$0xFFFFFFF0] =	vst v2  }
0x111: {  	[tilespmem:s18+$0xFFFFFFD0] =	vst v1  }
0x112: {  	s18 =	rddreg [dreg:$0xb]  }
0x113: {  	[tilespmem:s3], [sflag:$0x4] =	stream.linear.gather [hbm4b:s18+s3], $0x8, $0x38;
	[tilespmem:$0x18808] =	vst v63  }
0x114: {  	_ =	swait.ge [sflag:s8], $0x8  }
0x115: {  	[sflag:s8] =	ssyncset.done $0x0  }
0x116: {  	s24 =	rddreg [dreg:$0xc];
	[sflag:s8] =	ssyncadd.s32 $0xFFFFFFF8  }
0x117: {  	[tilespmem:s7], [sflag:$0x4] =	stream.linear.gather [hbm4b:s24+s3], $0x800, $0x38;
	[tilespmem:$0x18808] =	vst v63  }
0x118: {  	_ =	swait.ge [sflag:s8], $0x800  }
0x119: {  	[sflag:s8] =	ssyncset.done $0x0  }
0x11a: {  	s20 =	simm.s32 $0x47;
	[sflag:s8] =	ssyncadd.s32 $0xFFFFF800  }
0x11b: {  	v1 =	vld [tilespmem:s20+$0x20]  }
0x11c: {  	v2 =	vld [tilespmem:s20+$0x30]  }
0x11d: {  	v3 =	vld [tilespmem:s20+$0x21]  }
0x11e: {  	v4 =	vld [tilespmem:s20+$0x31]  }
0x11f: {  	v5 =	vld [tilespmem:s20+$0xFFFFFFC0]  }
0x120: {  	v6 =	vld [tilespmem:s20+$0xFFFFFFD0]  }
0x121: {  	v7 =	vld [tilespmem:s20+$0xFFFFFFE0]  }
0x122: {  	v8 =	vld [tilespmem:s20+$0xFFFFFFF0]  }
0x123: {  	v11 =	vld [tilespmem:s20+$0x0]  }
0x124: {  	v12 =	vld [tilespmem:s20+$0x10]  }
0x125: {  	v13 =	vld [tilespmem:s20+$0xFFFFFFD1];
	v1 =	vmul.u32 $0x4243, v1;
	v9 =	vmul.u32 $0x4243, v2  }
0x126: {  	v2 =	vld [tilespmem:s20+$0xFFFFFFE1]  }
0x127: {  	v14 =	vmul.u32 $0x4243, v6;
	v3 =	vadd.s32 v3, v1;
	v9 =	vadd.s32 v4, v9;
	v4 =	vld [tilespmem:s20+$0xFFFFFFF1]  }
0x128: {  	v1 =	vmul.u32 $0x4243, v5;
	v5 =	vand.u32 $0xFFFF, v3;
	v9 =	vand.u32 $0xFFFF, v9;
	v3 =	vld [tilespmem:s20+$0x1]  }
0x129: {  	s18 =	simm.s32 $0x1C38;
	v10 =	vmul.u32 $0x4243, v7;
	v7 =	vmul.u32 $0x4243, v12;
	v6 =	vpack.i.b32.b16 v9, v5;
	v5 =	vld [tilespmem:s20+$0x11]  }
0x12a: {  	s19 =	simm.s32 $0x0;
	v9 =	vmul.u32 $0x4243, v8;
	v8 =	vmul.u32 $0x4243, v11;
	v11 =	vadd.s32 v13, v14;
	[tilespmem:s18+$0x0] =	vst v6;
	v6 =	vld [tilespmem:s20+$0xFFFFFFC1];
	s20 =	simm.s32 $0xC7  }
.LBB2_12:
0x12b: {  	v12 =	vld [tilespmem:s20+$0x20];
	v11 =	vand.u32 $0xFFFF, v11;
	v2 =	vadd.s32 v2, v10  }
0x12c: {  	s19 =	sadd.s32 $0x4, s19;
	v10 =	vld [tilespmem:s20+$0x30];
	v2 =	vand.u32 $0xFFFF, v2;
	v4 =	vadd.s32 v4, v9  }
0x12d: {  	p0 =	slt.u32 s19, $0x3C;
	v9 =	vld [tilespmem:s20+$0x21];
	v4 =	vand.u32 $0xFFFF, v4;
	v3 =	vadd.s32 v3, v8  }
0x12e: {  	v8 =	vld [tilespmem:s20+$0x31];
	v2 =	vpack.i.b32.b16 v4, v2;
	v3 =	vand.u32 $0xFFFF, v3;
	v4 =	vadd.s32 v5, v7  }
0x12f: {  	v5 =	vld [tilespmem:s20+$0xFFFFFFC0];
	v1 =	vadd.s32 v6, v1;
	[tilespmem:s18+$0xFFFFFFE0] =	vst v2;
	v2 =	vand.u32 $0xFFFF, v4  }
0x130: {  	v4 =	vld [tilespmem:s20+$0xFFFFFFD0];
	v1 =	vand.u32 $0xFFFF, v1;
	v2 =	vpack.i.b32.b16 v2, v3  }
0x131: {  	v6 =	vmul.u32 $0x4243, v12;
	v3 =	vld [tilespmem:s20+$0xFFFFFFE0];
	v7 =	vmul.u32 $0x4243, v10;
	v1 =	vpack.i.b32.b16 v11, v1;
	[tilespmem:s18+$0xFFFFFFF0] =	vst v2  }
0x132: {  	v11 =	vld [tilespmem:s20+$0xFFFFFFF0];
	[tilespmem:s18+$0xFFFFFFD0] =	vst v1  }
0x133: {  	v2 =	vadd.s32 v9, v6;
	v12 =	vld [tilespmem:s20+$0x0];
	v6 =	vadd.s32 v8, v7  }
0x134: {  	v2 =	vand.u32 $0xFFFF, v2;
	v1 =	vmul.u32 $0x4243, v5;
	v7 =	vld [tilespmem:s20+$0x10];
	v5 =	vand.u32 $0xFFFF, v6  }
0x135: {  	s18 =	sadd.s32 $0x40, s18;
	v13 =	vld [tilespmem:s20+$0xFFFFFFD1];
	v14 =	vmul.u32 $0x4243, v4;
	v4 =	vpack.i.b32.b16 v5, v2  }
.Ltmp7:
0x136: {  	v2 =	vld [tilespmem:s20+$0xFFFFFFE1];
	v10 =	vmul.u32 $0x4243, v3;
	[tilespmem:s18+$0x0] =	vst v4;
	(pc) =	sbr.rel @p0 .LBB2_12-.Ltmp7, $4  }
0x137: {  	v4 =	vld [tilespmem:s20+$0xFFFFFFF1];
	v9 =	vmul.u32 $0x4243, v11  }
0x138: {  	v3 =	vld [tilespmem:s20+$0x1];
	v8 =	vmul.u32 $0x4243, v12  }
0x139: {  	v5 =	vld [tilespmem:s20+$0x11];
	v7 =	vmul.u32 $0x4243, v7  }
0x13a: {  	v6 =	vld [tilespmem:s20+$0xFFFFFFC1];
	v11 =	vadd.s32 v13, v14;
	s20 =	sadd.s32 $0x80, s20  }
0x13b: {  	_ = 	snop  }
0x13c: {  	v2 =	vadd.s32 v2, v10;
	v4 =	vadd.s32 v4, v9  }
0x13d: {  	v2 =	vand.u32 $0xFFFF, v2;
	v4 =	vand.u32 $0xFFFF, v4  }
0x13e: {  	v3 =	vadd.s32 v3, v8;
	v2 =	vpack.i.b32.b16 v4, v2;
	v4 =	vadd.s32 v5, v7  }
0x13f: {  	v3 =	vand.u32 $0xFFFF, v3;
	v1 =	vadd.s32 v6, v1;
	v4 =	vand.u32 $0xFFFF, v4  }
0x140: {  	v5 =	vand.u32 $0xFFFF, v11;
	[tilespmem:s18+$0xFFFFFFE0] =	vst v2;
	v1 =	vand.u32 $0xFFFF, v1;
	v2 =	vpack.i.b32.b16 v4, v3  }
0x141: {  	v1 =	vpack.i.b32.b16 v5, v1;
	[tilespmem:s18+$0xFFFFFFF0] =	vst v2  }
0x142: {  	[tilespmem:s18+$0xFFFFFFD0] =	vst v1  }
0x143: {  	s18 =	rddreg [dreg:$0xd]  }
0x144: {  	[tilespmem:s3], [sflag:$0x4] =	stream.linear.gather [hbm4b:s18+s3], $0x8, $0x38;
	[tilespmem:$0x18808] =	vst v63  }
0x145: {  	_ =	swait.ge [sflag:s8], $0x8  }
0x146: {  	[sflag:s8] =	ssyncset.done $0x0  }
0x147: {  	s24 =	rddreg [dreg:$0xe];
	[sflag:s8] =	ssyncadd.s32 $0xFFFFFFF8  }
0x148: {  	[tilespmem:s7], [sflag:$0x4] =	stream.linear.gather [hbm4b:s24+s3], $0x800, $0x38;
	[tilespmem:$0x18808] =	vst v63  }
0x149: {  	_ =	swait.ge [sflag:s8], $0x800  }
0x14a: {  	[sflag:s8] =	ssyncset.done $0x0  }
0x14b: {  	s20 =	simm.s32 $0x47;
	[sflag:s8] =	ssyncadd.s32 $0xFFFFF800  }
0x14c: {  	v1 =	vld [tilespmem:s20+$0x20]  }
0x14d: {  	v2 =	vld [tilespmem:s20+$0x30]  }
0x14e: {  	v3 =	vld [tilespmem:s20+$0x21]  }
0x14f: {  	v4 =	vld [tilespmem:s20+$0x31]  }
0x150: {  	v5 =	vld [tilespmem:s20+$0xFFFFFFC0]  }
0x151: {  	v6 =	vld [tilespmem:s20+$0xFFFFFFD0]  }
0x152: {  	v7 =	vld [tilespmem:s20+$0xFFFFFFE0]  }
0x153: {  	v8 =	vld [tilespmem:s20+$0xFFFFFFF0]  }
0x154: {  	v11 =	vld [tilespmem:s20+$0x0]  }
0x155: {  	v12 =	vld [tilespmem:s20+$0x10]  }
0x156: {  	v13 =	vld [tilespmem:s20+$0xFFFFFFD1];
	v1 =	vmul.u32 $0x4243, v1;
	v9 =	vmul.u32 $0x4243, v2  }
0x157: {  	v2 =	vld [tilespmem:s20+$0xFFFFFFE1]  }
0x158: {  	v14 =	vmul.u32 $0x4243, v6;
	v3 =	vadd.s32 v3, v1;
	v9 =	vadd.s32 v4, v9;
	v4 =	vld [tilespmem:s20+$0xFFFFFFF1]  }
0x159: {  	v1 =	vmul.u32 $0x4243, v5;
	v5 =	vand.u32 $0xFFFF, v3;
	v9 =	vand.u32 $0xFFFF, v9;
	v3 =	vld [tilespmem:s20+$0x1]  }
0x15a: {  	s18 =	simm.s32 $0x2038;
	v10 =	vmul.u32 $0x4243, v7;
	v7 =	vmul.u32 $0x4243, v12;
	v6 =	vpack.i.b32.b16 v9, v5;
	v5 =	vld [tilespmem:s20+$0x11]  }
0x15b: {  	s19 =	simm.s32 $0x0;
	v9 =	vmul.u32 $0x4243, v8;
	v8 =	vmul.u32 $0x4243, v11;
	v11 =	vadd.s32 v13, v14;
	[tilespmem:s18+$0x0] =	vst v6;
	v6 =	vld [tilespmem:s20+$0xFFFFFFC1];
	s20 =	simm.s32 $0xC7  }
.LBB2_14:
0x15c: {  	v12 =	vld [tilespmem:s20+$0x20];
	v11 =	vand.u32 $0xFFFF, v11;
	v2 =	vadd.s32 v2, v10  }
0x15d: {  	s19 =	sadd.s32 $0x4, s19;
	v10 =	vld [tilespmem:s20+$0x30];
	v2 =	vand.u32 $0xFFFF, v2;
	v4 =	vadd.s32 v4, v9  }
0x15e: {  	p0 =	slt.u32 s19, $0x3C;
	v9 =	vld [tilespmem:s20+$0x21];
	v4 =	vand.u32 $0xFFFF, v4;
	v3 =	vadd.s32 v3, v8  }
0x15f: {  	v8 =	vld [tilespmem:s20+$0x31];
	v2 =	vpack.i.b32.b16 v4, v2;
	v3 =	vand.u32 $0xFFFF, v3;
	v4 =	vadd.s32 v5, v7  }
0x160: {  	v5 =	vld [tilespmem:s20+$0xFFFFFFC0];
	v1 =	vadd.s32 v6, v1;
	[tilespmem:s18+$0xFFFFFFE0] =	vst v2;
	v2 =	vand.u32 $0xFFFF, v4  }
0x161: {  	v4 =	vld [tilespmem:s20+$0xFFFFFFD0];
	v1 =	vand.u32 $0xFFFF, v1;
	v2 =	vpack.i.b32.b16 v2, v3  }
0x162: {  	v6 =	vmul.u32 $0x4243, v12;
	v3 =	vld [tilespmem:s20+$0xFFFFFFE0];
	v7 =	vmul.u32 $0x4243, v10;
	v1 =	vpack.i.b32.b16 v11, v1;
	[tilespmem:s18+$0xFFFFFFF0] =	vst v2  }
0x163: {  	v11 =	vld [tilespmem:s20+$0xFFFFFFF0];
	[tilespmem:s18+$0xFFFFFFD0] =	vst v1  }
0x164: {  	v2 =	vadd.s32 v9, v6;
	v12 =	vld [tilespmem:s20+$0x0];
	v6 =	vadd.s32 v8, v7  }
0x165: {  	v2 =	vand.u32 $0xFFFF, v2;
	v1 =	vmul.u32 $0x4243, v5;
	v7 =	vld [tilespmem:s20+$0x10];
	v5 =	vand.u32 $0xFFFF, v6  }
0x166: {  	s18 =	sadd.s32 $0x40, s18;
	v13 =	vld [tilespmem:s20+$0xFFFFFFD1];
	v14 =	vmul.u32 $0x4243, v4;
	v4 =	vpack.i.b32.b16 v5, v2  }
.Ltmp8:
0x167: {  	v2 =	vld [tilespmem:s20+$0xFFFFFFE1];
	v10 =	vmul.u32 $0x4243, v3;
	[tilespmem:s18+$0x0] =	vst v4;
	(pc) =	sbr.rel @p0 .LBB2_14-.Ltmp8, $4  }
0x168: {  	v4 =	vld [tilespmem:s20+$0xFFFFFFF1];
	v9 =	vmul.u32 $0x4243, v11  }
0x169: {  	v3 =	vld [tilespmem:s20+$0x1];
	v8 =	vmul.u32 $0x4243, v12  }
0x16a: {  	v5 =	vld [tilespmem:s20+$0x11];
	v7 =	vmul.u32 $0x4243, v7  }
0x16b: {  	v6 =	vld [tilespmem:s20+$0xFFFFFFC1];
	v11 =	vadd.s32 v13, v14;
	s20 =	sadd.s32 $0x80, s20  }
0x16c: {  	_ = 	snop  }
0x16d: {  	v2 =	vadd.s32 v2, v10;
	v4 =	vadd.s32 v4, v9  }
0x16e: {  	v2 =	vand.u32 $0xFFFF, v2;
	v4 =	vand.u32 $0xFFFF, v4  }
0x16f: {  	v3 =	vadd.s32 v3, v8;
	v2 =	vpack.i.b32.b16 v4, v2;
	v4 =	vadd.s32 v5, v7  }
0x170: {  	v3 =	vand.u32 $0xFFFF, v3;
	v1 =	vadd.s32 v6, v1;
	v4 =	vand.u32 $0xFFFF, v4  }
0x171: {  	v5 =	vand.u32 $0xFFFF, v11;
	[tilespmem:s18+$0xFFFFFFE0] =	vst v2;
	v1 =	vand.u32 $0xFFFF, v1;
	v2 =	vpack.i.b32.b16 v4, v3  }
0x172: {  	v1 =	vpack.i.b32.b16 v5, v1;
	[tilespmem:s18+$0xFFFFFFF0] =	vst v2  }
0x173: {  	[tilespmem:s18+$0xFFFFFFD0] =	vst v1  }
0x174: {  	s18 =	rddreg [dreg:$0xf]  }
0x175: {  	[tilespmem:s3], [sflag:$0x4] =	stream.linear.gather [hbm4b:s18+s3], $0x8, $0x38;
	[tilespmem:$0x18808] =	vst v63  }
0x176: {  	_ =	swait.ge [sflag:s8], $0x8  }
0x177: {  	[sflag:s8] =	ssyncset.done $0x0  }
0x178: {  	s24 =	rddreg [dreg:$0x10];
	[sflag:s8] =	ssyncadd.s32 $0xFFFFFFF8  }
0x179: {  	[tilespmem:s7], [sflag:$0x4] =	stream.linear.gather [hbm4b:s24+s3], $0x800, $0x38;
	[tilespmem:$0x18808] =	vst v63  }
0x17a: {  	_ =	swait.ge [sflag:s8], $0x800  }
0x17b: {  	[sflag:s8] =	ssyncset.done $0x0  }
0x17c: {  	s20 =	simm.s32 $0x47;
	[sflag:s8] =	ssyncadd.s32 $0xFFFFF800  }
0x17d: {  	v1 =	vld [tilespmem:s20+$0x20]  }
0x17e: {  	v2 =	vld [tilespmem:s20+$0x30]  }
0x17f: {  	v3 =	vld [tilespmem:s20+$0x21]  }
0x180: {  	v4 =	vld [tilespmem:s20+$0x31]  }
0x181: {  	v5 =	vld [tilespmem:s20+$0xFFFFFFC0]  }
0x182: {  	v6 =	vld [tilespmem:s20+$0xFFFFFFD0]  }
0x183: {  	v7 =	vld [tilespmem:s20+$0xFFFFFFE0]  }
0x184: {  	v8 =	vld [tilespmem:s20+$0xFFFFFFF0]  }
0x185: {  	v11 =	vld [tilespmem:s20+$0x0]  }
0x186: {  	v12 =	vld [tilespmem:s20+$0x10]  }
0x187: {  	v13 =	vld [tilespmem:s20+$0xFFFFFFD1];
	v1 =	vmul.u32 $0x4243, v1;
	v9 =	vmul.u32 $0x4243, v2  }
0x188: {  	v2 =	vld [tilespmem:s20+$0xFFFFFFE1]  }
0x189: {  	v14 =	vmul.u32 $0x4243, v6;
	v3 =	vadd.s32 v3, v1;
	v9 =	vadd.s32 v4, v9;
	v4 =	vld [tilespmem:s20+$0xFFFFFFF1]  }
0x18a: {  	v1 =	vmul.u32 $0x4243, v5;
	v5 =	vand.u32 $0xFFFF, v3;
	v9 =	vand.u32 $0xFFFF, v9;
	v3 =	vld [tilespmem:s20+$0x1]  }
0x18b: {  	s18 =	simm.s32 $0x2438;
	v10 =	vmul.u32 $0x4243, v7;
	v7 =	vmul.u32 $0x4243, v12;
	v6 =	vpack.i.b32.b16 v9, v5;
	v5 =	vld [tilespmem:s20+$0x11]  }
0x18c: {  	s19 =	simm.s32 $0x0;
	v9 =	vmul.u32 $0x4243, v8;
	v8 =	vmul.u32 $0x4243, v11;
	v11 =	vadd.s32 v13, v14;
	[tilespmem:s18+$0x0] =	vst v6;
	v6 =	vld [tilespmem:s20+$0xFFFFFFC1];
	s20 =	simm.s32 $0xC7  }
.LBB2_16:
0x18d: {  	v12 =	vld [tilespmem:s20+$0x20];
	v11 =	vand.u32 $0xFFFF, v11;
	v2 =	vadd.s32 v2, v10  }
0x18e: {  	s19 =	sadd.s32 $0x4, s19;
	v10 =	vld [tilespmem:s20+$0x30];
	v2 =	vand.u32 $0xFFFF, v2;
	v4 =	vadd.s32 v4, v9  }
0x18f: {  	p0 =	slt.u32 s19, $0x3C;
	v9 =	vld [tilespmem:s20+$0x21];
	v4 =	vand.u32 $0xFFFF, v4;
	v3 =	vadd.s32 v3, v8  }
0x190: {  	v8 =	vld [tilespmem:s20+$0x31];
	v2 =	vpack.i.b32.b16 v4, v2;
	v3 =	vand.u32 $0xFFFF, v3;
	v4 =	vadd.s32 v5, v7  }
0x191: {  	v5 =	vld [tilespmem:s20+$0xFFFFFFC0];
	v1 =	vadd.s32 v6, v1;
	[tilespmem:s18+$0xFFFFFFE0] =	vst v2;
	v2 =	vand.u32 $0xFFFF, v4  }
0x192: {  	v4 =	vld [tilespmem:s20+$0xFFFFFFD0];
	v1 =	vand.u32 $0xFFFF, v1;
	v2 =	vpack.i.b32.b16 v2, v3  }
0x193: {  	v6 =	vmul.u32 $0x4243, v12;
	v3 =	vld [tilespmem:s20+$0xFFFFFFE0];
	v7 =	vmul.u32 $0x4243, v10;
	v1 =	vpack.i.b32.b16 v11, v1;
	[tilespmem:s18+$0xFFFFFFF0] =	vst v2  }
0x194: {  	v11 =	vld [tilespmem:s20+$0xFFFFFFF0];
	[tilespmem:s18+$0xFFFFFFD0] =	vst v1  }
0x195: {  	v2 =	vadd.s32 v9, v6;
	v12 =	vld [tilespmem:s20+$0x0];
	v6 =	vadd.s32 v8, v7  }
0x196: {  	v2 =	vand.u32 $0xFFFF, v2;
	v1 =	vmul.u32 $0x4243, v5;
	v7 =	vld [tilespmem:s20+$0x10];
	v5 =	vand.u32 $0xFFFF, v6  }
0x197: {  	s18 =	sadd.s32 $0x40, s18;
	v13 =	vld [tilespmem:s20+$0xFFFFFFD1];
	v14 =	vmul.u32 $0x4243, v4;
	v4 =	vpack.i.b32.b16 v5, v2  }
.Ltmp9:
0x198: {  	v2 =	vld [tilespmem:s20+$0xFFFFFFE1];
	v10 =	vmul.u32 $0x4243, v3;
	[tilespmem:s18+$0x0] =	vst v4;
	(pc) =	sbr.rel @p0 .LBB2_16-.Ltmp9, $4  }
0x199: {  	v4 =	vld [tilespmem:s20+$0xFFFFFFF1];
	v9 =	vmul.u32 $0x4243, v11  }
0x19a: {  	v3 =	vld [tilespmem:s20+$0x1];
	v8 =	vmul.u32 $0x4243, v12  }
0x19b: {  	v5 =	vld [tilespmem:s20+$0x11];
	v7 =	vmul.u32 $0x4243, v7  }
0x19c: {  	v6 =	vld [tilespmem:s20+$0xFFFFFFC1];
	v11 =	vadd.s32 v13, v14;
	s20 =	sadd.s32 $0x80, s20  }
0x19d: {  	_ = 	snop  }
0x19e: {  	v2 =	vadd.s32 v2, v10;
	v4 =	vadd.s32 v4, v9  }
0x19f: {  	v2 =	vand.u32 $0xFFFF, v2;
	v4 =	vand.u32 $0xFFFF, v4  }
0x1a0: {  	v3 =	vadd.s32 v3, v8;
	v2 =	vpack.i.b32.b16 v4, v2;
	v4 =	vadd.s32 v5, v7  }
0x1a1: {  	v3 =	vand.u32 $0xFFFF, v3;
	v1 =	vadd.s32 v6, v1;
	v4 =	vand.u32 $0xFFFF, v4  }
0x1a2: {  	v5 =	vand.u32 $0xFFFF, v11;
	[tilespmem:s18+$0xFFFFFFE0] =	vst v2;
	v1 =	vand.u32 $0xFFFF, v1;
	v2 =	vpack.i.b32.b16 v4, v3  }
0x1a3: {  	v1 =	vpack.i.b32.b16 v5, v1;
	[tilespmem:s18+$0xFFFFFFF0] =	vst v2  }
0x1a4: {  	[tilespmem:s18+$0xFFFFFFD0] =	vst v1  }
0x1a5: {  	[tilespmem:$0x0] =	vst v0;
	s18 =	rddreg [dreg:$0x11]  }
0x1a6: {  	[tilespmem:s7], [sflag:$0x4] =	stream.linear.gather [hbm4b:s18+s3], $0x800, $0x38;
	[tilespmem:$0x18808] =	vst v63  }
0x1a7: {  	_ =	swait.ge [sflag:s8], $0x800  }
0x1a8: {  	[sflag:s8] =	ssyncset.done $0x0  }
0x1a9: {  	s20 =	simm.s32 $0x47;
	[sflag:s8] =	ssyncadd.s32 $0xFFFFF800  }
0x1aa: {  	v1 =	vld [tilespmem:s20+$0x20]  }
0x1ab: {  	v2 =	vld [tilespmem:s20+$0x30]  }
0x1ac: {  	v3 =	vld [tilespmem:s20+$0x21]  }
0x1ad: {  	v4 =	vld [tilespmem:s20+$0x31]  }
0x1ae: {  	v5 =	vld [tilespmem:s20+$0xFFFFFFC0]  }
0x1af: {  	v6 =	vld [tilespmem:s20+$0xFFFFFFD0]  }
0x1b0: {  	v7 =	vld [tilespmem:s20+$0xFFFFFFE0]  }
0x1b1: {  	v8 =	vld [tilespmem:s20+$0xFFFFFFF0]  }
0x1b2: {  	v11 =	vld [tilespmem:s20+$0x0]  }
0x1b3: {  	v12 =	vld [tilespmem:s20+$0x10]  }
0x1b4: {  	v13 =	vld [tilespmem:s20+$0xFFFFFFD1];
	v1 =	vmul.u32 $0x4243, v1;
	v9 =	vmul.u32 $0x4243, v2  }
0x1b5: {  	v2 =	vld [tilespmem:s20+$0xFFFFFFE1]  }
0x1b6: {  	v14 =	vmul.u32 $0x4243, v6;
	v3 =	vadd.s32 v3, v1;
	v9 =	vadd.s32 v4, v9;
	v4 =	vld [tilespmem:s20+$0xFFFFFFF1]  }
0x1b7: {  	v1 =	vmul.u32 $0x4243, v5;
	v5 =	vand.u32 $0xFFFF, v3;
	v9 =	vand.u32 $0xFFFF, v9;
	v3 =	vld [tilespmem:s20+$0x1]  }
0x1b8: {  	s18 =	simm.s32 $0x2838;
	v10 =	vmul.u32 $0x4243, v7;
	v7 =	vmul.u32 $0x4243, v12;
	v6 =	vpack.i.b32.b16 v9, v5;
	v5 =	vld [tilespmem:s20+$0x11]  }
0x1b9: {  	s19 =	simm.s32 $0x0;
	v9 =	vmul.u32 $0x4243, v8;
	v8 =	vmul.u32 $0x4243, v11;
	v11 =	vadd.s32 v13, v14;
	[tilespmem:s18+$0x0] =	vst v6;
	v6 =	vld [tilespmem:s20+$0xFFFFFFC1];
	s20 =	simm.s32 $0xC7  }
.LBB2_18:
0x1ba: {  	v12 =	vld [tilespmem:s20+$0x20];
	v11 =	vand.u32 $0xFFFF, v11;
	v2 =	vadd.s32 v2, v10  }
0x1bb: {  	s19 =	sadd.s32 $0x4, s19;
	v10 =	vld [tilespmem:s20+$0x30];
	v2 =	vand.u32 $0xFFFF, v2;
	v4 =	vadd.s32 v4, v9  }
0x1bc: {  	p0 =	slt.u32 s19, $0x3C;
	v9 =	vld [tilespmem:s20+$0x21];
	v4 =	vand.u32 $0xFFFF, v4;
	v3 =	vadd.s32 v3, v8  }
0x1bd: {  	v8 =	vld [tilespmem:s20+$0x31];
	v2 =	vpack.i.b32.b16 v4, v2;
	v3 =	vand.u32 $0xFFFF, v3;
	v4 =	vadd.s32 v5, v7  }
0x1be: {  	v5 =	vld [tilespmem:s20+$0xFFFFFFC0];
	v1 =	vadd.s32 v6, v1;
	[tilespmem:s18+$0xFFFFFFE0] =	vst v2;
	v2 =	vand.u32 $0xFFFF, v4  }
0x1bf: {  	v4 =	vld [tilespmem:s20+$0xFFFFFFD0];
	v1 =	vand.u32 $0xFFFF, v1;
	v2 =	vpack.i.b32.b16 v2, v3  }
0x1c0: {  	v6 =	vmul.u32 $0x4243, v12;
	v3 =	vld [tilespmem:s20+$0xFFFFFFE0];
	v7 =	vmul.u32 $0x4243, v10;
	v1 =	vpack.i.b32.b16 v11, v1;
	[tilespmem:s18+$0xFFFFFFF0] =	vst v2  }
0x1c1: {  	v11 =	vld [tilespmem:s20+$0xFFFFFFF0];
	[tilespmem:s18+$0xFFFFFFD0] =	vst v1  }
0x1c2: {  	v2 =	vadd.s32 v9, v6;
	v12 =	vld [tilespmem:s20+$0x0];
	v6 =	vadd.s32 v8, v7  }
0x1c3: {  	v2 =	vand.u32 $0xFFFF, v2;
	v1 =	vmul.u32 $0x4243, v5;
	v7 =	vld [tilespmem:s20+$0x10];
	v5 =	vand.u32 $0xFFFF, v6  }
0x1c4: {  	s18 =	sadd.s32 $0x40, s18;
	v13 =	vld [tilespmem:s20+$0xFFFFFFD1];
	v14 =	vmul.u32 $0x4243, v4;
	v4 =	vpack.i.b32.b16 v5, v2  }
.Ltmp10:
0x1c5: {  	v2 =	vld [tilespmem:s20+$0xFFFFFFE1];
	v10 =	vmul.u32 $0x4243, v3;
	[tilespmem:s18+$0x0] =	vst v4;
	(pc) =	sbr.rel @p0 .LBB2_18-.Ltmp10, $4  }
0x1c6: {  	v4 =	vld [tilespmem:s20+$0xFFFFFFF1];
	v9 =	vmul.u32 $0x4243, v11  }
0x1c7: {  	v3 =	vld [tilespmem:s20+$0x1];
	v8 =	vmul.u32 $0x4243, v12  }
0x1c8: {  	v5 =	vld [tilespmem:s20+$0x11];
	v7 =	vmul.u32 $0x4243, v7  }
0x1c9: {  	v6 =	vld [tilespmem:s20+$0xFFFFFFC1];
	v11 =	vadd.s32 v13, v14;
	s20 =	sadd.s32 $0x80, s20  }
0x1ca: {  	_ = 	snop  }
0x1cb: {  	v2 =	vadd.s32 v2, v10;
	v4 =	vadd.s32 v4, v9  }
0x1cc: {  	v2 =	vand.u32 $0xFFFF, v2;
	v4 =	vand.u32 $0xFFFF, v4  }
0x1cd: {  	v3 =	vadd.s32 v3, v8;
	v2 =	vpack.i.b32.b16 v4, v2;
	v4 =	vadd.s32 v5, v7  }
0x1ce: {  	v3 =	vand.u32 $0xFFFF, v3;
	v1 =	vadd.s32 v6, v1;
	v4 =	vand.u32 $0xFFFF, v4  }
0x1cf: {  	v5 =	vand.u32 $0xFFFF, v11;
	[tilespmem:s18+$0xFFFFFFE0] =	vst v2;
	v1 =	vand.u32 $0xFFFF, v1;
	v2 =	vpack.i.b32.b16 v4, v3  }
0x1d0: {  	v1 =	vpack.i.b32.b16 v5, v1;
	[tilespmem:s18+$0xFFFFFFF0] =	vst v2  }
0x1d1: {  	[tilespmem:s18+$0xFFFFFFD0] =	vst v1  }
0x1d2: {  	s18 =	rddreg [dreg:$0x12]  }
0x1d3: {  	[tilespmem:s3], [sflag:$0x4] =	stream.linear.gather [hbm4b:s18+s3], $0x8, $0x38;
	[tilespmem:$0x18808] =	vst v63  }
0x1d4: {  	_ =	swait.ge [sflag:s8], $0x8  }
0x1d5: {  	[sflag:s8] =	ssyncset.done $0x0  }
0x1d6: {  	s24 =	rddreg [dreg:$0x13];
	[sflag:s8] =	ssyncadd.s32 $0xFFFFFFF8  }
0x1d7: {  	[tilespmem:s7], [sflag:$0x4] =	stream.linear.gather [hbm4b:s24+s3], $0x800, $0x38;
	[tilespmem:$0x18808] =	vst v63  }
0x1d8: {  	_ =	swait.ge [sflag:s8], $0x800  }
0x1d9: {  	[sflag:s8] =	ssyncset.done $0x0  }
0x1da: {  	s20 =	simm.s32 $0x47;
	[sflag:s8] =	ssyncadd.s32 $0xFFFFF800  }
0x1db: {  	v1 =	vld [tilespmem:s20+$0x20]  }
0x1dc: {  	v2 =	vld [tilespmem:s20+$0x30]  }
0x1dd: {  	v3 =	vld [tilespmem:s20+$0x21]  }
0x1de: {  	v4 =	vld [tilespmem:s20+$0x31]  }
0x1df: {  	v5 =	vld [tilespmem:s20+$0xFFFFFFC0]  }
0x1e0: {  	v6 =	vld [tilespmem:s20+$0xFFFFFFD0]  }
0x1e1: {  	v7 =	vld [tilespmem:s20+$0xFFFFFFE0]  }
0x1e2: {  	v8 =	vld [tilespmem:s20+$0xFFFFFFF0]  }
0x1e3: {  	v11 =	vld [tilespmem:s20+$0x0]  }
0x1e4: {  	v12 =	vld [tilespmem:s20+$0x10]  }
0x1e5: {  	v13 =	vld [tilespmem:s20+$0xFFFFFFD1];
	v1 =	vmul.u32 $0x4243, v1;
	v9 =	vmul.u32 $0x4243, v2  }
0x1e6: {  	v2 =	vld [tilespmem:s20+$0xFFFFFFE1]  }
0x1e7: {  	v14 =	vmul.u32 $0x4243, v6;
	v3 =	vadd.s32 v3, v1;
	v9 =	vadd.s32 v4, v9;
	v4 =	vld [tilespmem:s20+$0xFFFFFFF1]  }
0x1e8: {  	v1 =	vmul.u32 $0x4243, v5;
	v5 =	vand.u32 $0xFFFF, v3;
	v9 =	vand.u32 $0xFFFF, v9;
	v3 =	vld [tilespmem:s20+$0x1]  }
0x1e9: {  	s18 =	simm.s32 $0x2C38;
	v10 =	vmul.u32 $0x4243, v7;
	v7 =	vmul.u32 $0x4243, v12;
	v6 =	vpack.i.b32.b16 v9, v5;
	v5 =	vld [tilespmem:s20+$0x11]  }
0x1ea: {  	s19 =	simm.s32 $0x0;
	v9 =	vmul.u32 $0x4243, v8;
	v8 =	vmul.u32 $0x4243, v11;
	v11 =	vadd.s32 v13, v14;
	[tilespmem:s18+$0x0] =	vst v6;
	v6 =	vld [tilespmem:s20+$0xFFFFFFC1];
	s20 =	simm.s32 $0xC7  }
.LBB2_20:
0x1eb: {  	v12 =	vld [tilespmem:s20+$0x20];
	v11 =	vand.u32 $0xFFFF, v11;
	v2 =	vadd.s32 v2, v10  }
0x1ec: {  	s19 =	sadd.s32 $0x4, s19;
	v10 =	vld [tilespmem:s20+$0x30];
	v2 =	vand.u32 $0xFFFF, v2;
	v4 =	vadd.s32 v4, v9  }
0x1ed: {  	p0 =	slt.u32 s19, $0x3C;
	v9 =	vld [tilespmem:s20+$0x21];
	v4 =	vand.u32 $0xFFFF, v4;
	v3 =	vadd.s32 v3, v8  }
0x1ee: {  	v8 =	vld [tilespmem:s20+$0x31];
	v2 =	vpack.i.b32.b16 v4, v2;
	v3 =	vand.u32 $0xFFFF, v3;
	v4 =	vadd.s32 v5, v7  }
0x1ef: {  	v5 =	vld [tilespmem:s20+$0xFFFFFFC0];
	v1 =	vadd.s32 v6, v1;
	[tilespmem:s18+$0xFFFFFFE0] =	vst v2;
	v2 =	vand.u32 $0xFFFF, v4  }
0x1f0: {  	v4 =	vld [tilespmem:s20+$0xFFFFFFD0];
	v1 =	vand.u32 $0xFFFF, v1;
	v2 =	vpack.i.b32.b16 v2, v3  }
0x1f1: {  	v6 =	vmul.u32 $0x4243, v12;
	v3 =	vld [tilespmem:s20+$0xFFFFFFE0];
	v7 =	vmul.u32 $0x4243, v10;
	v1 =	vpack.i.b32.b16 v11, v1;
	[tilespmem:s18+$0xFFFFFFF0] =	vst v2  }
0x1f2: {  	v11 =	vld [tilespmem:s20+$0xFFFFFFF0];
	[tilespmem:s18+$0xFFFFFFD0] =	vst v1  }
0x1f3: {  	v2 =	vadd.s32 v9, v6;
	v12 =	vld [tilespmem:s20+$0x0];
	v6 =	vadd.s32 v8, v7  }
0x1f4: {  	v2 =	vand.u32 $0xFFFF, v2;
	v1 =	vmul.u32 $0x4243, v5;
	v7 =	vld [tilespmem:s20+$0x10];
	v5 =	vand.u32 $0xFFFF, v6  }
0x1f5: {  	s18 =	sadd.s32 $0x40, s18;
	v13 =	vld [tilespmem:s20+$0xFFFFFFD1];
	v14 =	vmul.u32 $0x4243, v4;
	v4 =	vpack.i.b32.b16 v5, v2  }
.Ltmp11:
0x1f6: {  	v2 =	vld [tilespmem:s20+$0xFFFFFFE1];
	v10 =	vmul.u32 $0x4243, v3;
	[tilespmem:s18+$0x0] =	vst v4;
	(pc) =	sbr.rel @p0 .LBB2_20-.Ltmp11, $4  }
0x1f7: {  	v4 =	vld [tilespmem:s20+$0xFFFFFFF1];
	v9 =	vmul.u32 $0x4243, v11  }
0x1f8: {  	v3 =	vld [tilespmem:s20+$0x1];
	v8 =	vmul.u32 $0x4243, v12  }
0x1f9: {  	v5 =	vld [tilespmem:s20+$0x11];
	v7 =	vmul.u32 $0x4243, v7  }
0x1fa: {  	v6 =	vld [tilespmem:s20+$0xFFFFFFC1];
	v11 =	vadd.s32 v13, v14;
	s20 =	sadd.s32 $0x80, s20  }
0x1fb: {  	_ = 	snop  }
0x1fc: {  	v2 =	vadd.s32 v2, v10;
	v4 =	vadd.s32 v4, v9  }
0x1fd: {  	v2 =	vand.u32 $0xFFFF, v2;
	v4 =	vand.u32 $0xFFFF, v4  }
0x1fe: {  	v3 =	vadd.s32 v3, v8;
	v2 =	vpack.i.b32.b16 v4, v2;
	v4 =	vadd.s32 v5, v7  }
0x1ff: {  	v3 =	vand.u32 $0xFFFF, v3;
	v1 =	vadd.s32 v6, v1;
	v4 =	vand.u32 $0xFFFF, v4  }
0x200: {  	v5 =	vand.u32 $0xFFFF, v11;
	[tilespmem:s18+$0xFFFFFFE0] =	vst v2;
	v1 =	vand.u32 $0xFFFF, v1;
	v2 =	vpack.i.b32.b16 v4, v3  }
0x201: {  	v1 =	vpack.i.b32.b16 v5, v1;
	[tilespmem:s18+$0xFFFFFFF0] =	vst v2  }
0x202: {  	[tilespmem:s18+$0xFFFFFFD0] =	vst v1  }
0x203: {  	s18 =	rddreg [dreg:$0x14]  }
0x204: {  	[tilespmem:s3], [sflag:$0x4] =	stream.linear.gather [hbm4b:s18+s3], $0x8, $0x38;
	[tilespmem:$0x18808] =	vst v63  }
0x205: {  	_ =	swait.ge [sflag:s8], $0x8  }
0x206: {  	[sflag:s8] =	ssyncset.done $0x0  }
0x207: {  	s24 =	rddreg [dreg:$0x15];
	[sflag:s8] =	ssyncadd.s32 $0xFFFFFFF8  }
0x208: {  	[tilespmem:s7], [sflag:$0x4] =	stream.linear.gather [hbm4b:s24+s3], $0x800, $0x38;
	[tilespmem:$0x18808] =	vst v63  }
0x209: {  	_ =	swait.ge [sflag:s8], $0x800  }
0x20a: {  	[sflag:s8] =	ssyncset.done $0x0  }
0x20b: {  	s20 =	simm.s32 $0x47;
	[sflag:s8] =	ssyncadd.s32 $0xFFFFF800  }
0x20c: {  	v1 =	vld [tilespmem:s20+$0x20]  }
0x20d: {  	v2 =	vld [tilespmem:s20+$0x30]  }
0x20e: {  	v3 =	vld [tilespmem:s20+$0x21]  }
0x20f: {  	v4 =	vld [tilespmem:s20+$0x31]  }
0x210: {  	v5 =	vld [tilespmem:s20+$0xFFFFFFC0]  }
0x211: {  	v6 =	vld [tilespmem:s20+$0xFFFFFFD0]  }
0x212: {  	v7 =	vld [tilespmem:s20+$0xFFFFFFE0]  }
0x213: {  	v8 =	vld [tilespmem:s20+$0xFFFFFFF0]  }
0x214: {  	v11 =	vld [tilespmem:s20+$0x0]  }
0x215: {  	v12 =	vld [tilespmem:s20+$0x10]  }
0x216: {  	v13 =	vld [tilespmem:s20+$0xFFFFFFD1];
	v1 =	vmul.u32 $0x4243, v1;
	v9 =	vmul.u32 $0x4243, v2  }
0x217: {  	v2 =	vld [tilespmem:s20+$0xFFFFFFE1]  }
0x218: {  	v14 =	vmul.u32 $0x4243, v6;
	v3 =	vadd.s32 v3, v1;
	v9 =	vadd.s32 v4, v9;
	v4 =	vld [tilespmem:s20+$0xFFFFFFF1]  }
0x219: {  	v1 =	vmul.u32 $0x4243, v5;
	v5 =	vand.u32 $0xFFFF, v3;
	v9 =	vand.u32 $0xFFFF, v9;
	v3 =	vld [tilespmem:s20+$0x1]  }
0x21a: {  	s18 =	simm.s32 $0x3038;
	v10 =	vmul.u32 $0x4243, v7;
	v7 =	vmul.u32 $0x4243, v12;
	v6 =	vpack.i.b32.b16 v9, v5;
	v5 =	vld [tilespmem:s20+$0x11]  }
0x21b: {  	s19 =	simm.s32 $0x0;
	v9 =	vmul.u32 $0x4243, v8;
	v8 =	vmul.u32 $0x4243, v11;
	v11 =	vadd.s32 v13, v14;
	[tilespmem:s18+$0x0] =	vst v6;
	v6 =	vld [tilespmem:s20+$0xFFFFFFC1];
	s20 =	simm.s32 $0xC7  }
.LBB2_22:
0x21c: {  	v12 =	vld [tilespmem:s20+$0x20];
	v11 =	vand.u32 $0xFFFF, v11;
	v2 =	vadd.s32 v2, v10  }
0x21d: {  	s19 =	sadd.s32 $0x4, s19;
	v10 =	vld [tilespmem:s20+$0x30];
	v2 =	vand.u32 $0xFFFF, v2;
	v4 =	vadd.s32 v4, v9  }
0x21e: {  	p0 =	slt.u32 s19, $0x3C;
	v9 =	vld [tilespmem:s20+$0x21];
	v4 =	vand.u32 $0xFFFF, v4;
	v3 =	vadd.s32 v3, v8  }
0x21f: {  	v8 =	vld [tilespmem:s20+$0x31];
	v2 =	vpack.i.b32.b16 v4, v2;
	v3 =	vand.u32 $0xFFFF, v3;
	v4 =	vadd.s32 v5, v7  }
0x220: {  	v5 =	vld [tilespmem:s20+$0xFFFFFFC0];
	v1 =	vadd.s32 v6, v1;
	[tilespmem:s18+$0xFFFFFFE0] =	vst v2;
	v2 =	vand.u32 $0xFFFF, v4  }
0x221: {  	v4 =	vld [tilespmem:s20+$0xFFFFFFD0];
	v1 =	vand.u32 $0xFFFF, v1;
	v2 =	vpack.i.b32.b16 v2, v3  }
0x222: {  	v6 =	vmul.u32 $0x4243, v12;
	v3 =	vld [tilespmem:s20+$0xFFFFFFE0];
	v7 =	vmul.u32 $0x4243, v10;
	v1 =	vpack.i.b32.b16 v11, v1;
	[tilespmem:s18+$0xFFFFFFF0] =	vst v2  }
0x223: {  	v11 =	vld [tilespmem:s20+$0xFFFFFFF0];
	[tilespmem:s18+$0xFFFFFFD0] =	vst v1  }
0x224: {  	v2 =	vadd.s32 v9, v6;
	v12 =	vld [tilespmem:s20+$0x0];
	v6 =	vadd.s32 v8, v7  }
0x225: {  	v2 =	vand.u32 $0xFFFF, v2;
	v1 =	vmul.u32 $0x4243, v5;
	v7 =	vld [tilespmem:s20+$0x10];
	v5 =	vand.u32 $0xFFFF, v6  }
0x226: {  	s18 =	sadd.s32 $0x40, s18;
	v13 =	vld [tilespmem:s20+$0xFFFFFFD1];
	v14 =	vmul.u32 $0x4243, v4;
	v4 =	vpack.i.b32.b16 v5, v2  }
.Ltmp12:
0x227: {  	v2 =	vld [tilespmem:s20+$0xFFFFFFE1];
	v10 =	vmul.u32 $0x4243, v3;
	[tilespmem:s18+$0x0] =	vst v4;
	(pc) =	sbr.rel @p0 .LBB2_22-.Ltmp12, $4  }
0x228: {  	v4 =	vld [tilespmem:s20+$0xFFFFFFF1];
	v9 =	vmul.u32 $0x4243, v11  }
0x229: {  	v3 =	vld [tilespmem:s20+$0x1];
	v8 =	vmul.u32 $0x4243, v12  }
0x22a: {  	v5 =	vld [tilespmem:s20+$0x11];
	v7 =	vmul.u32 $0x4243, v7  }
0x22b: {  	v6 =	vld [tilespmem:s20+$0xFFFFFFC1];
	v11 =	vadd.s32 v13, v14;
	s20 =	sadd.s32 $0x80, s20  }
0x22c: {  	_ = 	snop  }
0x22d: {  	v2 =	vadd.s32 v2, v10;
	v4 =	vadd.s32 v4, v9  }
0x22e: {  	v2 =	vand.u32 $0xFFFF, v2;
	v4 =	vand.u32 $0xFFFF, v4  }
0x22f: {  	v3 =	vadd.s32 v3, v8;
	v2 =	vpack.i.b32.b16 v4, v2;
	v4 =	vadd.s32 v5, v7  }
0x230: {  	v3 =	vand.u32 $0xFFFF, v3;
	v1 =	vadd.s32 v6, v1;
	v4 =	vand.u32 $0xFFFF, v4  }
0x231: {  	v5 =	vand.u32 $0xFFFF, v11;
	[tilespmem:s18+$0xFFFFFFE0] =	vst v2;
	v1 =	vand.u32 $0xFFFF, v1;
	v2 =	vpack.i.b32.b16 v4, v3  }
0x232: {  	v1 =	vpack.i.b32.b16 v5, v1;
	[tilespmem:s18+$0xFFFFFFF0] =	vst v2  }
0x233: {  	[tilespmem:s18+$0xFFFFFFD0] =	vst v1  }
0x234: {  	[tilespmem:s3], [sflag:$0x4] =	stream.linear.gather [hbm4b:s26+s3], $0x8, $0x38;
	[tilespmem:$0x18808] =	vst v63  }
0x235: {  	_ =	swait.ge [sflag:s8], $0x8  }
0x236: {  	[sflag:s8] =	ssyncset.done $0x0  }
0x237: {  	[sflag:s8] =	ssyncadd.s32 $0xFFFFFFF8  }
0x238: {  	[tilespmem:s7], [sflag:$0x4] =	stream.linear.gather [hbm4b:s28+s3], $0x800, $0x38;
	[tilespmem:$0x18808] =	vst v63  }
0x239: {  	_ =	swait.ge [sflag:s8], $0x800  }
0x23a: {  	[sflag:s8] =	ssyncset.done $0x0  }
0x23b: {  	s20 =	simm.s32 $0x47;
	[sflag:s8] =	ssyncadd.s32 $0xFFFFF800  }
0x23c: {  	v1 =	vld [tilespmem:s20+$0x20]  }
0x23d: {  	v2 =	vld [tilespmem:s20+$0x30]  }
0x23e: {  	v3 =	vld [tilespmem:s20+$0x21]  }
0x23f: {  	v4 =	vld [tilespmem:s20+$0x31]  }
0x240: {  	v5 =	vld [tilespmem:s20+$0xFFFFFFC0]  }
0x241: {  	v6 =	vld [tilespmem:s20+$0xFFFFFFD0]  }
0x242: {  	v7 =	vld [tilespmem:s20+$0xFFFFFFE0]  }
0x243: {  	v8 =	vld [tilespmem:s20+$0xFFFFFFF0]  }
0x244: {  	v11 =	vld [tilespmem:s20+$0x0]  }
0x245: {  	v12 =	vld [tilespmem:s20+$0x10]  }
0x246: {  	v13 =	vld [tilespmem:s20+$0xFFFFFFD1];
	v1 =	vmul.u32 $0x4243, v1;
	v9 =	vmul.u32 $0x4243, v2  }
0x247: {  	v2 =	vld [tilespmem:s20+$0xFFFFFFE1]  }
0x248: {  	v14 =	vmul.u32 $0x4243, v6;
	v3 =	vadd.s32 v3, v1;
	v9 =	vadd.s32 v4, v9;
	v4 =	vld [tilespmem:s20+$0xFFFFFFF1]  }
0x249: {  	v1 =	vmul.u32 $0x4243, v5;
	v5 =	vand.u32 $0xFFFF, v3;
	v9 =	vand.u32 $0xFFFF, v9;
	v3 =	vld [tilespmem:s20+$0x1]  }
0x24a: {  	s18 =	simm.s32 $0x3438;
	v10 =	vmul.u32 $0x4243, v7;
	v7 =	vmul.u32 $0x4243, v12;
	v6 =	vpack.i.b32.b16 v9, v5;
	v5 =	vld [tilespmem:s20+$0x11]  }
0x24b: {  	s19 =	simm.s32 $0x0;
	v9 =	vmul.u32 $0x4243, v8;
	v8 =	vmul.u32 $0x4243, v11;
	v11 =	vadd.s32 v13, v14;
	[tilespmem:s18+$0x0] =	vst v6;
	v6 =	vld [tilespmem:s20+$0xFFFFFFC1];
	s20 =	simm.s32 $0xC7  }
.LBB2_24:
0x24c: {  	v12 =	vld [tilespmem:s20+$0x20];
	v11 =	vand.u32 $0xFFFF, v11;
	v2 =	vadd.s32 v2, v10  }
0x24d: {  	s19 =	sadd.s32 $0x4, s19;
	v10 =	vld [tilespmem:s20+$0x30];
	v2 =	vand.u32 $0xFFFF, v2;
	v4 =	vadd.s32 v4, v9  }
0x24e: {  	p0 =	slt.u32 s19, $0x3C;
	v9 =	vld [tilespmem:s20+$0x21];
	v4 =	vand.u32 $0xFFFF, v4;
	v3 =	vadd.s32 v3, v8  }
0x24f: {  	v8 =	vld [tilespmem:s20+$0x31];
	v2 =	vpack.i.b32.b16 v4, v2;
	v3 =	vand.u32 $0xFFFF, v3;
	v4 =	vadd.s32 v5, v7  }
0x250: {  	v5 =	vld [tilespmem:s20+$0xFFFFFFC0];
	v1 =	vadd.s32 v6, v1;
	[tilespmem:s18+$0xFFFFFFE0] =	vst v2;
	v2 =	vand.u32 $0xFFFF, v4  }
0x251: {  	v4 =	vld [tilespmem:s20+$0xFFFFFFD0];
	v1 =	vand.u32 $0xFFFF, v1;
	v2 =	vpack.i.b32.b16 v2, v3  }
0x252: {  	v6 =	vmul.u32 $0x4243, v12;
	v3 =	vld [tilespmem:s20+$0xFFFFFFE0];
	v7 =	vmul.u32 $0x4243, v10;
	v1 =	vpack.i.b32.b16 v11, v1;
	[tilespmem:s18+$0xFFFFFFF0] =	vst v2  }
0x253: {  	v11 =	vld [tilespmem:s20+$0xFFFFFFF0];
	[tilespmem:s18+$0xFFFFFFD0] =	vst v1  }
0x254: {  	v2 =	vadd.s32 v9, v6;
	v12 =	vld [tilespmem:s20+$0x0];
	v6 =	vadd.s32 v8, v7  }
0x255: {  	v2 =	vand.u32 $0xFFFF, v2;
	v1 =	vmul.u32 $0x4243, v5;
	v7 =	vld [tilespmem:s20+$0x10];
	v5 =	vand.u32 $0xFFFF, v6  }
0x256: {  	s18 =	sadd.s32 $0x40, s18;
	v13 =	vld [tilespmem:s20+$0xFFFFFFD1];
	v14 =	vmul.u32 $0x4243, v4;
	v4 =	vpack.i.b32.b16 v5, v2  }
.Ltmp13:
0x257: {  	v2 =	vld [tilespmem:s20+$0xFFFFFFE1];
	v10 =	vmul.u32 $0x4243, v3;
	[tilespmem:s18+$0x0] =	vst v4;
	(pc) =	sbr.rel @p0 .LBB2_24-.Ltmp13, $4  }
0x258: {  	v4 =	vld [tilespmem:s20+$0xFFFFFFF1];
	v9 =	vmul.u32 $0x4243, v11  }
0x259: {  	v3 =	vld [tilespmem:s20+$0x1];
	v8 =	vmul.u32 $0x4243, v12  }
0x25a: {  	v5 =	vld [tilespmem:s20+$0x11];
	v7 =	vmul.u32 $0x4243, v7  }
0x25b: {  	v6 =	vld [tilespmem:s20+$0xFFFFFFC1];
	v11 =	vadd.s32 v13, v14;
	s20 =	sadd.s32 $0x80, s20  }
0x25c: {  	_ = 	snop  }
0x25d: {  	v2 =	vadd.s32 v2, v10;
	v4 =	vadd.s32 v4, v9  }
0x25e: {  	v2 =	vand.u32 $0xFFFF, v2;
	v4 =	vand.u32 $0xFFFF, v4  }
0x25f: {  	v3 =	vadd.s32 v3, v8;
	v2 =	vpack.i.b32.b16 v4, v2;
	v4 =	vadd.s32 v5, v7  }
0x260: {  	v3 =	vand.u32 $0xFFFF, v3;
	v1 =	vadd.s32 v6, v1;
	v4 =	vand.u32 $0xFFFF, v4  }
0x261: {  	v5 =	vand.u32 $0xFFFF, v11;
	[tilespmem:s18+$0xFFFFFFE0] =	vst v2;
	v1 =	vand.u32 $0xFFFF, v1;
	v2 =	vpack.i.b32.b16 v4, v3  }
0x262: {  	v1 =	vpack.i.b32.b16 v5, v1;
	[tilespmem:s18+$0xFFFFFFF0] =	vst v2  }
0x263: {  	[tilespmem:s18+$0xFFFFFFD0] =	vst v1  }
0x264: {  	[tilespmem:$0x0] =	vst v0  }
0x265: {  	[tilespmem:s7], [sflag:$0x4] =	stream.linear.gather [hbm4b:s29+s3], $0x800, $0x38;
	[tilespmem:$0x18808] =	vst v63  }
0x266: {  	_ =	swait.ge [sflag:s8], $0x800  }
0x267: {  	[sflag:s8] =	ssyncset.done $0x0  }
0x268: {  	s20 =	simm.s32 $0x47;
	[sflag:s8] =	ssyncadd.s32 $0xFFFFF800  }
0x269: {  	v1 =	vld [tilespmem:s20+$0x20]  }
0x26a: {  	v2 =	vld [tilespmem:s20+$0x30]  }
0x26b: {  	v3 =	vld [tilespmem:s20+$0x21]  }
0x26c: {  	v4 =	vld [tilespmem:s20+$0x31]  }
0x26d: {  	v5 =	vld [tilespmem:s20+$0xFFFFFFC0]  }
0x26e: {  	v6 =	vld [tilespmem:s20+$0xFFFFFFD0]  }
0x26f: {  	v7 =	vld [tilespmem:s20+$0xFFFFFFE0]  }
0x270: {  	v8 =	vld [tilespmem:s20+$0xFFFFFFF0]  }
0x271: {  	v11 =	vld [tilespmem:s20+$0x0]  }
0x272: {  	v12 =	vld [tilespmem:s20+$0x10]  }
0x273: {  	v13 =	vld [tilespmem:s20+$0xFFFFFFD1];
	v1 =	vmul.u32 $0x4243, v1;
	v9 =	vmul.u32 $0x4243, v2  }
0x274: {  	v2 =	vld [tilespmem:s20+$0xFFFFFFE1]  }
0x275: {  	v14 =	vmul.u32 $0x4243, v6;
	v3 =	vadd.s32 v3, v1;
	v9 =	vadd.s32 v4, v9;
	v4 =	vld [tilespmem:s20+$0xFFFFFFF1]  }
0x276: {  	v1 =	vmul.u32 $0x4243, v5;
	v5 =	vand.u32 $0xFFFF, v3;
	v9 =	vand.u32 $0xFFFF, v9;
	v3 =	vld [tilespmem:s20+$0x1]  }
0x277: {  	s18 =	simm.s32 $0x3838;
	v10 =	vmul.u32 $0x4243, v7;
	v7 =	vmul.u32 $0x4243, v12;
	v6 =	vpack.i.b32.b16 v9, v5;
	v5 =	vld [tilespmem:s20+$0x11]  }
0x278: {  	s19 =	simm.s32 $0x0;
	v9 =	vmul.u32 $0x4243, v8;
	v8 =	vmul.u32 $0x4243, v11;
	v11 =	vadd.s32 v13, v14;
	[tilespmem:s18+$0x0] =	vst v6;
	v6 =	vld [tilespmem:s20+$0xFFFFFFC1];
	s20 =	simm.s32 $0xC7  }
.LBB2_26:
0x279: {  	v12 =	vld [tilespmem:s20+$0x20];
	v11 =	vand.u32 $0xFFFF, v11;
	v2 =	vadd.s32 v2, v10  }
0x27a: {  	s19 =	sadd.s32 $0x4, s19;
	v10 =	vld [tilespmem:s20+$0x30];
	v2 =	vand.u32 $0xFFFF, v2;
	v4 =	vadd.s32 v4, v9  }
0x27b: {  	p0 =	slt.u32 s19, $0x3C;
	v9 =	vld [tilespmem:s20+$0x21];
	v4 =	vand.u32 $0xFFFF, v4;
	v3 =	vadd.s32 v3, v8  }
0x27c: {  	v8 =	vld [tilespmem:s20+$0x31];
	v2 =	vpack.i.b32.b16 v4, v2;
	v3 =	vand.u32 $0xFFFF, v3;
	v4 =	vadd.s32 v5, v7  }
0x27d: {  	v5 =	vld [tilespmem:s20+$0xFFFFFFC0];
	v1 =	vadd.s32 v6, v1;
	[tilespmem:s18+$0xFFFFFFE0] =	vst v2;
	v2 =	vand.u32 $0xFFFF, v4  }
0x27e: {  	v4 =	vld [tilespmem:s20+$0xFFFFFFD0];
	v1 =	vand.u32 $0xFFFF, v1;
	v2 =	vpack.i.b32.b16 v2, v3  }
0x27f: {  	v6 =	vmul.u32 $0x4243, v12;
	v3 =	vld [tilespmem:s20+$0xFFFFFFE0];
	v7 =	vmul.u32 $0x4243, v10;
	v1 =	vpack.i.b32.b16 v11, v1;
	[tilespmem:s18+$0xFFFFFFF0] =	vst v2  }
0x280: {  	v11 =	vld [tilespmem:s20+$0xFFFFFFF0];
	[tilespmem:s18+$0xFFFFFFD0] =	vst v1  }
0x281: {  	v2 =	vadd.s32 v9, v6;
	v12 =	vld [tilespmem:s20+$0x0];
	v6 =	vadd.s32 v8, v7  }
0x282: {  	v2 =	vand.u32 $0xFFFF, v2;
	v1 =	vmul.u32 $0x4243, v5;
	v7 =	vld [tilespmem:s20+$0x10];
	v5 =	vand.u32 $0xFFFF, v6  }
0x283: {  	s18 =	sadd.s32 $0x40, s18;
	v13 =	vld [tilespmem:s20+$0xFFFFFFD1];
	v14 =	vmul.u32 $0x4243, v4;
	v4 =	vpack.i.b32.b16 v5, v2  }
.Ltmp14:
0x284: {  	v2 =	vld [tilespmem:s20+$0xFFFFFFE1];
	v10 =	vmul.u32 $0x4243, v3;
	[tilespmem:s18+$0x0] =	vst v4;
	(pc) =	sbr.rel @p0 .LBB2_26-.Ltmp14, $4  }
0x285: {  	v4 =	vld [tilespmem:s20+$0xFFFFFFF1];
	v9 =	vmul.u32 $0x4243, v11  }
0x286: {  	v3 =	vld [tilespmem:s20+$0x1];
	v8 =	vmul.u32 $0x4243, v12  }
0x287: {  	v5 =	vld [tilespmem:s20+$0x11];
	v7 =	vmul.u32 $0x4243, v7  }
0x288: {  	v6 =	vld [tilespmem:s20+$0xFFFFFFC1];
	v11 =	vadd.s32 v13, v14;
	s20 =	sadd.s32 $0x80, s20  }
0x289: {  	_ = 	snop  }
0x28a: {  	v2 =	vadd.s32 v2, v10;
	v4 =	vadd.s32 v4, v9  }
0x28b: {  	v2 =	vand.u32 $0xFFFF, v2;
	v4 =	vand.u32 $0xFFFF, v4  }
0x28c: {  	v3 =	vadd.s32 v3, v8;
	v2 =	vpack.i.b32.b16 v4, v2;
	v4 =	vadd.s32 v5, v7  }
0x28d: {  	v3 =	vand.u32 $0xFFFF, v3;
	v1 =	vadd.s32 v6, v1;
	v4 =	vand.u32 $0xFFFF, v4  }
0x28e: {  	v5 =	vand.u32 $0xFFFF, v11;
	[tilespmem:s18+$0xFFFFFFE0] =	vst v2;
	v1 =	vand.u32 $0xFFFF, v1;
	v2 =	vpack.i.b32.b16 v4, v3  }
0x28f: {  	v1 =	vpack.i.b32.b16 v5, v1;
	[tilespmem:s18+$0xFFFFFFF0] =	vst v2  }
0x290: {  	[tilespmem:s18+$0xFFFFFFD0] =	vst v1  }
0x291: {  	[tilespmem:s3], [sflag:$0x4] =	stream.linear.gather [hbm4b:s30+s3], $0x8, $0x38;
	[tilespmem:$0x18808] =	vst v63  }
0x292: {  	_ =	swait.ge [sflag:s8], $0x8  }
0x293: {  	[sflag:s8] =	ssyncset.done $0x0  }
0x294: {  	[sflag:s8] =	ssyncadd.s32 $0xFFFFFFF8  }
0x295: {  	[tilespmem:s7], [sflag:$0x4] =	stream.linear.gather [hbm4b:s31+s3], $0x800, $0x38;
	[tilespmem:$0x18808] =	vst v63  }
0x296: {  	_ =	swait.ge [sflag:s8], $0x800  }
0x297: {  	[sflag:s8] =	ssyncset.done $0x0  }
0x298: {  	s20 =	simm.s32 $0x47;
	[sflag:s8] =	ssyncadd.s32 $0xFFFFF800  }
0x299: {  	v1 =	vld [tilespmem:s20+$0x20]  }
0x29a: {  	v2 =	vld [tilespmem:s20+$0x30]  }
0x29b: {  	v3 =	vld [tilespmem:s20+$0x21]  }
0x29c: {  	v4 =	vld [tilespmem:s20+$0x31]  }
0x29d: {  	v5 =	vld [tilespmem:s20+$0xFFFFFFC0]  }
0x29e: {  	v6 =	vld [tilespmem:s20+$0xFFFFFFD0]  }
0x29f: {  	v7 =	vld [tilespmem:s20+$0xFFFFFFE0]  }
0x2a0: {  	v8 =	vld [tilespmem:s20+$0xFFFFFFF0]  }
0x2a1: {  	v11 =	vld [tilespmem:s20+$0x0]  }
0x2a2: {  	v12 =	vld [tilespmem:s20+$0x10]  }
0x2a3: {  	v13 =	vld [tilespmem:s20+$0xFFFFFFD1];
	v1 =	vmul.u32 $0x4243, v1;
	v9 =	vmul.u32 $0x4243, v2  }
0x2a4: {  	v2 =	vld [tilespmem:s20+$0xFFFFFFE1]  }
0x2a5: {  	v14 =	vmul.u32 $0x4243, v6;
	v3 =	vadd.s32 v3, v1;
	v9 =	vadd.s32 v4, v9;
	v4 =	vld [tilespmem:s20+$0xFFFFFFF1]  }
0x2a6: {  	v1 =	vmul.u32 $0x4243, v5;
	v5 =	vand.u32 $0xFFFF, v3;
	v9 =	vand.u32 $0xFFFF, v9;
	v3 =	vld [tilespmem:s20+$0x1]  }
0x2a7: {  	s18 =	simm.s32 $0x3C38;
	v10 =	vmul.u32 $0x4243, v7;
	v7 =	vmul.u32 $0x4243, v12;
	v6 =	vpack.i.b32.b16 v9, v5;
	v5 =	vld [tilespmem:s20+$0x11]  }
0x2a8: {  	s19 =	simm.s32 $0x0;
	v9 =	vmul.u32 $0x4243, v8;
	v8 =	vmul.u32 $0x4243, v11;
	v11 =	vadd.s32 v13, v14;
	[tilespmem:s18+$0x0] =	vst v6;
	v6 =	vld [tilespmem:s20+$0xFFFFFFC1];
	s20 =	simm.s32 $0xC7  }
.LBB2_28:
0x2a9: {  	v12 =	vld [tilespmem:s20+$0x20];
	v11 =	vand.u32 $0xFFFF, v11;
	v2 =	vadd.s32 v2, v10  }
0x2aa: {  	s19 =	sadd.s32 $0x4, s19;
	v10 =	vld [tilespmem:s20+$0x30];
	v2 =	vand.u32 $0xFFFF, v2;
	v4 =	vadd.s32 v4, v9  }
0x2ab: {  	p0 =	slt.u32 s19, $0x3C;
	v9 =	vld [tilespmem:s20+$0x21];
	v4 =	vand.u32 $0xFFFF, v4;
	v3 =	vadd.s32 v3, v8  }
0x2ac: {  	v8 =	vld [tilespmem:s20+$0x31];
	v2 =	vpack.i.b32.b16 v4, v2;
	v3 =	vand.u32 $0xFFFF, v3;
	v4 =	vadd.s32 v5, v7  }
0x2ad: {  	v5 =	vld [tilespmem:s20+$0xFFFFFFC0];
	v1 =	vadd.s32 v6, v1;
	[tilespmem:s18+$0xFFFFFFE0] =	vst v2;
	v2 =	vand.u32 $0xFFFF, v4  }
0x2ae: {  	v4 =	vld [tilespmem:s20+$0xFFFFFFD0];
	v1 =	vand.u32 $0xFFFF, v1;
	v2 =	vpack.i.b32.b16 v2, v3  }
0x2af: {  	v6 =	vmul.u32 $0x4243, v12;
	v3 =	vld [tilespmem:s20+$0xFFFFFFE0];
	v7 =	vmul.u32 $0x4243, v10;
	v1 =	vpack.i.b32.b16 v11, v1;
	[tilespmem:s18+$0xFFFFFFF0] =	vst v2  }
0x2b0: {  	v11 =	vld [tilespmem:s20+$0xFFFFFFF0];
	[tilespmem:s18+$0xFFFFFFD0] =	vst v1  }
0x2b1: {  	v2 =	vadd.s32 v9, v6;
	v12 =	vld [tilespmem:s20+$0x0];
	v6 =	vadd.s32 v8, v7  }
0x2b2: {  	v2 =	vand.u32 $0xFFFF, v2;
	v1 =	vmul.u32 $0x4243, v5;
	v7 =	vld [tilespmem:s20+$0x10];
	v5 =	vand.u32 $0xFFFF, v6  }
0x2b3: {  	s18 =	sadd.s32 $0x40, s18;
	v13 =	vld [tilespmem:s20+$0xFFFFFFD1];
	v14 =	vmul.u32 $0x4243, v4;
	v4 =	vpack.i.b32.b16 v5, v2  }
.Ltmp15:
0x2b4: {  	v2 =	vld [tilespmem:s20+$0xFFFFFFE1];
	v10 =	vmul.u32 $0x4243, v3;
	[tilespmem:s18+$0x0] =	vst v4;
	(pc) =	sbr.rel @p0 .LBB2_28-.Ltmp15, $4  }
0x2b5: {  	v4 =	vld [tilespmem:s20+$0xFFFFFFF1];
	v9 =	vmul.u32 $0x4243, v11  }
0x2b6: {  	v3 =	vld [tilespmem:s20+$0x1];
	v8 =	vmul.u32 $0x4243, v12  }
0x2b7: {  	v5 =	vld [tilespmem:s20+$0x11];
	v7 =	vmul.u32 $0x4243, v7  }
0x2b8: {  	v6 =	vld [tilespmem:s20+$0xFFFFFFC1];
	v11 =	vadd.s32 v13, v14;
	s20 =	sadd.s32 $0x80, s20  }
0x2b9: {  	_ = 	snop  }
0x2ba: {  	v2 =	vadd.s32 v2, v10;
	v4 =	vadd.s32 v4, v9  }
0x2bb: {  	v2 =	vand.u32 $0xFFFF, v2;
	v4 =	vand.u32 $0xFFFF, v4  }
0x2bc: {  	v3 =	vadd.s32 v3, v8;
	v2 =	vpack.i.b32.b16 v4, v2;
	v4 =	vadd.s32 v5, v7  }
0x2bd: {  	v3 =	vand.u32 $0xFFFF, v3;
	v1 =	vadd.s32 v6, v1;
	v4 =	vand.u32 $0xFFFF, v4  }
0x2be: {  	v5 =	vand.u32 $0xFFFF, v11;
	[tilespmem:s18+$0xFFFFFFE0] =	vst v2;
	v1 =	vand.u32 $0xFFFF, v1;
	v2 =	vpack.i.b32.b16 v4, v3  }
0x2bf: {  	v1 =	vpack.i.b32.b16 v5, v1;
	[tilespmem:s18+$0xFFFFFFF0] =	vst v2  }
0x2c0: {  	[tilespmem:s18+$0xFFFFFFD0] =	vst v1  }
0x2c1: {  	[tilespmem:s3], [sflag:$0x4] =	stream.linear.gather [hbm4b:s0+s3], $0x8, $0x38;
	[tilespmem:$0x18808] =	vst v63  }
0x2c2: {  	_ =	swait.ge [sflag:s8], $0x8  }
0x2c3: {  	[sflag:s8] =	ssyncset.done $0x0  }
0x2c4: {  	[sflag:s8] =	ssyncadd.s32 $0xFFFFFFF8  }
0x2c5: {  	[tilespmem:s7], [sflag:$0x4] =	stream.linear.gather [hbm4b:s2+s3], $0x800, $0x38;
	[tilespmem:$0x18808] =	vst v63  }
0x2c6: {  	_ =	swait.ge [sflag:s8], $0x800  }
0x2c7: {  	[sflag:s8] =	ssyncset.done $0x0  }
0x2c8: {  	s20 =	simm.s32 $0x47;
	[sflag:s8] =	ssyncadd.s32 $0xFFFFF800  }
0x2c9: {  	v1 =	vld [tilespmem:s20+$0x20]  }
0x2ca: {  	v2 =	vld [tilespmem:s20+$0x30]  }
0x2cb: {  	v3 =	vld [tilespmem:s20+$0x21]  }
0x2cc: {  	v4 =	vld [tilespmem:s20+$0x31]  }
0x2cd: {  	v5 =	vld [tilespmem:s20+$0xFFFFFFC0]  }
0x2ce: {  	v6 =	vld [tilespmem:s20+$0xFFFFFFD0]  }
0x2cf: {  	v7 =	vld [tilespmem:s20+$0xFFFFFFE0]  }
0x2d0: {  	v8 =	vld [tilespmem:s20+$0xFFFFFFF0]  }
0x2d1: {  	v11 =	vld [tilespmem:s20+$0x0]  }
0x2d2: {  	v12 =	vld [tilespmem:s20+$0x10]  }
0x2d3: {  	v13 =	vld [tilespmem:s20+$0xFFFFFFD1];
	v1 =	vmul.u32 $0x4243, v1;
	v9 =	vmul.u32 $0x4243, v2  }
0x2d4: {  	v2 =	vld [tilespmem:s20+$0xFFFFFFE1]  }
0x2d5: {  	v14 =	vmul.u32 $0x4243, v6;
	v3 =	vadd.s32 v3, v1;
	v9 =	vadd.s32 v4, v9;
	v4 =	vld [tilespmem:s20+$0xFFFFFFF1]  }
0x2d6: {  	v1 =	vmul.u32 $0x4243, v5;
	v5 =	vand.u32 $0xFFFF, v3;
	v9 =	vand.u32 $0xFFFF, v9;
	v3 =	vld [tilespmem:s20+$0x1]  }
0x2d7: {  	s18 =	simm.s32 $0x4038;
	v10 =	vmul.u32 $0x4243, v7;
	v7 =	vmul.u32 $0x4243, v12;
	v6 =	vpack.i.b32.b16 v9, v5;
	v5 =	vld [tilespmem:s20+$0x11]  }
0x2d8: {  	s19 =	simm.s32 $0x0;
	v9 =	vmul.u32 $0x4243, v8;
	v8 =	vmul.u32 $0x4243, v11;
	v11 =	vadd.s32 v13, v14;
	[tilespmem:s18+$0x0] =	vst v6;
	v6 =	vld [tilespmem:s20+$0xFFFFFFC1];
	s20 =	simm.s32 $0xC7  }
.LBB2_30:
0x2d9: {  	v12 =	vld [tilespmem:s20+$0x20];
	v11 =	vand.u32 $0xFFFF, v11;
	v2 =	vadd.s32 v2, v10  }
0x2da: {  	s19 =	sadd.s32 $0x4, s19;
	v10 =	vld [tilespmem:s20+$0x30];
	v2 =	vand.u32 $0xFFFF, v2;
	v4 =	vadd.s32 v4, v9  }
0x2db: {  	p0 =	slt.u32 s19, $0x3C;
	v9 =	vld [tilespmem:s20+$0x21];
	v4 =	vand.u32 $0xFFFF, v4;
	v3 =	vadd.s32 v3, v8  }
0x2dc: {  	v8 =	vld [tilespmem:s20+$0x31];
	v2 =	vpack.i.b32.b16 v4, v2;
	v3 =	vand.u32 $0xFFFF, v3;
	v4 =	vadd.s32 v5, v7  }
0x2dd: {  	v5 =	vld [tilespmem:s20+$0xFFFFFFC0];
	v1 =	vadd.s32 v6, v1;
	[tilespmem:s18+$0xFFFFFFE0] =	vst v2;
	v2 =	vand.u32 $0xFFFF, v4  }
0x2de: {  	v4 =	vld [tilespmem:s20+$0xFFFFFFD0];
	v1 =	vand.u32 $0xFFFF, v1;
	v2 =	vpack.i.b32.b16 v2, v3  }
0x2df: {  	v6 =	vmul.u32 $0x4243, v12;
	v3 =	vld [tilespmem:s20+$0xFFFFFFE0];
	v7 =	vmul.u32 $0x4243, v10;
	v1 =	vpack.i.b32.b16 v11, v1;
	[tilespmem:s18+$0xFFFFFFF0] =	vst v2  }
0x2e0: {  	v11 =	vld [tilespmem:s20+$0xFFFFFFF0];
	[tilespmem:s18+$0xFFFFFFD0] =	vst v1  }
0x2e1: {  	v2 =	vadd.s32 v9, v6;
	v12 =	vld [tilespmem:s20+$0x0];
	v6 =	vadd.s32 v8, v7  }
0x2e2: {  	v2 =	vand.u32 $0xFFFF, v2;
	v1 =	vmul.u32 $0x4243, v5;
	v7 =	vld [tilespmem:s20+$0x10];
	v5 =	vand.u32 $0xFFFF, v6  }
0x2e3: {  	s18 =	sadd.s32 $0x40, s18;
	v13 =	vld [tilespmem:s20+$0xFFFFFFD1];
	v14 =	vmul.u32 $0x4243, v4;
	v4 =	vpack.i.b32.b16 v5, v2  }
.Ltmp16:
0x2e4: {  	v2 =	vld [tilespmem:s20+$0xFFFFFFE1];
	v10 =	vmul.u32 $0x4243, v3;
	[tilespmem:s18+$0x0] =	vst v4;
	(pc) =	sbr.rel @p0 .LBB2_30-.Ltmp16, $4  }
0x2e5: {  	v4 =	vld [tilespmem:s20+$0xFFFFFFF1];
	v9 =	vmul.u32 $0x4243, v11  }
0x2e6: {  	v3 =	vld [tilespmem:s20+$0x1];
	v8 =	vmul.u32 $0x4243, v12  }
0x2e7: {  	v5 =	vld [tilespmem:s20+$0x11];
	v7 =	vmul.u32 $0x4243, v7  }
0x2e8: {  	v6 =	vld [tilespmem:s20+$0xFFFFFFC1];
	v11 =	vadd.s32 v13, v14;
	s20 =	sadd.s32 $0x80, s20  }
0x2e9: {  	_ = 	snop  }
0x2ea: {  	v2 =	vadd.s32 v2, v10;
	v4 =	vadd.s32 v4, v9  }
0x2eb: {  	v2 =	vand.u32 $0xFFFF, v2;
	v4 =	vand.u32 $0xFFFF, v4  }
0x2ec: {  	v3 =	vadd.s32 v3, v8;
	v2 =	vpack.i.b32.b16 v4, v2;
	v4 =	vadd.s32 v5, v7  }
0x2ed: {  	v3 =	vand.u32 $0xFFFF, v3;
	v1 =	vadd.s32 v6, v1;
	v4 =	vand.u32 $0xFFFF, v4  }
0x2ee: {  	v5 =	vand.u32 $0xFFFF, v11;
	[tilespmem:s18+$0xFFFFFFE0] =	vst v2;
	v1 =	vand.u32 $0xFFFF, v1;
	v2 =	vpack.i.b32.b16 v4, v3  }
0x2ef: {  	v1 =	vpack.i.b32.b16 v5, v1;
	[tilespmem:s18+$0xFFFFFFF0] =	vst v2  }
0x2f0: {  	[tilespmem:s18+$0xFFFFFFD0] =	vst v1  }
0x2f1: {  	[tilespmem:s3], [sflag:$0x4] =	stream.linear.gather [hbm4b:s1+s3], $0x8, $0x38;
	[tilespmem:$0x18808] =	vst v63  }
0x2f2: {  	_ =	swait.ge [sflag:s8], $0x8  }
0x2f3: {  	[sflag:s8] =	ssyncset.done $0x0  }
0x2f4: {  	[sflag:s8] =	ssyncadd.s32 $0xFFFFFFF8  }
0x2f5: {  	[tilespmem:s7], [sflag:$0x4] =	stream.linear.gather [hbm4b:s6+s3], $0x800, $0x38;
	[tilespmem:$0x18808] =	vst v63  }
0x2f6: {  	_ =	swait.ge [sflag:s8], $0x800  }
0x2f7: {  	[sflag:s8] =	ssyncset.done $0x0  }
0x2f8: {  	s24 =	simm.s32 $0x47;
	[sflag:s8] =	ssyncadd.s32 $0xFFFFF800  }
0x2f9: {  	v1 =	vld [tilespmem:s24+$0x20]  }
0x2fa: {  	v2 =	vld [tilespmem:s24+$0x30]  }
0x2fb: {  	v3 =	vld [tilespmem:s24+$0x21]  }
0x2fc: {  	v4 =	vld [tilespmem:s24+$0x31]  }
0x2fd: {  	v5 =	vld [tilespmem:s24+$0xFFFFFFC0]  }
0x2fe: {  	v6 =	vld [tilespmem:s24+$0xFFFFFFD0]  }
0x2ff: {  	v7 =	vld [tilespmem:s24+$0xFFFFFFE0]  }
0x300: {  	v8 =	vld [tilespmem:s24+$0xFFFFFFF0]  }
0x301: {  	v11 =	vld [tilespmem:s24+$0x0]  }
0x302: {  	v12 =	vld [tilespmem:s24+$0x10]  }
0x303: {  	v13 =	vld [tilespmem:s24+$0xFFFFFFD1];
	v1 =	vmul.u32 $0x4243, v1;
	v9 =	vmul.u32 $0x4243, v2  }
0x304: {  	v2 =	vld [tilespmem:s24+$0xFFFFFFE1]  }
0x305: {  	v14 =	vmul.u32 $0x4243, v6;
	v3 =	vadd.s32 v3, v1;
	v9 =	vadd.s32 v4, v9;
	v4 =	vld [tilespmem:s24+$0xFFFFFFF1]  }
0x306: {  	v1 =	vmul.u32 $0x4243, v5;
	v5 =	vand.u32 $0xFFFF, v3;
	v9 =	vand.u32 $0xFFFF, v9;
	v3 =	vld [tilespmem:s24+$0x1]  }
0x307: {  	s19 =	simm.s32 $0x4438;
	v10 =	vmul.u32 $0x4243, v8;
	v6 =	vpack.i.b32.b16 v9, v5;
	v9 =	vmul.u32 $0x4243, v7;
	v5 =	vld [tilespmem:s24+$0x11]  }
0x308: {  	s20 =	simm.s32 $0x0;
	s21 =	simm.s32 $0xC7;
	v8 =	vmul.u32 $0x4243, v11;
	v11 =	vadd.s32 v13, v14;
	v7 =	vmul.u32 $0x4243, v12;
	[tilespmem:s19+$0x0] =	vst v6;
	v6 =	vld [tilespmem:s24+$0xFFFFFFC1]  }
.LBB2_32:
0x309: {  	v12 =	vld [tilespmem:s21+$0x20];
	v11 =	vand.u32 $0xFFFF, v11;
	v2 =	vadd.s32 v2, v9  }
0x30a: {  	s20 =	sadd.s32 $0x4, s20;
	v9 =	vld [tilespmem:s21+$0x30];
	v2 =	vand.u32 $0xFFFF, v2;
	v4 =	vadd.s32 v4, v10  }
0x30b: {  	p0 =	slt.u32 s20, $0x3C;
	v10 =	vld [tilespmem:s21+$0x21];
	v4 =	vand.u32 $0xFFFF, v4;
	v3 =	vadd.s32 v3, v8  }
0x30c: {  	v8 =	vld [tilespmem:s21+$0x31];
	v2 =	vpack.i.b32.b16 v4, v2;
	v3 =	vand.u32 $0xFFFF, v3;
	v4 =	vadd.s32 v5, v7  }
0x30d: {  	v5 =	vld [tilespmem:s21+$0xFFFFFFC0];
	v1 =	vadd.s32 v6, v1;
	[tilespmem:s19+$0xFFFFFFE0] =	vst v2;
	v2 =	vand.u32 $0xFFFF, v4  }
0x30e: {  	v4 =	vld [tilespmem:s21+$0xFFFFFFD0];
	v1 =	vand.u32 $0xFFFF, v1;
	v2 =	vpack.i.b32.b16 v2, v3  }
0x30f: {  	v6 =	vmul.u32 $0x4243, v12;
	v3 =	vld [tilespmem:s21+$0xFFFFFFE0];
	v7 =	vmul.u32 $0x4243, v9;
	v1 =	vpack.i.b32.b16 v11, v1;
	[tilespmem:s19+$0xFFFFFFF0] =	vst v2  }
0x310: {  	v11 =	vld [tilespmem:s21+$0xFFFFFFF0];
	[tilespmem:s19+$0xFFFFFFD0] =	vst v1  }
0x311: {  	v2 =	vadd.s32 v10, v6;
	v12 =	vld [tilespmem:s21+$0x0];
	v6 =	vadd.s32 v8, v7  }
0x312: {  	v2 =	vand.u32 $0xFFFF, v2;
	v1 =	vmul.u32 $0x4243, v5;
	v7 =	vld [tilespmem:s21+$0x10];
	v5 =	vand.u32 $0xFFFF, v6  }
0x313: {  	s19 =	sadd.s32 $0x40, s19;
	v13 =	vld [tilespmem:s21+$0xFFFFFFD1];
	v14 =	vmul.u32 $0x4243, v4;
	v4 =	vpack.i.b32.b16 v5, v2  }
.Ltmp17:
0x314: {  	s18 =	simm.s32 $0x0;
	v2 =	vld [tilespmem:s21+$0xFFFFFFE1];
	v9 =	vmul.u32 $0x4243, v3;
	[tilespmem:s19+$0x0] =	vst v4;
	(pc) =	sbr.rel @p0 .LBB2_32-.Ltmp17, $4  }
0x315: {  	v4 =	vld [tilespmem:s21+$0xFFFFFFF1];
	v10 =	vmul.u32 $0x4243, v11  }
0x316: {  	v3 =	vld [tilespmem:s21+$0x1];
	v8 =	vmul.u32 $0x4243, v12  }
0x317: {  	v5 =	vld [tilespmem:s21+$0x11];
	v7 =	vmul.u32 $0x4243, v7  }
0x318: {  	v6 =	vld [tilespmem:s21+$0xFFFFFFC1];
	v11 =	vadd.s32 v13, v14;
	s21 =	sadd.s32 $0x80, s21  }
0x319: {  	_ = 	snop  }
0x31a: {  	v2 =	vadd.s32 v2, v9;
	v4 =	vadd.s32 v4, v10  }
0x31b: {  	v2 =	vand.u32 $0xFFFF, v2;
	v4 =	vand.u32 $0xFFFF, v4  }
.Ltmp18:
0x31c: {  	v3 =	vadd.s32 v3, v8;
	v2 =	vpack.i.b32.b16 v4, v2;
	v62 =	vadd.s32 v5, v7;
	(pc) =	sbr.rel .LBB2_34-.Ltmp18, $4  }
0x31d: {  	v3 =	vand.u32 $0xFFFF, v3;
	v1 =	vadd.s32 v6, v1;
	v4 =	vand.u32 $0xFFFF, v62  }
0x31e: {  	v63 =	vand.u32 $0xFFFF, v11;
	[tilespmem:s19+$0xFFFFFFE0] =	vst v2;
	v1 =	vand.u32 $0xFFFF, v1;
	v2 =	vpack.i.b32.b16 v4, v3  }
0x31f: {  	v1 =	vpack.i.b32.b16 v63, v1;
	[tilespmem:s19+$0xFFFFFFF0] =	vst v2  }
0x320: {  	[tilespmem:s19+$0xFFFFFFD0] =	vst v1  }
.LBB2_44:
0x321: {  	s18 =	sadd.s32 $0x1, s18  }
0x322: {  	p0 =	sne.s32 s18, $0x20  }
.Ltmp19:
0x323: {  	_ = 	snop;
	(pc) =	sbr.rel @!p0 .LBB2_45-.Ltmp19, $1  }
0x324: {  	_ =	sdelay $0x3  }
.LBB2_34:
0x325: {  	s19 =	sshll.u32 s18, $0x5  }
0x326: {  	s20 =	sor.u32 s5, s19  }
0x327: {  	p0 =	sgt.u32 s20, $0x3E7  }
.Ltmp20:
0x328: {  	_ = 	snop;
	(pc) =	sbr.rel @p0 .LBB2_44-.Ltmp20, $1  }
0x329: {  	_ =	sdelay $0x3  }
0x32a: {  	s19 =	sshll.u32 s20, $0xD  }
0x32b: {  	s21 =	sand.u32 $0x7F0000, s19  }
0x32c: {  	s21 =	sadd.s32 s21, s23  }
0x32d: {  	[tilespmem:s11], [sflag:$0x1] =	stream.strided.gather [hbm4b:s21+s9], $0x10000, s10, s9, $0x38;
	[tilespmem:$0x18808] =	vst v63  }
0x32e: {  	_ =	swait.ge [sflag:s12], $0x10000  }
0x32f: {  	p0 =	seq.s32 s18, $0x0;
	[sflag:s12] =	ssyncset.done $0x0  }
0x330: {  	s21 =	simm.s32 @!p0 $0x2;
	[sflag:s12] =	ssyncadd.s32 $0xFFFF0000  }
0x331: {  	_ =	swait.ge @!p0 [sflag:s21], $0x2000  }
0x332: {  	[sflag:s21] =	ssyncset.done @!p0 $0x0  }
0x333: {  	s24 =	simm.s32 $0x848;
	[sflag:s21] =	ssyncadd.s32 @!p0 $0xFFFFE000  }
0x334: {  	v1 =	vld [tilespmem:s24+$0x30]  }
0x335: {  	v2 =	vld [tilespmem:s24+$0xFFFFFFD0]  }
0x336: {  	v3 =	vld [tilespmem:s24+$0xFFFFFFE0]  }
0x337: {  	v4 =	vld [tilespmem:s24+$0xFFFFFFF0]  }
0x338: {  	v5 =	vld [tilespmem:s24+$0x0]  }
0x339: {  	v8 =	vld [tilespmem:s24+$0x10];
	v6 =	vunpack.i.l.s16.s32 v1  }
0x33a: {  	v9 =	vld [tilespmem:s24+$0x20];
	v7 =	vunpack.i.l.s16.s32 v2;
	v6 =	vand.u32 $0xFFFF, v6  }
0x33b: {  	v11 =	vld [tilespmem:s24+$0xFFFFFFC0];
	v10 =	vunpack.i.l.s16.s32 v3;
	v7 =	vand.u32 $0xFFFF, v7  }
0x33c: {  	v12 =	vunpack.i.l.s16.s32 v4;
	v10 =	vand.u32 $0xFFFF, v10  }
0x33d: {  	v13 =	vunpack.i.l.s16.s32 v5;
	v12 =	vand.u32 $0xFFFF, v12  }
0x33e: {  	v14 =	vunpack.i.l.s16.s32 v8;
	v13 =	vand.u32 $0xFFFF, v13  }
0x33f: {  	v15 =	vunpack.i.l.s16.s32 v9;
	v14 =	vand.u32 $0xFFFF, v14;
	v6 =	vld.idx.msk [tilespmem:v6+s11+$0x0], $0xffff  }
0x340: {  	v16 =	vunpack.i.l.s16.s32 v11;
	v15 =	vand.u32 $0xFFFF, v15;
	v7 =	vld.idx.msk [tilespmem:v7+s11+$0x0], $0xffff  }
0x341: {  	v1 =	vunpack.i.u.s16.s32 v1;
	v16 =	vand.u32 $0xFFFF, v16;
	v10 =	vld.idx.msk [tilespmem:v10+s11+$0x0], $0xffff  }
0x342: {  	v2 =	vunpack.i.u.s16.s32 v2;
	v1 =	vand.u32 $0xFFFF, v1;
	v12 =	vld.idx.msk [tilespmem:v12+s11+$0x0], $0xffff  }
0x343: {  	v3 =	vunpack.i.u.s16.s32 v3;
	v2 =	vand.u32 $0xFFFF, v2;
	v13 =	vld.idx.msk [tilespmem:v13+s11+$0x0], $0xffff  }
0x344: {  	s21 =	simm.s32 $0x14888;
	v4 =	vunpack.i.u.s16.s32 v4;
	v3 =	vand.u32 $0xFFFF, v3;
	v14 =	vld.idx.msk [tilespmem:v14+s11+$0x0], $0xffff  }
0x345: {  	v5 =	vunpack.i.u.s16.s32 v5;
	v17 =	vand.u32 $0xFFFF, v4;
	v15 =	vld.idx.msk [tilespmem:v15+s11+$0x0], $0xffff;
	[tilespmem:s21+$0x60] =	vst v6  }
0x346: {  	v18 =	vand.u32 $0xFFFF, v5;
	[tilespmem:s21+$0xFFFFFFA0] =	vst v7;
	v7 =	vld.idx.msk [tilespmem:v16+s11+$0x0], $0xffff  }
0x347: {  	[tilespmem:s21+$0xFFFFFFC0] =	vst v10;
	v6 =	vld.idx.msk [tilespmem:v1+s11+$0x0], $0xffff  }
0x348: {  	[tilespmem:s21+$0xFFFFFFE0] =	vst v12;
	v4 =	vld.idx.msk [tilespmem:v2+s11+$0x0], $0xffff  }
0x349: {  	[tilespmem:s21+$0x0] =	vst v13;
	v5 =	vld.idx.msk [tilespmem:v3+s11+$0x0], $0xffff  }
0x34a: {  	v9 =	vunpack.i.u.s16.s32 v9;
	[tilespmem:s21+$0x20] =	vst v14;
	v2 =	vunpack.i.u.s16.s32 v8;
	v1 =	vunpack.i.u.s16.s32 v11;
	v8 =	vld.idx.msk [tilespmem:v17+s11+$0x0], $0xffff  }
0x34b: {  	s22 =	simm.s32 $0x0;
	s24 =	simm.s32 $0x8C8;
	[tilespmem:s21+$0x40] =	vst v15;
	v1 =	vand.u32 $0xFFFF, v1;
	v3 =	vand.u32 $0xFFFF, v2;
	v2 =	vand.u32 $0xFFFF, v9;
	v9 =	vld.idx.msk [tilespmem:v18+s11+$0x0], $0xffff  }
.LBB2_36:
0x34c: {  	v10 =	vld [tilespmem:s24+$0x30];
	s22 =	sadd.s32 $0x8, s22;
	[tilespmem:s21+$0x70] =	vst v6  }
0x34d: {  	v6 =	vld [tilespmem:s24+$0xFFFFFFD0];
	p1 =	slt.u32 s22, $0xF8;
	[tilespmem:s21+$0xFFFFFF80] =	vst v7  }
0x34e: {  	v7 =	vld [tilespmem:s24+$0xFFFFFFE0];
	[tilespmem:s21+$0xFFFFFFB0] =	vst v4  }
0x34f: {  	v4 =	vld [tilespmem:s24+$0xFFFFFFF0];
	[tilespmem:s21+$0xFFFFFFD0] =	vst v5  }
0x350: {  	v5 =	vld [tilespmem:s24+$0x0];
	[tilespmem:s21+$0xFFFFFFF0] =	vst v8  }
0x351: {  	v8 =	vld [tilespmem:s24+$0x10];
	v11 =	vunpack.i.l.s16.s32 v10;
	[tilespmem:s21+$0x10] =	vst v9  }
0x352: {  	v9 =	vunpack.i.u.s16.s32 v6;
	v6 =	vunpack.i.l.s16.s32 v6;
	v12 =	vld [tilespmem:s24+$0x20];
	v11 =	vand.u32 $0xFFFF, v11  }
0x353: {  	v13 =	vld [tilespmem:s24+$0xFFFFFFC0];
	v6 =	vand.u32 $0xFFFF, v6;
	v14 =	vunpack.i.u.s16.s32 v7;
	v7 =	vunpack.i.l.s16.s32 v7  }
0x354: {  	v7 =	vand.u32 $0xFFFF, v7;
	v15 =	vunpack.i.u.s16.s32 v4;
	v4 =	vunpack.i.l.s16.s32 v4;
	v16 =	vld.idx.msk [tilespmem:v1+s11+$0x0], $0xffff  }
0x355: {  	v4 =	vand.u32 $0xFFFF, v4;
	v17 =	vunpack.i.u.s16.s32 v5;
	v1 =	vunpack.i.l.s16.s32 v5;
	v5 =	vld.idx.msk [tilespmem:v3+s11+$0x0], $0xffff  }
0x356: {  	v3 =	vand.u32 $0xFFFF, v1;
	v18 =	vunpack.i.u.s16.s32 v8;
	v1 =	vunpack.i.l.s16.s32 v8;
	v8 =	vld.idx.msk [tilespmem:v2+s11+$0x0], $0xffff  }
0x357: {  	v2 =	vand.u32 $0xFFFF, v1;
	v19 =	vunpack.i.u.s16.s32 v12;
	v1 =	vunpack.i.l.s16.s32 v12;
	v11 =	vld.idx.msk [tilespmem:v11+s11+$0x0], $0xffff  }
0x358: {  	v12 =	vunpack.i.l.s16.s32 v13;
	v6 =	vld.idx.msk [tilespmem:v6+s11+$0x0], $0xffff;
	v20 =	vand.u32 $0xFFFF, v1;
	v1 =	vunpack.i.u.s16.s32 v10  }
0x359: {  	v10 =	vunpack.i.u.s16.s32 v13;
	v12 =	vand.u32 $0xFFFF, v12;
	v13 =	vld.idx.msk [tilespmem:v7+s11+$0x0], $0xffff;
	v7 =	vand.u32 $0xFFFF, v1  }
0x35a: {  	v9 =	vand.u32 $0xFFFF, v9;
	v1 =	vand.u32 $0xFFFF, v10;
	v10 =	vand.u32 $0xFFFF, v14;
	v14 =	vld.idx.msk [tilespmem:v4+s11+$0x0], $0xffff;
	[tilespmem:s21+$0xFFFFFF90] =	vst v16  }
0x35b: {  	v15 =	vand.u32 $0xFFFF, v15;
	v17 =	vand.u32 $0xFFFF, v17;
	v16 =	vld.idx.msk [tilespmem:v3+s11+$0x0], $0xffff;
	v3 =	vand.u32 $0xFFFF, v18;
	[tilespmem:s21+$0x30] =	vst v5  }
0x35c: {  	v18 =	vld.idx.msk [tilespmem:v2+s11+$0x0], $0xffff;
	v2 =	vand.u32 $0xFFFF, v19;
	[tilespmem:s21+$0x50] =	vst v8;
	s21 =	sadd.s32 $0x100, s21  }
0x35d: {  	v19 =	vld.idx.msk [tilespmem:v20+s11+$0x0], $0xffff;
	[tilespmem:s21+$0x60] =	vst v11  }
0x35e: {  	[tilespmem:s21+$0xFFFFFFA0] =	vst v6;
	v6 =	vld.idx.msk [tilespmem:v7+s11+$0x0], $0xffff  }
.Ltmp21:
0x35f: {  	v7 =	vld.idx.msk [tilespmem:v12+s11+$0x0], $0xffff;
	[tilespmem:s21+$0xFFFFFFC0] =	vst v13;
	(pc) =	sbr.rel @p1 .LBB2_36-.Ltmp21, $4  }
0x360: {  	v4 =	vld.idx.msk [tilespmem:v9+s11+$0x0], $0xffff;
	[tilespmem:s21+$0xFFFFFFE0] =	vst v14  }
0x361: {  	v5 =	vld.idx.msk [tilespmem:v10+s11+$0x0], $0xffff;
	[tilespmem:s21+$0x0] =	vst v16  }
0x362: {  	v8 =	vld.idx.msk [tilespmem:v15+s11+$0x0], $0xffff;
	[tilespmem:s21+$0x20] =	vst v18  }
0x363: {  	s24 =	sadd.s32 $0x80, s24;
	v9 =	vld.idx.msk [tilespmem:v17+s11+$0x0], $0xffff;
	[tilespmem:s21+$0x40] =	vst v19  }
0x364: {  	_ =	sdelay $0x2  }
0x365: {  	[tilespmem:s21+$0xFFFFFF80] =	vst v7  }
0x366: {  	[tilespmem:s21+$0x70] =	vst v6;
	v3 =	vld.idx.msk [tilespmem:v3+s11+$0x0], $0xffff  }
0x367: {  	v2 =	vld.idx.msk [tilespmem:v2+s11+$0x0], $0xffff;
	[tilespmem:s21+$0xFFFFFFB0] =	vst v4  }
0x368: {  	v1 =	vld.idx.msk [tilespmem:v1+s11+$0x0], $0xffff;
	[tilespmem:s21+$0xFFFFFFD0] =	vst v5  }
0x369: {  	[tilespmem:s21+$0xFFFFFFF0] =	vst v8  }
0x36a: {  	[tilespmem:s21+$0x10] =	vst v9  }
0x36b: {  	[tilespmem:s21+$0x30] =	vst v3  }
0x36c: {  	s20 =	sshll.u32 s20, $0xA;
	[tilespmem:s21+$0x50] =	vst v2  }
0x36d: {  	s20 =	sadd.s32 s4, s20;
	[tilespmem:s21+$0xFFFFFF90] =	vst v1  }
0x36e: {  	[hbm4b:s20+s3] =	stream.linear.scatter [tilespmem:s13], [sflag:$0x2], $0x2000, $0x38;
	[tilespmem:$0x18808] =	vst v63  }
0x36f: {  	s20 =	simm.s32 @!p0 $0x3  }
0x370: {  	_ =	swait.ge @!p0 [sflag:s20], $0x2000  }
0x371: {  	[sflag:s20] =	ssyncset.done @!p0 $0x0  }
0x372: {  	s24 =	simm.s32 $0x1878;
	[sflag:s20] =	ssyncadd.s32 @!p0 $0xFFFFE000  }
0x373: {  	v1 =	vld [tilespmem:s24+$0x0]  }
0x374: {  	v2 =	vld [tilespmem:s24+$0xFFFFFFA0]  }
0x375: {  	v3 =	vld [tilespmem:s24+$0xFFFFFFB0]  }
0x376: {  	v4 =	vld [tilespmem:s24+$0xFFFFFFC0]  }
0x377: {  	v5 =	vld [tilespmem:s24+$0xFFFFFFD0]  }
0x378: {  	v8 =	vld [tilespmem:s24+$0xFFFFFFE0];
	v6 =	vunpack.i.l.s16.s32 v1  }
0x379: {  	v9 =	vld [tilespmem:s24+$0xFFFFFFF0];
	v7 =	vunpack.i.l.s16.s32 v2;
	v6 =	vand.u32 $0xFFFF, v6  }
0x37a: {  	v11 =	vld [tilespmem:s24+$0xFFFFFF90];
	v10 =	vunpack.i.l.s16.s32 v3;
	v7 =	vand.u32 $0xFFFF, v7  }
0x37b: {  	v12 =	vunpack.i.l.s16.s32 v4;
	v10 =	vand.u32 $0xFFFF, v10  }
0x37c: {  	v13 =	vunpack.i.l.s16.s32 v5;
	v12 =	vand.u32 $0xFFFF, v12  }
0x37d: {  	v14 =	vunpack.i.l.s16.s32 v8;
	v13 =	vand.u32 $0xFFFF, v13  }
0x37e: {  	v15 =	vunpack.i.l.s16.s32 v9;
	v14 =	vand.u32 $0xFFFF, v14;
	v6 =	vld.idx.msk [tilespmem:v6+s11+$0x0], $0xffff  }
0x37f: {  	v16 =	vunpack.i.l.s16.s32 v11;
	v15 =	vand.u32 $0xFFFF, v15;
	v7 =	vld.idx.msk [tilespmem:v7+s11+$0x0], $0xffff  }
0x380: {  	v1 =	vunpack.i.u.s16.s32 v1;
	v16 =	vand.u32 $0xFFFF, v16;
	v10 =	vld.idx.msk [tilespmem:v10+s11+$0x0], $0xffff  }
0x381: {  	v2 =	vunpack.i.u.s16.s32 v2;
	v1 =	vand.u32 $0xFFFF, v1;
	v12 =	vld.idx.msk [tilespmem:v12+s11+$0x0], $0xffff  }
0x382: {  	v3 =	vunpack.i.u.s16.s32 v3;
	v2 =	vand.u32 $0xFFFF, v2;
	v13 =	vld.idx.msk [tilespmem:v13+s11+$0x0], $0xffff  }
0x383: {  	s20 =	simm.s32 $0x16888;
	v4 =	vunpack.i.u.s16.s32 v4;
	v3 =	vand.u32 $0xFFFF, v3;
	v14 =	vld.idx.msk [tilespmem:v14+s11+$0x0], $0xffff  }
0x384: {  	v5 =	vunpack.i.u.s16.s32 v5;
	v17 =	vand.u32 $0xFFFF, v4;
	v15 =	vld.idx.msk [tilespmem:v15+s11+$0x0], $0xffff;
	[tilespmem:s20+$0x60] =	vst v6  }
0x385: {  	v18 =	vand.u32 $0xFFFF, v5;
	[tilespmem:s20+$0xFFFFFFA0] =	vst v7;
	v7 =	vld.idx.msk [tilespmem:v16+s11+$0x0], $0xffff  }
0x386: {  	[tilespmem:s20+$0xFFFFFFC0] =	vst v10;
	v6 =	vld.idx.msk [tilespmem:v1+s11+$0x0], $0xffff  }
0x387: {  	[tilespmem:s20+$0xFFFFFFE0] =	vst v12;
	v4 =	vld.idx.msk [tilespmem:v2+s11+$0x0], $0xffff  }
0x388: {  	[tilespmem:s20+$0x0] =	vst v13;
	v5 =	vld.idx.msk [tilespmem:v3+s11+$0x0], $0xffff  }
0x389: {  	v9 =	vunpack.i.u.s16.s32 v9;
	[tilespmem:s20+$0x20] =	vst v14;
	v2 =	vunpack.i.u.s16.s32 v8;
	v1 =	vunpack.i.u.s16.s32 v11;
	v8 =	vld.idx.msk [tilespmem:v17+s11+$0x0], $0xffff  }
0x38a: {  	s22 =	simm.s32 $0x18F8;
	s21 =	simm.s32 $0x0;
	[tilespmem:s20+$0x40] =	vst v15;
	v1 =	vand.u32 $0xFFFF, v1;
	v3 =	vand.u32 $0xFFFF, v2;
	v2 =	vand.u32 $0xFFFF, v9;
	v9 =	vld.idx.msk [tilespmem:v18+s11+$0x0], $0xffff  }
.LBB2_38:
0x38b: {  	v10 =	vld [tilespmem:s22+$0x0];
	s21 =	sadd.s32 $0x8, s21;
	[tilespmem:s20+$0x70] =	vst v6  }
0x38c: {  	v6 =	vld [tilespmem:s22+$0xFFFFFFA0];
	p0 =	slt.u32 s21, $0xF8;
	[tilespmem:s20+$0xFFFFFF80] =	vst v7  }
0x38d: {  	v7 =	vld [tilespmem:s22+$0xFFFFFFB0];
	[tilespmem:s20+$0xFFFFFFB0] =	vst v4  }
0x38e: {  	v4 =	vld [tilespmem:s22+$0xFFFFFFC0];
	[tilespmem:s20+$0xFFFFFFD0] =	vst v5  }
0x38f: {  	v5 =	vld [tilespmem:s22+$0xFFFFFFD0];
	[tilespmem:s20+$0xFFFFFFF0] =	vst v8  }
0x390: {  	v8 =	vld [tilespmem:s22+$0xFFFFFFE0];
	v11 =	vunpack.i.l.s16.s32 v10;
	[tilespmem:s20+$0x10] =	vst v9  }
0x391: {  	v9 =	vunpack.i.u.s16.s32 v6;
	v6 =	vunpack.i.l.s16.s32 v6;
	v12 =	vld [tilespmem:s22+$0xFFFFFFF0];
	v11 =	vand.u32 $0xFFFF, v11  }
0x392: {  	v13 =	vld [tilespmem:s22+$0xFFFFFF90];
	v6 =	vand.u32 $0xFFFF, v6;
	v14 =	vunpack.i.u.s16.s32 v7;
	v7 =	vunpack.i.l.s16.s32 v7  }
0x393: {  	v7 =	vand.u32 $0xFFFF, v7;
	v15 =	vunpack.i.u.s16.s32 v4;
	v4 =	vunpack.i.l.s16.s32 v4;
	v16 =	vld.idx.msk [tilespmem:v1+s11+$0x0], $0xffff  }
0x394: {  	v4 =	vand.u32 $0xFFFF, v4;
	v17 =	vunpack.i.u.s16.s32 v5;
	v1 =	vunpack.i.l.s16.s32 v5;
	v5 =	vld.idx.msk [tilespmem:v3+s11+$0x0], $0xffff  }
0x395: {  	v3 =	vand.u32 $0xFFFF, v1;
	v18 =	vunpack.i.u.s16.s32 v8;
	v1 =	vunpack.i.l.s16.s32 v8;
	v8 =	vld.idx.msk [tilespmem:v2+s11+$0x0], $0xffff  }
0x396: {  	v2 =	vand.u32 $0xFFFF, v1;
	v19 =	vunpack.i.u.s16.s32 v12;
	v1 =	vunpack.i.l.s16.s32 v12;
	v11 =	vld.idx.msk [tilespmem:v11+s11+$0x0], $0xffff  }
0x397: {  	v12 =	vunpack.i.l.s16.s32 v13;
	v6 =	vld.idx.msk [tilespmem:v6+s11+$0x0], $0xffff;
	v20 =	vand.u32 $0xFFFF, v1;
	v1 =	vunpack.i.u.s16.s32 v10  }
0x398: {  	v10 =	vunpack.i.u.s16.s32 v13;
	v12 =	vand.u32 $0xFFFF, v12;
	v13 =	vld.idx.msk [tilespmem:v7+s11+$0x0], $0xffff;
	v7 =	vand.u32 $0xFFFF, v1  }
0x399: {  	v9 =	vand.u32 $0xFFFF, v9;
	v1 =	vand.u32 $0xFFFF, v10;
	v10 =	vand.u32 $0xFFFF, v14;
	v14 =	vld.idx.msk [tilespmem:v4+s11+$0x0], $0xffff;
	[tilespmem:s20+$0xFFFFFF90] =	vst v16  }
0x39a: {  	v15 =	vand.u32 $0xFFFF, v15;
	v17 =	vand.u32 $0xFFFF, v17;
	v16 =	vld.idx.msk [tilespmem:v3+s11+$0x0], $0xffff;
	v3 =	vand.u32 $0xFFFF, v18;
	[tilespmem:s20+$0x30] =	vst v5  }
0x39b: {  	v18 =	vld.idx.msk [tilespmem:v2+s11+$0x0], $0xffff;
	v2 =	vand.u32 $0xFFFF, v19;
	[tilespmem:s20+$0x50] =	vst v8;
	s20 =	sadd.s32 $0x100, s20  }
0x39c: {  	v19 =	vld.idx.msk [tilespmem:v20+s11+$0x0], $0xffff;
	[tilespmem:s20+$0x60] =	vst v11  }
0x39d: {  	[tilespmem:s20+$0xFFFFFFA0] =	vst v6;
	v6 =	vld.idx.msk [tilespmem:v7+s11+$0x0], $0xffff  }
.Ltmp22:
0x39e: {  	v7 =	vld.idx.msk [tilespmem:v12+s11+$0x0], $0xffff;
	[tilespmem:s20+$0xFFFFFFC0] =	vst v13;
	(pc) =	sbr.rel @p0 .LBB2_38-.Ltmp22, $4  }
0x39f: {  	v4 =	vld.idx.msk [tilespmem:v9+s11+$0x0], $0xffff;
	[tilespmem:s20+$0xFFFFFFE0] =	vst v14  }
0x3a0: {  	v5 =	vld.idx.msk [tilespmem:v10+s11+$0x0], $0xffff;
	[tilespmem:s20+$0x0] =	vst v16  }
0x3a1: {  	v8 =	vld.idx.msk [tilespmem:v15+s11+$0x0], $0xffff;
	[tilespmem:s20+$0x20] =	vst v18  }
0x3a2: {  	s22 =	sadd.s32 $0x80, s22;
	v9 =	vld.idx.msk [tilespmem:v17+s11+$0x0], $0xffff;
	[tilespmem:s20+$0x40] =	vst v19  }
0x3a3: {  	_ =	sdelay $0x2  }
0x3a4: {  	[tilespmem:s20+$0xFFFFFF80] =	vst v7  }
0x3a5: {  	[tilespmem:s20+$0x70] =	vst v6;
	v3 =	vld.idx.msk [tilespmem:v3+s11+$0x0], $0xffff  }
0x3a6: {  	v2 =	vld.idx.msk [tilespmem:v2+s11+$0x0], $0xffff;
	[tilespmem:s20+$0xFFFFFFB0] =	vst v4  }
0x3a7: {  	v1 =	vld.idx.msk [tilespmem:v1+s11+$0x0], $0xffff;
	[tilespmem:s20+$0xFFFFFFD0] =	vst v5  }
0x3a8: {  	[tilespmem:s20+$0xFFFFFFF0] =	vst v8  }
0x3a9: {  	[tilespmem:s20+$0x10] =	vst v9  }
0x3aa: {  	s19 =	sshrl.u32 s19, $0x3;
	[tilespmem:s20+$0x30] =	vst v3  }
0x3ab: {  	s19 =	sadd.s32 s4, s19;
	[tilespmem:s20+$0x50] =	vst v2  }
0x3ac: {  	s22 =	sadd.s32 $0xFA000, s19;
	[tilespmem:s20+$0xFFFFFF90] =	vst v1  }
0x3ad: {  	[hbm4b:s22+s3] =	stream.linear.scatter [tilespmem:s14], [sflag:$0x3], $0x2000, $0x38;
	[tilespmem:$0x18808] =	vst v63  }
0x3ae: {  	_ =	swait.ge [sflag:s15], $0x2000  }
0x3af: {  	[sflag:s15] =	ssyncset.done $0x0  }
0x3b0: {  	s24 =	simm.s32 $0x2878;
	[sflag:s15] =	ssyncadd.s32 $0xFFFFE000  }
0x3b1: {  	v1 =	vld [tilespmem:s24+$0x0]  }
0x3b2: {  	v2 =	vld [tilespmem:s24+$0xFFFFFFA0]  }
0x3b3: {  	v3 =	vld [tilespmem:s24+$0xFFFFFFB0]  }
0x3b4: {  	v4 =	vld [tilespmem:s24+$0xFFFFFFC0]  }
0x3b5: {  	v5 =	vld [tilespmem:s24+$0xFFFFFFD0]  }
0x3b6: {  	v8 =	vld [tilespmem:s24+$0xFFFFFFE0];
	v6 =	vunpack.i.l.s16.s32 v1  }
0x3b7: {  	v9 =	vld [tilespmem:s24+$0xFFFFFFF0];
	v7 =	vunpack.i.l.s16.s32 v2;
	v6 =	vand.u32 $0xFFFF, v6  }
0x3b8: {  	v11 =	vld [tilespmem:s24+$0xFFFFFF90];
	v10 =	vunpack.i.l.s16.s32 v3;
	v7 =	vand.u32 $0xFFFF, v7  }
0x3b9: {  	v12 =	vunpack.i.l.s16.s32 v4;
	v10 =	vand.u32 $0xFFFF, v10  }
0x3ba: {  	v13 =	vunpack.i.l.s16.s32 v5;
	v12 =	vand.u32 $0xFFFF, v12  }
0x3bb: {  	v14 =	vunpack.i.l.s16.s32 v8;
	v13 =	vand.u32 $0xFFFF, v13  }
0x3bc: {  	v15 =	vunpack.i.l.s16.s32 v9;
	v14 =	vand.u32 $0xFFFF, v14;
	v6 =	vld.idx.msk [tilespmem:v6+s11+$0x0], $0xffff  }
0x3bd: {  	v16 =	vunpack.i.l.s16.s32 v11;
	v15 =	vand.u32 $0xFFFF, v15;
	v7 =	vld.idx.msk [tilespmem:v7+s11+$0x0], $0xffff  }
0x3be: {  	v1 =	vunpack.i.u.s16.s32 v1;
	v16 =	vand.u32 $0xFFFF, v16;
	v10 =	vld.idx.msk [tilespmem:v10+s11+$0x0], $0xffff  }
0x3bf: {  	v2 =	vunpack.i.u.s16.s32 v2;
	v1 =	vand.u32 $0xFFFF, v1;
	v12 =	vld.idx.msk [tilespmem:v12+s11+$0x0], $0xffff  }
0x3c0: {  	v3 =	vunpack.i.u.s16.s32 v3;
	v2 =	vand.u32 $0xFFFF, v2;
	v13 =	vld.idx.msk [tilespmem:v13+s11+$0x0], $0xffff  }
0x3c1: {  	s20 =	simm.s32 $0x14888;
	v4 =	vunpack.i.u.s16.s32 v4;
	v3 =	vand.u32 $0xFFFF, v3;
	v14 =	vld.idx.msk [tilespmem:v14+s11+$0x0], $0xffff  }
0x3c2: {  	v5 =	vunpack.i.u.s16.s32 v5;
	v17 =	vand.u32 $0xFFFF, v4;
	v15 =	vld.idx.msk [tilespmem:v15+s11+$0x0], $0xffff;
	[tilespmem:s20+$0x60] =	vst v6  }
0x3c3: {  	v18 =	vand.u32 $0xFFFF, v5;
	[tilespmem:s20+$0xFFFFFFA0] =	vst v7;
	v7 =	vld.idx.msk [tilespmem:v16+s11+$0x0], $0xffff  }
0x3c4: {  	[tilespmem:s20+$0xFFFFFFC0] =	vst v10;
	v6 =	vld.idx.msk [tilespmem:v1+s11+$0x0], $0xffff  }
0x3c5: {  	[tilespmem:s20+$0xFFFFFFE0] =	vst v12;
	v4 =	vld.idx.msk [tilespmem:v2+s11+$0x0], $0xffff  }
0x3c6: {  	[tilespmem:s20+$0x0] =	vst v13;
	v5 =	vld.idx.msk [tilespmem:v3+s11+$0x0], $0xffff  }
0x3c7: {  	v9 =	vunpack.i.u.s16.s32 v9;
	[tilespmem:s20+$0x20] =	vst v14;
	v2 =	vunpack.i.u.s16.s32 v8;
	v1 =	vunpack.i.u.s16.s32 v11;
	v8 =	vld.idx.msk [tilespmem:v17+s11+$0x0], $0xffff  }
0x3c8: {  	s21 =	sadd.s32 $0x1F4000, s19;
	s22 =	simm.s32 $0x0;
	s24 =	simm.s32 $0x28F8;
	[tilespmem:s20+$0x40] =	vst v15;
	v1 =	vand.u32 $0xFFFF, v1;
	v3 =	vand.u32 $0xFFFF, v2;
	v2 =	vand.u32 $0xFFFF, v9;
	v9 =	vld.idx.msk [tilespmem:v18+s11+$0x0], $0xffff  }
.LBB2_40:
0x3c9: {  	v10 =	vld [tilespmem:s24+$0x0];
	s22 =	sadd.s32 $0x8, s22;
	[tilespmem:s20+$0x70] =	vst v6  }
0x3ca: {  	v6 =	vld [tilespmem:s24+$0xFFFFFFA0];
	p0 =	slt.u32 s22, $0xF8;
	[tilespmem:s20+$0xFFFFFF80] =	vst v7  }
0x3cb: {  	v7 =	vld [tilespmem:s24+$0xFFFFFFB0];
	[tilespmem:s20+$0xFFFFFFB0] =	vst v4  }
0x3cc: {  	v4 =	vld [tilespmem:s24+$0xFFFFFFC0];
	[tilespmem:s20+$0xFFFFFFD0] =	vst v5  }
0x3cd: {  	v5 =	vld [tilespmem:s24+$0xFFFFFFD0];
	[tilespmem:s20+$0xFFFFFFF0] =	vst v8  }
0x3ce: {  	v8 =	vld [tilespmem:s24+$0xFFFFFFE0];
	v11 =	vunpack.i.l.s16.s32 v10;
	[tilespmem:s20+$0x10] =	vst v9  }
0x3cf: {  	v9 =	vunpack.i.u.s16.s32 v6;
	v6 =	vunpack.i.l.s16.s32 v6;
	v12 =	vld [tilespmem:s24+$0xFFFFFFF0];
	v11 =	vand.u32 $0xFFFF, v11  }
0x3d0: {  	v13 =	vld [tilespmem:s24+$0xFFFFFF90];
	v6 =	vand.u32 $0xFFFF, v6;
	v14 =	vunpack.i.u.s16.s32 v7;
	v7 =	vunpack.i.l.s16.s32 v7  }
0x3d1: {  	v7 =	vand.u32 $0xFFFF, v7;
	v15 =	vunpack.i.u.s16.s32 v4;
	v4 =	vunpack.i.l.s16.s32 v4;
	v16 =	vld.idx.msk [tilespmem:v1+s11+$0x0], $0xffff  }
0x3d2: {  	v4 =	vand.u32 $0xFFFF, v4;
	v17 =	vunpack.i.u.s16.s32 v5;
	v1 =	vunpack.i.l.s16.s32 v5;
	v5 =	vld.idx.msk [tilespmem:v3+s11+$0x0], $0xffff  }
0x3d3: {  	v3 =	vand.u32 $0xFFFF, v1;
	v18 =	vunpack.i.u.s16.s32 v8;
	v1 =	vunpack.i.l.s16.s32 v8;
	v8 =	vld.idx.msk [tilespmem:v2+s11+$0x0], $0xffff  }
0x3d4: {  	v2 =	vand.u32 $0xFFFF, v1;
	v19 =	vunpack.i.u.s16.s32 v12;
	v1 =	vunpack.i.l.s16.s32 v12;
	v11 =	vld.idx.msk [tilespmem:v11+s11+$0x0], $0xffff  }
0x3d5: {  	v12 =	vunpack.i.l.s16.s32 v13;
	v6 =	vld.idx.msk [tilespmem:v6+s11+$0x0], $0xffff;
	v20 =	vand.u32 $0xFFFF, v1;
	v1 =	vunpack.i.u.s16.s32 v10  }
0x3d6: {  	v10 =	vunpack.i.u.s16.s32 v13;
	v12 =	vand.u32 $0xFFFF, v12;
	v13 =	vld.idx.msk [tilespmem:v7+s11+$0x0], $0xffff;
	v7 =	vand.u32 $0xFFFF, v1  }
0x3d7: {  	v9 =	vand.u32 $0xFFFF, v9;
	v1 =	vand.u32 $0xFFFF, v10;
	v10 =	vand.u32 $0xFFFF, v14;
	v14 =	vld.idx.msk [tilespmem:v4+s11+$0x0], $0xffff;
	[tilespmem:s20+$0xFFFFFF90] =	vst v16  }
0x3d8: {  	v15 =	vand.u32 $0xFFFF, v15;
	v17 =	vand.u32 $0xFFFF, v17;
	v16 =	vld.idx.msk [tilespmem:v3+s11+$0x0], $0xffff;
	v3 =	vand.u32 $0xFFFF, v18;
	[tilespmem:s20+$0x30] =	vst v5  }
0x3d9: {  	v18 =	vld.idx.msk [tilespmem:v2+s11+$0x0], $0xffff;
	v2 =	vand.u32 $0xFFFF, v19;
	[tilespmem:s20+$0x50] =	vst v8;
	s20 =	sadd.s32 $0x100, s20  }
0x3da: {  	v19 =	vld.idx.msk [tilespmem:v20+s11+$0x0], $0xffff;
	[tilespmem:s20+$0x60] =	vst v11  }
0x3db: {  	[tilespmem:s20+$0xFFFFFFA0] =	vst v6;
	v6 =	vld.idx.msk [tilespmem:v7+s11+$0x0], $0xffff  }
.Ltmp23:
0x3dc: {  	v7 =	vld.idx.msk [tilespmem:v12+s11+$0x0], $0xffff;
	[tilespmem:s20+$0xFFFFFFC0] =	vst v13;
	(pc) =	sbr.rel @p0 .LBB2_40-.Ltmp23, $4  }
0x3dd: {  	v4 =	vld.idx.msk [tilespmem:v9+s11+$0x0], $0xffff;
	[tilespmem:s20+$0xFFFFFFE0] =	vst v14  }
0x3de: {  	v5 =	vld.idx.msk [tilespmem:v10+s11+$0x0], $0xffff;
	[tilespmem:s20+$0x0] =	vst v16  }
0x3df: {  	v8 =	vld.idx.msk [tilespmem:v15+s11+$0x0], $0xffff;
	[tilespmem:s20+$0x20] =	vst v18  }
0x3e0: {  	s24 =	sadd.s32 $0x80, s24;
	v9 =	vld.idx.msk [tilespmem:v17+s11+$0x0], $0xffff;
	[tilespmem:s20+$0x40] =	vst v19  }
0x3e1: {  	_ =	sdelay $0x2  }
0x3e2: {  	[tilespmem:s20+$0xFFFFFF80] =	vst v7  }
0x3e3: {  	[tilespmem:s20+$0x70] =	vst v6;
	v3 =	vld.idx.msk [tilespmem:v3+s11+$0x0], $0xffff  }
0x3e4: {  	v2 =	vld.idx.msk [tilespmem:v2+s11+$0x0], $0xffff;
	[tilespmem:s20+$0xFFFFFFB0] =	vst v4  }
0x3e5: {  	v1 =	vld.idx.msk [tilespmem:v1+s11+$0x0], $0xffff;
	[tilespmem:s20+$0xFFFFFFD0] =	vst v5  }
0x3e6: {  	[tilespmem:s20+$0xFFFFFFF0] =	vst v8  }
0x3e7: {  	[tilespmem:s20+$0x10] =	vst v9  }
0x3e8: {  	[tilespmem:s20+$0x30] =	vst v3  }
0x3e9: {  	[tilespmem:s20+$0x50] =	vst v2  }
0x3ea: {  	[tilespmem:s20+$0xFFFFFF90] =	vst v1  }
0x3eb: {  	[hbm4b:s21+s3] =	stream.linear.scatter [tilespmem:s13], [sflag:$0x2], $0x2000, $0x38;
	[tilespmem:$0x18808] =	vst v63  }
0x3ec: {  	_ =	swait.ge [sflag:s16], $0x2000  }
0x3ed: {  	[sflag:s16] =	ssyncset.done $0x0  }
0x3ee: {  	s24 =	simm.s32 $0x3878;
	[sflag:s16] =	ssyncadd.s32 $0xFFFFE000  }
0x3ef: {  	v1 =	vld [tilespmem:s24+$0x0]  }
0x3f0: {  	v2 =	vld [tilespmem:s24+$0xFFFFFFA0]  }
0x3f1: {  	v3 =	vld [tilespmem:s24+$0xFFFFFFB0]  }
0x3f2: {  	v4 =	vld [tilespmem:s24+$0xFFFFFFC0]  }
0x3f3: {  	v5 =	vld [tilespmem:s24+$0xFFFFFFD0]  }
0x3f4: {  	v8 =	vld [tilespmem:s24+$0xFFFFFFE0];
	v6 =	vunpack.i.l.s16.s32 v1  }
0x3f5: {  	v9 =	vld [tilespmem:s24+$0xFFFFFFF0];
	v7 =	vunpack.i.l.s16.s32 v2;
	v6 =	vand.u32 $0xFFFF, v6  }
0x3f6: {  	v11 =	vld [tilespmem:s24+$0xFFFFFF90];
	v10 =	vunpack.i.l.s16.s32 v3;
	v7 =	vand.u32 $0xFFFF, v7  }
0x3f7: {  	v12 =	vunpack.i.l.s16.s32 v4;
	v10 =	vand.u32 $0xFFFF, v10  }
0x3f8: {  	v13 =	vunpack.i.l.s16.s32 v5;
	v12 =	vand.u32 $0xFFFF, v12  }
0x3f9: {  	v14 =	vunpack.i.l.s16.s32 v8;
	v13 =	vand.u32 $0xFFFF, v13  }
0x3fa: {  	v15 =	vunpack.i.l.s16.s32 v9;
	v14 =	vand.u32 $0xFFFF, v14;
	v6 =	vld.idx.msk [tilespmem:v6+s11+$0x0], $0xffff  }
0x3fb: {  	v16 =	vunpack.i.l.s16.s32 v11;
	v15 =	vand.u32 $0xFFFF, v15;
	v7 =	vld.idx.msk [tilespmem:v7+s11+$0x0], $0xffff  }
0x3fc: {  	v1 =	vunpack.i.u.s16.s32 v1;
	v16 =	vand.u32 $0xFFFF, v16;
	v10 =	vld.idx.msk [tilespmem:v10+s11+$0x0], $0xffff  }
0x3fd: {  	v2 =	vunpack.i.u.s16.s32 v2;
	v1 =	vand.u32 $0xFFFF, v1;
	v12 =	vld.idx.msk [tilespmem:v12+s11+$0x0], $0xffff  }
0x3fe: {  	v3 =	vunpack.i.u.s16.s32 v3;
	v2 =	vand.u32 $0xFFFF, v2;
	v13 =	vld.idx.msk [tilespmem:v13+s11+$0x0], $0xffff  }
0x3ff: {  	s20 =	simm.s32 $0x16888;
	v4 =	vunpack.i.u.s16.s32 v4;
	v3 =	vand.u32 $0xFFFF, v3;
	v14 =	vld.idx.msk [tilespmem:v14+s11+$0x0], $0xffff  }
0x400: {  	v5 =	vunpack.i.u.s16.s32 v5;
	v17 =	vand.u32 $0xFFFF, v4;
	v15 =	vld.idx.msk [tilespmem:v15+s11+$0x0], $0xffff;
	[tilespmem:s20+$0x60] =	vst v6  }
0x401: {  	v18 =	vand.u32 $0xFFFF, v5;
	[tilespmem:s20+$0xFFFFFFA0] =	vst v7;
	v7 =	vld.idx.msk [tilespmem:v16+s11+$0x0], $0xffff  }
0x402: {  	[tilespmem:s20+$0xFFFFFFC0] =	vst v10;
	v6 =	vld.idx.msk [tilespmem:v1+s11+$0x0], $0xffff  }
0x403: {  	[tilespmem:s20+$0xFFFFFFE0] =	vst v12;
	v4 =	vld.idx.msk [tilespmem:v2+s11+$0x0], $0xffff  }
0x404: {  	[tilespmem:s20+$0x0] =	vst v13;
	v5 =	vld.idx.msk [tilespmem:v3+s11+$0x0], $0xffff  }
0x405: {  	v9 =	vunpack.i.u.s16.s32 v9;
	[tilespmem:s20+$0x20] =	vst v14;
	v2 =	vunpack.i.u.s16.s32 v8;
	v1 =	vunpack.i.u.s16.s32 v11;
	v8 =	vld.idx.msk [tilespmem:v17+s11+$0x0], $0xffff  }
0x406: {  	s19 =	sadd.s32 $0x2EE000, s19;
	s22 =	simm.s32 $0x38F8;
	s21 =	simm.s32 $0x0;
	[tilespmem:s20+$0x40] =	vst v15;
	v1 =	vand.u32 $0xFFFF, v1;
	v3 =	vand.u32 $0xFFFF, v2;
	v2 =	vand.u32 $0xFFFF, v9;
	v9 =	vld.idx.msk [tilespmem:v18+s11+$0x0], $0xffff  }
.LBB2_42:
0x407: {  	v10 =	vld [tilespmem:s22+$0x0];
	s21 =	sadd.s32 $0x8, s21;
	[tilespmem:s20+$0x70] =	vst v6  }
0x408: {  	v6 =	vld [tilespmem:s22+$0xFFFFFFA0];
	p0 =	slt.u32 s21, $0xF8;
	[tilespmem:s20+$0xFFFFFF80] =	vst v7  }
0x409: {  	v7 =	vld [tilespmem:s22+$0xFFFFFFB0];
	[tilespmem:s20+$0xFFFFFFB0] =	vst v4  }
0x40a: {  	v4 =	vld [tilespmem:s22+$0xFFFFFFC0];
	[tilespmem:s20+$0xFFFFFFD0] =	vst v5  }
0x40b: {  	v5 =	vld [tilespmem:s22+$0xFFFFFFD0];
	[tilespmem:s20+$0xFFFFFFF0] =	vst v8  }
0x40c: {  	v8 =	vld [tilespmem:s22+$0xFFFFFFE0];
	v11 =	vunpack.i.l.s16.s32 v10;
	[tilespmem:s20+$0x10] =	vst v9  }
0x40d: {  	v9 =	vunpack.i.u.s16.s32 v6;
	v6 =	vunpack.i.l.s16.s32 v6;
	v12 =	vld [tilespmem:s22+$0xFFFFFFF0];
	v11 =	vand.u32 $0xFFFF, v11  }
0x40e: {  	v13 =	vld [tilespmem:s22+$0xFFFFFF90];
	v6 =	vand.u32 $0xFFFF, v6;
	v14 =	vunpack.i.u.s16.s32 v7;
	v7 =	vunpack.i.l.s16.s32 v7  }
0x40f: {  	v7 =	vand.u32 $0xFFFF, v7;
	v15 =	vunpack.i.u.s16.s32 v4;
	v4 =	vunpack.i.l.s16.s32 v4;
	v16 =	vld.idx.msk [tilespmem:v1+s11+$0x0], $0xffff  }
0x410: {  	v4 =	vand.u32 $0xFFFF, v4;
	v17 =	vunpack.i.u.s16.s32 v5;
	v1 =	vunpack.i.l.s16.s32 v5;
	v5 =	vld.idx.msk [tilespmem:v3+s11+$0x0], $0xffff  }
0x411: {  	v3 =	vand.u32 $0xFFFF, v1;
	v18 =	vunpack.i.u.s16.s32 v8;
	v1 =	vunpack.i.l.s16.s32 v8;
	v8 =	vld.idx.msk [tilespmem:v2+s11+$0x0], $0xffff  }
0x412: {  	v2 =	vand.u32 $0xFFFF, v1;
	v19 =	vunpack.i.u.s16.s32 v12;
	v1 =	vunpack.i.l.s16.s32 v12;
	v11 =	vld.idx.msk [tilespmem:v11+s11+$0x0], $0xffff  }
0x413: {  	v12 =	vunpack.i.l.s16.s32 v13;
	v6 =	vld.idx.msk [tilespmem:v6+s11+$0x0], $0xffff;
	v20 =	vand.u32 $0xFFFF, v1;
	v1 =	vunpack.i.u.s16.s32 v10  }
0x414: {  	v10 =	vunpack.i.u.s16.s32 v13;
	v12 =	vand.u32 $0xFFFF, v12;
	v13 =	vld.idx.msk [tilespmem:v7+s11+$0x0], $0xffff;
	v7 =	vand.u32 $0xFFFF, v1  }
0x415: {  	v9 =	vand.u32 $0xFFFF, v9;
	v1 =	vand.u32 $0xFFFF, v10;
	v10 =	vand.u32 $0xFFFF, v14;
	v14 =	vld.idx.msk [tilespmem:v4+s11+$0x0], $0xffff;
	[tilespmem:s20+$0xFFFFFF90] =	vst v16  }
0x416: {  	v15 =	vand.u32 $0xFFFF, v15;
	v17 =	vand.u32 $0xFFFF, v17;
	v16 =	vld.idx.msk [tilespmem:v3+s11+$0x0], $0xffff;
	v3 =	vand.u32 $0xFFFF, v18;
	[tilespmem:s20+$0x30] =	vst v5  }
0x417: {  	v18 =	vld.idx.msk [tilespmem:v2+s11+$0x0], $0xffff;
	v2 =	vand.u32 $0xFFFF, v19;
	[tilespmem:s20+$0x50] =	vst v8;
	s20 =	sadd.s32 $0x100, s20  }
0x418: {  	v19 =	vld.idx.msk [tilespmem:v20+s11+$0x0], $0xffff;
	[tilespmem:s20+$0x60] =	vst v11  }
0x419: {  	[tilespmem:s20+$0xFFFFFFA0] =	vst v6;
	v6 =	vld.idx.msk [tilespmem:v7+s11+$0x0], $0xffff  }
.Ltmp24:
0x41a: {  	v7 =	vld.idx.msk [tilespmem:v12+s11+$0x0], $0xffff;
	[tilespmem:s20+$0xFFFFFFC0] =	vst v13;
	(pc) =	sbr.rel @p0 .LBB2_42-.Ltmp24, $4  }
0x41b: {  	v4 =	vld.idx.msk [tilespmem:v9+s11+$0x0], $0xffff;
	[tilespmem:s20+$0xFFFFFFE0] =	vst v14  }
0x41c: {  	v5 =	vld.idx.msk [tilespmem:v10+s11+$0x0], $0xffff;
	[tilespmem:s20+$0x0] =	vst v16  }
0x41d: {  	v8 =	vld.idx.msk [tilespmem:v15+s11+$0x0], $0xffff;
	[tilespmem:s20+$0x20] =	vst v18  }
0x41e: {  	s22 =	sadd.s32 $0x80, s22;
	v9 =	vld.idx.msk [tilespmem:v17+s11+$0x0], $0xffff;
	[tilespmem:s20+$0x40] =	vst v19  }
0x41f: {  	_ =	sdelay $0x2  }
0x420: {  	[tilespmem:s20+$0xFFFFFF80] =	vst v7  }
0x421: {  	[tilespmem:s20+$0x70] =	vst v6;
	v3 =	vld.idx.msk [tilespmem:v3+s11+$0x0], $0xffff  }
0x422: {  	v2 =	vld.idx.msk [tilespmem:v2+s11+$0x0], $0xffff;
	[tilespmem:s20+$0xFFFFFFB0] =	vst v4  }
0x423: {  	v1 =	vld.idx.msk [tilespmem:v1+s11+$0x0], $0xffff;
	[tilespmem:s20+$0xFFFFFFD0] =	vst v5  }
0x424: {  	[tilespmem:s20+$0xFFFFFFF0] =	vst v8  }
.Ltmp25:
0x425: {  	[tilespmem:s20+$0x10] =	vst v9;
	(pc) =	sbr.rel .LBB2_44-.Ltmp25, $4  }
0x426: {  	[tilespmem:s20+$0x30] =	vst v3  }
0x427: {  	[tilespmem:s20+$0x50] =	vst v2  }
0x428: {  	[tilespmem:s20+$0xFFFFFF90] =	vst v1  }
0x429: {  	[hbm4b:s19+s3] =	stream.linear.scatter [tilespmem:s14], [sflag:$0x3], $0x2000, $0x38;
	[tilespmem:$0x18808] =	vst v63  }
.LBB2_46:
0x42a: {  	_ =	sfence.sel $0x180000  }
0x42b: {  	[bflag:$0x0] =	sbarrier.arrive $0xFFFF  }
0x42c: {  	_ =	strace $0x90000047  }
0x42d: {  	s0 =	stileid.u32;
	[bflag:$0x2] =	sbarrier.arrive $0xFFFF  }
0x42e: {  	p0 =	sne.s32 s0, $0x0;
	s0 =	rddreg [dreg:$0x3]  }
0x42f: {  	s0 =	sadd.s32 @!p0 $0x100000, s0  }
0x430: {  	[sflag:s0] =	ssyncadd.tile.s32 @!p0 $0x1;
	_ =	shalt  }
.Lfunc_end2:
_tile_overlayer_lowered:
.L_overlay_start_2:
0x431: {  	(tag) =	ssettag $0x2  }
0x432: {  	s0 =	rddreg [dreg:$0x0];
	s2 =	stileid.u32  }
0x433: {  	s1 =	rddreg [dreg:$0x1];
	p0 =	sne.s32 s2, $0x0  }
0x434: {  	s3 =	rddreg [dreg:$0x2];
	[bflag:$0x3] =	sbarrier.arrive $0xFFFF;
	s2 =	simm.s32 @!p0 $0x1C04  }
0x435: {  	[timem:s3], [sflag:s2] =	dma.local @!p0 [hbm:s0], s1  }
0x436: {  	s0 =	simm.s32 @!p0 $0x4  }
0x437: {  	_ =	swait.ge @!p0 [sflag:s0], s1  }
0x438: {  	s1 =	ssub.s32 @!p0 $0x0, s1;
	[sflag:s0] =	ssyncset.done @!p0 $0x0  }
0x439: {  	[sflag:s0] =	ssyncadd.s32 @!p0 s1  }
0x43a: {  	[bflag:$0x3] =	sbarrier.arrive $0xFFFF  }
0x43b: {  	_ =	shalt  }

</sc_bundles>
